<compile_context>
chip_gen: v7x
topology: tpu7x:2x2x1
jax: 0.10.2.dev20260603
libtpu: 0.0.44.dev20260713+nightly
codegen_flags: <defaults>
</compile_context>

<pallas_src>
import jax
import jax.numpy as jnp
from jax import lax
from jax.experimental import pallas as pl
from jax.experimental.pallas import tpu as pltpu
from jax.experimental.pallas import tpu_sc as plsc

N = 10000
D = 128
HD = 64
NC, NS, L = 2, 16, 16
NW = NC * NS
C = 128
NROWS = 10240
NPAD = N + 16
ZR = NROWS // NS
BM = 400



def _proj_body(x_ref, w_ref, amat_ref, hlo_ref, hhi_ref, a_ref):
    h = jnp.dot(x_ref[...], w_ref[...], preferred_element_type=jnp.float32)
    hlo_ref[...] = h[:, 0:HD]
    hhi_ref[...] = h[:, HD:D]
    a_ref[...] = jnp.dot(h, amat_ref[...], preferred_element_type=jnp.float32)


_PROJ_OUT = [
    jax.ShapeDtypeStruct((N, HD), jnp.float32),
    jax.ShapeDtypeStruct((N, HD), jnp.float32),
    jax.ShapeDtypeStruct((N, D), jnp.float32),
]
_PROJ_OUT_SPECS = [
    pl.BlockSpec((BM, HD), lambda i: (i, 0)),
    pl.BlockSpec((BM, HD), lambda i: (i, 0)),
    pl.BlockSpec((BM, D), lambda i: (i, 0)),
]


def _proj(x, w, amat):
    k = x.shape[1]
    return pl.pallas_call(
        _proj_body,
        grid=(N // BM,),
        in_specs=[
            pl.BlockSpec((BM, k), lambda i: (i, 0)),
            pl.BlockSpec((k, D), lambda i: (0, 0)),
            pl.BlockSpec((D, D), lambda i: (0, 0)),
        ],
        out_specs=_PROJ_OUT_SPECS,
        out_shape=_PROJ_OUT,
    )(x, w, amat)


def _comb_proj_body(num_ref, den_ref, b_ref, w_ref, amat_ref,
                    hlo_ref, hhi_ref, a_ref):
    n = jnp.concatenate(
        [num_ref[0, 0] + num_ref[1, 0], num_ref[0, 1] + num_ref[1, 1]], axis=1)
    d = den_ref[0] + den_ref[1]
    lane = lax.broadcasted_iota(jnp.int32, (BM, D), 1)
    dexp = jnp.where(lane < HD, d[:, 0:1], d[:, 1:2])
    v = n / dexp + b_ref[...]
    v = jnp.where(v > 0, v, jnp.exp(v) - 1.0)
    h = jnp.dot(v, w_ref[...], preferred_element_type=jnp.float32)
    hlo_ref[...] = h[:, 0:HD]
    hhi_ref[...] = h[:, HD:D]
    a_ref[...] = jnp.dot(h, amat_ref[...], preferred_element_type=jnp.float32)


def _comb_proj(num, den, b, w, amat):
    return pl.pallas_call(
        _comb_proj_body,
        grid=(N // BM,),
        in_specs=[
            pl.BlockSpec((NC, 2, BM, HD), lambda i: (0, 0, i, 0)),
            pl.BlockSpec((NC, BM, L), lambda i: (0, i, 0)),
            pl.BlockSpec((1, D), lambda i: (0, 0)),
            pl.BlockSpec((D, D), lambda i: (0, 0)),
            pl.BlockSpec((D, D), lambda i: (0, 0)),
        ],
        out_specs=_PROJ_OUT_SPECS,
        out_shape=_PROJ_OUT,
    )(num, den, b, w, amat)


def _final_body(num_ref, den_ref, b_ref, out_ref):
    n = jnp.concatenate(
        [num_ref[0, 0] + num_ref[1, 0], num_ref[0, 1] + num_ref[1, 1]], axis=1)
    d = den_ref[0][:, 0:1] + den_ref[1][:, 0:1]
    out_ref[...] = n / d + b_ref[...]


def _final(num, den, b):
    return pl.pallas_call(
        _final_body,
        grid=(N // BM,),
        in_specs=[
            pl.BlockSpec((NC, 2, BM, HD), lambda i: (0, 0, i, 0)),
            pl.BlockSpec((NC, BM, L), lambda i: (0, i, 0)),
            pl.BlockSpec((1, D), lambda i: (0, 0)),
        ],
        out_specs=pl.BlockSpec((BM, D), lambda i: (i, 0)),
        out_shape=jax.ShapeDtypeStruct((N, D), jnp.float32),
    )(num, den, b)



def _make_edge_fn(heads, nch):
    mesh = plsc.VectorSubcoreMesh(core_axis_name="c", subcore_axis_name="s")
    npadh = NPAD * heads

    def body(hlo_hbm, hhi_hbm, as_hbm, ad_hbm, src_hbm, dst_hbm,
             num_hbm, den_hbm,
             as_v, ad_v, src_v, dst_v, srcc, dstc, gbuf, sbuf, wrow, wbuf,
             num_sh, den_sh, gsem):
        cid = lax.axis_index("c")
        sid = lax.axis_index("s")
        wid = sid * NC + cid

        pltpu.sync_copy(as_hbm, as_v)
        pltpu.sync_copy(ad_hbm, ad_v)
        pltpu.sync_copy(src_hbm.at[wid], src_v)
        pltpu.sync_copy(dst_hbm.at[wid], dst_v)

        zf = jnp.zeros((L,), jnp.float32)
        iot = lax.iota(jnp.int32, L)
        zbase = sid * ZR

        for hp in range(2):
            h_hbm = hlo_hbm if hp == 0 else hhi_hbm
            wh = hp if heads == 2 else 0

            def zrow(i, _):
                for v in range(HD // L):
                    sbuf[i, pl.ds(v * L, L)] = zf
                if hp == 0:
                    wrow[i, pl.ds(0, L)] = zf
                return 0

            lax.fori_loop(0, C, zrow, 0)
            for k in range(ZR // C):
                pltpu.sync_copy(sbuf, num_sh.at[pl.ds(zbase + k * C, C)])
                if hp == 0:
                    pltpu.sync_copy(wrow, den_sh.at[pl.ds(zbase + k * C, C)])
            plsc.subcore_barrier()

            def chunk(j, _):
                for g in range(C // L):
                    s16 = src_v[j, pl.ds(g * L, L)]
                    d16 = dst_v[j, pl.ds(g * L, L)]
                    srcc[pl.ds(g * L, L)] = s16
                    dstc[pl.ds(g * L, L)] = d16
                    rows16 = iot + g * L
                    for hh in range(heads):
                        av = plsc.load_gather(as_v, [s16 * heads + hh])
                        bv = plsc.load_gather(ad_v, [d16 * heads + hh])
                        e = av + bv
                        e = jnp.maximum(e, 0.2 * e)
                        w = jnp.exp(e)
                        if hh == wh:
                            wbuf[pl.ds(g * L, L)] = w
                        if hp == 0:
                            plsc.store_scatter(
                                wrow, [rows16, jnp.full((L,), hh, jnp.int32)], w)

                pltpu.async_copy(h_hbm.at[srcc], gbuf, gsem).wait()

                def edge(i, _):
                    w0 = plsc.load_gather(wbuf, [jnp.full((L,), i, jnp.int32)])
                    for v in range(HD // L):
                        sbuf[i, pl.ds(v * L, L)] = gbuf[i, pl.ds(v * L, L)] * w0
                    return 0

                lax.fori_loop(0, C, edge, 0)
                pltpu.sync_copy(sbuf, num_sh.at[dstc], add=True)
                if hp == 0:
                    pltpu.sync_copy(wrow, den_sh.at[dstc], add=True)
                return 0

            lax.fori_loop(0, nch, chunk, 0)
            plsc.subcore_barrier()

            pltpu.sync_copy(num_sh.at[pl.ds(zbase, ZR)],
                            num_hbm.at[cid, hp, pl.ds(zbase, ZR)])
            if hp == 0:
                pltpu.sync_copy(den_sh.at[pl.ds(zbase, ZR)],
                                den_hbm.at[cid, pl.ds(zbase, ZR)])

    return pl.kernel(
        body,
        out_type=(
            jax.ShapeDtypeStruct((NC, 2, NROWS, HD), jnp.float32),
            jax.ShapeDtypeStruct((NC, NROWS, L), jnp.float32),
        ),
        mesh=mesh,
        compiler_params=pltpu.CompilerParams(needs_layout_passes=False,
                                             use_tc_tiling_on_sc=False),
        scratch_types=[
            pltpu.VMEM((npadh,), jnp.float32),
            pltpu.VMEM((npadh,), jnp.float32),
            pltpu.VMEM((nch, C), jnp.int32),
            pltpu.VMEM((nch, C), jnp.int32),
            pltpu.VMEM((C,), jnp.int32),
            pltpu.VMEM((C,), jnp.int32),
            pltpu.VMEM((C, HD), jnp.float32),
            pltpu.VMEM((C, HD), jnp.float32),
            pltpu.VMEM((C, L), jnp.float32),
            pltpu.VMEM((C,), jnp.float32),
            pltpu.VMEM_SHARED((NROWS, HD), jnp.float32),
            pltpu.VMEM_SHARED((NROWS, L), jnp.float32),
            pltpu.SemaphoreType.DMA,
        ],
    )



def _alpha_mat1(a_src, a_dst):
    z = jnp.zeros((HD,), jnp.float32)
    c0 = jnp.concatenate([a_src[0], z])
    c1 = jnp.concatenate([z, a_src[1]])
    c2 = jnp.concatenate([a_dst[0], z])
    c3 = jnp.concatenate([z, a_dst[1]])
    rest = jnp.zeros((D, D - 4), jnp.float32)
    return jnp.concatenate(
        [c0[:, None], c1[:, None], c2[:, None], c3[:, None], rest], axis=1)


def _alpha_mat2(a_src, a_dst):
    rest = jnp.zeros((D, D - 2), jnp.float32)
    return jnp.concatenate([a_src[0][:, None], a_dst[0][:, None], rest], axis=1)


def _pad_flat(a):
    return jnp.pad(a, ((0, NPAD - N), (0, 0))).reshape(-1)


def kernel(x, edge_index, W1, a_src1, a_dst1, b1, W2, a_src2, a_dst2, b2):
    e_tot = edge_index.shape[1] + N
    nch = -(-e_tot // (NW * C))
    e_pad = NW * nch * C

    loops = jnp.arange(N, dtype=jnp.int32)
    src = jnp.concatenate([
        edge_index[0].astype(jnp.int32), loops,
        jnp.zeros((e_pad - e_tot,), jnp.int32)]).reshape(NW, nch, C)
    dst = jnp.concatenate([
        edge_index[1].astype(jnp.int32), loops,
        jnp.full((e_pad - e_tot,), N, jnp.int32)]).reshape(NW, nch, C)

    edge1 = _make_edge_fn(2, nch)
    edge2 = _make_edge_fn(1, nch)

    h1lo, h1hi, aall1 = _proj(x, W1, _alpha_mat1(a_src1, a_dst1))
    num1, den1 = edge1(h1lo, h1hi, _pad_flat(aall1[:, 0:2]),
                       _pad_flat(aall1[:, 2:4]), src, dst)
    h2lo, h2hi, aall2 = _comb_proj(num1, den1, b1.reshape(1, D), W2,
                                   _alpha_mat2(a_src2, a_dst2))
    num2, den2 = edge2(h2lo, h2hi, _pad_flat(aall2[:, 0:1]),
                       _pad_flat(aall2[:, 1:2]), src, dst)
    return _final(num2, den2, b2.reshape(1, D))

# --- scband reference (transcript-rebuilt; emitter-appended) ---
"""Pipeline reference for scband-gatencoder-13743895347751 (READ-ONLY COPY).

The authoritative reference and input builder live on the scoring server;
editing this copy changes nothing except your own understanding.
"""

import jax, jax.numpy as jnp
import numpy as np

N_NODES = 10000
N_EDGES = 320000
IN_DIM = 128
HID_DIM = 64
OUT_DIM = 128
HEADS1 = 2
HEADS2 = 1


def gat_conv(x, src, dst, W, a_src, a_dst, bias, heads, out_dim, concat, negative_slope=0.2):
    # Faithful PyG GATConv (eval mode: dropout is identity), with default add_self_loops=True
    N = x.shape[0]
    h = (x @ W).reshape(N, heads, out_dim)              # [N, H, F]
    alpha_s = jnp.sum(h * a_src[None, :, :], axis=-1)   # [N, H]
    alpha_d = jnp.sum(h * a_dst[None, :, :], axis=-1)   # [N, H]
    e = alpha_s[src] + alpha_d[dst]                     # [E, H]
    e = jax.nn.leaky_relu(e, negative_slope)
    # segment softmax over incoming edges per destination node, per head
    e_max = jax.ops.segment_max(e, dst, num_segments=N)
    e_max = jnp.where(jnp.isfinite(e_max), e_max, 0.0)
    e_exp = jnp.exp(e - e_max[dst])
    denom = jax.ops.segment_sum(e_exp, dst, num_segments=N)
    alpha = e_exp / (denom[dst] + 1e-16)                # [E, H]
    msg = h[src] * alpha[:, :, None]                    # [E, H, F]
    out = jax.ops.segment_sum(msg, dst, num_segments=N) # [N, H, F]
    if concat:
        out = out.reshape(N, heads * out_dim)
    else:
        out = out.mean(axis=1)
    return out + bias


def setup_inputs(seed: int = 0) -> dict:
    key = jax.random.key(seed)
    ks = jax.random.split(key, 12)
    x = jax.random.normal(ks[0], (N_NODES, IN_DIM), dtype=jnp.float32)
    edge_index = jax.random.randint(ks[1], (2, N_EDGES), 0, N_NODES, dtype=jnp.int32)
    # layer 1: GATConv(128, 64, heads=2, concat=True)
    W1 = jax.random.normal(ks[2], (IN_DIM, HEADS1 * HID_DIM), dtype=jnp.float32) * (1.0 / np.sqrt(IN_DIM))
    a_src1 = jax.random.normal(ks[3], (HEADS1, HID_DIM), dtype=jnp.float32) * (1.0 / np.sqrt(HID_DIM))
    a_dst1 = jax.random.normal(ks[4], (HEADS1, HID_DIM), dtype=jnp.float32) * (1.0 / np.sqrt(HID_DIM))
    b1 = jnp.zeros((HEADS1 * HID_DIM,), dtype=jnp.float32)
    # layer 2: GATConv(128, 128, heads=1, concat=False)
    W2 = jax.random.normal(ks[5], (HEADS1 * HID_DIM, HEADS2 * OUT_DIM), dtype=jnp.float32) * (1.0 / np.sqrt(HEADS1 * HID_DIM))
    a_src2 = jax.random.normal(ks[6], (HEADS2, OUT_DIM), dtype=jnp.float32) * (1.0 / np.sqrt(OUT_DIM))
    a_dst2 = jax.random.normal(ks[7], (HEADS2, OUT_DIM), dtype=jnp.float32) * (1.0 / np.sqrt(OUT_DIM))
    b2 = jnp.zeros((OUT_DIM,), dtype=jnp.float32)
    return {"x": x, "edge_index": edge_index, "W1": W1, "a_src1": a_src1, "a_dst1": a_dst1, "b1": b1,
            "W2": W2, "a_src2": a_src2, "a_dst2": a_dst2, "b2": b2}


def reference(x, edge_index, W1, a_src1, a_dst1, b1, W2, a_src2, a_dst2, b2):
    N = x.shape[0]
    loops = jnp.arange(N, dtype=edge_index.dtype)
    src = jnp.concatenate([edge_index[0], loops])
    dst = jnp.concatenate([edge_index[1], loops])
    h = gat_conv(x, src, dst, W1, a_src1, a_dst1, b1, HEADS1, HID_DIM, True)
    h = jax.nn.elu(h)
    out = gat_conv(h, src, dst, W2, a_src2, a_dst2, b2, HEADS2, OUT_DIM, False)
    return out

if __name__ == "__main__":
    import jax
    _d = setup_inputs()
    print(jax.jit(kernel)(*tuple(_d.values())))

</pallas_src>

<mosaic_0001>
#map = affine_map<(d0, d1) -> (0, 0)>
#map1 = affine_map<(d0, d1) -> (0)>
#map2 = affine_map<(d0, d1) -> (0, 0, 0)>
#map3 = affine_map<(d0, d1) -> (0, 0, 0, 0)>
module attributes {stable_mosaic.version = 14 : i64} {
  func.func @body(%arg0: i32, %arg1: i32, %arg2: memref<10000x64xf32, #tpu.memory_space<hbm>>, %arg3: memref<10000x64xf32, #tpu.memory_space<hbm>>, %arg4: memref<20032xf32, #tpu.memory_space<hbm>>, %arg5: memref<20032xf32, #tpu.memory_space<hbm>>, %arg6: memref<32x81x128xi32, #tpu.memory_space<hbm>>, %arg7: memref<32x81x128xi32, #tpu.memory_space<hbm>>, %arg8: memref<2x2x10240x64xf32, #tpu.memory_space<hbm>>, %arg9: memref<2x10240x16xf32, #tpu.memory_space<hbm>>, %arg10: memref<20032xf32, #tpu.memory_space<vmem>>, %arg11: memref<20032xf32, #tpu.memory_space<vmem>>, %arg12: memref<81x128xi32, #tpu.memory_space<vmem>>, %arg13: memref<81x128xi32, #tpu.memory_space<vmem>>, %arg14: memref<128xi32, #tpu.memory_space<vmem>>, %arg15: memref<128xi32, #tpu.memory_space<vmem>>, %arg16: memref<128x64xf32, #tpu.memory_space<vmem>>, %arg17: memref<128x64xf32, #tpu.memory_space<vmem>>, %arg18: memref<128x16xf32, #tpu.memory_space<vmem>>, %arg19: memref<128xf32, #tpu.memory_space<vmem>>, %arg20: memref<10240x64xf32, #tpu.memory_space<vmem_shared>>, %arg21: memref<10240x16xf32, #tpu.memory_space<vmem_shared>>, %arg22: memref<!tpu.dma_semaphore, #tpu.memory_space<semaphore_mem>>) attributes {dimension_semantics = [#tpu.dimension_semantics<core_parallel>, #tpu.dimension_semantics<subcore_parallel>], iteration_bounds = array<i64: 2, 16>, scalar_prefetch = 0 : i64, scratch_operands = 13 : i64, tpu.core_type = #tpu.core_type<sc_vector_subcore>, window_params = [{transform_indices = #map}, {transform_indices = #map}, {transform_indices = #map1}, {transform_indices = #map1}, {transform_indices = #map2}, {transform_indices = #map2}, {transform_indices = #map3}, {transform_indices = #map2}]} {
    %mul3A = arith.constant 2 : i32
    %mul3A_0 = arith.muli %arg1, %mul3A : i32
    %add3A = arith.addi %mul3A_0, %arg0 : i32
    "tpu.region"() ({
      %run_scoped3A_65 = tpu.sem_alloc : memref<!tpu.dma_semaphore, #tpu.memory_space<semaphore_mem>>
      tpu.enqueue_dma source(%arg4 : memref<20032xf32, #tpu.memory_space<hbm>>) target(%arg10 : memref<20032xf32, #tpu.memory_space<vmem>>) target_semaphore(%run_scoped3A_65 : memref<!tpu.dma_semaphore, #tpu.memory_space<semaphore_mem>>)
      tpu.wait_dma2 semaphore(%run_scoped3A_65 : memref<!tpu.dma_semaphore, #tpu.memory_space<semaphore_mem>>) src(%arg4 : memref<20032xf32, #tpu.memory_space<hbm>>) dst(%arg10 : memref<20032xf32, #tpu.memory_space<vmem>>)
      tpu.yield
    }) : () -> ()
    "tpu.region"() ({
      %run_scoped3A_65 = tpu.sem_alloc : memref<!tpu.dma_semaphore, #tpu.memory_space<semaphore_mem>>
      tpu.enqueue_dma source(%arg5 : memref<20032xf32, #tpu.memory_space<hbm>>) target(%arg11 : memref<20032xf32, #tpu.memory_space<vmem>>) target_semaphore(%run_scoped3A_65 : memref<!tpu.dma_semaphore, #tpu.memory_space<semaphore_mem>>)
      tpu.wait_dma2 semaphore(%run_scoped3A_65 : memref<!tpu.dma_semaphore, #tpu.memory_space<semaphore_mem>>) src(%arg5 : memref<20032xf32, #tpu.memory_space<hbm>>) dst(%arg11 : memref<20032xf32, #tpu.memory_space<vmem>>)
      tpu.yield
    }) : () -> ()
    "tpu.region"() ({
      %run_scoped3A_65 = tpu.sem_alloc : memref<!tpu.dma_semaphore, #tpu.memory_space<semaphore_mem>>
      %dma_start3A = arith.constant 0 : i32
      %dma_start3A_66 = arith.constant 0 : i32
      %dma_start3A_67 = tpu.memref_slice %arg6[%add3A, %dma_start3A, %dma_start3A_66] : memref<32x81x128xi32, #tpu.memory_space<hbm>> -> memref<1x81x128xi32, #tpu.memory_space<hbm>>
      %dma_start3A_68 = tpu.memref_squeeze %dma_start3A_67 : memref<1x81x128xi32, #tpu.memory_space<hbm>> -> memref<81x128xi32, #tpu.memory_space<hbm>>
      %dma_start3A_69 = arith.constant 0 : i32
      %dma_start3A_70 = arith.constant 0 : i32
      %dma_start3A_71 = tpu.memref_slice %arg6[%add3A, %dma_start3A_69, %dma_start3A_70] : memref<32x81x128xi32, #tpu.memory_space<hbm>> -> memref<1x81x128xi32, #tpu.memory_space<hbm>>
      %dma_start3A_72 = tpu.memref_squeeze %dma_start3A_71 : memref<1x81x128xi32, #tpu.memory_space<hbm>> -> memref<81x128xi32, #tpu.memory_space<hbm>>
      tpu.enqueue_dma source(%dma_start3A_72 : memref<81x128xi32, #tpu.memory_space<hbm>>) target(%arg12 : memref<81x128xi32, #tpu.memory_space<vmem>>) target_semaphore(%run_scoped3A_65 : memref<!tpu.dma_semaphore, #tpu.memory_space<semaphore_mem>>)
      %dma_wait3A = arith.constant 0 : i32
      %dma_wait3A_73 = arith.constant 0 : i32
      %dma_wait3A_74 = tpu.memref_slice %arg6[%add3A, %dma_wait3A, %dma_wait3A_73] : memref<32x81x128xi32, #tpu.memory_space<hbm>> -> memref<1x81x128xi32, #tpu.memory_space<hbm>>
      %dma_wait3A_75 = tpu.memref_squeeze %dma_wait3A_74 : memref<1x81x128xi32, #tpu.memory_space<hbm>> -> memref<81x128xi32, #tpu.memory_space<hbm>>
      %dma_wait3A_76 = arith.constant 0 : i32
      %dma_wait3A_77 = arith.constant 0 : i32
      %dma_wait3A_78 = tpu.memref_slice %arg6[%add3A, %dma_wait3A_76, %dma_wait3A_77] : memref<32x81x128xi32, #tpu.memory_space<hbm>> -> memref<1x81x128xi32, #tpu.memory_space<hbm>>
      %dma_wait3A_79 = tpu.memref_squeeze %dma_wait3A_78 : memref<1x81x128xi32, #tpu.memory_space<hbm>> -> memref<81x128xi32, #tpu.memory_space<hbm>>
      tpu.wait_dma2 semaphore(%run_scoped3A_65 : memref<!tpu.dma_semaphore, #tpu.memory_space<semaphore_mem>>) src(%dma_wait3A_79 : memref<81x128xi32, #tpu.memory_space<hbm>>) dst(%arg12 : memref<81x128xi32, #tpu.memory_space<vmem>>)
      tpu.yield
    }) : () -> ()
    "tpu.region"() ({
      %run_scoped3A_65 = tpu.sem_alloc : memref<!tpu.dma_semaphore, #tpu.memory_space<semaphore_mem>>
      %dma_start3A = arith.constant 0 : i32
      %dma_start3A_66 = arith.constant 0 : i32
      %dma_start3A_67 = tpu.memref_slice %arg7[%add3A, %dma_start3A, %dma_start3A_66] : memref<32x81x128xi32, #tpu.memory_space<hbm>> -> memref<1x81x128xi32, #tpu.memory_space<hbm>>
      %dma_start3A_68 = tpu.memref_squeeze %dma_start3A_67 : memref<1x81x128xi32, #tpu.memory_space<hbm>> -> memref<81x128xi32, #tpu.memory_space<hbm>>
      %dma_start3A_69 = arith.constant 0 : i32
      %dma_start3A_70 = arith.constant 0 : i32
      %dma_start3A_71 = tpu.memref_slice %arg7[%add3A, %dma_start3A_69, %dma_start3A_70] : memref<32x81x128xi32, #tpu.memory_space<hbm>> -> memref<1x81x128xi32, #tpu.memory_space<hbm>>
      %dma_start3A_72 = tpu.memref_squeeze %dma_start3A_71 : memref<1x81x128xi32, #tpu.memory_space<hbm>> -> memref<81x128xi32, #tpu.memory_space<hbm>>
      tpu.enqueue_dma source(%dma_start3A_72 : memref<81x128xi32, #tpu.memory_space<hbm>>) target(%arg13 : memref<81x128xi32, #tpu.memory_space<vmem>>) target_semaphore(%run_scoped3A_65 : memref<!tpu.dma_semaphore, #tpu.memory_space<semaphore_mem>>)
      %dma_wait3A = arith.constant 0 : i32
      %dma_wait3A_73 = arith.constant 0 : i32
      %dma_wait3A_74 = tpu.memref_slice %arg7[%add3A, %dma_wait3A, %dma_wait3A_73] : memref<32x81x128xi32, #tpu.memory_space<hbm>> -> memref<1x81x128xi32, #tpu.memory_space<hbm>>
      %dma_wait3A_75 = tpu.memref_squeeze %dma_wait3A_74 : memref<1x81x128xi32, #tpu.memory_space<hbm>> -> memref<81x128xi32, #tpu.memory_space<hbm>>
      %dma_wait3A_76 = arith.constant 0 : i32
      %dma_wait3A_77 = arith.constant 0 : i32
      %dma_wait3A_78 = tpu.memref_slice %arg7[%add3A, %dma_wait3A_76, %dma_wait3A_77] : memref<32x81x128xi32, #tpu.memory_space<hbm>> -> memref<1x81x128xi32, #tpu.memory_space<hbm>>
      %dma_wait3A_79 = tpu.memref_squeeze %dma_wait3A_78 : memref<1x81x128xi32, #tpu.memory_space<hbm>> -> memref<81x128xi32, #tpu.memory_space<hbm>>
      tpu.wait_dma2 semaphore(%run_scoped3A_65 : memref<!tpu.dma_semaphore, #tpu.memory_space<semaphore_mem>>) src(%dma_wait3A_79 : memref<81x128xi32, #tpu.memory_space<hbm>>) dst(%arg13 : memref<81x128xi32, #tpu.memory_space<vmem>>)
      tpu.yield
    }) : () -> ()
    %broadcast_in_dim3A = arith.constant 0.000000e+00 : f32
    %broadcast_in_dim3A_1 = vector.broadcast %broadcast_in_dim3A : f32 to vector<16xf32>
    %iota3A = tpu.iota {dimensions = array<i32: 0>} : vector<16xi32>
    %mul3A_2 = arith.constant 640 : i32
    %mul3A_3 = arith.muli %arg1, %mul3A_2 : i32
    %scan3A = arith.constant 0 : i32
    %scan3A_4 = arith.constant 0 : i32
    %scan3A_5 = arith.constant 128 : i32
    %scan3A_6 = arith.addi %scan3A_4, %scan3A_5 : i32
    %scan3A_7 = arith.constant 1 : i32
    %scan3A_8 = scf.for %scan3A_65 = %scan3A_4 to %scan3A_6 step %scan3A_7 iter_args(%scan3A_66 = %scan3A) -> (i32)  : i32 {
      %swap3A = arith.index_cast %scan3A_65 : i32 to index
      %swap3A_67 = arith.constant 0 : index
      %swap3A_68 = tpu.vector_load %arg17[%swap3A, %swap3A_67] {strides = array<i32>} : memref<128x64xf32, #tpu.memory_space<vmem>>, vector<16xf32>,
      tpu.vector_store %arg17[%swap3A, %swap3A_67], %broadcast_in_dim3A_1 {strides = array<i32>} : memref<128x64xf32, #tpu.memory_space<vmem>>, vector<16xf32>,
      %swap3A_69 = arith.index_cast %scan3A_65 : i32 to index
      %swap3A_70 = arith.constant 16 : index
      %swap3A_71 = tpu.vector_load %arg17[%swap3A_69, %swap3A_70] {strides = array<i32>} : memref<128x64xf32, #tpu.memory_space<vmem>>, vector<16xf32>,
      tpu.vector_store %arg17[%swap3A_69, %swap3A_70], %broadcast_in_dim3A_1 {strides = array<i32>} : memref<128x64xf32, #tpu.memory_space<vmem>>, vector<16xf32>,
      %swap3A_72 = arith.index_cast %scan3A_65 : i32 to index
      %swap3A_73 = arith.constant 32 : index
      %swap3A_74 = tpu.vector_load %arg17[%swap3A_72, %swap3A_73] {strides = array<i32>} : memref<128x64xf32, #tpu.memory_space<vmem>>, vector<16xf32>,
      tpu.vector_store %arg17[%swap3A_72, %swap3A_73], %broadcast_in_dim3A_1 {strides = array<i32>} : memref<128x64xf32, #tpu.memory_space<vmem>>, vector<16xf32>,
      %swap3A_75 = arith.index_cast %scan3A_65 : i32 to index
      %swap3A_76 = arith.constant 48 : index
      %swap3A_77 = tpu.vector_load %arg17[%swap3A_75, %swap3A_76] {strides = array<i32>} : memref<128x64xf32, #tpu.memory_space<vmem>>, vector<16xf32>,
      tpu.vector_store %arg17[%swap3A_75, %swap3A_76], %broadcast_in_dim3A_1 {strides = array<i32>} : memref<128x64xf32, #tpu.memory_space<vmem>>, vector<16xf32>,
      %swap3A_78 = arith.index_cast %scan3A_65 : i32 to index
      %swap3A_79 = arith.constant 0 : index
      %swap3A_80 = tpu.vector_load %arg18[%swap3A_78, %swap3A_79] {strides = array<i32>} : memref<128x16xf32, #tpu.memory_space<vmem>>, vector<16xf32>,
      tpu.vector_store %arg18[%swap3A_78, %swap3A_79], %broadcast_in_dim3A_1 {strides = array<i32>} : memref<128x16xf32, #tpu.memory_space<vmem>>, vector<16xf32>,
      %scan3A_81 = arith.constant 0 : i32
      scf.yield %scan3A_81 : i32
    }
    %scan3A_9 = arith.constant 128 : i32
    %add3A_10 = arith.constant 0 : i32
    %add3A_11 = arith.addi %mul3A_3, %add3A_10 : i32
    "tpu.region"() ({
      %run_scoped3A_65 = tpu.sem_alloc : memref<!tpu.dma_semaphore, #tpu.memory_space<semaphore_mem>>
      %dma_start3A = arith.constant 0 : i32
      %dma_start3A_66 = tpu.memref_slice %arg20[%add3A_11, %dma_start3A] : memref<10240x64xf32, #tpu.memory_space<vmem_shared>> -> memref<128x64xf32, #tpu.memory_space<vmem_shared>>
      %dma_start3A_67 = arith.constant 0 : i32
      %dma_start3A_68 = tpu.memref_slice %arg20[%add3A_11, %dma_start3A_67] : memref<10240x64xf32, #tpu.memory_space<vmem_shared>> -> memref<128x64xf32, #tpu.memory_space<vmem_shared>>
      tpu.enqueue_dma source(%arg17 : memref<128x64xf32, #tpu.memory_space<vmem>>) target(%dma_start3A_68 : memref<128x64xf32, #tpu.memory_space<vmem_shared>>) target_semaphore(%run_scoped3A_65 : memref<!tpu.dma_semaphore, #tpu.memory_space<semaphore_mem>>)
      %dma_wait3A = arith.constant 0 : i32
      %dma_wait3A_69 = tpu.memref_slice %arg20[%add3A_11, %dma_wait3A] : memref<10240x64xf32, #tpu.memory_space<vmem_shared>> -> memref<128x64xf32, #tpu.memory_space<vmem_shared>>
      %dma_wait3A_70 = arith.constant 0 : i32
      %dma_wait3A_71 = tpu.memref_slice %arg20[%add3A_11, %dma_wait3A_70] : memref<10240x64xf32, #tpu.memory_space<vmem_shared>> -> memref<128x64xf32, #tpu.memory_space<vmem_shared>>
      tpu.wait_dma2 semaphore(%run_scoped3A_65 : memref<!tpu.dma_semaphore, #tpu.memory_space<semaphore_mem>>) src(%arg17 : memref<128x64xf32, #tpu.memory_space<vmem>>) dst(%dma_wait3A_71 : memref<128x64xf32, #tpu.memory_space<vmem_shared>>)
      tpu.yield
    }) : () -> ()
    %add3A_12 = arith.constant 0 : i32
    %add3A_13 = arith.addi %mul3A_3, %add3A_12 : i32
    "tpu.region"() ({
      %run_scoped3A_65 = tpu.sem_alloc : memref<!tpu.dma_semaphore, #tpu.memory_space<semaphore_mem>>
      %dma_start3A = arith.constant 0 : i32
      %dma_start3A_66 = tpu.memref_slice %arg21[%add3A_13, %dma_start3A] : memref<10240x16xf32, #tpu.memory_space<vmem_shared>> -> memref<128x16xf32, #tpu.memory_space<vmem_shared>>
      %dma_start3A_67 = arith.constant 0 : i32
      %dma_start3A_68 = tpu.memref_slice %arg21[%add3A_13, %dma_start3A_67] : memref<10240x16xf32, #tpu.memory_space<vmem_shared>> -> memref<128x16xf32, #tpu.memory_space<vmem_shared>>
      tpu.enqueue_dma source(%arg18 : memref<128x16xf32, #tpu.memory_space<vmem>>) target(%dma_start3A_68 : memref<128x16xf32, #tpu.memory_space<vmem_shared>>) target_semaphore(%run_scoped3A_65 : memref<!tpu.dma_semaphore, #tpu.memory_space<semaphore_mem>>)
      %dma_wait3A = arith.constant 0 : i32
      %dma_wait3A_69 = tpu.memref_slice %arg21[%add3A_13, %dma_wait3A] : memref<10240x16xf32, #tpu.memory_space<vmem_shared>> -> memref<128x16xf32, #tpu.memory_space<vmem_shared>>
      %dma_wait3A_70 = arith.constant 0 : i32
      %dma_wait3A_71 = tpu.memref_slice %arg21[%add3A_13, %dma_wait3A_70] : memref<10240x16xf32, #tpu.memory_space<vmem_shared>> -> memref<128x16xf32, #tpu.memory_space<vmem_shared>>
      tpu.wait_dma2 semaphore(%run_scoped3A_65 : memref<!tpu.dma_semaphore, #tpu.memory_space<semaphore_mem>>) src(%arg18 : memref<128x16xf32, #tpu.memory_space<vmem>>) dst(%dma_wait3A_71 : memref<128x16xf32, #tpu.memory_space<vmem_shared>>)
      tpu.yield
    }) : () -> ()
    %add3A_14 = arith.constant 128 : i32
    %add3A_15 = arith.addi %mul3A_3, %add3A_14 : i32
    "tpu.region"() ({
      %run_scoped3A_65 = tpu.sem_alloc : memref<!tpu.dma_semaphore, #tpu.memory_space<semaphore_mem>>
      %dma_start3A = arith.constant 0 : i32
      %dma_start3A_66 = tpu.memref_slice %arg20[%add3A_15, %dma_start3A] : memref<10240x64xf32, #tpu.memory_space<vmem_shared>> -> memref<128x64xf32, #tpu.memory_space<vmem_shared>>
      %dma_start3A_67 = arith.constant 0 : i32
      %dma_start3A_68 = tpu.memref_slice %arg20[%add3A_15, %dma_start3A_67] : memref<10240x64xf32, #tpu.memory_space<vmem_shared>> -> memref<128x64xf32, #tpu.memory_space<vmem_shared>>
      tpu.enqueue_dma source(%arg17 : memref<128x64xf32, #tpu.memory_space<vmem>>) target(%dma_start3A_68 : memref<128x64xf32, #tpu.memory_space<vmem_shared>>) target_semaphore(%run_scoped3A_65 : memref<!tpu.dma_semaphore, #tpu.memory_space<semaphore_mem>>)
      %dma_wait3A = arith.constant 0 : i32
      %dma_wait3A_69 = tpu.memref_slice %arg20[%add3A_15, %dma_wait3A] : memref<10240x64xf32, #tpu.memory_space<vmem_shared>> -> memref<128x64xf32, #tpu.memory_space<vmem_shared>>
      %dma_wait3A_70 = arith.constant 0 : i32
      %dma_wait3A_71 = tpu.memref_slice %arg20[%add3A_15, %dma_wait3A_70] : memref<10240x64xf32, #tpu.memory_space<vmem_shared>> -> memref<128x64xf32, #tpu.memory_space<vmem_shared>>
      tpu.wait_dma2 semaphore(%run_scoped3A_65 : memref<!tpu.dma_semaphore, #tpu.memory_space<semaphore_mem>>) src(%arg17 : memref<128x64xf32, #tpu.memory_space<vmem>>) dst(%dma_wait3A_71 : memref<128x64xf32, #tpu.memory_space<vmem_shared>>)
      tpu.yield
    }) : () -> ()
    %add3A_16 = arith.constant 128 : i32
    %add3A_17 = arith.addi %mul3A_3, %add3A_16 : i32
    "tpu.region"() ({
      %run_scoped3A_65 = tpu.sem_alloc : memref<!tpu.dma_semaphore, #tpu.memory_space<semaphore_mem>>
      %dma_start3A = arith.constant 0 : i32
      %dma_start3A_66 = tpu.memref_slice %arg21[%add3A_17, %dma_start3A] : memref<10240x16xf32, #tpu.memory_space<vmem_shared>> -> memref<128x16xf32, #tpu.memory_space<vmem_shared>>
      %dma_start3A_67 = arith.constant 0 : i32
      %dma_start3A_68 = tpu.memref_slice %arg21[%add3A_17, %dma_start3A_67] : memref<10240x16xf32, #tpu.memory_space<vmem_shared>> -> memref<128x16xf32, #tpu.memory_space<vmem_shared>>
      tpu.enqueue_dma source(%arg18 : memref<128x16xf32, #tpu.memory_space<vmem>>) target(%dma_start3A_68 : memref<128x16xf32, #tpu.memory_space<vmem_shared>>) target_semaphore(%run_scoped3A_65 : memref<!tpu.dma_semaphore, #tpu.memory_space<semaphore_mem>>)
      %dma_wait3A = arith.constant 0 : i32
      %dma_wait3A_69 = tpu.memref_slice %arg21[%add3A_17, %dma_wait3A] : memref<10240x16xf32, #tpu.memory_space<vmem_shared>> -> memref<128x16xf32, #tpu.memory_space<vmem_shared>>
      %dma_wait3A_70 = arith.constant 0 : i32
      %dma_wait3A_71 = tpu.memref_slice %arg21[%add3A_17, %dma_wait3A_70] : memref<10240x16xf32, #tpu.memory_space<vmem_shared>> -> memref<128x16xf32, #tpu.memory_space<vmem_shared>>
      tpu.wait_dma2 semaphore(%run_scoped3A_65 : memref<!tpu.dma_semaphore, #tpu.memory_space<semaphore_mem>>) src(%arg18 : memref<128x16xf32, #tpu.memory_space<vmem>>) dst(%dma_wait3A_71 : memref<128x16xf32, #tpu.memory_space<vmem_shared>>)
      tpu.yield
    }) : () -> ()
    %add3A_18 = arith.constant 256 : i32
    %add3A_19 = arith.addi %mul3A_3, %add3A_18 : i32
    "tpu.region"() ({
      %run_scoped3A_65 = tpu.sem_alloc : memref<!tpu.dma_semaphore, #tpu.memory_space<semaphore_mem>>
      %dma_start3A = arith.constant 0 : i32
      %dma_start3A_66 = tpu.memref_slice %arg20[%add3A_19, %dma_start3A] : memref<10240x64xf32, #tpu.memory_space<vmem_shared>> -> memref<128x64xf32, #tpu.memory_space<vmem_shared>>
      %dma_start3A_67 = arith.constant 0 : i32
      %dma_start3A_68 = tpu.memref_slice %arg20[%add3A_19, %dma_start3A_67] : memref<10240x64xf32, #tpu.memory_space<vmem_shared>> -> memref<128x64xf32, #tpu.memory_space<vmem_shared>>
      tpu.enqueue_dma source(%arg17 : memref<128x64xf32, #tpu.memory_space<vmem>>) target(%dma_start3A_68 : memref<128x64xf32, #tpu.memory_space<vmem_shared>>) target_semaphore(%run_scoped3A_65 : memref<!tpu.dma_semaphore, #tpu.memory_space<semaphore_mem>>)
      %dma_wait3A = arith.constant 0 : i32
      %dma_wait3A_69 = tpu.memref_slice %arg20[%add3A_19, %dma_wait3A] : memref<10240x64xf32, #tpu.memory_space<vmem_shared>> -> memref<128x64xf32, #tpu.memory_space<vmem_shared>>
      %dma_wait3A_70 = arith.constant 0 : i32
      %dma_wait3A_71 = tpu.memref_slice %arg20[%add3A_19, %dma_wait3A_70] : memref<10240x64xf32, #tpu.memory_space<vmem_shared>> -> memref<128x64xf32, #tpu.memory_space<vmem_shared>>
      tpu.wait_dma2 semaphore(%run_scoped3A_65 : memref<!tpu.dma_semaphore, #tpu.memory_space<semaphore_mem>>) src(%arg17 : memref<128x64xf32, #tpu.memory_space<vmem>>) dst(%dma_wait3A_71 : memref<128x64xf32, #tpu.memory_space<vmem_shared>>)
      tpu.yield
    }) : () -> ()
    %add3A_20 = arith.constant 256 : i32
    %add3A_21 = arith.addi %mul3A_3, %add3A_20 : i32
    "tpu.region"() ({
      %run_scoped3A_65 = tpu.sem_alloc : memref<!tpu.dma_semaphore, #tpu.memory_space<semaphore_mem>>
      %dma_start3A = arith.constant 0 : i32
      %dma_start3A_66 = tpu.memref_slice %arg21[%add3A_21, %dma_start3A] : memref<10240x16xf32, #tpu.memory_space<vmem_shared>> -> memref<128x16xf32, #tpu.memory_space<vmem_shared>>
      %dma_start3A_67 = arith.constant 0 : i32
      %dma_start3A_68 = tpu.memref_slice %arg21[%add3A_21, %dma_start3A_67] : memref<10240x16xf32, #tpu.memory_space<vmem_shared>> -> memref<128x16xf32, #tpu.memory_space<vmem_shared>>
      tpu.enqueue_dma source(%arg18 : memref<128x16xf32, #tpu.memory_space<vmem>>) target(%dma_start3A_68 : memref<128x16xf32, #tpu.memory_space<vmem_shared>>) target_semaphore(%run_scoped3A_65 : memref<!tpu.dma_semaphore, #tpu.memory_space<semaphore_mem>>)
      %dma_wait3A = arith.constant 0 : i32
      %dma_wait3A_69 = tpu.memref_slice %arg21[%add3A_21, %dma_wait3A] : memref<10240x16xf32, #tpu.memory_space<vmem_shared>> -> memref<128x16xf32, #tpu.memory_space<vmem_shared>>
      %dma_wait3A_70 = arith.constant 0 : i32
      %dma_wait3A_71 = tpu.memref_slice %arg21[%add3A_21, %dma_wait3A_70] : memref<10240x16xf32, #tpu.memory_space<vmem_shared>> -> memref<128x16xf32, #tpu.memory_space<vmem_shared>>
      tpu.wait_dma2 semaphore(%run_scoped3A_65 : memref<!tpu.dma_semaphore, #tpu.memory_space<semaphore_mem>>) src(%arg18 : memref<128x16xf32, #tpu.memory_space<vmem>>) dst(%dma_wait3A_71 : memref<128x16xf32, #tpu.memory_space<vmem_shared>>)
      tpu.yield
    }) : () -> ()
    %add3A_22 = arith.constant 384 : i32
    %add3A_23 = arith.addi %mul3A_3, %add3A_22 : i32
    "tpu.region"() ({
      %run_scoped3A_65 = tpu.sem_alloc : memref<!tpu.dma_semaphore, #tpu.memory_space<semaphore_mem>>
      %dma_start3A = arith.constant 0 : i32
      %dma_start3A_66 = tpu.memref_slice %arg20[%add3A_23, %dma_start3A] : memref<10240x64xf32, #tpu.memory_space<vmem_shared>> -> memref<128x64xf32, #tpu.memory_space<vmem_shared>>
      %dma_start3A_67 = arith.constant 0 : i32
      %dma_start3A_68 = tpu.memref_slice %arg20[%add3A_23, %dma_start3A_67] : memref<10240x64xf32, #tpu.memory_space<vmem_shared>> -> memref<128x64xf32, #tpu.memory_space<vmem_shared>>
      tpu.enqueue_dma source(%arg17 : memref<128x64xf32, #tpu.memory_space<vmem>>) target(%dma_start3A_68 : memref<128x64xf32, #tpu.memory_space<vmem_shared>>) target_semaphore(%run_scoped3A_65 : memref<!tpu.dma_semaphore, #tpu.memory_space<semaphore_mem>>)
      %dma_wait3A = arith.constant 0 : i32
      %dma_wait3A_69 = tpu.memref_slice %arg20[%add3A_23, %dma_wait3A] : memref<10240x64xf32, #tpu.memory_space<vmem_shared>> -> memref<128x64xf32, #tpu.memory_space<vmem_shared>>
      %dma_wait3A_70 = arith.constant 0 : i32
      %dma_wait3A_71 = tpu.memref_slice %arg20[%add3A_23, %dma_wait3A_70] : memref<10240x64xf32, #tpu.memory_space<vmem_shared>> -> memref<128x64xf32, #tpu.memory_space<vmem_shared>>
      tpu.wait_dma2 semaphore(%run_scoped3A_65 : memref<!tpu.dma_semaphore, #tpu.memory_space<semaphore_mem>>) src(%arg17 : memref<128x64xf32, #tpu.memory_space<vmem>>) dst(%dma_wait3A_71 : memref<128x64xf32, #tpu.memory_space<vmem_shared>>)
      tpu.yield
    }) : () -> ()
    %add3A_24 = arith.constant 384 : i32
    %add3A_25 = arith.addi %mul3A_3, %add3A_24 : i32
    "tpu.region"() ({
      %run_scoped3A_65 = tpu.sem_alloc : memref<!tpu.dma_semaphore, #tpu.memory_space<semaphore_mem>>
      %dma_start3A = arith.constant 0 : i32
      %dma_start3A_66 = tpu.memref_slice %arg21[%add3A_25, %dma_start3A] : memref<10240x16xf32, #tpu.memory_space<vmem_shared>> -> memref<128x16xf32, #tpu.memory_space<vmem_shared>>
      %dma_start3A_67 = arith.constant 0 : i32
      %dma_start3A_68 = tpu.memref_slice %arg21[%add3A_25, %dma_start3A_67] : memref<10240x16xf32, #tpu.memory_space<vmem_shared>> -> memref<128x16xf32, #tpu.memory_space<vmem_shared>>
      tpu.enqueue_dma source(%arg18 : memref<128x16xf32, #tpu.memory_space<vmem>>) target(%dma_start3A_68 : memref<128x16xf32, #tpu.memory_space<vmem_shared>>) target_semaphore(%run_scoped3A_65 : memref<!tpu.dma_semaphore, #tpu.memory_space<semaphore_mem>>)
      %dma_wait3A = arith.constant 0 : i32
      %dma_wait3A_69 = tpu.memref_slice %arg21[%add3A_25, %dma_wait3A] : memref<10240x16xf32, #tpu.memory_space<vmem_shared>> -> memref<128x16xf32, #tpu.memory_space<vmem_shared>>
      %dma_wait3A_70 = arith.constant 0 : i32
      %dma_wait3A_71 = tpu.memref_slice %arg21[%add3A_25, %dma_wait3A_70] : memref<10240x16xf32, #tpu.memory_space<vmem_shared>> -> memref<128x16xf32, #tpu.memory_space<vmem_shared>>
      tpu.wait_dma2 semaphore(%run_scoped3A_65 : memref<!tpu.dma_semaphore, #tpu.memory_space<semaphore_mem>>) src(%arg18 : memref<128x16xf32, #tpu.memory_space<vmem>>) dst(%dma_wait3A_71 : memref<128x16xf32, #tpu.memory_space<vmem_shared>>)
      tpu.yield
    }) : () -> ()
    %add3A_26 = arith.constant 512 : i32
    %add3A_27 = arith.addi %mul3A_3, %add3A_26 : i32
    "tpu.region"() ({
      %run_scoped3A_65 = tpu.sem_alloc : memref<!tpu.dma_semaphore, #tpu.memory_space<semaphore_mem>>
      %dma_start3A = arith.constant 0 : i32
      %dma_start3A_66 = tpu.memref_slice %arg20[%add3A_27, %dma_start3A] : memref<10240x64xf32, #tpu.memory_space<vmem_shared>> -> memref<128x64xf32, #tpu.memory_space<vmem_shared>>
      %dma_start3A_67 = arith.constant 0 : i32
      %dma_start3A_68 = tpu.memref_slice %arg20[%add3A_27, %dma_start3A_67] : memref<10240x64xf32, #tpu.memory_space<vmem_shared>> -> memref<128x64xf32, #tpu.memory_space<vmem_shared>>
      tpu.enqueue_dma source(%arg17 : memref<128x64xf32, #tpu.memory_space<vmem>>) target(%dma_start3A_68 : memref<128x64xf32, #tpu.memory_space<vmem_shared>>) target_semaphore(%run_scoped3A_65 : memref<!tpu.dma_semaphore, #tpu.memory_space<semaphore_mem>>)
      %dma_wait3A = arith.constant 0 : i32
      %dma_wait3A_69 = tpu.memref_slice %arg20[%add3A_27, %dma_wait3A] : memref<10240x64xf32, #tpu.memory_space<vmem_shared>> -> memref<128x64xf32, #tpu.memory_space<vmem_shared>>
      %dma_wait3A_70 = arith.constant 0 : i32
      %dma_wait3A_71 = tpu.memref_slice %arg20[%add3A_27, %dma_wait3A_70] : memref<10240x64xf32, #tpu.memory_space<vmem_shared>> -> memref<128x64xf32, #tpu.memory_space<vmem_shared>>
      tpu.wait_dma2 semaphore(%run_scoped3A_65 : memref<!tpu.dma_semaphore, #tpu.memory_space<semaphore_mem>>) src(%arg17 : memref<128x64xf32, #tpu.memory_space<vmem>>) dst(%dma_wait3A_71 : memref<128x64xf32, #tpu.memory_space<vmem_shared>>)
      tpu.yield
    }) : () -> ()
    %add3A_28 = arith.constant 512 : i32
    %add3A_29 = arith.addi %mul3A_3, %add3A_28 : i32
    "tpu.region"() ({
      %run_scoped3A_65 = tpu.sem_alloc : memref<!tpu.dma_semaphore, #tpu.memory_space<semaphore_mem>>
      %dma_start3A = arith.constant 0 : i32
      %dma_start3A_66 = tpu.memref_slice %arg21[%add3A_29, %dma_start3A] : memref<10240x16xf32, #tpu.memory_space<vmem_shared>> -> memref<128x16xf32, #tpu.memory_space<vmem_shared>>
      %dma_start3A_67 = arith.constant 0 : i32
      %dma_start3A_68 = tpu.memref_slice %arg21[%add3A_29, %dma_start3A_67] : memref<10240x16xf32, #tpu.memory_space<vmem_shared>> -> memref<128x16xf32, #tpu.memory_space<vmem_shared>>
      tpu.enqueue_dma source(%arg18 : memref<128x16xf32, #tpu.memory_space<vmem>>) target(%dma_start3A_68 : memref<128x16xf32, #tpu.memory_space<vmem_shared>>) target_semaphore(%run_scoped3A_65 : memref<!tpu.dma_semaphore, #tpu.memory_space<semaphore_mem>>)
      %dma_wait3A = arith.constant 0 : i32
      %dma_wait3A_69 = tpu.memref_slice %arg21[%add3A_29, %dma_wait3A] : memref<10240x16xf32, #tpu.memory_space<vmem_shared>> -> memref<128x16xf32, #tpu.memory_space<vmem_shared>>
      %dma_wait3A_70 = arith.constant 0 : i32
      %dma_wait3A_71 = tpu.memref_slice %arg21[%add3A_29, %dma_wait3A_70] : memref<10240x16xf32, #tpu.memory_space<vmem_shared>> -> memref<128x16xf32, #tpu.memory_space<vmem_shared>>
      tpu.wait_dma2 semaphore(%run_scoped3A_65 : memref<!tpu.dma_semaphore, #tpu.memory_space<semaphore_mem>>) src(%arg18 : memref<128x16xf32, #tpu.memory_space<vmem>>) dst(%dma_wait3A_71 : memref<128x16xf32, #tpu.memory_space<vmem_shared>>)
      tpu.yield
    }) : () -> ()
    %barrier3A = arith.constant 0 : index
    tpu.barrier barrier_id(%barrier3A)
    %scan3A_30 = arith.constant 0 : i32
    %scan3A_31 = arith.constant 0 : i32
    %scan3A_32 = arith.constant 81 : i32
    %scan3A_33 = arith.addi %scan3A_31, %scan3A_32 : i32
    %scan3A_34 = arith.constant 1 : i32
    %scan3A_35 = scf.for %scan3A_65 = %scan3A_31 to %scan3A_33 step %scan3A_34 iter_args(%scan3A_66 = %scan3A_30) -> (i32)  : i32 {
      %get3A = arith.index_cast %scan3A_65 : i32 to index
      %get3A_67 = arith.constant 0 : index
      %get3A_68 = tpu.vector_load %arg12[%get3A, %get3A_67] {strides = array<i32>} : memref<81x128xi32, #tpu.memory_space<vmem>>, vector<16xi32>,
      %get3A_69 = arith.index_cast %scan3A_65 : i32 to index
      %get3A_70 = arith.constant 0 : index
      %get3A_71 = tpu.vector_load %arg13[%get3A_69, %get3A_70] {strides = array<i32>} : memref<81x128xi32, #tpu.memory_space<vmem>>, vector<16xi32>,
      %swap3A = arith.constant 0 : index
      %swap3A_72 = tpu.vector_load %arg14[%swap3A] {strides = array<i32>} : memref<128xi32, #tpu.memory_space<vmem>>, vector<16xi32>,
      tpu.vector_store %arg14[%swap3A], %get3A_68 {strides = array<i32>} : memref<128xi32, #tpu.memory_space<vmem>>, vector<16xi32>,
      %swap3A_73 = arith.constant 0 : index
      %swap3A_74 = tpu.vector_load %arg15[%swap3A_73] {strides = array<i32>} : memref<128xi32, #tpu.memory_space<vmem>>, vector<16xi32>,
      tpu.vector_store %arg15[%swap3A_73], %get3A_71 {strides = array<i32>} : memref<128xi32, #tpu.memory_space<vmem>>, vector<16xi32>,
      %add3A_75 = arith.constant 0 : i32
      %add3A_76 = vector.broadcast %add3A_75 : i32 to vector<16xi32>
      %add3A_77 = arith.addi %iota3A, %add3A_76 : vector<16xi32>
      %mul3A_78 = arith.constant 2 : i32
      %mul3A_79 = vector.broadcast %mul3A_78 : i32 to vector<16xi32>
      %mul3A_80 = arith.muli %get3A_68, %mul3A_79 : vector<16xi32>
      %add3A_81 = arith.constant 0 : i32
      %add3A_82 = vector.broadcast %add3A_81 : i32 to vector<16xi32>
      %add3A_83 = arith.addi %mul3A_80, %add3A_82 : vector<16xi32>
      %gather3A = tpu.vector_load_idx %arg10[%add3A_83] : memref<20032xf32, #tpu.memory_space<vmem>>[vector<16xi32>], vector<16xf32>,
      %mul3A_84 = arith.constant 2 : i32
      %mul3A_85 = vector.broadcast %mul3A_84 : i32 to vector<16xi32>
      %mul3A_86 = arith.muli %get3A_71, %mul3A_85 : vector<16xi32>
      %add3A_87 = arith.constant 0 : i32
      %add3A_88 = vector.broadcast %add3A_87 : i32 to vector<16xi32>
      %add3A_89 = arith.addi %mul3A_86, %add3A_88 : vector<16xi32>
      %gather3A_90 = tpu.vector_load_idx %arg11[%add3A_89] : memref<20032xf32, #tpu.memory_space<vmem>>[vector<16xi32>], vector<16xf32>,
      %add3A_91 = arith.addf %gather3A, %gather3A_90 : vector<16xf32>
      %mul3A_92 = arith.constant 2.000000e-01 : f32
      %mul3A_93 = vector.broadcast %mul3A_92 : f32 to vector<16xf32>
      %mul3A_94 = arith.mulf %mul3A_93, %add3A_91 : vector<16xf32>
      %max3A = arith.maximumf %add3A_91, %mul3A_94 : vector<16xf32>
      %exp3A = math.exp %max3A : vector<16xf32>
      %swap3A_95 = arith.constant 0 : index
      %swap3A_96 = tpu.vector_load %arg19[%swap3A_95] {strides = array<i32>} : memref<128xf32, #tpu.memory_space<vmem>>, vector<16xf32>,
      tpu.vector_store %arg19[%swap3A_95], %exp3A {strides = array<i32>} : memref<128xf32, #tpu.memory_space<vmem>>, vector<16xf32>,
      %broadcast_in_dim3A_97 = arith.constant 0 : i32
      %broadcast_in_dim3A_98 = vector.broadcast %broadcast_in_dim3A_97 : i32 to vector<16xi32>
      tpu.vector_store_idx %arg18[%add3A_77, %broadcast_in_dim3A_98], %exp3A : memref<128x16xf32, #tpu.memory_space<vmem>>[vector<16xi32>, vector<16xi32>], vector<16xf32>,
      %mul3A_99 = arith.constant 2 : i32
      %mul3A_100 = vector.broadcast %mul3A_99 : i32 to vector<16xi32>
      %mul3A_101 = arith.muli %get3A_68, %mul3A_100 : vector<16xi32>
      %add3A_102 = arith.constant 1 : i32
      %add3A_103 = vector.broadcast %add3A_102 : i32 to vector<16xi32>
      %add3A_104 = arith.addi %mul3A_101, %add3A_103 : vector<16xi32>
      %gather3A_105 = tpu.vector_load_idx %arg10[%add3A_104] : memref<20032xf32, #tpu.memory_space<vmem>>[vector<16xi32>], vector<16xf32>,
      %mul3A_106 = arith.constant 2 : i32
      %mul3A_107 = vector.broadcast %mul3A_106 : i32 to vector<16xi32>
      %mul3A_108 = arith.muli %get3A_71, %mul3A_107 : vector<16xi32>
      %add3A_109 = arith.constant 1 : i32
      %add3A_110 = vector.broadcast %add3A_109 : i32 to vector<16xi32>
      %add3A_111 = arith.addi %mul3A_108, %add3A_110 : vector<16xi32>
      %gather3A_112 = tpu.vector_load_idx %arg11[%add3A_111] : memref<20032xf32, #tpu.memory_space<vmem>>[vector<16xi32>], vector<16xf32>,
      %add3A_113 = arith.addf %gather3A_105, %gather3A_112 : vector<16xf32>
      %mul3A_114 = arith.constant 2.000000e-01 : f32
      %mul3A_115 = vector.broadcast %mul3A_114 : f32 to vector<16xf32>
      %mul3A_116 = arith.mulf %mul3A_115, %add3A_113 : vector<16xf32>
      %max3A_117 = arith.maximumf %add3A_113, %mul3A_116 : vector<16xf32>
      %exp3A_118 = math.exp %max3A_117 : vector<16xf32>
      %broadcast_in_dim3A_119 = arith.constant 1 : i32
      %broadcast_in_dim3A_120 = vector.broadcast %broadcast_in_dim3A_119 : i32 to vector<16xi32>
      tpu.vector_store_idx %arg18[%add3A_77, %broadcast_in_dim3A_120], %exp3A_118 : memref<128x16xf32, #tpu.memory_space<vmem>>[vector<16xi32>, vector<16xi32>], vector<16xf32>,
      %get3A_121 = arith.index_cast %scan3A_65 : i32 to index
      %get3A_122 = arith.constant 16 : index
      %get3A_123 = tpu.vector_load %arg12[%get3A_121, %get3A_122] {strides = array<i32>} : memref<81x128xi32, #tpu.memory_space<vmem>>, vector<16xi32>,
      %get3A_124 = arith.index_cast %scan3A_65 : i32 to index
      %get3A_125 = arith.constant 16 : index
      %get3A_126 = tpu.vector_load %arg13[%get3A_124, %get3A_125] {strides = array<i32>} : memref<81x128xi32, #tpu.memory_space<vmem>>, vector<16xi32>,
      %swap3A_127 = arith.constant 16 : index
      %swap3A_128 = tpu.vector_load %arg14[%swap3A_127] {strides = array<i32>} : memref<128xi32, #tpu.memory_space<vmem>>, vector<16xi32>,
      tpu.vector_store %arg14[%swap3A_127], %get3A_123 {strides = array<i32>} : memref<128xi32, #tpu.memory_space<vmem>>, vector<16xi32>,
      %swap3A_129 = arith.constant 16 : index
      %swap3A_130 = tpu.vector_load %arg15[%swap3A_129] {strides = array<i32>} : memref<128xi32, #tpu.memory_space<vmem>>, vector<16xi32>,
      tpu.vector_store %arg15[%swap3A_129], %get3A_126 {strides = array<i32>} : memref<128xi32, #tpu.memory_space<vmem>>, vector<16xi32>,
      %add3A_131 = arith.constant 16 : i32
      %add3A_132 = vector.broadcast %add3A_131 : i32 to vector<16xi32>
      %add3A_133 = arith.addi %iota3A, %add3A_132 : vector<16xi32>
      %mul3A_134 = arith.constant 2 : i32
      %mul3A_135 = vector.broadcast %mul3A_134 : i32 to vector<16xi32>
      %mul3A_136 = arith.muli %get3A_123, %mul3A_135 : vector<16xi32>
      %add3A_137 = arith.constant 0 : i32
      %add3A_138 = vector.broadcast %add3A_137 : i32 to vector<16xi32>
      %add3A_139 = arith.addi %mul3A_136, %add3A_138 : vector<16xi32>
      %gather3A_140 = tpu.vector_load_idx %arg10[%add3A_139] : memref<20032xf32, #tpu.memory_space<vmem>>[vector<16xi32>], vector<16xf32>,
      %mul3A_141 = arith.constant 2 : i32
      %mul3A_142 = vector.broadcast %mul3A_141 : i32 to vector<16xi32>
      %mul3A_143 = arith.muli %get3A_126, %mul3A_142 : vector<16xi32>
      %add3A_144 = arith.constant 0 : i32
      %add3A_145 = vector.broadcast %add3A_144 : i32 to vector<16xi32>
      %add3A_146 = arith.addi %mul3A_143, %add3A_145 : vector<16xi32>
      %gather3A_147 = tpu.vector_load_idx %arg11[%add3A_146] : memref<20032xf32, #tpu.memory_space<vmem>>[vector<16xi32>], vector<16xf32>,
      %add3A_148 = arith.addf %gather3A_140, %gather3A_147 : vector<16xf32>
      %mul3A_149 = arith.constant 2.000000e-01 : f32
      %mul3A_150 = vector.broadcast %mul3A_149 : f32 to vector<16xf32>
      %mul3A_151 = arith.mulf %mul3A_150, %add3A_148 : vector<16xf32>
      %max3A_152 = arith.maximumf %add3A_148, %mul3A_151 : vector<16xf32>
      %exp3A_153 = math.exp %max3A_152 : vector<16xf32>
      %swap3A_154 = arith.constant 16 : index
      %swap3A_155 = tpu.vector_load %arg19[%swap3A_154] {strides = array<i32>} : memref<128xf32, #tpu.memory_space<vmem>>, vector<16xf32>,
      tpu.vector_store %arg19[%swap3A_154], %exp3A_153 {strides = array<i32>} : memref<128xf32, #tpu.memory_space<vmem>>, vector<16xf32>,
      %broadcast_in_dim3A_156 = arith.constant 0 : i32
      %broadcast_in_dim3A_157 = vector.broadcast %broadcast_in_dim3A_156 : i32 to vector<16xi32>
      tpu.vector_store_idx %arg18[%add3A_133, %broadcast_in_dim3A_157], %exp3A_153 : memref<128x16xf32, #tpu.memory_space<vmem>>[vector<16xi32>, vector<16xi32>], vector<16xf32>,
      %mul3A_158 = arith.constant 2 : i32
      %mul3A_159 = vector.broadcast %mul3A_158 : i32 to vector<16xi32>
      %mul3A_160 = arith.muli %get3A_123, %mul3A_159 : vector<16xi32>
      %add3A_161 = arith.constant 1 : i32
      %add3A_162 = vector.broadcast %add3A_161 : i32 to vector<16xi32>
      %add3A_163 = arith.addi %mul3A_160, %add3A_162 : vector<16xi32>
      %gather3A_164 = tpu.vector_load_idx %arg10[%add3A_163] : memref<20032xf32, #tpu.memory_space<vmem>>[vector<16xi32>], vector<16xf32>,
      %mul3A_165 = arith.constant 2 : i32
      %mul3A_166 = vector.broadcast %mul3A_165 : i32 to vector<16xi32>
      %mul3A_167 = arith.muli %get3A_126, %mul3A_166 : vector<16xi32>
      %add3A_168 = arith.constant 1 : i32
      %add3A_169 = vector.broadcast %add3A_168 : i32 to vector<16xi32>
      %add3A_170 = arith.addi %mul3A_167, %add3A_169 : vector<16xi32>
      %gather3A_171 = tpu.vector_load_idx %arg11[%add3A_170] : memref<20032xf32, #tpu.memory_space<vmem>>[vector<16xi32>], vector<16xf32>,
      %add3A_172 = arith.addf %gather3A_164, %gather3A_171 : vector<16xf32>
      %mul3A_173 = arith.constant 2.000000e-01 : f32
      %mul3A_174 = vector.broadcast %mul3A_173 : f32 to vector<16xf32>
      %mul3A_175 = arith.mulf %mul3A_174, %add3A_172 : vector<16xf32>
      %max3A_176 = arith.maximumf %add3A_172, %mul3A_175 : vector<16xf32>
      %exp3A_177 = math.exp %max3A_176 : vector<16xf32>
      %broadcast_in_dim3A_178 = arith.constant 1 : i32
      %broadcast_in_dim3A_179 = vector.broadcast %broadcast_in_dim3A_178 : i32 to vector<16xi32>
      tpu.vector_store_idx %arg18[%add3A_133, %broadcast_in_dim3A_179], %exp3A_177 : memref<128x16xf32, #tpu.memory_space<vmem>>[vector<16xi32>, vector<16xi32>], vector<16xf32>,
      %get3A_180 = arith.index_cast %scan3A_65 : i32 to index
      %get3A_181 = arith.constant 32 : index
      %get3A_182 = tpu.vector_load %arg12[%get3A_180, %get3A_181] {strides = array<i32>} : memref<81x128xi32, #tpu.memory_space<vmem>>, vector<16xi32>,
      %get3A_183 = arith.index_cast %scan3A_65 : i32 to index
      %get3A_184 = arith.constant 32 : index
      %get3A_185 = tpu.vector_load %arg13[%get3A_183, %get3A_184] {strides = array<i32>} : memref<81x128xi32, #tpu.memory_space<vmem>>, vector<16xi32>,
      %swap3A_186 = arith.constant 32 : index
      %swap3A_187 = tpu.vector_load %arg14[%swap3A_186] {strides = array<i32>} : memref<128xi32, #tpu.memory_space<vmem>>, vector<16xi32>,
      tpu.vector_store %arg14[%swap3A_186], %get3A_182 {strides = array<i32>} : memref<128xi32, #tpu.memory_space<vmem>>, vector<16xi32>,
      %swap3A_188 = arith.constant 32 : index
      %swap3A_189 = tpu.vector_load %arg15[%swap3A_188] {strides = array<i32>} : memref<128xi32, #tpu.memory_space<vmem>>, vector<16xi32>,
      tpu.vector_store %arg15[%swap3A_188], %get3A_185 {strides = array<i32>} : memref<128xi32, #tpu.memory_space<vmem>>, vector<16xi32>,
      %add3A_190 = arith.constant 32 : i32
      %add3A_191 = vector.broadcast %add3A_190 : i32 to vector<16xi32>
      %add3A_192 = arith.addi %iota3A, %add3A_191 : vector<16xi32>
      %mul3A_193 = arith.constant 2 : i32
      %mul3A_194 = vector.broadcast %mul3A_193 : i32 to vector<16xi32>
      %mul3A_195 = arith.muli %get3A_182, %mul3A_194 : vector<16xi32>
      %add3A_196 = arith.constant 0 : i32
      %add3A_197 = vector.broadcast %add3A_196 : i32 to vector<16xi32>
      %add3A_198 = arith.addi %mul3A_195, %add3A_197 : vector<16xi32>
      %gather3A_199 = tpu.vector_load_idx %arg10[%add3A_198] : memref<20032xf32, #tpu.memory_space<vmem>>[vector<16xi32>], vector<16xf32>,
      %mul3A_200 = arith.constant 2 : i32
      %mul3A_201 = vector.broadcast %mul3A_200 : i32 to vector<16xi32>
      %mul3A_202 = arith.muli %get3A_185, %mul3A_201 : vector<16xi32>
      %add3A_203 = arith.constant 0 : i32
      %add3A_204 = vector.broadcast %add3A_203 : i32 to vector<16xi32>
      %add3A_205 = arith.addi %mul3A_202, %add3A_204 : vector<16xi32>
      %gather3A_206 = tpu.vector_load_idx %arg11[%add3A_205] : memref<20032xf32, #tpu.memory_space<vmem>>[vector<16xi32>], vector<16xf32>,
      %add3A_207 = arith.addf %gather3A_199, %gather3A_206 : vector<16xf32>
      %mul3A_208 = arith.constant 2.000000e-01 : f32
      %mul3A_209 = vector.broadcast %mul3A_208 : f32 to vector<16xf32>
      %mul3A_210 = arith.mulf %mul3A_209, %add3A_207 : vector<16xf32>
      %max3A_211 = arith.maximumf %add3A_207, %mul3A_210 : vector<16xf32>
      %exp3A_212 = math.exp %max3A_211 : vector<16xf32>
      %swap3A_213 = arith.constant 32 : index
      %swap3A_214 = tpu.vector_load %arg19[%swap3A_213] {strides = array<i32>} : memref<128xf32, #tpu.memory_space<vmem>>, vector<16xf32>,
      tpu.vector_store %arg19[%swap3A_213], %exp3A_212 {strides = array<i32>} : memref<128xf32, #tpu.memory_space<vmem>>, vector<16xf32>,
      %broadcast_in_dim3A_215 = arith.constant 0 : i32
      %broadcast_in_dim3A_216 = vector.broadcast %broadcast_in_dim3A_215 : i32 to vector<16xi32>
      tpu.vector_store_idx %arg18[%add3A_192, %broadcast_in_dim3A_216], %exp3A_212 : memref<128x16xf32, #tpu.memory_space<vmem>>[vector<16xi32>, vector<16xi32>], vector<16xf32>,
      %mul3A_217 = arith.constant 2 : i32
      %mul3A_218 = vector.broadcast %mul3A_217 : i32 to vector<16xi32>
      %mul3A_219 = arith.muli %get3A_182, %mul3A_218 : vector<16xi32>
      %add3A_220 = arith.constant 1 : i32
      %add3A_221 = vector.broadcast %add3A_220 : i32 to vector<16xi32>
      %add3A_222 = arith.addi %mul3A_219, %add3A_221 : vector<16xi32>
      %gather3A_223 = tpu.vector_load_idx %arg10[%add3A_222] : memref<20032xf32, #tpu.memory_space<vmem>>[vector<16xi32>], vector<16xf32>,
      %mul3A_224 = arith.constant 2 : i32
      %mul3A_225 = vector.broadcast %mul3A_224 : i32 to vector<16xi32>
      %mul3A_226 = arith.muli %get3A_185, %mul3A_225 : vector<16xi32>
      %add3A_227 = arith.constant 1 : i32
      %add3A_228 = vector.broadcast %add3A_227 : i32 to vector<16xi32>
      %add3A_229 = arith.addi %mul3A_226, %add3A_228 : vector<16xi32>
      %gather3A_230 = tpu.vector_load_idx %arg11[%add3A_229] : memref<20032xf32, #tpu.memory_space<vmem>>[vector<16xi32>], vector<16xf32>,
      %add3A_231 = arith.addf %gather3A_223, %gather3A_230 : vector<16xf32>
      %mul3A_232 = arith.constant 2.000000e-01 : f32
      %mul3A_233 = vector.broadcast %mul3A_232 : f32 to vector<16xf32>
      %mul3A_234 = arith.mulf %mul3A_233, %add3A_231 : vector<16xf32>
      %max3A_235 = arith.maximumf %add3A_231, %mul3A_234 : vector<16xf32>
      %exp3A_236 = math.exp %max3A_235 : vector<16xf32>
      %broadcast_in_dim3A_237 = arith.constant 1 : i32
      %broadcast_in_dim3A_238 = vector.broadcast %broadcast_in_dim3A_237 : i32 to vector<16xi32>
      tpu.vector_store_idx %arg18[%add3A_192, %broadcast_in_dim3A_238], %exp3A_236 : memref<128x16xf32, #tpu.memory_space<vmem>>[vector<16xi32>, vector<16xi32>], vector<16xf32>,
      %get3A_239 = arith.index_cast %scan3A_65 : i32 to index
      %get3A_240 = arith.constant 48 : index
      %get3A_241 = tpu.vector_load %arg12[%get3A_239, %get3A_240] {strides = array<i32>} : memref<81x128xi32, #tpu.memory_space<vmem>>, vector<16xi32>,
      %get3A_242 = arith.index_cast %scan3A_65 : i32 to index
      %get3A_243 = arith.constant 48 : index
      %get3A_244 = tpu.vector_load %arg13[%get3A_242, %get3A_243] {strides = array<i32>} : memref<81x128xi32, #tpu.memory_space<vmem>>, vector<16xi32>,
      %swap3A_245 = arith.constant 48 : index
      %swap3A_246 = tpu.vector_load %arg14[%swap3A_245] {strides = array<i32>} : memref<128xi32, #tpu.memory_space<vmem>>, vector<16xi32>,
      tpu.vector_store %arg14[%swap3A_245], %get3A_241 {strides = array<i32>} : memref<128xi32, #tpu.memory_space<vmem>>, vector<16xi32>,
      %swap3A_247 = arith.constant 48 : index
      %swap3A_248 = tpu.vector_load %arg15[%swap3A_247] {strides = array<i32>} : memref<128xi32, #tpu.memory_space<vmem>>, vector<16xi32>,
      tpu.vector_store %arg15[%swap3A_247], %get3A_244 {strides = array<i32>} : memref<128xi32, #tpu.memory_space<vmem>>, vector<16xi32>,
      %add3A_249 = arith.constant 48 : i32
      %add3A_250 = vector.broadcast %add3A_249 : i32 to vector<16xi32>
      %add3A_251 = arith.addi %iota3A, %add3A_250 : vector<16xi32>
      %mul3A_252 = arith.constant 2 : i32
      %mul3A_253 = vector.broadcast %mul3A_252 : i32 to vector<16xi32>
      %mul3A_254 = arith.muli %get3A_241, %mul3A_253 : vector<16xi32>
      %add3A_255 = arith.constant 0 : i32
      %add3A_256 = vector.broadcast %add3A_255 : i32 to vector<16xi32>
      %add3A_257 = arith.addi %mul3A_254, %add3A_256 : vector<16xi32>
      %gather3A_258 = tpu.vector_load_idx %arg10[%add3A_257] : memref<20032xf32, #tpu.memory_space<vmem>>[vector<16xi32>], vector<16xf32>,
      %mul3A_259 = arith.constant 2 : i32
      %mul3A_260 = vector.broadcast %mul3A_259 : i32 to vector<16xi32>
      %mul3A_261 = arith.muli %get3A_244, %mul3A_260 : vector<16xi32>
      %add3A_262 = arith.constant 0 : i32
      %add3A_263 = vector.broadcast %add3A_262 : i32 to vector<16xi32>
      %add3A_264 = arith.addi %mul3A_261, %add3A_263 : vector<16xi32>
      %gather3A_265 = tpu.vector_load_idx %arg11[%add3A_264] : memref<20032xf32, #tpu.memory_space<vmem>>[vector<16xi32>], vector<16xf32>,
      %add3A_266 = arith.addf %gather3A_258, %gather3A_265 : vector<16xf32>
      %mul3A_267 = arith.constant 2.000000e-01 : f32
      %mul3A_268 = vector.broadcast %mul3A_267 : f32 to vector<16xf32>
      %mul3A_269 = arith.mulf %mul3A_268, %add3A_266 : vector<16xf32>
      %max3A_270 = arith.maximumf %add3A_266, %mul3A_269 : vector<16xf32>
      %exp3A_271 = math.exp %max3A_270 : vector<16xf32>
      %swap3A_272 = arith.constant 48 : index
      %swap3A_273 = tpu.vector_load %arg19[%swap3A_272] {strides = array<i32>} : memref<128xf32, #tpu.memory_space<vmem>>, vector<16xf32>,
      tpu.vector_store %arg19[%swap3A_272], %exp3A_271 {strides = array<i32>} : memref<128xf32, #tpu.memory_space<vmem>>, vector<16xf32>,
      %broadcast_in_dim3A_274 = arith.constant 0 : i32
      %broadcast_in_dim3A_275 = vector.broadcast %broadcast_in_dim3A_274 : i32 to vector<16xi32>
      tpu.vector_store_idx %arg18[%add3A_251, %broadcast_in_dim3A_275], %exp3A_271 : memref<128x16xf32, #tpu.memory_space<vmem>>[vector<16xi32>, vector<16xi32>], vector<16xf32>,
      %mul3A_276 = arith.constant 2 : i32
      %mul3A_277 = vector.broadcast %mul3A_276 : i32 to vector<16xi32>
      %mul3A_278 = arith.muli %get3A_241, %mul3A_277 : vector<16xi32>
      %add3A_279 = arith.constant 1 : i32
      %add3A_280 = vector.broadcast %add3A_279 : i32 to vector<16xi32>
      %add3A_281 = arith.addi %mul3A_278, %add3A_280 : vector<16xi32>
      %gather3A_282 = tpu.vector_load_idx %arg10[%add3A_281] : memref<20032xf32, #tpu.memory_space<vmem>>[vector<16xi32>], vector<16xf32>,
      %mul3A_283 = arith.constant 2 : i32
      %mul3A_284 = vector.broadcast %mul3A_283 : i32 to vector<16xi32>
      %mul3A_285 = arith.muli %get3A_244, %mul3A_284 : vector<16xi32>
      %add3A_286 = arith.constant 1 : i32
      %add3A_287 = vector.broadcast %add3A_286 : i32 to vector<16xi32>
      %add3A_288 = arith.addi %mul3A_285, %add3A_287 : vector<16xi32>
      %gather3A_289 = tpu.vector_load_idx %arg11[%add3A_288] : memref<20032xf32, #tpu.memory_space<vmem>>[vector<16xi32>], vector<16xf32>,
      %add3A_290 = arith.addf %gather3A_282, %gather3A_289 : vector<16xf32>
      %mul3A_291 = arith.constant 2.000000e-01 : f32
      %mul3A_292 = vector.broadcast %mul3A_291 : f32 to vector<16xf32>
      %mul3A_293 = arith.mulf %mul3A_292, %add3A_290 : vector<16xf32>
      %max3A_294 = arith.maximumf %add3A_290, %mul3A_293 : vector<16xf32>
      %exp3A_295 = math.exp %max3A_294 : vector<16xf32>
      %broadcast_in_dim3A_296 = arith.constant 1 : i32
      %broadcast_in_dim3A_297 = vector.broadcast %broadcast_in_dim3A_296 : i32 to vector<16xi32>
      tpu.vector_store_idx %arg18[%add3A_251, %broadcast_in_dim3A_297], %exp3A_295 : memref<128x16xf32, #tpu.memory_space<vmem>>[vector<16xi32>, vector<16xi32>], vector<16xf32>,
      %get3A_298 = arith.index_cast %scan3A_65 : i32 to index
      %get3A_299 = arith.constant 64 : index
      %get3A_300 = tpu.vector_load %arg12[%get3A_298, %get3A_299] {strides = array<i32>} : memref<81x128xi32, #tpu.memory_space<vmem>>, vector<16xi32>,
      %get3A_301 = arith.index_cast %scan3A_65 : i32 to index
      %get3A_302 = arith.constant 64 : index
      %get3A_303 = tpu.vector_load %arg13[%get3A_301, %get3A_302] {strides = array<i32>} : memref<81x128xi32, #tpu.memory_space<vmem>>, vector<16xi32>,
      %swap3A_304 = arith.constant 64 : index
      %swap3A_305 = tpu.vector_load %arg14[%swap3A_304] {strides = array<i32>} : memref<128xi32, #tpu.memory_space<vmem>>, vector<16xi32>,
      tpu.vector_store %arg14[%swap3A_304], %get3A_300 {strides = array<i32>} : memref<128xi32, #tpu.memory_space<vmem>>, vector<16xi32>,
      %swap3A_306 = arith.constant 64 : index
      %swap3A_307 = tpu.vector_load %arg15[%swap3A_306] {strides = array<i32>} : memref<128xi32, #tpu.memory_space<vmem>>, vector<16xi32>,
      tpu.vector_store %arg15[%swap3A_306], %get3A_303 {strides = array<i32>} : memref<128xi32, #tpu.memory_space<vmem>>, vector<16xi32>,
      %add3A_308 = arith.constant 64 : i32
      %add3A_309 = vector.broadcast %add3A_308 : i32 to vector<16xi32>
      %add3A_310 = arith.addi %iota3A, %add3A_309 : vector<16xi32>
      %mul3A_311 = arith.constant 2 : i32
      %mul3A_312 = vector.broadcast %mul3A_311 : i32 to vector<16xi32>
      %mul3A_313 = arith.muli %get3A_300, %mul3A_312 : vector<16xi32>
      %add3A_314 = arith.constant 0 : i32
      %add3A_315 = vector.broadcast %add3A_314 : i32 to vector<16xi32>
      %add3A_316 = arith.addi %mul3A_313, %add3A_315 : vector<16xi32>
      %gather3A_317 = tpu.vector_load_idx %arg10[%add3A_316] : memref<20032xf32, #tpu.memory_space<vmem>>[vector<16xi32>], vector<16xf32>,
      %mul3A_318 = arith.constant 2 : i32
      %mul3A_319 = vector.broadcast %mul3A_318 : i32 to vector<16xi32>
      %mul3A_320 = arith.muli %get3A_303, %mul3A_319 : vector<16xi32>
      %add3A_321 = arith.constant 0 : i32
      %add3A_322 = vector.broadcast %add3A_321 : i32 to vector<16xi32>
      %add3A_323 = arith.addi %mul3A_320, %add3A_322 : vector<16xi32>
      %gather3A_324 = tpu.vector_load_idx %arg11[%add3A_323] : memref<20032xf32, #tpu.memory_space<vmem>>[vector<16xi32>], vector<16xf32>,
      %add3A_325 = arith.addf %gather3A_317, %gather3A_324 : vector<16xf32>
      %mul3A_326 = arith.constant 2.000000e-01 : f32
      %mul3A_327 = vector.broadcast %mul3A_326 : f32 to vector<16xf32>
      %mul3A_328 = arith.mulf %mul3A_327, %add3A_325 : vector<16xf32>
      %max3A_329 = arith.maximumf %add3A_325, %mul3A_328 : vector<16xf32>
      %exp3A_330 = math.exp %max3A_329 : vector<16xf32>
      %swap3A_331 = arith.constant 64 : index
      %swap3A_332 = tpu.vector_load %arg19[%swap3A_331] {strides = array<i32>} : memref<128xf32, #tpu.memory_space<vmem>>, vector<16xf32>,
      tpu.vector_store %arg19[%swap3A_331], %exp3A_330 {strides = array<i32>} : memref<128xf32, #tpu.memory_space<vmem>>, vector<16xf32>,
      %broadcast_in_dim3A_333 = arith.constant 0 : i32
      %broadcast_in_dim3A_334 = vector.broadcast %broadcast_in_dim3A_333 : i32 to vector<16xi32>
      tpu.vector_store_idx %arg18[%add3A_310, %broadcast_in_dim3A_334], %exp3A_330 : memref<128x16xf32, #tpu.memory_space<vmem>>[vector<16xi32>, vector<16xi32>], vector<16xf32>,
      %mul3A_335 = arith.constant 2 : i32
      %mul3A_336 = vector.broadcast %mul3A_335 : i32 to vector<16xi32>
      %mul3A_337 = arith.muli %get3A_300, %mul3A_336 : vector<16xi32>
      %add3A_338 = arith.constant 1 : i32
      %add3A_339 = vector.broadcast %add3A_338 : i32 to vector<16xi32>
      %add3A_340 = arith.addi %mul3A_337, %add3A_339 : vector<16xi32>
      %gather3A_341 = tpu.vector_load_idx %arg10[%add3A_340] : memref<20032xf32, #tpu.memory_space<vmem>>[vector<16xi32>], vector<16xf32>,
      %mul3A_342 = arith.constant 2 : i32
      %mul3A_343 = vector.broadcast %mul3A_342 : i32 to vector<16xi32>
      %mul3A_344 = arith.muli %get3A_303, %mul3A_343 : vector<16xi32>
      %add3A_345 = arith.constant 1 : i32
      %add3A_346 = vector.broadcast %add3A_345 : i32 to vector<16xi32>
      %add3A_347 = arith.addi %mul3A_344, %add3A_346 : vector<16xi32>
      %gather3A_348 = tpu.vector_load_idx %arg11[%add3A_347] : memref<20032xf32, #tpu.memory_space<vmem>>[vector<16xi32>], vector<16xf32>,
      %add3A_349 = arith.addf %gather3A_341, %gather3A_348 : vector<16xf32>
      %mul3A_350 = arith.constant 2.000000e-01 : f32
      %mul3A_351 = vector.broadcast %mul3A_350 : f32 to vector<16xf32>
      %mul3A_352 = arith.mulf %mul3A_351, %add3A_349 : vector<16xf32>
      %max3A_353 = arith.maximumf %add3A_349, %mul3A_352 : vector<16xf32>
      %exp3A_354 = math.exp %max3A_353 : vector<16xf32>
      %broadcast_in_dim3A_355 = arith.constant 1 : i32
      %broadcast_in_dim3A_356 = vector.broadcast %broadcast_in_dim3A_355 : i32 to vector<16xi32>
      tpu.vector_store_idx %arg18[%add3A_310, %broadcast_in_dim3A_356], %exp3A_354 : memref<128x16xf32, #tpu.memory_space<vmem>>[vector<16xi32>, vector<16xi32>], vector<16xf32>,
      %get3A_357 = arith.index_cast %scan3A_65 : i32 to index
      %get3A_358 = arith.constant 80 : index
      %get3A_359 = tpu.vector_load %arg12[%get3A_357, %get3A_358] {strides = array<i32>} : memref<81x128xi32, #tpu.memory_space<vmem>>, vector<16xi32>,
      %get3A_360 = arith.index_cast %scan3A_65 : i32 to index
      %get3A_361 = arith.constant 80 : index
      %get3A_362 = tpu.vector_load %arg13[%get3A_360, %get3A_361] {strides = array<i32>} : memref<81x128xi32, #tpu.memory_space<vmem>>, vector<16xi32>,
      %swap3A_363 = arith.constant 80 : index
      %swap3A_364 = tpu.vector_load %arg14[%swap3A_363] {strides = array<i32>} : memref<128xi32, #tpu.memory_space<vmem>>, vector<16xi32>,
      tpu.vector_store %arg14[%swap3A_363], %get3A_359 {strides = array<i32>} : memref<128xi32, #tpu.memory_space<vmem>>, vector<16xi32>,
      %swap3A_365 = arith.constant 80 : index
      %swap3A_366 = tpu.vector_load %arg15[%swap3A_365] {strides = array<i32>} : memref<128xi32, #tpu.memory_space<vmem>>, vector<16xi32>,
      tpu.vector_store %arg15[%swap3A_365], %get3A_362 {strides = array<i32>} : memref<128xi32, #tpu.memory_space<vmem>>, vector<16xi32>,
      %add3A_367 = arith.constant 80 : i32
      %add3A_368 = vector.broadcast %add3A_367 : i32 to vector<16xi32>
      %add3A_369 = arith.addi %iota3A, %add3A_368 : vector<16xi32>
      %mul3A_370 = arith.constant 2 : i32
      %mul3A_371 = vector.broadcast %mul3A_370 : i32 to vector<16xi32>
      %mul3A_372 = arith.muli %get3A_359, %mul3A_371 : vector<16xi32>
      %add3A_373 = arith.constant 0 : i32
      %add3A_374 = vector.broadcast %add3A_373 : i32 to vector<16xi32>
      %add3A_375 = arith.addi %mul3A_372, %add3A_374 : vector<16xi32>
      %gather3A_376 = tpu.vector_load_idx %arg10[%add3A_375] : memref<20032xf32, #tpu.memory_space<vmem>>[vector<16xi32>], vector<16xf32>,
      %mul3A_377 = arith.constant 2 : i32
      %mul3A_378 = vector.broadcast %mul3A_377 : i32 to vector<16xi32>
      %mul3A_379 = arith.muli %get3A_362, %mul3A_378 : vector<16xi32>
      %add3A_380 = arith.constant 0 : i32
      %add3A_381 = vector.broadcast %add3A_380 : i32 to vector<16xi32>
      %add3A_382 = arith.addi %mul3A_379, %add3A_381 : vector<16xi32>
      %gather3A_383 = tpu.vector_load_idx %arg11[%add3A_382] : memref<20032xf32, #tpu.memory_space<vmem>>[vector<16xi32>], vector<16xf32>,
      %add3A_384 = arith.addf %gather3A_376, %gather3A_383 : vector<16xf32>
      %mul3A_385 = arith.constant 2.000000e-01 : f32
      %mul3A_386 = vector.broadcast %mul3A_385 : f32 to vector<16xf32>
      %mul3A_387 = arith.mulf %mul3A_386, %add3A_384 : vector<16xf32>
      %max3A_388 = arith.maximumf %add3A_384, %mul3A_387 : vector<16xf32>
      %exp3A_389 = math.exp %max3A_388 : vector<16xf32>
      %swap3A_390 = arith.constant 80 : index
      %swap3A_391 = tpu.vector_load %arg19[%swap3A_390] {strides = array<i32>} : memref<128xf32, #tpu.memory_space<vmem>>, vector<16xf32>,
      tpu.vector_store %arg19[%swap3A_390], %exp3A_389 {strides = array<i32>} : memref<128xf32, #tpu.memory_space<vmem>>, vector<16xf32>,
      %broadcast_in_dim3A_392 = arith.constant 0 : i32
      %broadcast_in_dim3A_393 = vector.broadcast %broadcast_in_dim3A_392 : i32 to vector<16xi32>
      tpu.vector_store_idx %arg18[%add3A_369, %broadcast_in_dim3A_393], %exp3A_389 : memref<128x16xf32, #tpu.memory_space<vmem>>[vector<16xi32>, vector<16xi32>], vector<16xf32>,
      %mul3A_394 = arith.constant 2 : i32
      %mul3A_395 = vector.broadcast %mul3A_394 : i32 to vector<16xi32>
      %mul3A_396 = arith.muli %get3A_359, %mul3A_395 : vector<16xi32>
      %add3A_397 = arith.constant 1 : i32
      %add3A_398 = vector.broadcast %add3A_397 : i32 to vector<16xi32>
      %add3A_399 = arith.addi %mul3A_396, %add3A_398 : vector<16xi32>
      %gather3A_400 = tpu.vector_load_idx %arg10[%add3A_399] : memref<20032xf32, #tpu.memory_space<vmem>>[vector<16xi32>], vector<16xf32>,
      %mul3A_401 = arith.constant 2 : i32
      %mul3A_402 = vector.broadcast %mul3A_401 : i32 to vector<16xi32>
      %mul3A_403 = arith.muli %get3A_362, %mul3A_402 : vector<16xi32>
      %add3A_404 = arith.constant 1 : i32
      %add3A_405 = vector.broadcast %add3A_404 : i32 to vector<16xi32>
      %add3A_406 = arith.addi %mul3A_403, %add3A_405 : vector<16xi32>
      %gather3A_407 = tpu.vector_load_idx %arg11[%add3A_406] : memref<20032xf32, #tpu.memory_space<vmem>>[vector<16xi32>], vector<16xf32>,
      %add3A_408 = arith.addf %gather3A_400, %gather3A_407 : vector<16xf32>
      %mul3A_409 = arith.constant 2.000000e-01 : f32
      %mul3A_410 = vector.broadcast %mul3A_409 : f32 to vector<16xf32>
      %mul3A_411 = arith.mulf %mul3A_410, %add3A_408 : vector<16xf32>
      %max3A_412 = arith.maximumf %add3A_408, %mul3A_411 : vector<16xf32>
      %exp3A_413 = math.exp %max3A_412 : vector<16xf32>
      %broadcast_in_dim3A_414 = arith.constant 1 : i32
      %broadcast_in_dim3A_415 = vector.broadcast %broadcast_in_dim3A_414 : i32 to vector<16xi32>
      tpu.vector_store_idx %arg18[%add3A_369, %broadcast_in_dim3A_415], %exp3A_413 : memref<128x16xf32, #tpu.memory_space<vmem>>[vector<16xi32>, vector<16xi32>], vector<16xf32>,
      %get3A_416 = arith.index_cast %scan3A_65 : i32 to index
      %get3A_417 = arith.constant 96 : index
      %get3A_418 = tpu.vector_load %arg12[%get3A_416, %get3A_417] {strides = array<i32>} : memref<81x128xi32, #tpu.memory_space<vmem>>, vector<16xi32>,
      %get3A_419 = arith.index_cast %scan3A_65 : i32 to index
      %get3A_420 = arith.constant 96 : index
      %get3A_421 = tpu.vector_load %arg13[%get3A_419, %get3A_420] {strides = array<i32>} : memref<81x128xi32, #tpu.memory_space<vmem>>, vector<16xi32>,
      %swap3A_422 = arith.constant 96 : index
      %swap3A_423 = tpu.vector_load %arg14[%swap3A_422] {strides = array<i32>} : memref<128xi32, #tpu.memory_space<vmem>>, vector<16xi32>,
      tpu.vector_store %arg14[%swap3A_422], %get3A_418 {strides = array<i32>} : memref<128xi32, #tpu.memory_space<vmem>>, vector<16xi32>,
      %swap3A_424 = arith.constant 96 : index
      %swap3A_425 = tpu.vector_load %arg15[%swap3A_424] {strides = array<i32>} : memref<128xi32, #tpu.memory_space<vmem>>, vector<16xi32>,
      tpu.vector_store %arg15[%swap3A_424], %get3A_421 {strides = array<i32>} : memref<128xi32, #tpu.memory_space<vmem>>, vector<16xi32>,
      %add3A_426 = arith.constant 96 : i32
      %add3A_427 = vector.broadcast %add3A_426 : i32 to vector<16xi32>
      %add3A_428 = arith.addi %iota3A, %add3A_427 : vector<16xi32>
      %mul3A_429 = arith.constant 2 : i32
      %mul3A_430 = vector.broadcast %mul3A_429 : i32 to vector<16xi32>
      %mul3A_431 = arith.muli %get3A_418, %mul3A_430 : vector<16xi32>
      %add3A_432 = arith.constant 0 : i32
      %add3A_433 = vector.broadcast %add3A_432 : i32 to vector<16xi32>
      %add3A_434 = arith.addi %mul3A_431, %add3A_433 : vector<16xi32>
      %gather3A_435 = tpu.vector_load_idx %arg10[%add3A_434] : memref<20032xf32, #tpu.memory_space<vmem>>[vector<16xi32>], vector<16xf32>,
      %mul3A_436 = arith.constant 2 : i32
      %mul3A_437 = vector.broadcast %mul3A_436 : i32 to vector<16xi32>
      %mul3A_438 = arith.muli %get3A_421, %mul3A_437 : vector<16xi32>
      %add3A_439 = arith.constant 0 : i32
      %add3A_440 = vector.broadcast %add3A_439 : i32 to vector<16xi32>
      %add3A_441 = arith.addi %mul3A_438, %add3A_440 : vector<16xi32>
      %gather3A_442 = tpu.vector_load_idx %arg11[%add3A_441] : memref<20032xf32, #tpu.memory_space<vmem>>[vector<16xi32>], vector<16xf32>,
      %add3A_443 = arith.addf %gather3A_435, %gather3A_442 : vector<16xf32>
      %mul3A_444 = arith.constant 2.000000e-01 : f32
      %mul3A_445 = vector.broadcast %mul3A_444 : f32 to vector<16xf32>
      %mul3A_446 = arith.mulf %mul3A_445, %add3A_443 : vector<16xf32>
      %max3A_447 = arith.maximumf %add3A_443, %mul3A_446 : vector<16xf32>
      %exp3A_448 = math.exp %max3A_447 : vector<16xf32>
      %swap3A_449 = arith.constant 96 : index
      %swap3A_450 = tpu.vector_load %arg19[%swap3A_449] {strides = array<i32>} : memref<128xf32, #tpu.memory_space<vmem>>, vector<16xf32>,
      tpu.vector_store %arg19[%swap3A_449], %exp3A_448 {strides = array<i32>} : memref<128xf32, #tpu.memory_space<vmem>>, vector<16xf32>,
      %broadcast_in_dim3A_451 = arith.constant 0 : i32
      %broadcast_in_dim3A_452 = vector.broadcast %broadcast_in_dim3A_451 : i32 to vector<16xi32>
      tpu.vector_store_idx %arg18[%add3A_428, %broadcast_in_dim3A_452], %exp3A_448 : memref<128x16xf32, #tpu.memory_space<vmem>>[vector<16xi32>, vector<16xi32>], vector<16xf32>,
      %mul3A_453 = arith.constant 2 : i32
      %mul3A_454 = vector.broadcast %mul3A_453 : i32 to vector<16xi32>
      %mul3A_455 = arith.muli %get3A_418, %mul3A_454 : vector<16xi32>
      %add3A_456 = arith.constant 1 : i32
      %add3A_457 = vector.broadcast %add3A_456 : i32 to vector<16xi32>
      %add3A_458 = arith.addi %mul3A_455, %add3A_457 : vector<16xi32>
      %gather3A_459 = tpu.vector_load_idx %arg10[%add3A_458] : memref<20032xf32, #tpu.memory_space<vmem>>[vector<16xi32>], vector<16xf32>,
      %mul3A_460 = arith.constant 2 : i32
      %mul3A_461 = vector.broadcast %mul3A_460 : i32 to vector<16xi32>
      %mul3A_462 = arith.muli %get3A_421, %mul3A_461 : vector<16xi32>
      %add3A_463 = arith.constant 1 : i32
      %add3A_464 = vector.broadcast %add3A_463 : i32 to vector<16xi32>
      %add3A_465 = arith.addi %mul3A_462, %add3A_464 : vector<16xi32>
      %gather3A_466 = tpu.vector_load_idx %arg11[%add3A_465] : memref<20032xf32, #tpu.memory_space<vmem>>[vector<16xi32>], vector<16xf32>,
      %add3A_467 = arith.addf %gather3A_459, %gather3A_466 : vector<16xf32>
      %mul3A_468 = arith.constant 2.000000e-01 : f32
      %mul3A_469 = vector.broadcast %mul3A_468 : f32 to vector<16xf32>
      %mul3A_470 = arith.mulf %mul3A_469, %add3A_467 : vector<16xf32>
      %max3A_471 = arith.maximumf %add3A_467, %mul3A_470 : vector<16xf32>
      %exp3A_472 = math.exp %max3A_471 : vector<16xf32>
      %broadcast_in_dim3A_473 = arith.constant 1 : i32
      %broadcast_in_dim3A_474 = vector.broadcast %broadcast_in_dim3A_473 : i32 to vector<16xi32>
      tpu.vector_store_idx %arg18[%add3A_428, %broadcast_in_dim3A_474], %exp3A_472 : memref<128x16xf32, #tpu.memory_space<vmem>>[vector<16xi32>, vector<16xi32>], vector<16xf32>,
      %get3A_475 = arith.index_cast %scan3A_65 : i32 to index
      %get3A_476 = arith.constant 112 : index
      %get3A_477 = tpu.vector_load %arg12[%get3A_475, %get3A_476] {strides = array<i32>} : memref<81x128xi32, #tpu.memory_space<vmem>>, vector<16xi32>,
      %get3A_478 = arith.index_cast %scan3A_65 : i32 to index
      %get3A_479 = arith.constant 112 : index
      %get3A_480 = tpu.vector_load %arg13[%get3A_478, %get3A_479] {strides = array<i32>} : memref<81x128xi32, #tpu.memory_space<vmem>>, vector<16xi32>,
      %swap3A_481 = arith.constant 112 : index
      %swap3A_482 = tpu.vector_load %arg14[%swap3A_481] {strides = array<i32>} : memref<128xi32, #tpu.memory_space<vmem>>, vector<16xi32>,
      tpu.vector_store %arg14[%swap3A_481], %get3A_477 {strides = array<i32>} : memref<128xi32, #tpu.memory_space<vmem>>, vector<16xi32>,
      %swap3A_483 = arith.constant 112 : index
      %swap3A_484 = tpu.vector_load %arg15[%swap3A_483] {strides = array<i32>} : memref<128xi32, #tpu.memory_space<vmem>>, vector<16xi32>,
      tpu.vector_store %arg15[%swap3A_483], %get3A_480 {strides = array<i32>} : memref<128xi32, #tpu.memory_space<vmem>>, vector<16xi32>,
      %add3A_485 = arith.constant 112 : i32
      %add3A_486 = vector.broadcast %add3A_485 : i32 to vector<16xi32>
      %add3A_487 = arith.addi %iota3A, %add3A_486 : vector<16xi32>
      %mul3A_488 = arith.constant 2 : i32
      %mul3A_489 = vector.broadcast %mul3A_488 : i32 to vector<16xi32>
      %mul3A_490 = arith.muli %get3A_477, %mul3A_489 : vector<16xi32>
      %add3A_491 = arith.constant 0 : i32
      %add3A_492 = vector.broadcast %add3A_491 : i32 to vector<16xi32>
      %add3A_493 = arith.addi %mul3A_490, %add3A_492 : vector<16xi32>
      %gather3A_494 = tpu.vector_load_idx %arg10[%add3A_493] : memref<20032xf32, #tpu.memory_space<vmem>>[vector<16xi32>], vector<16xf32>,
      %mul3A_495 = arith.constant 2 : i32
      %mul3A_496 = vector.broadcast %mul3A_495 : i32 to vector<16xi32>
      %mul3A_497 = arith.muli %get3A_480, %mul3A_496 : vector<16xi32>
      %add3A_498 = arith.constant 0 : i32
      %add3A_499 = vector.broadcast %add3A_498 : i32 to vector<16xi32>
      %add3A_500 = arith.addi %mul3A_497, %add3A_499 : vector<16xi32>
      %gather3A_501 = tpu.vector_load_idx %arg11[%add3A_500] : memref<20032xf32, #tpu.memory_space<vmem>>[vector<16xi32>], vector<16xf32>,
      %add3A_502 = arith.addf %gather3A_494, %gather3A_501 : vector<16xf32>
      %mul3A_503 = arith.constant 2.000000e-01 : f32
      %mul3A_504 = vector.broadcast %mul3A_503 : f32 to vector<16xf32>
      %mul3A_505 = arith.mulf %mul3A_504, %add3A_502 : vector<16xf32>
      %max3A_506 = arith.maximumf %add3A_502, %mul3A_505 : vector<16xf32>
      %exp3A_507 = math.exp %max3A_506 : vector<16xf32>
      %swap3A_508 = arith.constant 112 : index
      %swap3A_509 = tpu.vector_load %arg19[%swap3A_508] {strides = array<i32>} : memref<128xf32, #tpu.memory_space<vmem>>, vector<16xf32>,
      tpu.vector_store %arg19[%swap3A_508], %exp3A_507 {strides = array<i32>} : memref<128xf32, #tpu.memory_space<vmem>>, vector<16xf32>,
      %broadcast_in_dim3A_510 = arith.constant 0 : i32
      %broadcast_in_dim3A_511 = vector.broadcast %broadcast_in_dim3A_510 : i32 to vector<16xi32>
      tpu.vector_store_idx %arg18[%add3A_487, %broadcast_in_dim3A_511], %exp3A_507 : memref<128x16xf32, #tpu.memory_space<vmem>>[vector<16xi32>, vector<16xi32>], vector<16xf32>,
      %mul3A_512 = arith.constant 2 : i32
      %mul3A_513 = vector.broadcast %mul3A_512 : i32 to vector<16xi32>
      %mul3A_514 = arith.muli %get3A_477, %mul3A_513 : vector<16xi32>
      %add3A_515 = arith.constant 1 : i32
      %add3A_516 = vector.broadcast %add3A_515 : i32 to vector<16xi32>
      %add3A_517 = arith.addi %mul3A_514, %add3A_516 : vector<16xi32>
      %gather3A_518 = tpu.vector_load_idx %arg10[%add3A_517] : memref<20032xf32, #tpu.memory_space<vmem>>[vector<16xi32>], vector<16xf32>,
      %mul3A_519 = arith.constant 2 : i32
      %mul3A_520 = vector.broadcast %mul3A_519 : i32 to vector<16xi32>
      %mul3A_521 = arith.muli %get3A_480, %mul3A_520 : vector<16xi32>
      %add3A_522 = arith.constant 1 : i32
      %add3A_523 = vector.broadcast %add3A_522 : i32 to vector<16xi32>
      %add3A_524 = arith.addi %mul3A_521, %add3A_523 : vector<16xi32>
      %gather3A_525 = tpu.vector_load_idx %arg11[%add3A_524] : memref<20032xf32, #tpu.memory_space<vmem>>[vector<16xi32>], vector<16xf32>,
      %add3A_526 = arith.addf %gather3A_518, %gather3A_525 : vector<16xf32>
      %mul3A_527 = arith.constant 2.000000e-01 : f32
      %mul3A_528 = vector.broadcast %mul3A_527 : f32 to vector<16xf32>
      %mul3A_529 = arith.mulf %mul3A_528, %add3A_526 : vector<16xf32>
      %max3A_530 = arith.maximumf %add3A_526, %mul3A_529 : vector<16xf32>
      %exp3A_531 = math.exp %max3A_530 : vector<16xf32>
      %broadcast_in_dim3A_532 = arith.constant 1 : i32
      %broadcast_in_dim3A_533 = vector.broadcast %broadcast_in_dim3A_532 : i32 to vector<16xi32>
      tpu.vector_store_idx %arg18[%add3A_487, %broadcast_in_dim3A_533], %exp3A_531 : memref<128x16xf32, #tpu.memory_space<vmem>>[vector<16xi32>, vector<16xi32>], vector<16xf32>,
      %dma_start3A = arith.constant 0 : i32
      %dma_start3A_534 = arith.constant 0 : i32
      %dma_start3A_535 = tpu.memref_slice %arg2[%dma_start3A, %dma_start3A_534] : memref<10000x64xf32, #tpu.memory_space<hbm>> -> memref<10000x64xf32, #tpu.memory_space<hbm>>
      tpu.enqueue_indirect_dma source(%dma_start3A_535 : memref<10000x64xf32, #tpu.memory_space<hbm>>) target(%arg16 : memref<128x64xf32, #tpu.memory_space<vmem>>) offsets(%arg14 : memref<128xi32, #tpu.memory_space<vmem>>) semaphore(%arg22 : memref<!tpu.dma_semaphore, #tpu.memory_space<semaphore_mem>>)
      %dma_wait3A = arith.constant 0 : i32
      %dma_wait3A_536 = arith.constant 0 : i32
      %dma_wait3A_537 = tpu.memref_slice %arg2[%dma_wait3A, %dma_wait3A_536] : memref<10000x64xf32, #tpu.memory_space<hbm>> -> memref<10000x64xf32, #tpu.memory_space<hbm>>
      tpu.wait_indirect_dma semaphore(%arg22 : memref<!tpu.dma_semaphore, #tpu.memory_space<semaphore_mem>>) src(%dma_wait3A_537 : memref<10000x64xf32, #tpu.memory_space<hbm>>) dst(%arg16 : memref<128x64xf32, #tpu.memory_space<vmem>>)
      %scan3A_538 = arith.constant 0 : i32
      %scan3A_539 = arith.constant 0 : i32
      %scan3A_540 = arith.constant 128 : i32
      %scan3A_541 = arith.addi %scan3A_539, %scan3A_540 : i32
      %scan3A_542 = arith.constant 1 : i32
      %scan3A_543 = scf.for %scan3A_546 = %scan3A_539 to %scan3A_541 step %scan3A_542 iter_args(%scan3A_547 = %scan3A_538) -> (i32)  : i32 {
        %broadcast_in_dim3A_548 = vector.broadcast %scan3A_546 : i32 to vector<16xi32>
        %gather3A_549 = tpu.vector_load_idx %arg19[%broadcast_in_dim3A_548] : memref<128xf32, #tpu.memory_space<vmem>>[vector<16xi32>], vector<16xf32>,
        %get3A_550 = arith.index_cast %scan3A_546 : i32 to index
        %get3A_551 = arith.constant 0 : index
        %get3A_552 = tpu.vector_load %arg16[%get3A_550, %get3A_551] {strides = array<i32>} : memref<128x64xf32, #tpu.memory_space<vmem>>, vector<16xf32>,
        %mul3A_553 = arith.mulf %get3A_552, %gather3A_549 : vector<16xf32>
        %swap3A_554 = arith.index_cast %scan3A_546 : i32 to index
        %swap3A_555 = arith.constant 0 : index
        %swap3A_556 = tpu.vector_load %arg17[%swap3A_554, %swap3A_555] {strides = array<i32>} : memref<128x64xf32, #tpu.memory_space<vmem>>, vector<16xf32>,
        tpu.vector_store %arg17[%swap3A_554, %swap3A_555], %mul3A_553 {strides = array<i32>} : memref<128x64xf32, #tpu.memory_space<vmem>>, vector<16xf32>,
        %get3A_557 = arith.index_cast %scan3A_546 : i32 to index
        %get3A_558 = arith.constant 16 : index
        %get3A_559 = tpu.vector_load %arg16[%get3A_557, %get3A_558] {strides = array<i32>} : memref<128x64xf32, #tpu.memory_space<vmem>>, vector<16xf32>,
        %mul3A_560 = arith.mulf %get3A_559, %gather3A_549 : vector<16xf32>
        %swap3A_561 = arith.index_cast %scan3A_546 : i32 to index
        %swap3A_562 = arith.constant 16 : index
        %swap3A_563 = tpu.vector_load %arg17[%swap3A_561, %swap3A_562] {strides = array<i32>} : memref<128x64xf32, #tpu.memory_space<vmem>>, vector<16xf32>,
        tpu.vector_store %arg17[%swap3A_561, %swap3A_562], %mul3A_560 {strides = array<i32>} : memref<128x64xf32, #tpu.memory_space<vmem>>, vector<16xf32>,
        %get3A_564 = arith.index_cast %scan3A_546 : i32 to index
        %get3A_565 = arith.constant 32 : index
        %get3A_566 = tpu.vector_load %arg16[%get3A_564, %get3A_565] {strides = array<i32>} : memref<128x64xf32, #tpu.memory_space<vmem>>, vector<16xf32>,
        %mul3A_567 = arith.mulf %get3A_566, %gather3A_549 : vector<16xf32>
        %swap3A_568 = arith.index_cast %scan3A_546 : i32 to index
        %swap3A_569 = arith.constant 32 : index
        %swap3A_570 = tpu.vector_load %arg17[%swap3A_568, %swap3A_569] {strides = array<i32>} : memref<128x64xf32, #tpu.memory_space<vmem>>, vector<16xf32>,
        tpu.vector_store %arg17[%swap3A_568, %swap3A_569], %mul3A_567 {strides = array<i32>} : memref<128x64xf32, #tpu.memory_space<vmem>>, vector<16xf32>,
        %get3A_571 = arith.index_cast %scan3A_546 : i32 to index
        %get3A_572 = arith.constant 48 : index
        %get3A_573 = tpu.vector_load %arg16[%get3A_571, %get3A_572] {strides = array<i32>} : memref<128x64xf32, #tpu.memory_space<vmem>>, vector<16xf32>,
        %mul3A_574 = arith.mulf %get3A_573, %gather3A_549 : vector<16xf32>
        %swap3A_575 = arith.index_cast %scan3A_546 : i32 to index
        %swap3A_576 = arith.constant 48 : index
        %swap3A_577 = tpu.vector_load %arg17[%swap3A_575, %swap3A_576] {strides = array<i32>} : memref<128x64xf32, #tpu.memory_space<vmem>>, vector<16xf32>,
        tpu.vector_store %arg17[%swap3A_575, %swap3A_576], %mul3A_574 {strides = array<i32>} : memref<128x64xf32, #tpu.memory_space<vmem>>, vector<16xf32>,
        %scan3A_578 = arith.constant 0 : i32
        scf.yield %scan3A_578 : i32
      }
      %scan3A_544 = arith.constant 128 : i32
      "tpu.region"() ({
        %run_scoped3A_546 = tpu.sem_alloc : memref<!tpu.dma_semaphore, #tpu.memory_space<semaphore_mem>>
        %dma_start3A_547 = arith.constant 0 : i32
        %dma_start3A_548 = arith.constant 0 : i32
        %dma_start3A_549 = tpu.memref_slice %arg20[%dma_start3A_547, %dma_start3A_548] : memref<10240x64xf32, #tpu.memory_space<vmem_shared>> -> memref<10240x64xf32, #tpu.memory_space<vmem_shared>>
        tpu.enqueue_indirect_dma source(%arg17 : memref<128x64xf32, #tpu.memory_space<vmem>>) target(%dma_start3A_549 : memref<10240x64xf32, #tpu.memory_space<vmem_shared>>) offsets(%arg15 : memref<128xi32, #tpu.memory_space<vmem>>) semaphore(%run_scoped3A_546 : memref<!tpu.dma_semaphore, #tpu.memory_space<semaphore_mem>>) {add = true}
        %dma_wait3A_550 = arith.constant 0 : i32
        %dma_wait3A_551 = arith.constant 0 : i32
        %dma_wait3A_552 = tpu.memref_slice %arg20[%dma_wait3A_550, %dma_wait3A_551] : memref<10240x64xf32, #tpu.memory_space<vmem_shared>> -> memref<10240x64xf32, #tpu.memory_space<vmem_shared>>
        tpu.wait_indirect_dma semaphore(%run_scoped3A_546 : memref<!tpu.dma_semaphore, #tpu.memory_space<semaphore_mem>>) src(%arg17 : memref<128x64xf32, #tpu.memory_space<vmem>>) dst(%dma_wait3A_552 : memref<10240x64xf32, #tpu.memory_space<vmem_shared>>)
        tpu.yield
      }) : () -> ()
      "tpu.region"() ({
        %run_scoped3A_546 = tpu.sem_alloc : memref<!tpu.dma_semaphore, #tpu.memory_space<semaphore_mem>>
        %dma_start3A_547 = arith.constant 0 : i32
        %dma_start3A_548 = arith.constant 0 : i32
        %dma_start3A_549 = tpu.memref_slice %arg21[%dma_start3A_547, %dma_start3A_548] : memref<10240x16xf32, #tpu.memory_space<vmem_shared>> -> memref<10240x16xf32, #tpu.memory_space<vmem_shared>>
        tpu.enqueue_indirect_dma source(%arg18 : memref<128x16xf32, #tpu.memory_space<vmem>>) target(%dma_start3A_549 : memref<10240x16xf32, #tpu.memory_space<vmem_shared>>) offsets(%arg15 : memref<128xi32, #tpu.memory_space<vmem>>) semaphore(%run_scoped3A_546 : memref<!tpu.dma_semaphore, #tpu.memory_space<semaphore_mem>>) {add = true}
        %dma_wait3A_550 = arith.constant 0 : i32
        %dma_wait3A_551 = arith.constant 0 : i32
        %dma_wait3A_552 = tpu.memref_slice %arg21[%dma_wait3A_550, %dma_wait3A_551] : memref<10240x16xf32, #tpu.memory_space<vmem_shared>> -> memref<10240x16xf32, #tpu.memory_space<vmem_shared>>
        tpu.wait_indirect_dma semaphore(%run_scoped3A_546 : memref<!tpu.dma_semaphore, #tpu.memory_space<semaphore_mem>>) src(%arg18 : memref<128x16xf32, #tpu.memory_space<vmem>>) dst(%dma_wait3A_552 : memref<10240x16xf32, #tpu.memory_space<vmem_shared>>)
        tpu.yield
      }) : () -> ()
      %scan3A_545 = arith.constant 0 : i32
      scf.yield %scan3A_545 : i32
    }
    %scan3A_36 = arith.constant 81 : i32
    %barrier3A_37 = arith.constant 0 : index
    tpu.barrier barrier_id(%barrier3A_37)
    %run_scoped3A = arith.constant 0 : i32
    "tpu.region"() ({
      %run_scoped3A_65 = tpu.sem_alloc : memref<!tpu.dma_semaphore, #tpu.memory_space<semaphore_mem>>
      %dma_start3A = arith.constant 0 : i32
      %dma_start3A_66 = tpu.memref_slice %arg8[%arg0, %run_scoped3A, %mul3A_3, %dma_start3A] : memref<2x2x10240x64xf32, #tpu.memory_space<hbm>> -> memref<1x1x640x64xf32, #tpu.memory_space<hbm>>
      %dma_start3A_67 = tpu.memref_squeeze %dma_start3A_66 : memref<1x1x640x64xf32, #tpu.memory_space<hbm>> -> memref<640x64xf32, #tpu.memory_space<hbm>>
      %dma_start3A_68 = arith.constant 0 : i32
      %dma_start3A_69 = tpu.memref_slice %arg20[%mul3A_3, %dma_start3A_68] : memref<10240x64xf32, #tpu.memory_space<vmem_shared>> -> memref<640x64xf32, #tpu.memory_space<vmem_shared>>
      tpu.enqueue_dma source(%dma_start3A_69 : memref<640x64xf32, #tpu.memory_space<vmem_shared>>) target(%dma_start3A_67 : memref<640x64xf32, #tpu.memory_space<hbm>>) target_semaphore(%run_scoped3A_65 : memref<!tpu.dma_semaphore, #tpu.memory_space<semaphore_mem>>)
      %dma_wait3A = arith.constant 0 : i32
      %dma_wait3A_70 = tpu.memref_slice %arg8[%arg0, %run_scoped3A, %mul3A_3, %dma_wait3A] : memref<2x2x10240x64xf32, #tpu.memory_space<hbm>> -> memref<1x1x640x64xf32, #tpu.memory_space<hbm>>
      %dma_wait3A_71 = tpu.memref_squeeze %dma_wait3A_70 : memref<1x1x640x64xf32, #tpu.memory_space<hbm>> -> memref<640x64xf32, #tpu.memory_space<hbm>>
      %dma_wait3A_72 = arith.constant 0 : i32
      %dma_wait3A_73 = tpu.memref_slice %arg20[%mul3A_3, %dma_wait3A_72] : memref<10240x64xf32, #tpu.memory_space<vmem_shared>> -> memref<640x64xf32, #tpu.memory_space<vmem_shared>>
      tpu.wait_dma2 semaphore(%run_scoped3A_65 : memref<!tpu.dma_semaphore, #tpu.memory_space<semaphore_mem>>) src(%dma_wait3A_73 : memref<640x64xf32, #tpu.memory_space<vmem_shared>>) dst(%dma_wait3A_71 : memref<640x64xf32, #tpu.memory_space<hbm>>)
      tpu.yield
    }) : () -> ()
    "tpu.region"() ({
      %run_scoped3A_65 = tpu.sem_alloc : memref<!tpu.dma_semaphore, #tpu.memory_space<semaphore_mem>>
      %dma_start3A = arith.constant 0 : i32
      %dma_start3A_66 = tpu.memref_slice %arg9[%arg0, %mul3A_3, %dma_start3A] : memref<2x10240x16xf32, #tpu.memory_space<hbm>> -> memref<1x640x16xf32, #tpu.memory_space<hbm>>
      %dma_start3A_67 = tpu.memref_squeeze %dma_start3A_66 : memref<1x640x16xf32, #tpu.memory_space<hbm>> -> memref<640x16xf32, #tpu.memory_space<hbm>>
      %dma_start3A_68 = arith.constant 0 : i32
      %dma_start3A_69 = tpu.memref_slice %arg21[%mul3A_3, %dma_start3A_68] : memref<10240x16xf32, #tpu.memory_space<vmem_shared>> -> memref<640x16xf32, #tpu.memory_space<vmem_shared>>
      tpu.enqueue_dma source(%dma_start3A_69 : memref<640x16xf32, #tpu.memory_space<vmem_shared>>) target(%dma_start3A_67 : memref<640x16xf32, #tpu.memory_space<hbm>>) target_semaphore(%run_scoped3A_65 : memref<!tpu.dma_semaphore, #tpu.memory_space<semaphore_mem>>)
      %dma_wait3A = arith.constant 0 : i32
      %dma_wait3A_70 = tpu.memref_slice %arg9[%arg0, %mul3A_3, %dma_wait3A] : memref<2x10240x16xf32, #tpu.memory_space<hbm>> -> memref<1x640x16xf32, #tpu.memory_space<hbm>>
      %dma_wait3A_71 = tpu.memref_squeeze %dma_wait3A_70 : memref<1x640x16xf32, #tpu.memory_space<hbm>> -> memref<640x16xf32, #tpu.memory_space<hbm>>
      %dma_wait3A_72 = arith.constant 0 : i32
      %dma_wait3A_73 = tpu.memref_slice %arg21[%mul3A_3, %dma_wait3A_72] : memref<10240x16xf32, #tpu.memory_space<vmem_shared>> -> memref<640x16xf32, #tpu.memory_space<vmem_shared>>
      tpu.wait_dma2 semaphore(%run_scoped3A_65 : memref<!tpu.dma_semaphore, #tpu.memory_space<semaphore_mem>>) src(%dma_wait3A_73 : memref<640x16xf32, #tpu.memory_space<vmem_shared>>) dst(%dma_wait3A_71 : memref<640x16xf32, #tpu.memory_space<hbm>>)
      tpu.yield
    }) : () -> ()
    %scan3A_38 = arith.constant 0 : i32
    %scan3A_39 = arith.constant 0 : i32
    %scan3A_40 = arith.constant 128 : i32
    %scan3A_41 = arith.addi %scan3A_39, %scan3A_40 : i32
    %scan3A_42 = arith.constant 1 : i32
    %scan3A_43 = scf.for %scan3A_65 = %scan3A_39 to %scan3A_41 step %scan3A_42 iter_args(%scan3A_66 = %scan3A_38) -> (i32)  : i32 {
      %swap3A = arith.index_cast %scan3A_65 : i32 to index
      %swap3A_67 = arith.constant 0 : index
      %swap3A_68 = tpu.vector_load %arg17[%swap3A, %swap3A_67] {strides = array<i32>} : memref<128x64xf32, #tpu.memory_space<vmem>>, vector<16xf32>,
      tpu.vector_store %arg17[%swap3A, %swap3A_67], %broadcast_in_dim3A_1 {strides = array<i32>} : memref<128x64xf32, #tpu.memory_space<vmem>>, vector<16xf32>,
      %swap3A_69 = arith.index_cast %scan3A_65 : i32 to index
      %swap3A_70 = arith.constant 16 : index
      %swap3A_71 = tpu.vector_load %arg17[%swap3A_69, %swap3A_70] {strides = array<i32>} : memref<128x64xf32, #tpu.memory_space<vmem>>, vector<16xf32>,
      tpu.vector_store %arg17[%swap3A_69, %swap3A_70], %broadcast_in_dim3A_1 {strides = array<i32>} : memref<128x64xf32, #tpu.memory_space<vmem>>, vector<16xf32>,
      %swap3A_72 = arith.index_cast %scan3A_65 : i32 to index
      %swap3A_73 = arith.constant 32 : index
      %swap3A_74 = tpu.vector_load %arg17[%swap3A_72, %swap3A_73] {strides = array<i32>} : memref<128x64xf32, #tpu.memory_space<vmem>>, vector<16xf32>,
      tpu.vector_store %arg17[%swap3A_72, %swap3A_73], %broadcast_in_dim3A_1 {strides = array<i32>} : memref<128x64xf32, #tpu.memory_space<vmem>>, vector<16xf32>,
      %swap3A_75 = arith.index_cast %scan3A_65 : i32 to index
      %swap3A_76 = arith.constant 48 : index
      %swap3A_77 = tpu.vector_load %arg17[%swap3A_75, %swap3A_76] {strides = array<i32>} : memref<128x64xf32, #tpu.memory_space<vmem>>, vector<16xf32>,
      tpu.vector_store %arg17[%swap3A_75, %swap3A_76], %broadcast_in_dim3A_1 {strides = array<i32>} : memref<128x64xf32, #tpu.memory_space<vmem>>, vector<16xf32>,
      %scan3A_78 = arith.constant 0 : i32
      scf.yield %scan3A_78 : i32
    }
    %scan3A_44 = arith.constant 128 : i32
    %add3A_45 = arith.constant 0 : i32
    %add3A_46 = arith.addi %mul3A_3, %add3A_45 : i32
    "tpu.region"() ({
      %run_scoped3A_65 = tpu.sem_alloc : memref<!tpu.dma_semaphore, #tpu.memory_space<semaphore_mem>>
      %dma_start3A = arith.constant 0 : i32
      %dma_start3A_66 = tpu.memref_slice %arg20[%add3A_46, %dma_start3A] : memref<10240x64xf32, #tpu.memory_space<vmem_shared>> -> memref<128x64xf32, #tpu.memory_space<vmem_shared>>
      %dma_start3A_67 = arith.constant 0 : i32
      %dma_start3A_68 = tpu.memref_slice %arg20[%add3A_46, %dma_start3A_67] : memref<10240x64xf32, #tpu.memory_space<vmem_shared>> -> memref<128x64xf32, #tpu.memory_space<vmem_shared>>
      tpu.enqueue_dma source(%arg17 : memref<128x64xf32, #tpu.memory_space<vmem>>) target(%dma_start3A_68 : memref<128x64xf32, #tpu.memory_space<vmem_shared>>) target_semaphore(%run_scoped3A_65 : memref<!tpu.dma_semaphore, #tpu.memory_space<semaphore_mem>>)
      %dma_wait3A = arith.constant 0 : i32
      %dma_wait3A_69 = tpu.memref_slice %arg20[%add3A_46, %dma_wait3A] : memref<10240x64xf32, #tpu.memory_space<vmem_shared>> -> memref<128x64xf32, #tpu.memory_space<vmem_shared>>
      %dma_wait3A_70 = arith.constant 0 : i32
      %dma_wait3A_71 = tpu.memref_slice %arg20[%add3A_46, %dma_wait3A_70] : memref<10240x64xf32, #tpu.memory_space<vmem_shared>> -> memref<128x64xf32, #tpu.memory_space<vmem_shared>>
      tpu.wait_dma2 semaphore(%run_scoped3A_65 : memref<!tpu.dma_semaphore, #tpu.memory_space<semaphore_mem>>) src(%arg17 : memref<128x64xf32, #tpu.memory_space<vmem>>) dst(%dma_wait3A_71 : memref<128x64xf32, #tpu.memory_space<vmem_shared>>)
      tpu.yield
    }) : () -> ()
    %add3A_47 = arith.constant 128 : i32
    %add3A_48 = arith.addi %mul3A_3, %add3A_47 : i32
    "tpu.region"() ({
      %run_scoped3A_65 = tpu.sem_alloc : memref<!tpu.dma_semaphore, #tpu.memory_space<semaphore_mem>>
      %dma_start3A = arith.constant 0 : i32
      %dma_start3A_66 = tpu.memref_slice %arg20[%add3A_48, %dma_start3A] : memref<10240x64xf32, #tpu.memory_space<vmem_shared>> -> memref<128x64xf32, #tpu.memory_space<vmem_shared>>
      %dma_start3A_67 = arith.constant 0 : i32
      %dma_start3A_68 = tpu.memref_slice %arg20[%add3A_48, %dma_start3A_67] : memref<10240x64xf32, #tpu.memory_space<vmem_shared>> -> memref<128x64xf32, #tpu.memory_space<vmem_shared>>
      tpu.enqueue_dma source(%arg17 : memref<128x64xf32, #tpu.memory_space<vmem>>) target(%dma_start3A_68 : memref<128x64xf32, #tpu.memory_space<vmem_shared>>) target_semaphore(%run_scoped3A_65 : memref<!tpu.dma_semaphore, #tpu.memory_space<semaphore_mem>>)
      %dma_wait3A = arith.constant 0 : i32
      %dma_wait3A_69 = tpu.memref_slice %arg20[%add3A_48, %dma_wait3A] : memref<10240x64xf32, #tpu.memory_space<vmem_shared>> -> memref<128x64xf32, #tpu.memory_space<vmem_shared>>
      %dma_wait3A_70 = arith.constant 0 : i32
      %dma_wait3A_71 = tpu.memref_slice %arg20[%add3A_48, %dma_wait3A_70] : memref<10240x64xf32, #tpu.memory_space<vmem_shared>> -> memref<128x64xf32, #tpu.memory_space<vmem_shared>>
      tpu.wait_dma2 semaphore(%run_scoped3A_65 : memref<!tpu.dma_semaphore, #tpu.memory_space<semaphore_mem>>) src(%arg17 : memref<128x64xf32, #tpu.memory_space<vmem>>) dst(%dma_wait3A_71 : memref<128x64xf32, #tpu.memory_space<vmem_shared>>)
      tpu.yield
    }) : () -> ()
    %add3A_49 = arith.constant 256 : i32
    %add3A_50 = arith.addi %mul3A_3, %add3A_49 : i32
    "tpu.region"() ({
      %run_scoped3A_65 = tpu.sem_alloc : memref<!tpu.dma_semaphore, #tpu.memory_space<semaphore_mem>>
      %dma_start3A = arith.constant 0 : i32
      %dma_start3A_66 = tpu.memref_slice %arg20[%add3A_50, %dma_start3A] : memref<10240x64xf32, #tpu.memory_space<vmem_shared>> -> memref<128x64xf32, #tpu.memory_space<vmem_shared>>
      %dma_start3A_67 = arith.constant 0 : i32
      %dma_start3A_68 = tpu.memref_slice %arg20[%add3A_50, %dma_start3A_67] : memref<10240x64xf32, #tpu.memory_space<vmem_shared>> -> memref<128x64xf32, #tpu.memory_space<vmem_shared>>
      tpu.enqueue_dma source(%arg17 : memref<128x64xf32, #tpu.memory_space<vmem>>) target(%dma_start3A_68 : memref<128x64xf32, #tpu.memory_space<vmem_shared>>) target_semaphore(%run_scoped3A_65 : memref<!tpu.dma_semaphore, #tpu.memory_space<semaphore_mem>>)
      %dma_wait3A = arith.constant 0 : i32
      %dma_wait3A_69 = tpu.memref_slice %arg20[%add3A_50, %dma_wait3A] : memref<10240x64xf32, #tpu.memory_space<vmem_shared>> -> memref<128x64xf32, #tpu.memory_space<vmem_shared>>
      %dma_wait3A_70 = arith.constant 0 : i32
      %dma_wait3A_71 = tpu.memref_slice %arg20[%add3A_50, %dma_wait3A_70] : memref<10240x64xf32, #tpu.memory_space<vmem_shared>> -> memref<128x64xf32, #tpu.memory_space<vmem_shared>>
      tpu.wait_dma2 semaphore(%run_scoped3A_65 : memref<!tpu.dma_semaphore, #tpu.memory_space<semaphore_mem>>) src(%arg17 : memref<128x64xf32, #tpu.memory_space<vmem>>) dst(%dma_wait3A_71 : memref<128x64xf32, #tpu.memory_space<vmem_shared>>)
      tpu.yield
    }) : () -> ()
    %add3A_51 = arith.constant 384 : i32
    %add3A_52 = arith.addi %mul3A_3, %add3A_51 : i32
    "tpu.region"() ({
      %run_scoped3A_65 = tpu.sem_alloc : memref<!tpu.dma_semaphore, #tpu.memory_space<semaphore_mem>>
      %dma_start3A = arith.constant 0 : i32
      %dma_start3A_66 = tpu.memref_slice %arg20[%add3A_52, %dma_start3A] : memref<10240x64xf32, #tpu.memory_space<vmem_shared>> -> memref<128x64xf32, #tpu.memory_space<vmem_shared>>
      %dma_start3A_67 = arith.constant 0 : i32
      %dma_start3A_68 = tpu.memref_slice %arg20[%add3A_52, %dma_start3A_67] : memref<10240x64xf32, #tpu.memory_space<vmem_shared>> -> memref<128x64xf32, #tpu.memory_space<vmem_shared>>
      tpu.enqueue_dma source(%arg17 : memref<128x64xf32, #tpu.memory_space<vmem>>) target(%dma_start3A_68 : memref<128x64xf32, #tpu.memory_space<vmem_shared>>) target_semaphore(%run_scoped3A_65 : memref<!tpu.dma_semaphore, #tpu.memory_space<semaphore_mem>>)
      %dma_wait3A = arith.constant 0 : i32
      %dma_wait3A_69 = tpu.memref_slice %arg20[%add3A_52, %dma_wait3A] : memref<10240x64xf32, #tpu.memory_space<vmem_shared>> -> memref<128x64xf32, #tpu.memory_space<vmem_shared>>
      %dma_wait3A_70 = arith.constant 0 : i32
      %dma_wait3A_71 = tpu.memref_slice %arg20[%add3A_52, %dma_wait3A_70] : memref<10240x64xf32, #tpu.memory_space<vmem_shared>> -> memref<128x64xf32, #tpu.memory_space<vmem_shared>>
      tpu.wait_dma2 semaphore(%run_scoped3A_65 : memref<!tpu.dma_semaphore, #tpu.memory_space<semaphore_mem>>) src(%arg17 : memref<128x64xf32, #tpu.memory_space<vmem>>) dst(%dma_wait3A_71 : memref<128x64xf32, #tpu.memory_space<vmem_shared>>)
      tpu.yield
    }) : () -> ()
    %add3A_53 = arith.constant 512 : i32
    %add3A_54 = arith.addi %mul3A_3, %add3A_53 : i32
    "tpu.region"() ({
      %run_scoped3A_65 = tpu.sem_alloc : memref<!tpu.dma_semaphore, #tpu.memory_space<semaphore_mem>>
      %dma_start3A = arith.constant 0 : i32
      %dma_start3A_66 = tpu.memref_slice %arg20[%add3A_54, %dma_start3A] : memref<10240x64xf32, #tpu.memory_space<vmem_shared>> -> memref<128x64xf32, #tpu.memory_space<vmem_shared>>
      %dma_start3A_67 = arith.constant 0 : i32
      %dma_start3A_68 = tpu.memref_slice %arg20[%add3A_54, %dma_start3A_67] : memref<10240x64xf32, #tpu.memory_space<vmem_shared>> -> memref<128x64xf32, #tpu.memory_space<vmem_shared>>
      tpu.enqueue_dma source(%arg17 : memref<128x64xf32, #tpu.memory_space<vmem>>) target(%dma_start3A_68 : memref<128x64xf32, #tpu.memory_space<vmem_shared>>) target_semaphore(%run_scoped3A_65 : memref<!tpu.dma_semaphore, #tpu.memory_space<semaphore_mem>>)
      %dma_wait3A = arith.constant 0 : i32
      %dma_wait3A_69 = tpu.memref_slice %arg20[%add3A_54, %dma_wait3A] : memref<10240x64xf32, #tpu.memory_space<vmem_shared>> -> memref<128x64xf32, #tpu.memory_space<vmem_shared>>
      %dma_wait3A_70 = arith.constant 0 : i32
      %dma_wait3A_71 = tpu.memref_slice %arg20[%add3A_54, %dma_wait3A_70] : memref<10240x64xf32, #tpu.memory_space<vmem_shared>> -> memref<128x64xf32, #tpu.memory_space<vmem_shared>>
      tpu.wait_dma2 semaphore(%run_scoped3A_65 : memref<!tpu.dma_semaphore, #tpu.memory_space<semaphore_mem>>) src(%arg17 : memref<128x64xf32, #tpu.memory_space<vmem>>) dst(%dma_wait3A_71 : memref<128x64xf32, #tpu.memory_space<vmem_shared>>)
      tpu.yield
    }) : () -> ()
    %barrier3A_55 = arith.constant 0 : index
    tpu.barrier barrier_id(%barrier3A_55)
    %scan3A_56 = arith.constant 0 : i32
    %scan3A_57 = arith.constant 0 : i32
    %scan3A_58 = arith.constant 81 : i32
    %scan3A_59 = arith.addi %scan3A_57, %scan3A_58 : i32
    %scan3A_60 = arith.constant 1 : i32
    %scan3A_61 = scf.for %scan3A_65 = %scan3A_57 to %scan3A_59 step %scan3A_60 iter_args(%scan3A_66 = %scan3A_56) -> (i32)  : i32 {
      %get3A = arith.index_cast %scan3A_65 : i32 to index
      %get3A_67 = arith.constant 0 : index
      %get3A_68 = tpu.vector_load %arg12[%get3A, %get3A_67] {strides = array<i32>} : memref<81x128xi32, #tpu.memory_space<vmem>>, vector<16xi32>,
      %get3A_69 = arith.index_cast %scan3A_65 : i32 to index
      %get3A_70 = arith.constant 0 : index
      %get3A_71 = tpu.vector_load %arg13[%get3A_69, %get3A_70] {strides = array<i32>} : memref<81x128xi32, #tpu.memory_space<vmem>>, vector<16xi32>,
      %swap3A = arith.constant 0 : index
      %swap3A_72 = tpu.vector_load %arg14[%swap3A] {strides = array<i32>} : memref<128xi32, #tpu.memory_space<vmem>>, vector<16xi32>,
      tpu.vector_store %arg14[%swap3A], %get3A_68 {strides = array<i32>} : memref<128xi32, #tpu.memory_space<vmem>>, vector<16xi32>,
      %swap3A_73 = arith.constant 0 : index
      %swap3A_74 = tpu.vector_load %arg15[%swap3A_73] {strides = array<i32>} : memref<128xi32, #tpu.memory_space<vmem>>, vector<16xi32>,
      tpu.vector_store %arg15[%swap3A_73], %get3A_71 {strides = array<i32>} : memref<128xi32, #tpu.memory_space<vmem>>, vector<16xi32>,
      %add3A_75 = arith.constant 0 : i32
      %add3A_76 = vector.broadcast %add3A_75 : i32 to vector<16xi32>
      %add3A_77 = arith.addi %iota3A, %add3A_76 : vector<16xi32>
      %mul3A_78 = arith.constant 2 : i32
      %mul3A_79 = vector.broadcast %mul3A_78 : i32 to vector<16xi32>
      %mul3A_80 = arith.muli %get3A_68, %mul3A_79 : vector<16xi32>
      %add3A_81 = arith.constant 0 : i32
      %add3A_82 = vector.broadcast %add3A_81 : i32 to vector<16xi32>
      %add3A_83 = arith.addi %mul3A_80, %add3A_82 : vector<16xi32>
      %gather3A = tpu.vector_load_idx %arg10[%add3A_83] : memref<20032xf32, #tpu.memory_space<vmem>>[vector<16xi32>], vector<16xf32>,
      %mul3A_84 = arith.constant 2 : i32
      %mul3A_85 = vector.broadcast %mul3A_84 : i32 to vector<16xi32>
      %mul3A_86 = arith.muli %get3A_71, %mul3A_85 : vector<16xi32>
      %add3A_87 = arith.constant 0 : i32
      %add3A_88 = vector.broadcast %add3A_87 : i32 to vector<16xi32>
      %add3A_89 = arith.addi %mul3A_86, %add3A_88 : vector<16xi32>
      %gather3A_90 = tpu.vector_load_idx %arg11[%add3A_89] : memref<20032xf32, #tpu.memory_space<vmem>>[vector<16xi32>], vector<16xf32>,
      %add3A_91 = arith.addf %gather3A, %gather3A_90 : vector<16xf32>
      %mul3A_92 = arith.constant 2.000000e-01 : f32
      %mul3A_93 = vector.broadcast %mul3A_92 : f32 to vector<16xf32>
      %mul3A_94 = arith.mulf %mul3A_93, %add3A_91 : vector<16xf32>
      %max3A = arith.maximumf %add3A_91, %mul3A_94 : vector<16xf32>
      %exp3A = math.exp %max3A : vector<16xf32>
      %mul3A_95 = arith.constant 2 : i32
      %mul3A_96 = vector.broadcast %mul3A_95 : i32 to vector<16xi32>
      %mul3A_97 = arith.muli %get3A_68, %mul3A_96 : vector<16xi32>
      %add3A_98 = arith.constant 1 : i32
      %add3A_99 = vector.broadcast %add3A_98 : i32 to vector<16xi32>
      %add3A_100 = arith.addi %mul3A_97, %add3A_99 : vector<16xi32>
      %gather3A_101 = tpu.vector_load_idx %arg10[%add3A_100] : memref<20032xf32, #tpu.memory_space<vmem>>[vector<16xi32>], vector<16xf32>,
      %mul3A_102 = arith.constant 2 : i32
      %mul3A_103 = vector.broadcast %mul3A_102 : i32 to vector<16xi32>
      %mul3A_104 = arith.muli %get3A_71, %mul3A_103 : vector<16xi32>
      %add3A_105 = arith.constant 1 : i32
      %add3A_106 = vector.broadcast %add3A_105 : i32 to vector<16xi32>
      %add3A_107 = arith.addi %mul3A_104, %add3A_106 : vector<16xi32>
      %gather3A_108 = tpu.vector_load_idx %arg11[%add3A_107] : memref<20032xf32, #tpu.memory_space<vmem>>[vector<16xi32>], vector<16xf32>,
      %add3A_109 = arith.addf %gather3A_101, %gather3A_108 : vector<16xf32>
      %mul3A_110 = arith.constant 2.000000e-01 : f32
      %mul3A_111 = vector.broadcast %mul3A_110 : f32 to vector<16xf32>
      %mul3A_112 = arith.mulf %mul3A_111, %add3A_109 : vector<16xf32>
      %max3A_113 = arith.maximumf %add3A_109, %mul3A_112 : vector<16xf32>
      %exp3A_114 = math.exp %max3A_113 : vector<16xf32>
      %swap3A_115 = arith.constant 0 : index
      %swap3A_116 = tpu.vector_load %arg19[%swap3A_115] {strides = array<i32>} : memref<128xf32, #tpu.memory_space<vmem>>, vector<16xf32>,
      tpu.vector_store %arg19[%swap3A_115], %exp3A_114 {strides = array<i32>} : memref<128xf32, #tpu.memory_space<vmem>>, vector<16xf32>,
      %get3A_117 = arith.index_cast %scan3A_65 : i32 to index
      %get3A_118 = arith.constant 16 : index
      %get3A_119 = tpu.vector_load %arg12[%get3A_117, %get3A_118] {strides = array<i32>} : memref<81x128xi32, #tpu.memory_space<vmem>>, vector<16xi32>,
      %get3A_120 = arith.index_cast %scan3A_65 : i32 to index
      %get3A_121 = arith.constant 16 : index
      %get3A_122 = tpu.vector_load %arg13[%get3A_120, %get3A_121] {strides = array<i32>} : memref<81x128xi32, #tpu.memory_space<vmem>>, vector<16xi32>,
      %swap3A_123 = arith.constant 16 : index
      %swap3A_124 = tpu.vector_load %arg14[%swap3A_123] {strides = array<i32>} : memref<128xi32, #tpu.memory_space<vmem>>, vector<16xi32>,
      tpu.vector_store %arg14[%swap3A_123], %get3A_119 {strides = array<i32>} : memref<128xi32, #tpu.memory_space<vmem>>, vector<16xi32>,
      %swap3A_125 = arith.constant 16 : index
      %swap3A_126 = tpu.vector_load %arg15[%swap3A_125] {strides = array<i32>} : memref<128xi32, #tpu.memory_space<vmem>>, vector<16xi32>,
      tpu.vector_store %arg15[%swap3A_125], %get3A_122 {strides = array<i32>} : memref<128xi32, #tpu.memory_space<vmem>>, vector<16xi32>,
      %add3A_127 = arith.constant 16 : i32
      %add3A_128 = vector.broadcast %add3A_127 : i32 to vector<16xi32>
      %add3A_129 = arith.addi %iota3A, %add3A_128 : vector<16xi32>
      %mul3A_130 = arith.constant 2 : i32
      %mul3A_131 = vector.broadcast %mul3A_130 : i32 to vector<16xi32>
      %mul3A_132 = arith.muli %get3A_119, %mul3A_131 : vector<16xi32>
      %add3A_133 = arith.constant 0 : i32
      %add3A_134 = vector.broadcast %add3A_133 : i32 to vector<16xi32>
      %add3A_135 = arith.addi %mul3A_132, %add3A_134 : vector<16xi32>
      %gather3A_136 = tpu.vector_load_idx %arg10[%add3A_135] : memref<20032xf32, #tpu.memory_space<vmem>>[vector<16xi32>], vector<16xf32>,
      %mul3A_137 = arith.constant 2 : i32
      %mul3A_138 = vector.broadcast %mul3A_137 : i32 to vector<16xi32>
      %mul3A_139 = arith.muli %get3A_122, %mul3A_138 : vector<16xi32>
      %add3A_140 = arith.constant 0 : i32
      %add3A_141 = vector.broadcast %add3A_140 : i32 to vector<16xi32>
      %add3A_142 = arith.addi %mul3A_139, %add3A_141 : vector<16xi32>
      %gather3A_143 = tpu.vector_load_idx %arg11[%add3A_142] : memref<20032xf32, #tpu.memory_space<vmem>>[vector<16xi32>], vector<16xf32>,
      %add3A_144 = arith.addf %gather3A_136, %gather3A_143 : vector<16xf32>
      %mul3A_145 = arith.constant 2.000000e-01 : f32
      %mul3A_146 = vector.broadcast %mul3A_145 : f32 to vector<16xf32>
      %mul3A_147 = arith.mulf %mul3A_146, %add3A_144 : vector<16xf32>
      %max3A_148 = arith.maximumf %add3A_144, %mul3A_147 : vector<16xf32>
      %exp3A_149 = math.exp %max3A_148 : vector<16xf32>
      %mul3A_150 = arith.constant 2 : i32
      %mul3A_151 = vector.broadcast %mul3A_150 : i32 to vector<16xi32>
      %mul3A_152 = arith.muli %get3A_119, %mul3A_151 : vector<16xi32>
      %add3A_153 = arith.constant 1 : i32
      %add3A_154 = vector.broadcast %add3A_153 : i32 to vector<16xi32>
      %add3A_155 = arith.addi %mul3A_152, %add3A_154 : vector<16xi32>
      %gather3A_156 = tpu.vector_load_idx %arg10[%add3A_155] : memref<20032xf32, #tpu.memory_space<vmem>>[vector<16xi32>], vector<16xf32>,
      %mul3A_157 = arith.constant 2 : i32
      %mul3A_158 = vector.broadcast %mul3A_157 : i32 to vector<16xi32>
      %mul3A_159 = arith.muli %get3A_122, %mul3A_158 : vector<16xi32>
      %add3A_160 = arith.constant 1 : i32
      %add3A_161 = vector.broadcast %add3A_160 : i32 to vector<16xi32>
      %add3A_162 = arith.addi %mul3A_159, %add3A_161 : vector<16xi32>
      %gather3A_163 = tpu.vector_load_idx %arg11[%add3A_162] : memref<20032xf32, #tpu.memory_space<vmem>>[vector<16xi32>], vector<16xf32>,
      %add3A_164 = arith.addf %gather3A_156, %gather3A_163 : vector<16xf32>
      %mul3A_165 = arith.constant 2.000000e-01 : f32
      %mul3A_166 = vector.broadcast %mul3A_165 : f32 to vector<16xf32>
      %mul3A_167 = arith.mulf %mul3A_166, %add3A_164 : vector<16xf32>
      %max3A_168 = arith.maximumf %add3A_164, %mul3A_167 : vector<16xf32>
      %exp3A_169 = math.exp %max3A_168 : vector<16xf32>
      %swap3A_170 = arith.constant 16 : index
      %swap3A_171 = tpu.vector_load %arg19[%swap3A_170] {strides = array<i32>} : memref<128xf32, #tpu.memory_space<vmem>>, vector<16xf32>,
      tpu.vector_store %arg19[%swap3A_170], %exp3A_169 {strides = array<i32>} : memref<128xf32, #tpu.memory_space<vmem>>, vector<16xf32>,
      %get3A_172 = arith.index_cast %scan3A_65 : i32 to index
      %get3A_173 = arith.constant 32 : index
      %get3A_174 = tpu.vector_load %arg12[%get3A_172, %get3A_173] {strides = array<i32>} : memref<81x128xi32, #tpu.memory_space<vmem>>, vector<16xi32>,
      %get3A_175 = arith.index_cast %scan3A_65 : i32 to index
      %get3A_176 = arith.constant 32 : index
      %get3A_177 = tpu.vector_load %arg13[%get3A_175, %get3A_176] {strides = array<i32>} : memref<81x128xi32, #tpu.memory_space<vmem>>, vector<16xi32>,
      %swap3A_178 = arith.constant 32 : index
      %swap3A_179 = tpu.vector_load %arg14[%swap3A_178] {strides = array<i32>} : memref<128xi32, #tpu.memory_space<vmem>>, vector<16xi32>,
      tpu.vector_store %arg14[%swap3A_178], %get3A_174 {strides = array<i32>} : memref<128xi32, #tpu.memory_space<vmem>>, vector<16xi32>,
      %swap3A_180 = arith.constant 32 : index
      %swap3A_181 = tpu.vector_load %arg15[%swap3A_180] {strides = array<i32>} : memref<128xi32, #tpu.memory_space<vmem>>, vector<16xi32>,
      tpu.vector_store %arg15[%swap3A_180], %get3A_177 {strides = array<i32>} : memref<128xi32, #tpu.memory_space<vmem>>, vector<16xi32>,
      %add3A_182 = arith.constant 32 : i32
      %add3A_183 = vector.broadcast %add3A_182 : i32 to vector<16xi32>
      %add3A_184 = arith.addi %iota3A, %add3A_183 : vector<16xi32>
      %mul3A_185 = arith.constant 2 : i32
      %mul3A_186 = vector.broadcast %mul3A_185 : i32 to vector<16xi32>
      %mul3A_187 = arith.muli %get3A_174, %mul3A_186 : vector<16xi32>
      %add3A_188 = arith.constant 0 : i32
      %add3A_189 = vector.broadcast %add3A_188 : i32 to vector<16xi32>
      %add3A_190 = arith.addi %mul3A_187, %add3A_189 : vector<16xi32>
      %gather3A_191 = tpu.vector_load_idx %arg10[%add3A_190] : memref<20032xf32, #tpu.memory_space<vmem>>[vector<16xi32>], vector<16xf32>,
      %mul3A_192 = arith.constant 2 : i32
      %mul3A_193 = vector.broadcast %mul3A_192 : i32 to vector<16xi32>
      %mul3A_194 = arith.muli %get3A_177, %mul3A_193 : vector<16xi32>
      %add3A_195 = arith.constant 0 : i32
      %add3A_196 = vector.broadcast %add3A_195 : i32 to vector<16xi32>
      %add3A_197 = arith.addi %mul3A_194, %add3A_196 : vector<16xi32>
      %gather3A_198 = tpu.vector_load_idx %arg11[%add3A_197] : memref<20032xf32, #tpu.memory_space<vmem>>[vector<16xi32>], vector<16xf32>,
      %add3A_199 = arith.addf %gather3A_191, %gather3A_198 : vector<16xf32>
      %mul3A_200 = arith.constant 2.000000e-01 : f32
      %mul3A_201 = vector.broadcast %mul3A_200 : f32 to vector<16xf32>
      %mul3A_202 = arith.mulf %mul3A_201, %add3A_199 : vector<16xf32>
      %max3A_203 = arith.maximumf %add3A_199, %mul3A_202 : vector<16xf32>
      %exp3A_204 = math.exp %max3A_203 : vector<16xf32>
      %mul3A_205 = arith.constant 2 : i32
      %mul3A_206 = vector.broadcast %mul3A_205 : i32 to vector<16xi32>
      %mul3A_207 = arith.muli %get3A_174, %mul3A_206 : vector<16xi32>
      %add3A_208 = arith.constant 1 : i32
      %add3A_209 = vector.broadcast %add3A_208 : i32 to vector<16xi32>
      %add3A_210 = arith.addi %mul3A_207, %add3A_209 : vector<16xi32>
      %gather3A_211 = tpu.vector_load_idx %arg10[%add3A_210] : memref<20032xf32, #tpu.memory_space<vmem>>[vector<16xi32>], vector<16xf32>,
      %mul3A_212 = arith.constant 2 : i32
      %mul3A_213 = vector.broadcast %mul3A_212 : i32 to vector<16xi32>
      %mul3A_214 = arith.muli %get3A_177, %mul3A_213 : vector<16xi32>
      %add3A_215 = arith.constant 1 : i32
      %add3A_216 = vector.broadcast %add3A_215 : i32 to vector<16xi32>
      %add3A_217 = arith.addi %mul3A_214, %add3A_216 : vector<16xi32>
      %gather3A_218 = tpu.vector_load_idx %arg11[%add3A_217] : memref<20032xf32, #tpu.memory_space<vmem>>[vector<16xi32>], vector<16xf32>,
      %add3A_219 = arith.addf %gather3A_211, %gather3A_218 : vector<16xf32>
      %mul3A_220 = arith.constant 2.000000e-01 : f32
      %mul3A_221 = vector.broadcast %mul3A_220 : f32 to vector<16xf32>
      %mul3A_222 = arith.mulf %mul3A_221, %add3A_219 : vector<16xf32>
      %max3A_223 = arith.maximumf %add3A_219, %mul3A_222 : vector<16xf32>
      %exp3A_224 = math.exp %max3A_223 : vector<16xf32>
      %swap3A_225 = arith.constant 32 : index
      %swap3A_226 = tpu.vector_load %arg19[%swap3A_225] {strides = array<i32>} : memref<128xf32, #tpu.memory_space<vmem>>, vector<16xf32>,
      tpu.vector_store %arg19[%swap3A_225], %exp3A_224 {strides = array<i32>} : memref<128xf32, #tpu.memory_space<vmem>>, vector<16xf32>,
      %get3A_227 = arith.index_cast %scan3A_65 : i32 to index
      %get3A_228 = arith.constant 48 : index
      %get3A_229 = tpu.vector_load %arg12[%get3A_227, %get3A_228] {strides = array<i32>} : memref<81x128xi32, #tpu.memory_space<vmem>>, vector<16xi32>,
      %get3A_230 = arith.index_cast %scan3A_65 : i32 to index
      %get3A_231 = arith.constant 48 : index
      %get3A_232 = tpu.vector_load %arg13[%get3A_230, %get3A_231] {strides = array<i32>} : memref<81x128xi32, #tpu.memory_space<vmem>>, vector<16xi32>,
      %swap3A_233 = arith.constant 48 : index
      %swap3A_234 = tpu.vector_load %arg14[%swap3A_233] {strides = array<i32>} : memref<128xi32, #tpu.memory_space<vmem>>, vector<16xi32>,
      tpu.vector_store %arg14[%swap3A_233], %get3A_229 {strides = array<i32>} : memref<128xi32, #tpu.memory_space<vmem>>, vector<16xi32>,
      %swap3A_235 = arith.constant 48 : index
      %swap3A_236 = tpu.vector_load %arg15[%swap3A_235] {strides = array<i32>} : memref<128xi32, #tpu.memory_space<vmem>>, vector<16xi32>,
      tpu.vector_store %arg15[%swap3A_235], %get3A_232 {strides = array<i32>} : memref<128xi32, #tpu.memory_space<vmem>>, vector<16xi32>,
      %add3A_237 = arith.constant 48 : i32
      %add3A_238 = vector.broadcast %add3A_237 : i32 to vector<16xi32>
      %add3A_239 = arith.addi %iota3A, %add3A_238 : vector<16xi32>
      %mul3A_240 = arith.constant 2 : i32
      %mul3A_241 = vector.broadcast %mul3A_240 : i32 to vector<16xi32>
      %mul3A_242 = arith.muli %get3A_229, %mul3A_241 : vector<16xi32>
      %add3A_243 = arith.constant 0 : i32
      %add3A_244 = vector.broadcast %add3A_243 : i32 to vector<16xi32>
      %add3A_245 = arith.addi %mul3A_242, %add3A_244 : vector<16xi32>
      %gather3A_246 = tpu.vector_load_idx %arg10[%add3A_245] : memref<20032xf32, #tpu.memory_space<vmem>>[vector<16xi32>], vector<16xf32>,
      %mul3A_247 = arith.constant 2 : i32
      %mul3A_248 = vector.broadcast %mul3A_247 : i32 to vector<16xi32>
      %mul3A_249 = arith.muli %get3A_232, %mul3A_248 : vector<16xi32>
      %add3A_250 = arith.constant 0 : i32
      %add3A_251 = vector.broadcast %add3A_250 : i32 to vector<16xi32>
      %add3A_252 = arith.addi %mul3A_249, %add3A_251 : vector<16xi32>
      %gather3A_253 = tpu.vector_load_idx %arg11[%add3A_252] : memref<20032xf32, #tpu.memory_space<vmem>>[vector<16xi32>], vector<16xf32>,
      %add3A_254 = arith.addf %gather3A_246, %gather3A_253 : vector<16xf32>
      %mul3A_255 = arith.constant 2.000000e-01 : f32
      %mul3A_256 = vector.broadcast %mul3A_255 : f32 to vector<16xf32>
      %mul3A_257 = arith.mulf %mul3A_256, %add3A_254 : vector<16xf32>
      %max3A_258 = arith.maximumf %add3A_254, %mul3A_257 : vector<16xf32>
      %exp3A_259 = math.exp %max3A_258 : vector<16xf32>
      %mul3A_260 = arith.constant 2 : i32
      %mul3A_261 = vector.broadcast %mul3A_260 : i32 to vector<16xi32>
      %mul3A_262 = arith.muli %get3A_229, %mul3A_261 : vector<16xi32>
      %add3A_263 = arith.constant 1 : i32
      %add3A_264 = vector.broadcast %add3A_263 : i32 to vector<16xi32>
      %add3A_265 = arith.addi %mul3A_262, %add3A_264 : vector<16xi32>
      %gather3A_266 = tpu.vector_load_idx %arg10[%add3A_265] : memref<20032xf32, #tpu.memory_space<vmem>>[vector<16xi32>], vector<16xf32>,
      %mul3A_267 = arith.constant 2 : i32
      %mul3A_268 = vector.broadcast %mul3A_267 : i32 to vector<16xi32>
      %mul3A_269 = arith.muli %get3A_232, %mul3A_268 : vector<16xi32>
      %add3A_270 = arith.constant 1 : i32
      %add3A_271 = vector.broadcast %add3A_270 : i32 to vector<16xi32>
      %add3A_272 = arith.addi %mul3A_269, %add3A_271 : vector<16xi32>
      %gather3A_273 = tpu.vector_load_idx %arg11[%add3A_272] : memref<20032xf32, #tpu.memory_space<vmem>>[vector<16xi32>], vector<16xf32>,
      %add3A_274 = arith.addf %gather3A_266, %gather3A_273 : vector<16xf32>
      %mul3A_275 = arith.constant 2.000000e-01 : f32
      %mul3A_276 = vector.broadcast %mul3A_275 : f32 to vector<16xf32>
      %mul3A_277 = arith.mulf %mul3A_276, %add3A_274 : vector<16xf32>
      %max3A_278 = arith.maximumf %add3A_274, %mul3A_277 : vector<16xf32>
      %exp3A_279 = math.exp %max3A_278 : vector<16xf32>
      %swap3A_280 = arith.constant 48 : index
      %swap3A_281 = tpu.vector_load %arg19[%swap3A_280] {strides = array<i32>} : memref<128xf32, #tpu.memory_space<vmem>>, vector<16xf32>,
      tpu.vector_store %arg19[%swap3A_280], %exp3A_279 {strides = array<i32>} : memref<128xf32, #tpu.memory_space<vmem>>, vector<16xf32>,
      %get3A_282 = arith.index_cast %scan3A_65 : i32 to index
      %get3A_283 = arith.constant 64 : index
      %get3A_284 = tpu.vector_load %arg12[%get3A_282, %get3A_283] {strides = array<i32>} : memref<81x128xi32, #tpu.memory_space<vmem>>, vector<16xi32>,
      %get3A_285 = arith.index_cast %scan3A_65 : i32 to index
      %get3A_286 = arith.constant 64 : index
      %get3A_287 = tpu.vector_load %arg13[%get3A_285, %get3A_286] {strides = array<i32>} : memref<81x128xi32, #tpu.memory_space<vmem>>, vector<16xi32>,
      %swap3A_288 = arith.constant 64 : index
      %swap3A_289 = tpu.vector_load %arg14[%swap3A_288] {strides = array<i32>} : memref<128xi32, #tpu.memory_space<vmem>>, vector<16xi32>,
      tpu.vector_store %arg14[%swap3A_288], %get3A_284 {strides = array<i32>} : memref<128xi32, #tpu.memory_space<vmem>>, vector<16xi32>,
      %swap3A_290 = arith.constant 64 : index
      %swap3A_291 = tpu.vector_load %arg15[%swap3A_290] {strides = array<i32>} : memref<128xi32, #tpu.memory_space<vmem>>, vector<16xi32>,
      tpu.vector_store %arg15[%swap3A_290], %get3A_287 {strides = array<i32>} : memref<128xi32, #tpu.memory_space<vmem>>, vector<16xi32>,
      %add3A_292 = arith.constant 64 : i32
      %add3A_293 = vector.broadcast %add3A_292 : i32 to vector<16xi32>
      %add3A_294 = arith.addi %iota3A, %add3A_293 : vector<16xi32>
      %mul3A_295 = arith.constant 2 : i32
      %mul3A_296 = vector.broadcast %mul3A_295 : i32 to vector<16xi32>
      %mul3A_297 = arith.muli %get3A_284, %mul3A_296 : vector<16xi32>
      %add3A_298 = arith.constant 0 : i32
      %add3A_299 = vector.broadcast %add3A_298 : i32 to vector<16xi32>
      %add3A_300 = arith.addi %mul3A_297, %add3A_299 : vector<16xi32>
      %gather3A_301 = tpu.vector_load_idx %arg10[%add3A_300] : memref<20032xf32, #tpu.memory_space<vmem>>[vector<16xi32>], vector<16xf32>,
      %mul3A_302 = arith.constant 2 : i32
      %mul3A_303 = vector.broadcast %mul3A_302 : i32 to vector<16xi32>
      %mul3A_304 = arith.muli %get3A_287, %mul3A_303 : vector<16xi32>
      %add3A_305 = arith.constant 0 : i32
      %add3A_306 = vector.broadcast %add3A_305 : i32 to vector<16xi32>
      %add3A_307 = arith.addi %mul3A_304, %add3A_306 : vector<16xi32>
      %gather3A_308 = tpu.vector_load_idx %arg11[%add3A_307] : memref<20032xf32, #tpu.memory_space<vmem>>[vector<16xi32>], vector<16xf32>,
      %add3A_309 = arith.addf %gather3A_301, %gather3A_308 : vector<16xf32>
      %mul3A_310 = arith.constant 2.000000e-01 : f32
      %mul3A_311 = vector.broadcast %mul3A_310 : f32 to vector<16xf32>
      %mul3A_312 = arith.mulf %mul3A_311, %add3A_309 : vector<16xf32>
      %max3A_313 = arith.maximumf %add3A_309, %mul3A_312 : vector<16xf32>
      %exp3A_314 = math.exp %max3A_313 : vector<16xf32>
      %mul3A_315 = arith.constant 2 : i32
      %mul3A_316 = vector.broadcast %mul3A_315 : i32 to vector<16xi32>
      %mul3A_317 = arith.muli %get3A_284, %mul3A_316 : vector<16xi32>
      %add3A_318 = arith.constant 1 : i32
      %add3A_319 = vector.broadcast %add3A_318 : i32 to vector<16xi32>
      %add3A_320 = arith.addi %mul3A_317, %add3A_319 : vector<16xi32>
      %gather3A_321 = tpu.vector_load_idx %arg10[%add3A_320] : memref<20032xf32, #tpu.memory_space<vmem>>[vector<16xi32>], vector<16xf32>,
      %mul3A_322 = arith.constant 2 : i32
      %mul3A_323 = vector.broadcast %mul3A_322 : i32 to vector<16xi32>
      %mul3A_324 = arith.muli %get3A_287, %mul3A_323 : vector<16xi32>
      %add3A_325 = arith.constant 1 : i32
      %add3A_326 = vector.broadcast %add3A_325 : i32 to vector<16xi32>
      %add3A_327 = arith.addi %mul3A_324, %add3A_326 : vector<16xi32>
      %gather3A_328 = tpu.vector_load_idx %arg11[%add3A_327] : memref<20032xf32, #tpu.memory_space<vmem>>[vector<16xi32>], vector<16xf32>,
      %add3A_329 = arith.addf %gather3A_321, %gather3A_328 : vector<16xf32>
      %mul3A_330 = arith.constant 2.000000e-01 : f32
      %mul3A_331 = vector.broadcast %mul3A_330 : f32 to vector<16xf32>
      %mul3A_332 = arith.mulf %mul3A_331, %add3A_329 : vector<16xf32>
      %max3A_333 = arith.maximumf %add3A_329, %mul3A_332 : vector<16xf32>
      %exp3A_334 = math.exp %max3A_333 : vector<16xf32>
      %swap3A_335 = arith.constant 64 : index
      %swap3A_336 = tpu.vector_load %arg19[%swap3A_335] {strides = array<i32>} : memref<128xf32, #tpu.memory_space<vmem>>, vector<16xf32>,
      tpu.vector_store %arg19[%swap3A_335], %exp3A_334 {strides = array<i32>} : memref<128xf32, #tpu.memory_space<vmem>>, vector<16xf32>,
      %get3A_337 = arith.index_cast %scan3A_65 : i32 to index
      %get3A_338 = arith.constant 80 : index
      %get3A_339 = tpu.vector_load %arg12[%get3A_337, %get3A_338] {strides = array<i32>} : memref<81x128xi32, #tpu.memory_space<vmem>>, vector<16xi32>,
      %get3A_340 = arith.index_cast %scan3A_65 : i32 to index
      %get3A_341 = arith.constant 80 : index
      %get3A_342 = tpu.vector_load %arg13[%get3A_340, %get3A_341] {strides = array<i32>} : memref<81x128xi32, #tpu.memory_space<vmem>>, vector<16xi32>,
      %swap3A_343 = arith.constant 80 : index
      %swap3A_344 = tpu.vector_load %arg14[%swap3A_343] {strides = array<i32>} : memref<128xi32, #tpu.memory_space<vmem>>, vector<16xi32>,
      tpu.vector_store %arg14[%swap3A_343], %get3A_339 {strides = array<i32>} : memref<128xi32, #tpu.memory_space<vmem>>, vector<16xi32>,
      %swap3A_345 = arith.constant 80 : index
      %swap3A_346 = tpu.vector_load %arg15[%swap3A_345] {strides = array<i32>} : memref<128xi32, #tpu.memory_space<vmem>>, vector<16xi32>,
      tpu.vector_store %arg15[%swap3A_345], %get3A_342 {strides = array<i32>} : memref<128xi32, #tpu.memory_space<vmem>>, vector<16xi32>,
      %add3A_347 = arith.constant 80 : i32
      %add3A_348 = vector.broadcast %add3A_347 : i32 to vector<16xi32>
      %add3A_349 = arith.addi %iota3A, %add3A_348 : vector<16xi32>
      %mul3A_350 = arith.constant 2 : i32
      %mul3A_351 = vector.broadcast %mul3A_350 : i32 to vector<16xi32>
      %mul3A_352 = arith.muli %get3A_339, %mul3A_351 : vector<16xi32>
      %add3A_353 = arith.constant 0 : i32
      %add3A_354 = vector.broadcast %add3A_353 : i32 to vector<16xi32>
      %add3A_355 = arith.addi %mul3A_352, %add3A_354 : vector<16xi32>
      %gather3A_356 = tpu.vector_load_idx %arg10[%add3A_355] : memref<20032xf32, #tpu.memory_space<vmem>>[vector<16xi32>], vector<16xf32>,
      %mul3A_357 = arith.constant 2 : i32
      %mul3A_358 = vector.broadcast %mul3A_357 : i32 to vector<16xi32>
      %mul3A_359 = arith.muli %get3A_342, %mul3A_358 : vector<16xi32>
      %add3A_360 = arith.constant 0 : i32
      %add3A_361 = vector.broadcast %add3A_360 : i32 to vector<16xi32>
      %add3A_362 = arith.addi %mul3A_359, %add3A_361 : vector<16xi32>
      %gather3A_363 = tpu.vector_load_idx %arg11[%add3A_362] : memref<20032xf32, #tpu.memory_space<vmem>>[vector<16xi32>], vector<16xf32>,
      %add3A_364 = arith.addf %gather3A_356, %gather3A_363 : vector<16xf32>
      %mul3A_365 = arith.constant 2.000000e-01 : f32
      %mul3A_366 = vector.broadcast %mul3A_365 : f32 to vector<16xf32>
      %mul3A_367 = arith.mulf %mul3A_366, %add3A_364 : vector<16xf32>
      %max3A_368 = arith.maximumf %add3A_364, %mul3A_367 : vector<16xf32>
      %exp3A_369 = math.exp %max3A_368 : vector<16xf32>
      %mul3A_370 = arith.constant 2 : i32
      %mul3A_371 = vector.broadcast %mul3A_370 : i32 to vector<16xi32>
      %mul3A_372 = arith.muli %get3A_339, %mul3A_371 : vector<16xi32>
      %add3A_373 = arith.constant 1 : i32
      %add3A_374 = vector.broadcast %add3A_373 : i32 to vector<16xi32>
      %add3A_375 = arith.addi %mul3A_372, %add3A_374 : vector<16xi32>
      %gather3A_376 = tpu.vector_load_idx %arg10[%add3A_375] : memref<20032xf32, #tpu.memory_space<vmem>>[vector<16xi32>], vector<16xf32>,
      %mul3A_377 = arith.constant 2 : i32
      %mul3A_378 = vector.broadcast %mul3A_377 : i32 to vector<16xi32>
      %mul3A_379 = arith.muli %get3A_342, %mul3A_378 : vector<16xi32>
      %add3A_380 = arith.constant 1 : i32
      %add3A_381 = vector.broadcast %add3A_380 : i32 to vector<16xi32>
      %add3A_382 = arith.addi %mul3A_379, %add3A_381 : vector<16xi32>
      %gather3A_383 = tpu.vector_load_idx %arg11[%add3A_382] : memref<20032xf32, #tpu.memory_space<vmem>>[vector<16xi32>], vector<16xf32>,
      %add3A_384 = arith.addf %gather3A_376, %gather3A_383 : vector<16xf32>
      %mul3A_385 = arith.constant 2.000000e-01 : f32
      %mul3A_386 = vector.broadcast %mul3A_385 : f32 to vector<16xf32>
      %mul3A_387 = arith.mulf %mul3A_386, %add3A_384 : vector<16xf32>
      %max3A_388 = arith.maximumf %add3A_384, %mul3A_387 : vector<16xf32>
      %exp3A_389 = math.exp %max3A_388 : vector<16xf32>
      %swap3A_390 = arith.constant 80 : index
      %swap3A_391 = tpu.vector_load %arg19[%swap3A_390] {strides = array<i32>} : memref<128xf32, #tpu.memory_space<vmem>>, vector<16xf32>,
      tpu.vector_store %arg19[%swap3A_390], %exp3A_389 {strides = array<i32>} : memref<128xf32, #tpu.memory_space<vmem>>, vector<16xf32>,
      %get3A_392 = arith.index_cast %scan3A_65 : i32 to index
      %get3A_393 = arith.constant 96 : index
      %get3A_394 = tpu.vector_load %arg12[%get3A_392, %get3A_393] {strides = array<i32>} : memref<81x128xi32, #tpu.memory_space<vmem>>, vector<16xi32>,
      %get3A_395 = arith.index_cast %scan3A_65 : i32 to index
      %get3A_396 = arith.constant 96 : index
      %get3A_397 = tpu.vector_load %arg13[%get3A_395, %get3A_396] {strides = array<i32>} : memref<81x128xi32, #tpu.memory_space<vmem>>, vector<16xi32>,
      %swap3A_398 = arith.constant 96 : index
      %swap3A_399 = tpu.vector_load %arg14[%swap3A_398] {strides = array<i32>} : memref<128xi32, #tpu.memory_space<vmem>>, vector<16xi32>,
      tpu.vector_store %arg14[%swap3A_398], %get3A_394 {strides = array<i32>} : memref<128xi32, #tpu.memory_space<vmem>>, vector<16xi32>,
      %swap3A_400 = arith.constant 96 : index
      %swap3A_401 = tpu.vector_load %arg15[%swap3A_400] {strides = array<i32>} : memref<128xi32, #tpu.memory_space<vmem>>, vector<16xi32>,
      tpu.vector_store %arg15[%swap3A_400], %get3A_397 {strides = array<i32>} : memref<128xi32, #tpu.memory_space<vmem>>, vector<16xi32>,
      %add3A_402 = arith.constant 96 : i32
      %add3A_403 = vector.broadcast %add3A_402 : i32 to vector<16xi32>
      %add3A_404 = arith.addi %iota3A, %add3A_403 : vector<16xi32>
      %mul3A_405 = arith.constant 2 : i32
      %mul3A_406 = vector.broadcast %mul3A_405 : i32 to vector<16xi32>
      %mul3A_407 = arith.muli %get3A_394, %mul3A_406 : vector<16xi32>
      %add3A_408 = arith.constant 0 : i32
      %add3A_409 = vector.broadcast %add3A_408 : i32 to vector<16xi32>
      %add3A_410 = arith.addi %mul3A_407, %add3A_409 : vector<16xi32>
      %gather3A_411 = tpu.vector_load_idx %arg10[%add3A_410] : memref<20032xf32, #tpu.memory_space<vmem>>[vector<16xi32>], vector<16xf32>,
      %mul3A_412 = arith.constant 2 : i32
      %mul3A_413 = vector.broadcast %mul3A_412 : i32 to vector<16xi32>
      %mul3A_414 = arith.muli %get3A_397, %mul3A_413 : vector<16xi32>
      %add3A_415 = arith.constant 0 : i32
      %add3A_416 = vector.broadcast %add3A_415 : i32 to vector<16xi32>
      %add3A_417 = arith.addi %mul3A_414, %add3A_416 : vector<16xi32>
      %gather3A_418 = tpu.vector_load_idx %arg11[%add3A_417] : memref<20032xf32, #tpu.memory_space<vmem>>[vector<16xi32>], vector<16xf32>,
      %add3A_419 = arith.addf %gather3A_411, %gather3A_418 : vector<16xf32>
      %mul3A_420 = arith.constant 2.000000e-01 : f32
      %mul3A_421 = vector.broadcast %mul3A_420 : f32 to vector<16xf32>
      %mul3A_422 = arith.mulf %mul3A_421, %add3A_419 : vector<16xf32>
      %max3A_423 = arith.maximumf %add3A_419, %mul3A_422 : vector<16xf32>
      %exp3A_424 = math.exp %max3A_423 : vector<16xf32>
      %mul3A_425 = arith.constant 2 : i32
      %mul3A_426 = vector.broadcast %mul3A_425 : i32 to vector<16xi32>
      %mul3A_427 = arith.muli %get3A_394, %mul3A_426 : vector<16xi32>
      %add3A_428 = arith.constant 1 : i32
      %add3A_429 = vector.broadcast %add3A_428 : i32 to vector<16xi32>
      %add3A_430 = arith.addi %mul3A_427, %add3A_429 : vector<16xi32>
      %gather3A_431 = tpu.vector_load_idx %arg10[%add3A_430] : memref<20032xf32, #tpu.memory_space<vmem>>[vector<16xi32>], vector<16xf32>,
      %mul3A_432 = arith.constant 2 : i32
      %mul3A_433 = vector.broadcast %mul3A_432 : i32 to vector<16xi32>
      %mul3A_434 = arith.muli %get3A_397, %mul3A_433 : vector<16xi32>
      %add3A_435 = arith.constant 1 : i32
      %add3A_436 = vector.broadcast %add3A_435 : i32 to vector<16xi32>
      %add3A_437 = arith.addi %mul3A_434, %add3A_436 : vector<16xi32>
      %gather3A_438 = tpu.vector_load_idx %arg11[%add3A_437] : memref<20032xf32, #tpu.memory_space<vmem>>[vector<16xi32>], vector<16xf32>,
      %add3A_439 = arith.addf %gather3A_431, %gather3A_438 : vector<16xf32>
      %mul3A_440 = arith.constant 2.000000e-01 : f32
      %mul3A_441 = vector.broadcast %mul3A_440 : f32 to vector<16xf32>
      %mul3A_442 = arith.mulf %mul3A_441, %add3A_439 : vector<16xf32>
      %max3A_443 = arith.maximumf %add3A_439, %mul3A_442 : vector<16xf32>
      %exp3A_444 = math.exp %max3A_443 : vector<16xf32>
      %swap3A_445 = arith.constant 96 : index
      %swap3A_446 = tpu.vector_load %arg19[%swap3A_445] {strides = array<i32>} : memref<128xf32, #tpu.memory_space<vmem>>, vector<16xf32>,
      tpu.vector_store %arg19[%swap3A_445], %exp3A_444 {strides = array<i32>} : memref<128xf32, #tpu.memory_space<vmem>>, vector<16xf32>,
      %get3A_447 = arith.index_cast %scan3A_65 : i32 to index
      %get3A_448 = arith.constant 112 : index
      %get3A_449 = tpu.vector_load %arg12[%get3A_447, %get3A_448] {strides = array<i32>} : memref<81x128xi32, #tpu.memory_space<vmem>>, vector<16xi32>,
      %get3A_450 = arith.index_cast %scan3A_65 : i32 to index
      %get3A_451 = arith.constant 112 : index
      %get3A_452 = tpu.vector_load %arg13[%get3A_450, %get3A_451] {strides = array<i32>} : memref<81x128xi32, #tpu.memory_space<vmem>>, vector<16xi32>,
      %swap3A_453 = arith.constant 112 : index
      %swap3A_454 = tpu.vector_load %arg14[%swap3A_453] {strides = array<i32>} : memref<128xi32, #tpu.memory_space<vmem>>, vector<16xi32>,
      tpu.vector_store %arg14[%swap3A_453], %get3A_449 {strides = array<i32>} : memref<128xi32, #tpu.memory_space<vmem>>, vector<16xi32>,
      %swap3A_455 = arith.constant 112 : index
      %swap3A_456 = tpu.vector_load %arg15[%swap3A_455] {strides = array<i32>} : memref<128xi32, #tpu.memory_space<vmem>>, vector<16xi32>,
      tpu.vector_store %arg15[%swap3A_455], %get3A_452 {strides = array<i32>} : memref<128xi32, #tpu.memory_space<vmem>>, vector<16xi32>,
      %add3A_457 = arith.constant 112 : i32
      %add3A_458 = vector.broadcast %add3A_457 : i32 to vector<16xi32>
      %add3A_459 = arith.addi %iota3A, %add3A_458 : vector<16xi32>
      %mul3A_460 = arith.constant 2 : i32
      %mul3A_461 = vector.broadcast %mul3A_460 : i32 to vector<16xi32>
      %mul3A_462 = arith.muli %get3A_449, %mul3A_461 : vector<16xi32>
      %add3A_463 = arith.constant 0 : i32
      %add3A_464 = vector.broadcast %add3A_463 : i32 to vector<16xi32>
      %add3A_465 = arith.addi %mul3A_462, %add3A_464 : vector<16xi32>
      %gather3A_466 = tpu.vector_load_idx %arg10[%add3A_465] : memref<20032xf32, #tpu.memory_space<vmem>>[vector<16xi32>], vector<16xf32>,
      %mul3A_467 = arith.constant 2 : i32
      %mul3A_468 = vector.broadcast %mul3A_467 : i32 to vector<16xi32>
      %mul3A_469 = arith.muli %get3A_452, %mul3A_468 : vector<16xi32>
      %add3A_470 = arith.constant 0 : i32
      %add3A_471 = vector.broadcast %add3A_470 : i32 to vector<16xi32>
      %add3A_472 = arith.addi %mul3A_469, %add3A_471 : vector<16xi32>
      %gather3A_473 = tpu.vector_load_idx %arg11[%add3A_472] : memref<20032xf32, #tpu.memory_space<vmem>>[vector<16xi32>], vector<16xf32>,
      %add3A_474 = arith.addf %gather3A_466, %gather3A_473 : vector<16xf32>
      %mul3A_475 = arith.constant 2.000000e-01 : f32
      %mul3A_476 = vector.broadcast %mul3A_475 : f32 to vector<16xf32>
      %mul3A_477 = arith.mulf %mul3A_476, %add3A_474 : vector<16xf32>
      %max3A_478 = arith.maximumf %add3A_474, %mul3A_477 : vector<16xf32>
      %exp3A_479 = math.exp %max3A_478 : vector<16xf32>
      %mul3A_480 = arith.constant 2 : i32
      %mul3A_481 = vector.broadcast %mul3A_480 : i32 to vector<16xi32>
      %mul3A_482 = arith.muli %get3A_449, %mul3A_481 : vector<16xi32>
      %add3A_483 = arith.constant 1 : i32
      %add3A_484 = vector.broadcast %add3A_483 : i32 to vector<16xi32>
      %add3A_485 = arith.addi %mul3A_482, %add3A_484 : vector<16xi32>
      %gather3A_486 = tpu.vector_load_idx %arg10[%add3A_485] : memref<20032xf32, #tpu.memory_space<vmem>>[vector<16xi32>], vector<16xf32>,
      %mul3A_487 = arith.constant 2 : i32
      %mul3A_488 = vector.broadcast %mul3A_487 : i32 to vector<16xi32>
      %mul3A_489 = arith.muli %get3A_452, %mul3A_488 : vector<16xi32>
      %add3A_490 = arith.constant 1 : i32
      %add3A_491 = vector.broadcast %add3A_490 : i32 to vector<16xi32>
      %add3A_492 = arith.addi %mul3A_489, %add3A_491 : vector<16xi32>
      %gather3A_493 = tpu.vector_load_idx %arg11[%add3A_492] : memref<20032xf32, #tpu.memory_space<vmem>>[vector<16xi32>], vector<16xf32>,
      %add3A_494 = arith.addf %gather3A_486, %gather3A_493 : vector<16xf32>
      %mul3A_495 = arith.constant 2.000000e-01 : f32
      %mul3A_496 = vector.broadcast %mul3A_495 : f32 to vector<16xf32>
      %mul3A_497 = arith.mulf %mul3A_496, %add3A_494 : vector<16xf32>
      %max3A_498 = arith.maximumf %add3A_494, %mul3A_497 : vector<16xf32>
      %exp3A_499 = math.exp %max3A_498 : vector<16xf32>
      %swap3A_500 = arith.constant 112 : index
      %swap3A_501 = tpu.vector_load %arg19[%swap3A_500] {strides = array<i32>} : memref<128xf32, #tpu.memory_space<vmem>>, vector<16xf32>,
      tpu.vector_store %arg19[%swap3A_500], %exp3A_499 {strides = array<i32>} : memref<128xf32, #tpu.memory_space<vmem>>, vector<16xf32>,
      %dma_start3A = arith.constant 0 : i32
      %dma_start3A_502 = arith.constant 0 : i32
      %dma_start3A_503 = tpu.memref_slice %arg3[%dma_start3A, %dma_start3A_502] : memref<10000x64xf32, #tpu.memory_space<hbm>> -> memref<10000x64xf32, #tpu.memory_space<hbm>>
      tpu.enqueue_indirect_dma source(%dma_start3A_503 : memref<10000x64xf32, #tpu.memory_space<hbm>>) target(%arg16 : memref<128x64xf32, #tpu.memory_space<vmem>>) offsets(%arg14 : memref<128xi32, #tpu.memory_space<vmem>>) semaphore(%arg22 : memref<!tpu.dma_semaphore, #tpu.memory_space<semaphore_mem>>)
      %dma_wait3A = arith.constant 0 : i32
      %dma_wait3A_504 = arith.constant 0 : i32
      %dma_wait3A_505 = tpu.memref_slice %arg3[%dma_wait3A, %dma_wait3A_504] : memref<10000x64xf32, #tpu.memory_space<hbm>> -> memref<10000x64xf32, #tpu.memory_space<hbm>>
      tpu.wait_indirect_dma semaphore(%arg22 : memref<!tpu.dma_semaphore, #tpu.memory_space<semaphore_mem>>) src(%dma_wait3A_505 : memref<10000x64xf32, #tpu.memory_space<hbm>>) dst(%arg16 : memref<128x64xf32, #tpu.memory_space<vmem>>)
      %scan3A_506 = arith.constant 0 : i32
      %scan3A_507 = arith.constant 0 : i32
      %scan3A_508 = arith.constant 128 : i32
      %scan3A_509 = arith.addi %scan3A_507, %scan3A_508 : i32
      %scan3A_510 = arith.constant 1 : i32
      %scan3A_511 = scf.for %scan3A_514 = %scan3A_507 to %scan3A_509 step %scan3A_510 iter_args(%scan3A_515 = %scan3A_506) -> (i32)  : i32 {
        %broadcast_in_dim3A_516 = vector.broadcast %scan3A_514 : i32 to vector<16xi32>
        %gather3A_517 = tpu.vector_load_idx %arg19[%broadcast_in_dim3A_516] : memref<128xf32, #tpu.memory_space<vmem>>[vector<16xi32>], vector<16xf32>,
        %get3A_518 = arith.index_cast %scan3A_514 : i32 to index
        %get3A_519 = arith.constant 0 : index
        %get3A_520 = tpu.vector_load %arg16[%get3A_518, %get3A_519] {strides = array<i32>} : memref<128x64xf32, #tpu.memory_space<vmem>>, vector<16xf32>,
        %mul3A_521 = arith.mulf %get3A_520, %gather3A_517 : vector<16xf32>
        %swap3A_522 = arith.index_cast %scan3A_514 : i32 to index
        %swap3A_523 = arith.constant 0 : index
        %swap3A_524 = tpu.vector_load %arg17[%swap3A_522, %swap3A_523] {strides = array<i32>} : memref<128x64xf32, #tpu.memory_space<vmem>>, vector<16xf32>,
        tpu.vector_store %arg17[%swap3A_522, %swap3A_523], %mul3A_521 {strides = array<i32>} : memref<128x64xf32, #tpu.memory_space<vmem>>, vector<16xf32>,
        %get3A_525 = arith.index_cast %scan3A_514 : i32 to index
        %get3A_526 = arith.constant 16 : index
        %get3A_527 = tpu.vector_load %arg16[%get3A_525, %get3A_526] {strides = array<i32>} : memref<128x64xf32, #tpu.memory_space<vmem>>, vector<16xf32>,
        %mul3A_528 = arith.mulf %get3A_527, %gather3A_517 : vector<16xf32>
        %swap3A_529 = arith.index_cast %scan3A_514 : i32 to index
        %swap3A_530 = arith.constant 16 : index
        %swap3A_531 = tpu.vector_load %arg17[%swap3A_529, %swap3A_530] {strides = array<i32>} : memref<128x64xf32, #tpu.memory_space<vmem>>, vector<16xf32>,
        tpu.vector_store %arg17[%swap3A_529, %swap3A_530], %mul3A_528 {strides = array<i32>} : memref<128x64xf32, #tpu.memory_space<vmem>>, vector<16xf32>,
        %get3A_532 = arith.index_cast %scan3A_514 : i32 to index
        %get3A_533 = arith.constant 32 : index
        %get3A_534 = tpu.vector_load %arg16[%get3A_532, %get3A_533] {strides = array<i32>} : memref<128x64xf32, #tpu.memory_space<vmem>>, vector<16xf32>,
        %mul3A_535 = arith.mulf %get3A_534, %gather3A_517 : vector<16xf32>
        %swap3A_536 = arith.index_cast %scan3A_514 : i32 to index
        %swap3A_537 = arith.constant 32 : index
        %swap3A_538 = tpu.vector_load %arg17[%swap3A_536, %swap3A_537] {strides = array<i32>} : memref<128x64xf32, #tpu.memory_space<vmem>>, vector<16xf32>,
        tpu.vector_store %arg17[%swap3A_536, %swap3A_537], %mul3A_535 {strides = array<i32>} : memref<128x64xf32, #tpu.memory_space<vmem>>, vector<16xf32>,
        %get3A_539 = arith.index_cast %scan3A_514 : i32 to index
        %get3A_540 = arith.constant 48 : index
        %get3A_541 = tpu.vector_load %arg16[%get3A_539, %get3A_540] {strides = array<i32>} : memref<128x64xf32, #tpu.memory_space<vmem>>, vector<16xf32>,
        %mul3A_542 = arith.mulf %get3A_541, %gather3A_517 : vector<16xf32>
        %swap3A_543 = arith.index_cast %scan3A_514 : i32 to index
        %swap3A_544 = arith.constant 48 : index
        %swap3A_545 = tpu.vector_load %arg17[%swap3A_543, %swap3A_544] {strides = array<i32>} : memref<128x64xf32, #tpu.memory_space<vmem>>, vector<16xf32>,
        tpu.vector_store %arg17[%swap3A_543, %swap3A_544], %mul3A_542 {strides = array<i32>} : memref<128x64xf32, #tpu.memory_space<vmem>>, vector<16xf32>,
        %scan3A_546 = arith.constant 0 : i32
        scf.yield %scan3A_546 : i32
      }
      %scan3A_512 = arith.constant 128 : i32
      "tpu.region"() ({
        %run_scoped3A_514 = tpu.sem_alloc : memref<!tpu.dma_semaphore, #tpu.memory_space<semaphore_mem>>
        %dma_start3A_515 = arith.constant 0 : i32
        %dma_start3A_516 = arith.constant 0 : i32
        %dma_start3A_517 = tpu.memref_slice %arg20[%dma_start3A_515, %dma_start3A_516] : memref<10240x64xf32, #tpu.memory_space<vmem_shared>> -> memref<10240x64xf32, #tpu.memory_space<vmem_shared>>
        tpu.enqueue_indirect_dma source(%arg17 : memref<128x64xf32, #tpu.memory_space<vmem>>) target(%dma_start3A_517 : memref<10240x64xf32, #tpu.memory_space<vmem_shared>>) offsets(%arg15 : memref<128xi32, #tpu.memory_space<vmem>>) semaphore(%run_scoped3A_514 : memref<!tpu.dma_semaphore, #tpu.memory_space<semaphore_mem>>) {add = true}
        %dma_wait3A_518 = arith.constant 0 : i32
        %dma_wait3A_519 = arith.constant 0 : i32
        %dma_wait3A_520 = tpu.memref_slice %arg20[%dma_wait3A_518, %dma_wait3A_519] : memref<10240x64xf32, #tpu.memory_space<vmem_shared>> -> memref<10240x64xf32, #tpu.memory_space<vmem_shared>>
        tpu.wait_indirect_dma semaphore(%run_scoped3A_514 : memref<!tpu.dma_semaphore, #tpu.memory_space<semaphore_mem>>) src(%arg17 : memref<128x64xf32, #tpu.memory_space<vmem>>) dst(%dma_wait3A_520 : memref<10240x64xf32, #tpu.memory_space<vmem_shared>>)
        tpu.yield
      }) : () -> ()
      %scan3A_513 = arith.constant 0 : i32
      scf.yield %scan3A_513 : i32
    }
    %scan3A_62 = arith.constant 81 : i32
    %barrier3A_63 = arith.constant 0 : index
    tpu.barrier barrier_id(%barrier3A_63)
    %run_scoped3A_64 = arith.constant 1 : i32
    "tpu.region"() ({
      %run_scoped3A_65 = tpu.sem_alloc : memref<!tpu.dma_semaphore, #tpu.memory_space<semaphore_mem>>
      %dma_start3A = arith.constant 0 : i32
      %dma_start3A_66 = tpu.memref_slice %arg8[%arg0, %run_scoped3A_64, %mul3A_3, %dma_start3A] : memref<2x2x10240x64xf32, #tpu.memory_space<hbm>> -> memref<1x1x640x64xf32, #tpu.memory_space<hbm>>
      %dma_start3A_67 = tpu.memref_squeeze %dma_start3A_66 : memref<1x1x640x64xf32, #tpu.memory_space<hbm>> -> memref<640x64xf32, #tpu.memory_space<hbm>>
      %dma_start3A_68 = arith.constant 0 : i32
      %dma_start3A_69 = tpu.memref_slice %arg20[%mul3A_3, %dma_start3A_68] : memref<10240x64xf32, #tpu.memory_space<vmem_shared>> -> memref<640x64xf32, #tpu.memory_space<vmem_shared>>
      tpu.enqueue_dma source(%dma_start3A_69 : memref<640x64xf32, #tpu.memory_space<vmem_shared>>) target(%dma_start3A_67 : memref<640x64xf32, #tpu.memory_space<hbm>>) target_semaphore(%run_scoped3A_65 : memref<!tpu.dma_semaphore, #tpu.memory_space<semaphore_mem>>)
      %dma_wait3A = arith.constant 0 : i32
      %dma_wait3A_70 = tpu.memref_slice %arg8[%arg0, %run_scoped3A_64, %mul3A_3, %dma_wait3A] : memref<2x2x10240x64xf32, #tpu.memory_space<hbm>> -> memref<1x1x640x64xf32, #tpu.memory_space<hbm>>
      %dma_wait3A_71 = tpu.memref_squeeze %dma_wait3A_70 : memref<1x1x640x64xf32, #tpu.memory_space<hbm>> -> memref<640x64xf32, #tpu.memory_space<hbm>>
      %dma_wait3A_72 = arith.constant 0 : i32
      %dma_wait3A_73 = tpu.memref_slice %arg20[%mul3A_3, %dma_wait3A_72] : memref<10240x64xf32, #tpu.memory_space<vmem_shared>> -> memref<640x64xf32, #tpu.memory_space<vmem_shared>>
      tpu.wait_dma2 semaphore(%run_scoped3A_65 : memref<!tpu.dma_semaphore, #tpu.memory_space<semaphore_mem>>) src(%dma_wait3A_73 : memref<640x64xf32, #tpu.memory_space<vmem_shared>>) dst(%dma_wait3A_71 : memref<640x64xf32, #tpu.memory_space<hbm>>)
      tpu.yield
    }) : () -> ()
    return
  }
}

#map = affine_map<(d0, d1) -> (0, 0)>
#map1 = affine_map<(d0, d1) -> (0)>
#map2 = affine_map<(d0, d1) -> (0, 0, 0)>
#map3 = affine_map<(d0, d1) -> (0, 0, 0, 0)>
module attributes {stable_mosaic.version = 14 : i64} {
  func.func @body(%arg0: i32, %arg1: i32, %arg2: memref<10000x64xf32, #tpu.memory_space<hbm>>, %arg3: memref<10000x64xf32, #tpu.memory_space<hbm>>, %arg4: memref<10016xf32, #tpu.memory_space<hbm>>, %arg5: memref<10016xf32, #tpu.memory_space<hbm>>, %arg6: memref<32x81x128xi32, #tpu.memory_space<hbm>>, %arg7: memref<32x81x128xi32, #tpu.memory_space<hbm>>, %arg8: memref<2x2x10240x64xf32, #tpu.memory_space<hbm>>, %arg9: memref<2x10240x16xf32, #tpu.memory_space<hbm>>, %arg10: memref<10016xf32, #tpu.memory_space<vmem>>, %arg11: memref<10016xf32, #tpu.memory_space<vmem>>, %arg12: memref<81x128xi32, #tpu.memory_space<vmem>>, %arg13: memref<81x128xi32, #tpu.memory_space<vmem>>, %arg14: memref<128xi32, #tpu.memory_space<vmem>>, %arg15: memref<128xi32, #tpu.memory_space<vmem>>, %arg16: memref<128x64xf32, #tpu.memory_space<vmem>>, %arg17: memref<128x64xf32, #tpu.memory_space<vmem>>, %arg18: memref<128x16xf32, #tpu.memory_space<vmem>>, %arg19: memref<128xf32, #tpu.memory_space<vmem>>, %arg20: memref<10240x64xf32, #tpu.memory_space<vmem_shared>>, %arg21: memref<10240x16xf32, #tpu.memory_space<vmem_shared>>, %arg22: memref<!tpu.dma_semaphore, #tpu.memory_space<semaphore_mem>>) attributes {dimension_semantics = [#tpu.dimension_semantics<core_parallel>, #tpu.dimension_semantics<subcore_parallel>], iteration_bounds = array<i64: 2, 16>, scalar_prefetch = 0 : i64, scratch_operands = 13 : i64, tpu.core_type = #tpu.core_type<sc_vector_subcore>, window_params = [{transform_indices = #map}, {transform_indices = #map}, {transform_indices = #map1}, {transform_indices = #map1}, {transform_indices = #map2}, {transform_indices = #map2}, {transform_indices = #map3}, {transform_indices = #map2}]} {
    %mul3A = arith.constant 2 : i32
    %mul3A_0 = arith.muli %arg1, %mul3A : i32
    %add3A = arith.addi %mul3A_0, %arg0 : i32
    "tpu.region"() ({
      %run_scoped3A_65 = tpu.sem_alloc : memref<!tpu.dma_semaphore, #tpu.memory_space<semaphore_mem>>
      tpu.enqueue_dma source(%arg4 : memref<10016xf32, #tpu.memory_space<hbm>>) target(%arg10 : memref<10016xf32, #tpu.memory_space<vmem>>) target_semaphore(%run_scoped3A_65 : memref<!tpu.dma_semaphore, #tpu.memory_space<semaphore_mem>>)
      tpu.wait_dma2 semaphore(%run_scoped3A_65 : memref<!tpu.dma_semaphore, #tpu.memory_space<semaphore_mem>>) src(%arg4 : memref<10016xf32, #tpu.memory_space<hbm>>) dst(%arg10 : memref<10016xf32, #tpu.memory_space<vmem>>)
      tpu.yield
    }) : () -> ()
    "tpu.region"() ({
      %run_scoped3A_65 = tpu.sem_alloc : memref<!tpu.dma_semaphore, #tpu.memory_space<semaphore_mem>>
      tpu.enqueue_dma source(%arg5 : memref<10016xf32, #tpu.memory_space<hbm>>) target(%arg11 : memref<10016xf32, #tpu.memory_space<vmem>>) target_semaphore(%run_scoped3A_65 : memref<!tpu.dma_semaphore, #tpu.memory_space<semaphore_mem>>)
      tpu.wait_dma2 semaphore(%run_scoped3A_65 : memref<!tpu.dma_semaphore, #tpu.memory_space<semaphore_mem>>) src(%arg5 : memref<10016xf32, #tpu.memory_space<hbm>>) dst(%arg11 : memref<10016xf32, #tpu.memory_space<vmem>>)
      tpu.yield
    }) : () -> ()
    "tpu.region"() ({
      %run_scoped3A_65 = tpu.sem_alloc : memref<!tpu.dma_semaphore, #tpu.memory_space<semaphore_mem>>
      %dma_start3A = arith.constant 0 : i32
      %dma_start3A_66 = arith.constant 0 : i32
      %dma_start3A_67 = tpu.memref_slice %arg6[%add3A, %dma_start3A, %dma_start3A_66] : memref<32x81x128xi32, #tpu.memory_space<hbm>> -> memref<1x81x128xi32, #tpu.memory_space<hbm>>
      %dma_start3A_68 = tpu.memref_squeeze %dma_start3A_67 : memref<1x81x128xi32, #tpu.memory_space<hbm>> -> memref<81x128xi32, #tpu.memory_space<hbm>>
      %dma_start3A_69 = arith.constant 0 : i32
      %dma_start3A_70 = arith.constant 0 : i32
      %dma_start3A_71 = tpu.memref_slice %arg6[%add3A, %dma_start3A_69, %dma_start3A_70] : memref<32x81x128xi32, #tpu.memory_space<hbm>> -> memref<1x81x128xi32, #tpu.memory_space<hbm>>
      %dma_start3A_72 = tpu.memref_squeeze %dma_start3A_71 : memref<1x81x128xi32, #tpu.memory_space<hbm>> -> memref<81x128xi32, #tpu.memory_space<hbm>>
      tpu.enqueue_dma source(%dma_start3A_72 : memref<81x128xi32, #tpu.memory_space<hbm>>) target(%arg12 : memref<81x128xi32, #tpu.memory_space<vmem>>) target_semaphore(%run_scoped3A_65 : memref<!tpu.dma_semaphore, #tpu.memory_space<semaphore_mem>>)
      %dma_wait3A = arith.constant 0 : i32
      %dma_wait3A_73 = arith.constant 0 : i32
      %dma_wait3A_74 = tpu.memref_slice %arg6[%add3A, %dma_wait3A, %dma_wait3A_73] : memref<32x81x128xi32, #tpu.memory_space<hbm>> -> memref<1x81x128xi32, #tpu.memory_space<hbm>>
      %dma_wait3A_75 = tpu.memref_squeeze %dma_wait3A_74 : memref<1x81x128xi32, #tpu.memory_space<hbm>> -> memref<81x128xi32, #tpu.memory_space<hbm>>
      %dma_wait3A_76 = arith.constant 0 : i32
      %dma_wait3A_77 = arith.constant 0 : i32
      %dma_wait3A_78 = tpu.memref_slice %arg6[%add3A, %dma_wait3A_76, %dma_wait3A_77] : memref<32x81x128xi32, #tpu.memory_space<hbm>> -> memref<1x81x128xi32, #tpu.memory_space<hbm>>
      %dma_wait3A_79 = tpu.memref_squeeze %dma_wait3A_78 : memref<1x81x128xi32, #tpu.memory_space<hbm>> -> memref<81x128xi32, #tpu.memory_space<hbm>>
      tpu.wait_dma2 semaphore(%run_scoped3A_65 : memref<!tpu.dma_semaphore, #tpu.memory_space<semaphore_mem>>) src(%dma_wait3A_79 : memref<81x128xi32, #tpu.memory_space<hbm>>) dst(%arg12 : memref<81x128xi32, #tpu.memory_space<vmem>>)
      tpu.yield
    }) : () -> ()
    "tpu.region"() ({
      %run_scoped3A_65 = tpu.sem_alloc : memref<!tpu.dma_semaphore, #tpu.memory_space<semaphore_mem>>
      %dma_start3A = arith.constant 0 : i32
      %dma_start3A_66 = arith.constant 0 : i32
      %dma_start3A_67 = tpu.memref_slice %arg7[%add3A, %dma_start3A, %dma_start3A_66] : memref<32x81x128xi32, #tpu.memory_space<hbm>> -> memref<1x81x128xi32, #tpu.memory_space<hbm>>
      %dma_start3A_68 = tpu.memref_squeeze %dma_start3A_67 : memref<1x81x128xi32, #tpu.memory_space<hbm>> -> memref<81x128xi32, #tpu.memory_space<hbm>>
      %dma_start3A_69 = arith.constant 0 : i32
      %dma_start3A_70 = arith.constant 0 : i32
      %dma_start3A_71 = tpu.memref_slice %arg7[%add3A, %dma_start3A_69, %dma_start3A_70] : memref<32x81x128xi32, #tpu.memory_space<hbm>> -> memref<1x81x128xi32, #tpu.memory_space<hbm>>
      %dma_start3A_72 = tpu.memref_squeeze %dma_start3A_71 : memref<1x81x128xi32, #tpu.memory_space<hbm>> -> memref<81x128xi32, #tpu.memory_space<hbm>>
      tpu.enqueue_dma source(%dma_start3A_72 : memref<81x128xi32, #tpu.memory_space<hbm>>) target(%arg13 : memref<81x128xi32, #tpu.memory_space<vmem>>) target_semaphore(%run_scoped3A_65 : memref<!tpu.dma_semaphore, #tpu.memory_space<semaphore_mem>>)
      %dma_wait3A = arith.constant 0 : i32
      %dma_wait3A_73 = arith.constant 0 : i32
      %dma_wait3A_74 = tpu.memref_slice %arg7[%add3A, %dma_wait3A, %dma_wait3A_73] : memref<32x81x128xi32, #tpu.memory_space<hbm>> -> memref<1x81x128xi32, #tpu.memory_space<hbm>>
      %dma_wait3A_75 = tpu.memref_squeeze %dma_wait3A_74 : memref<1x81x128xi32, #tpu.memory_space<hbm>> -> memref<81x128xi32, #tpu.memory_space<hbm>>
      %dma_wait3A_76 = arith.constant 0 : i32
      %dma_wait3A_77 = arith.constant 0 : i32
      %dma_wait3A_78 = tpu.memref_slice %arg7[%add3A, %dma_wait3A_76, %dma_wait3A_77] : memref<32x81x128xi32, #tpu.memory_space<hbm>> -> memref<1x81x128xi32, #tpu.memory_space<hbm>>
      %dma_wait3A_79 = tpu.memref_squeeze %dma_wait3A_78 : memref<1x81x128xi32, #tpu.memory_space<hbm>> -> memref<81x128xi32, #tpu.memory_space<hbm>>
      tpu.wait_dma2 semaphore(%run_scoped3A_65 : memref<!tpu.dma_semaphore, #tpu.memory_space<semaphore_mem>>) src(%dma_wait3A_79 : memref<81x128xi32, #tpu.memory_space<hbm>>) dst(%arg13 : memref<81x128xi32, #tpu.memory_space<vmem>>)
      tpu.yield
    }) : () -> ()
    %broadcast_in_dim3A = arith.constant 0.000000e+00 : f32
    %broadcast_in_dim3A_1 = vector.broadcast %broadcast_in_dim3A : f32 to vector<16xf32>
    %iota3A = tpu.iota {dimensions = array<i32: 0>} : vector<16xi32>
    %mul3A_2 = arith.constant 640 : i32
    %mul3A_3 = arith.muli %arg1, %mul3A_2 : i32
    %scan3A = arith.constant 0 : i32
    %scan3A_4 = arith.constant 0 : i32
    %scan3A_5 = arith.constant 128 : i32
    %scan3A_6 = arith.addi %scan3A_4, %scan3A_5 : i32
    %scan3A_7 = arith.constant 1 : i32
    %scan3A_8 = scf.for %scan3A_65 = %scan3A_4 to %scan3A_6 step %scan3A_7 iter_args(%scan3A_66 = %scan3A) -> (i32)  : i32 {
      %swap3A = arith.index_cast %scan3A_65 : i32 to index
      %swap3A_67 = arith.constant 0 : index
      %swap3A_68 = tpu.vector_load %arg17[%swap3A, %swap3A_67] {strides = array<i32>} : memref<128x64xf32, #tpu.memory_space<vmem>>, vector<16xf32>,
      tpu.vector_store %arg17[%swap3A, %swap3A_67], %broadcast_in_dim3A_1 {strides = array<i32>} : memref<128x64xf32, #tpu.memory_space<vmem>>, vector<16xf32>,
      %swap3A_69 = arith.index_cast %scan3A_65 : i32 to index
      %swap3A_70 = arith.constant 16 : index
      %swap3A_71 = tpu.vector_load %arg17[%swap3A_69, %swap3A_70] {strides = array<i32>} : memref<128x64xf32, #tpu.memory_space<vmem>>, vector<16xf32>,
      tpu.vector_store %arg17[%swap3A_69, %swap3A_70], %broadcast_in_dim3A_1 {strides = array<i32>} : memref<128x64xf32, #tpu.memory_space<vmem>>, vector<16xf32>,
      %swap3A_72 = arith.index_cast %scan3A_65 : i32 to index
      %swap3A_73 = arith.constant 32 : index
      %swap3A_74 = tpu.vector_load %arg17[%swap3A_72, %swap3A_73] {strides = array<i32>} : memref<128x64xf32, #tpu.memory_space<vmem>>, vector<16xf32>,
      tpu.vector_store %arg17[%swap3A_72, %swap3A_73], %broadcast_in_dim3A_1 {strides = array<i32>} : memref<128x64xf32, #tpu.memory_space<vmem>>, vector<16xf32>,
      %swap3A_75 = arith.index_cast %scan3A_65 : i32 to index
      %swap3A_76 = arith.constant 48 : index
      %swap3A_77 = tpu.vector_load %arg17[%swap3A_75, %swap3A_76] {strides = array<i32>} : memref<128x64xf32, #tpu.memory_space<vmem>>, vector<16xf32>,
      tpu.vector_store %arg17[%swap3A_75, %swap3A_76], %broadcast_in_dim3A_1 {strides = array<i32>} : memref<128x64xf32, #tpu.memory_space<vmem>>, vector<16xf32>,
      %swap3A_78 = arith.index_cast %scan3A_65 : i32 to index
      %swap3A_79 = arith.constant 0 : index
      %swap3A_80 = tpu.vector_load %arg18[%swap3A_78, %swap3A_79] {strides = array<i32>} : memref<128x16xf32, #tpu.memory_space<vmem>>, vector<16xf32>,
      tpu.vector_store %arg18[%swap3A_78, %swap3A_79], %broadcast_in_dim3A_1 {strides = array<i32>} : memref<128x16xf32, #tpu.memory_space<vmem>>, vector<16xf32>,
      %scan3A_81 = arith.constant 0 : i32
      scf.yield %scan3A_81 : i32
    }
    %scan3A_9 = arith.constant 128 : i32
    %add3A_10 = arith.constant 0 : i32
    %add3A_11 = arith.addi %mul3A_3, %add3A_10 : i32
    "tpu.region"() ({
      %run_scoped3A_65 = tpu.sem_alloc : memref<!tpu.dma_semaphore, #tpu.memory_space<semaphore_mem>>
      %dma_start3A = arith.constant 0 : i32
      %dma_start3A_66 = tpu.memref_slice %arg20[%add3A_11, %dma_start3A] : memref<10240x64xf32, #tpu.memory_space<vmem_shared>> -> memref<128x64xf32, #tpu.memory_space<vmem_shared>>
      %dma_start3A_67 = arith.constant 0 : i32
      %dma_start3A_68 = tpu.memref_slice %arg20[%add3A_11, %dma_start3A_67] : memref<10240x64xf32, #tpu.memory_space<vmem_shared>> -> memref<128x64xf32, #tpu.memory_space<vmem_shared>>
      tpu.enqueue_dma source(%arg17 : memref<128x64xf32, #tpu.memory_space<vmem>>) target(%dma_start3A_68 : memref<128x64xf32, #tpu.memory_space<vmem_shared>>) target_semaphore(%run_scoped3A_65 : memref<!tpu.dma_semaphore, #tpu.memory_space<semaphore_mem>>)
      %dma_wait3A = arith.constant 0 : i32
      %dma_wait3A_69 = tpu.memref_slice %arg20[%add3A_11, %dma_wait3A] : memref<10240x64xf32, #tpu.memory_space<vmem_shared>> -> memref<128x64xf32, #tpu.memory_space<vmem_shared>>
      %dma_wait3A_70 = arith.constant 0 : i32
      %dma_wait3A_71 = tpu.memref_slice %arg20[%add3A_11, %dma_wait3A_70] : memref<10240x64xf32, #tpu.memory_space<vmem_shared>> -> memref<128x64xf32, #tpu.memory_space<vmem_shared>>
      tpu.wait_dma2 semaphore(%run_scoped3A_65 : memref<!tpu.dma_semaphore, #tpu.memory_space<semaphore_mem>>) src(%arg17 : memref<128x64xf32, #tpu.memory_space<vmem>>) dst(%dma_wait3A_71 : memref<128x64xf32, #tpu.memory_space<vmem_shared>>)
      tpu.yield
    }) : () -> ()
    %add3A_12 = arith.constant 0 : i32
    %add3A_13 = arith.addi %mul3A_3, %add3A_12 : i32
    "tpu.region"() ({
      %run_scoped3A_65 = tpu.sem_alloc : memref<!tpu.dma_semaphore, #tpu.memory_space<semaphore_mem>>
      %dma_start3A = arith.constant 0 : i32
      %dma_start3A_66 = tpu.memref_slice %arg21[%add3A_13, %dma_start3A] : memref<10240x16xf32, #tpu.memory_space<vmem_shared>> -> memref<128x16xf32, #tpu.memory_space<vmem_shared>>
      %dma_start3A_67 = arith.constant 0 : i32
      %dma_start3A_68 = tpu.memref_slice %arg21[%add3A_13, %dma_start3A_67] : memref<10240x16xf32, #tpu.memory_space<vmem_shared>> -> memref<128x16xf32, #tpu.memory_space<vmem_shared>>
      tpu.enqueue_dma source(%arg18 : memref<128x16xf32, #tpu.memory_space<vmem>>) target(%dma_start3A_68 : memref<128x16xf32, #tpu.memory_space<vmem_shared>>) target_semaphore(%run_scoped3A_65 : memref<!tpu.dma_semaphore, #tpu.memory_space<semaphore_mem>>)
      %dma_wait3A = arith.constant 0 : i32
      %dma_wait3A_69 = tpu.memref_slice %arg21[%add3A_13, %dma_wait3A] : memref<10240x16xf32, #tpu.memory_space<vmem_shared>> -> memref<128x16xf32, #tpu.memory_space<vmem_shared>>
      %dma_wait3A_70 = arith.constant 0 : i32
      %dma_wait3A_71 = tpu.memref_slice %arg21[%add3A_13, %dma_wait3A_70] : memref<10240x16xf32, #tpu.memory_space<vmem_shared>> -> memref<128x16xf32, #tpu.memory_space<vmem_shared>>
      tpu.wait_dma2 semaphore(%run_scoped3A_65 : memref<!tpu.dma_semaphore, #tpu.memory_space<semaphore_mem>>) src(%arg18 : memref<128x16xf32, #tpu.memory_space<vmem>>) dst(%dma_wait3A_71 : memref<128x16xf32, #tpu.memory_space<vmem_shared>>)
      tpu.yield
    }) : () -> ()
    %add3A_14 = arith.constant 128 : i32
    %add3A_15 = arith.addi %mul3A_3, %add3A_14 : i32
    "tpu.region"() ({
      %run_scoped3A_65 = tpu.sem_alloc : memref<!tpu.dma_semaphore, #tpu.memory_space<semaphore_mem>>
      %dma_start3A = arith.constant 0 : i32
      %dma_start3A_66 = tpu.memref_slice %arg20[%add3A_15, %dma_start3A] : memref<10240x64xf32, #tpu.memory_space<vmem_shared>> -> memref<128x64xf32, #tpu.memory_space<vmem_shared>>
      %dma_start3A_67 = arith.constant 0 : i32
      %dma_start3A_68 = tpu.memref_slice %arg20[%add3A_15, %dma_start3A_67] : memref<10240x64xf32, #tpu.memory_space<vmem_shared>> -> memref<128x64xf32, #tpu.memory_space<vmem_shared>>
      tpu.enqueue_dma source(%arg17 : memref<128x64xf32, #tpu.memory_space<vmem>>) target(%dma_start3A_68 : memref<128x64xf32, #tpu.memory_space<vmem_shared>>) target_semaphore(%run_scoped3A_65 : memref<!tpu.dma_semaphore, #tpu.memory_space<semaphore_mem>>)
      %dma_wait3A = arith.constant 0 : i32
      %dma_wait3A_69 = tpu.memref_slice %arg20[%add3A_15, %dma_wait3A] : memref<10240x64xf32, #tpu.memory_space<vmem_shared>> -> memref<128x64xf32, #tpu.memory_space<vmem_shared>>
      %dma_wait3A_70 = arith.constant 0 : i32
      %dma_wait3A_71 = tpu.memref_slice %arg20[%add3A_15, %dma_wait3A_70] : memref<10240x64xf32, #tpu.memory_space<vmem_shared>> -> memref<128x64xf32, #tpu.memory_space<vmem_shared>>
      tpu.wait_dma2 semaphore(%run_scoped3A_65 : memref<!tpu.dma_semaphore, #tpu.memory_space<semaphore_mem>>) src(%arg17 : memref<128x64xf32, #tpu.memory_space<vmem>>) dst(%dma_wait3A_71 : memref<128x64xf32, #tpu.memory_space<vmem_shared>>)
      tpu.yield
    }) : () -> ()
    %add3A_16 = arith.constant 128 : i32
    %add3A_17 = arith.addi %mul3A_3, %add3A_16 : i32
    "tpu.region"() ({
      %run_scoped3A_65 = tpu.sem_alloc : memref<!tpu.dma_semaphore, #tpu.memory_space<semaphore_mem>>
      %dma_start3A = arith.constant 0 : i32
      %dma_start3A_66 = tpu.memref_slice %arg21[%add3A_17, %dma_start3A] : memref<10240x16xf32, #tpu.memory_space<vmem_shared>> -> memref<128x16xf32, #tpu.memory_space<vmem_shared>>
      %dma_start3A_67 = arith.constant 0 : i32
      %dma_start3A_68 = tpu.memref_slice %arg21[%add3A_17, %dma_start3A_67] : memref<10240x16xf32, #tpu.memory_space<vmem_shared>> -> memref<128x16xf32, #tpu.memory_space<vmem_shared>>
      tpu.enqueue_dma source(%arg18 : memref<128x16xf32, #tpu.memory_space<vmem>>) target(%dma_start3A_68 : memref<128x16xf32, #tpu.memory_space<vmem_shared>>) target_semaphore(%run_scoped3A_65 : memref<!tpu.dma_semaphore, #tpu.memory_space<semaphore_mem>>)
      %dma_wait3A = arith.constant 0 : i32
      %dma_wait3A_69 = tpu.memref_slice %arg21[%add3A_17, %dma_wait3A] : memref<10240x16xf32, #tpu.memory_space<vmem_shared>> -> memref<128x16xf32, #tpu.memory_space<vmem_shared>>
      %dma_wait3A_70 = arith.constant 0 : i32
      %dma_wait3A_71 = tpu.memref_slice %arg21[%add3A_17, %dma_wait3A_70] : memref<10240x16xf32, #tpu.memory_space<vmem_shared>> -> memref<128x16xf32, #tpu.memory_space<vmem_shared>>
      tpu.wait_dma2 semaphore(%run_scoped3A_65 : memref<!tpu.dma_semaphore, #tpu.memory_space<semaphore_mem>>) src(%arg18 : memref<128x16xf32, #tpu.memory_space<vmem>>) dst(%dma_wait3A_71 : memref<128x16xf32, #tpu.memory_space<vmem_shared>>)
      tpu.yield
    }) : () -> ()
    %add3A_18 = arith.constant 256 : i32
    %add3A_19 = arith.addi %mul3A_3, %add3A_18 : i32
    "tpu.region"() ({
      %run_scoped3A_65 = tpu.sem_alloc : memref<!tpu.dma_semaphore, #tpu.memory_space<semaphore_mem>>
      %dma_start3A = arith.constant 0 : i32
      %dma_start3A_66 = tpu.memref_slice %arg20[%add3A_19, %dma_start3A] : memref<10240x64xf32, #tpu.memory_space<vmem_shared>> -> memref<128x64xf32, #tpu.memory_space<vmem_shared>>
      %dma_start3A_67 = arith.constant 0 : i32
      %dma_start3A_68 = tpu.memref_slice %arg20[%add3A_19, %dma_start3A_67] : memref<10240x64xf32, #tpu.memory_space<vmem_shared>> -> memref<128x64xf32, #tpu.memory_space<vmem_shared>>
      tpu.enqueue_dma source(%arg17 : memref<128x64xf32, #tpu.memory_space<vmem>>) target(%dma_start3A_68 : memref<128x64xf32, #tpu.memory_space<vmem_shared>>) target_semaphore(%run_scoped3A_65 : memref<!tpu.dma_semaphore, #tpu.memory_space<semaphore_mem>>)
      %dma_wait3A = arith.constant 0 : i32
      %dma_wait3A_69 = tpu.memref_slice %arg20[%add3A_19, %dma_wait3A] : memref<10240x64xf32, #tpu.memory_space<vmem_shared>> -> memref<128x64xf32, #tpu.memory_space<vmem_shared>>
      %dma_wait3A_70 = arith.constant 0 : i32
      %dma_wait3A_71 = tpu.memref_slice %arg20[%add3A_19, %dma_wait3A_70] : memref<10240x64xf32, #tpu.memory_space<vmem_shared>> -> memref<128x64xf32, #tpu.memory_space<vmem_shared>>
      tpu.wait_dma2 semaphore(%run_scoped3A_65 : memref<!tpu.dma_semaphore, #tpu.memory_space<semaphore_mem>>) src(%arg17 : memref<128x64xf32, #tpu.memory_space<vmem>>) dst(%dma_wait3A_71 : memref<128x64xf32, #tpu.memory_space<vmem_shared>>)
      tpu.yield
    }) : () -> ()
    %add3A_20 = arith.constant 256 : i32
    %add3A_21 = arith.addi %mul3A_3, %add3A_20 : i32
    "tpu.region"() ({
      %run_scoped3A_65 = tpu.sem_alloc : memref<!tpu.dma_semaphore, #tpu.memory_space<semaphore_mem>>
      %dma_start3A = arith.constant 0 : i32
      %dma_start3A_66 = tpu.memref_slice %arg21[%add3A_21, %dma_start3A] : memref<10240x16xf32, #tpu.memory_space<vmem_shared>> -> memref<128x16xf32, #tpu.memory_space<vmem_shared>>
      %dma_start3A_67 = arith.constant 0 : i32
      %dma_start3A_68 = tpu.memref_slice %arg21[%add3A_21, %dma_start3A_67] : memref<10240x16xf32, #tpu.memory_space<vmem_shared>> -> memref<128x16xf32, #tpu.memory_space<vmem_shared>>
      tpu.enqueue_dma source(%arg18 : memref<128x16xf32, #tpu.memory_space<vmem>>) target(%dma_start3A_68 : memref<128x16xf32, #tpu.memory_space<vmem_shared>>) target_semaphore(%run_scoped3A_65 : memref<!tpu.dma_semaphore, #tpu.memory_space<semaphore_mem>>)
      %dma_wait3A = arith.constant 0 : i32
      %dma_wait3A_69 = tpu.memref_slice %arg21[%add3A_21, %dma_wait3A] : memref<10240x16xf32, #tpu.memory_space<vmem_shared>> -> memref<128x16xf32, #tpu.memory_space<vmem_shared>>
      %dma_wait3A_70 = arith.constant 0 : i32
      %dma_wait3A_71 = tpu.memref_slice %arg21[%add3A_21, %dma_wait3A_70] : memref<10240x16xf32, #tpu.memory_space<vmem_shared>> -> memref<128x16xf32, #tpu.memory_space<vmem_shared>>
      tpu.wait_dma2 semaphore(%run_scoped3A_65 : memref<!tpu.dma_semaphore, #tpu.memory_space<semaphore_mem>>) src(%arg18 : memref<128x16xf32, #tpu.memory_space<vmem>>) dst(%dma_wait3A_71 : memref<128x16xf32, #tpu.memory_space<vmem_shared>>)
      tpu.yield
    }) : () -> ()
    %add3A_22 = arith.constant 384 : i32
    %add3A_23 = arith.addi %mul3A_3, %add3A_22 : i32
    "tpu.region"() ({
      %run_scoped3A_65 = tpu.sem_alloc : memref<!tpu.dma_semaphore, #tpu.memory_space<semaphore_mem>>
      %dma_start3A = arith.constant 0 : i32
      %dma_start3A_66 = tpu.memref_slice %arg20[%add3A_23, %dma_start3A] : memref<10240x64xf32, #tpu.memory_space<vmem_shared>> -> memref<128x64xf32, #tpu.memory_space<vmem_shared>>
      %dma_start3A_67 = arith.constant 0 : i32
      %dma_start3A_68 = tpu.memref_slice %arg20[%add3A_23, %dma_start3A_67] : memref<10240x64xf32, #tpu.memory_space<vmem_shared>> -> memref<128x64xf32, #tpu.memory_space<vmem_shared>>
      tpu.enqueue_dma source(%arg17 : memref<128x64xf32, #tpu.memory_space<vmem>>) target(%dma_start3A_68 : memref<128x64xf32, #tpu.memory_space<vmem_shared>>) target_semaphore(%run_scoped3A_65 : memref<!tpu.dma_semaphore, #tpu.memory_space<semaphore_mem>>)
      %dma_wait3A = arith.constant 0 : i32
      %dma_wait3A_69 = tpu.memref_slice %arg20[%add3A_23, %dma_wait3A] : memref<10240x64xf32, #tpu.memory_space<vmem_shared>> -> memref<128x64xf32, #tpu.memory_space<vmem_shared>>
      %dma_wait3A_70 = arith.constant 0 : i32
      %dma_wait3A_71 = tpu.memref_slice %arg20[%add3A_23, %dma_wait3A_70] : memref<10240x64xf32, #tpu.memory_space<vmem_shared>> -> memref<128x64xf32, #tpu.memory_space<vmem_shared>>
      tpu.wait_dma2 semaphore(%run_scoped3A_65 : memref<!tpu.dma_semaphore, #tpu.memory_space<semaphore_mem>>) src(%arg17 : memref<128x64xf32, #tpu.memory_space<vmem>>) dst(%dma_wait3A_71 : memref<128x64xf32, #tpu.memory_space<vmem_shared>>)
      tpu.yield
    }) : () -> ()
    %add3A_24 = arith.constant 384 : i32
    %add3A_25 = arith.addi %mul3A_3, %add3A_24 : i32
    "tpu.region"() ({
      %run_scoped3A_65 = tpu.sem_alloc : memref<!tpu.dma_semaphore, #tpu.memory_space<semaphore_mem>>
      %dma_start3A = arith.constant 0 : i32
      %dma_start3A_66 = tpu.memref_slice %arg21[%add3A_25, %dma_start3A] : memref<10240x16xf32, #tpu.memory_space<vmem_shared>> -> memref<128x16xf32, #tpu.memory_space<vmem_shared>>
      %dma_start3A_67 = arith.constant 0 : i32
      %dma_start3A_68 = tpu.memref_slice %arg21[%add3A_25, %dma_start3A_67] : memref<10240x16xf32, #tpu.memory_space<vmem_shared>> -> memref<128x16xf32, #tpu.memory_space<vmem_shared>>
      tpu.enqueue_dma source(%arg18 : memref<128x16xf32, #tpu.memory_space<vmem>>) target(%dma_start3A_68 : memref<128x16xf32, #tpu.memory_space<vmem_shared>>) target_semaphore(%run_scoped3A_65 : memref<!tpu.dma_semaphore, #tpu.memory_space<semaphore_mem>>)
      %dma_wait3A = arith.constant 0 : i32
      %dma_wait3A_69 = tpu.memref_slice %arg21[%add3A_25, %dma_wait3A] : memref<10240x16xf32, #tpu.memory_space<vmem_shared>> -> memref<128x16xf32, #tpu.memory_space<vmem_shared>>
      %dma_wait3A_70 = arith.constant 0 : i32
      %dma_wait3A_71 = tpu.memref_slice %arg21[%add3A_25, %dma_wait3A_70] : memref<10240x16xf32, #tpu.memory_space<vmem_shared>> -> memref<128x16xf32, #tpu.memory_space<vmem_shared>>
      tpu.wait_dma2 semaphore(%run_scoped3A_65 : memref<!tpu.dma_semaphore, #tpu.memory_space<semaphore_mem>>) src(%arg18 : memref<128x16xf32, #tpu.memory_space<vmem>>) dst(%dma_wait3A_71 : memref<128x16xf32, #tpu.memory_space<vmem_shared>>)
      tpu.yield
    }) : () -> ()
    %add3A_26 = arith.constant 512 : i32
    %add3A_27 = arith.addi %mul3A_3, %add3A_26 : i32
    "tpu.region"() ({
      %run_scoped3A_65 = tpu.sem_alloc : memref<!tpu.dma_semaphore, #tpu.memory_space<semaphore_mem>>
      %dma_start3A = arith.constant 0 : i32
      %dma_start3A_66 = tpu.memref_slice %arg20[%add3A_27, %dma_start3A] : memref<10240x64xf32, #tpu.memory_space<vmem_shared>> -> memref<128x64xf32, #tpu.memory_space<vmem_shared>>
      %dma_start3A_67 = arith.constant 0 : i32
      %dma_start3A_68 = tpu.memref_slice %arg20[%add3A_27, %dma_start3A_67] : memref<10240x64xf32, #tpu.memory_space<vmem_shared>> -> memref<128x64xf32, #tpu.memory_space<vmem_shared>>
      tpu.enqueue_dma source(%arg17 : memref<128x64xf32, #tpu.memory_space<vmem>>) target(%dma_start3A_68 : memref<128x64xf32, #tpu.memory_space<vmem_shared>>) target_semaphore(%run_scoped3A_65 : memref<!tpu.dma_semaphore, #tpu.memory_space<semaphore_mem>>)
      %dma_wait3A = arith.constant 0 : i32
      %dma_wait3A_69 = tpu.memref_slice %arg20[%add3A_27, %dma_wait3A] : memref<10240x64xf32, #tpu.memory_space<vmem_shared>> -> memref<128x64xf32, #tpu.memory_space<vmem_shared>>
      %dma_wait3A_70 = arith.constant 0 : i32
      %dma_wait3A_71 = tpu.memref_slice %arg20[%add3A_27, %dma_wait3A_70] : memref<10240x64xf32, #tpu.memory_space<vmem_shared>> -> memref<128x64xf32, #tpu.memory_space<vmem_shared>>
      tpu.wait_dma2 semaphore(%run_scoped3A_65 : memref<!tpu.dma_semaphore, #tpu.memory_space<semaphore_mem>>) src(%arg17 : memref<128x64xf32, #tpu.memory_space<vmem>>) dst(%dma_wait3A_71 : memref<128x64xf32, #tpu.memory_space<vmem_shared>>)
      tpu.yield
    }) : () -> ()
    %add3A_28 = arith.constant 512 : i32
    %add3A_29 = arith.addi %mul3A_3, %add3A_28 : i32
    "tpu.region"() ({
      %run_scoped3A_65 = tpu.sem_alloc : memref<!tpu.dma_semaphore, #tpu.memory_space<semaphore_mem>>
      %dma_start3A = arith.constant 0 : i32
      %dma_start3A_66 = tpu.memref_slice %arg21[%add3A_29, %dma_start3A] : memref<10240x16xf32, #tpu.memory_space<vmem_shared>> -> memref<128x16xf32, #tpu.memory_space<vmem_shared>>
      %dma_start3A_67 = arith.constant 0 : i32
      %dma_start3A_68 = tpu.memref_slice %arg21[%add3A_29, %dma_start3A_67] : memref<10240x16xf32, #tpu.memory_space<vmem_shared>> -> memref<128x16xf32, #tpu.memory_space<vmem_shared>>
      tpu.enqueue_dma source(%arg18 : memref<128x16xf32, #tpu.memory_space<vmem>>) target(%dma_start3A_68 : memref<128x16xf32, #tpu.memory_space<vmem_shared>>) target_semaphore(%run_scoped3A_65 : memref<!tpu.dma_semaphore, #tpu.memory_space<semaphore_mem>>)
      %dma_wait3A = arith.constant 0 : i32
      %dma_wait3A_69 = tpu.memref_slice %arg21[%add3A_29, %dma_wait3A] : memref<10240x16xf32, #tpu.memory_space<vmem_shared>> -> memref<128x16xf32, #tpu.memory_space<vmem_shared>>
      %dma_wait3A_70 = arith.constant 0 : i32
      %dma_wait3A_71 = tpu.memref_slice %arg21[%add3A_29, %dma_wait3A_70] : memref<10240x16xf32, #tpu.memory_space<vmem_shared>> -> memref<128x16xf32, #tpu.memory_space<vmem_shared>>
      tpu.wait_dma2 semaphore(%run_scoped3A_65 : memref<!tpu.dma_semaphore, #tpu.memory_space<semaphore_mem>>) src(%arg18 : memref<128x16xf32, #tpu.memory_space<vmem>>) dst(%dma_wait3A_71 : memref<128x16xf32, #tpu.memory_space<vmem_shared>>)
      tpu.yield
    }) : () -> ()
    %barrier3A = arith.constant 0 : index
    tpu.barrier barrier_id(%barrier3A)
    %scan3A_30 = arith.constant 0 : i32
    %scan3A_31 = arith.constant 0 : i32
    %scan3A_32 = arith.constant 81 : i32
    %scan3A_33 = arith.addi %scan3A_31, %scan3A_32 : i32
    %scan3A_34 = arith.constant 1 : i32
    %scan3A_35 = scf.for %scan3A_65 = %scan3A_31 to %scan3A_33 step %scan3A_34 iter_args(%scan3A_66 = %scan3A_30) -> (i32)  : i32 {
      %get3A = arith.index_cast %scan3A_65 : i32 to index
      %get3A_67 = arith.constant 0 : index
      %get3A_68 = tpu.vector_load %arg12[%get3A, %get3A_67] {strides = array<i32>} : memref<81x128xi32, #tpu.memory_space<vmem>>, vector<16xi32>,
      %get3A_69 = arith.index_cast %scan3A_65 : i32 to index
      %get3A_70 = arith.constant 0 : index
      %get3A_71 = tpu.vector_load %arg13[%get3A_69, %get3A_70] {strides = array<i32>} : memref<81x128xi32, #tpu.memory_space<vmem>>, vector<16xi32>,
      %swap3A = arith.constant 0 : index
      %swap3A_72 = tpu.vector_load %arg14[%swap3A] {strides = array<i32>} : memref<128xi32, #tpu.memory_space<vmem>>, vector<16xi32>,
      tpu.vector_store %arg14[%swap3A], %get3A_68 {strides = array<i32>} : memref<128xi32, #tpu.memory_space<vmem>>, vector<16xi32>,
      %swap3A_73 = arith.constant 0 : index
      %swap3A_74 = tpu.vector_load %arg15[%swap3A_73] {strides = array<i32>} : memref<128xi32, #tpu.memory_space<vmem>>, vector<16xi32>,
      tpu.vector_store %arg15[%swap3A_73], %get3A_71 {strides = array<i32>} : memref<128xi32, #tpu.memory_space<vmem>>, vector<16xi32>,
      %add3A_75 = arith.constant 0 : i32
      %add3A_76 = vector.broadcast %add3A_75 : i32 to vector<16xi32>
      %add3A_77 = arith.addi %iota3A, %add3A_76 : vector<16xi32>
      %mul3A_78 = arith.constant 1 : i32
      %mul3A_79 = vector.broadcast %mul3A_78 : i32 to vector<16xi32>
      %mul3A_80 = arith.muli %get3A_68, %mul3A_79 : vector<16xi32>
      %add3A_81 = arith.constant 0 : i32
      %add3A_82 = vector.broadcast %add3A_81 : i32 to vector<16xi32>
      %add3A_83 = arith.addi %mul3A_80, %add3A_82 : vector<16xi32>
      %gather3A = tpu.vector_load_idx %arg10[%add3A_83] : memref<10016xf32, #tpu.memory_space<vmem>>[vector<16xi32>], vector<16xf32>,
      %mul3A_84 = arith.constant 1 : i32
      %mul3A_85 = vector.broadcast %mul3A_84 : i32 to vector<16xi32>
      %mul3A_86 = arith.muli %get3A_71, %mul3A_85 : vector<16xi32>
      %add3A_87 = arith.constant 0 : i32
      %add3A_88 = vector.broadcast %add3A_87 : i32 to vector<16xi32>
      %add3A_89 = arith.addi %mul3A_86, %add3A_88 : vector<16xi32>
      %gather3A_90 = tpu.vector_load_idx %arg11[%add3A_89] : memref<10016xf32, #tpu.memory_space<vmem>>[vector<16xi32>], vector<16xf32>,
      %add3A_91 = arith.addf %gather3A, %gather3A_90 : vector<16xf32>
      %mul3A_92 = arith.constant 2.000000e-01 : f32
      %mul3A_93 = vector.broadcast %mul3A_92 : f32 to vector<16xf32>
      %mul3A_94 = arith.mulf %mul3A_93, %add3A_91 : vector<16xf32>
      %max3A = arith.maximumf %add3A_91, %mul3A_94 : vector<16xf32>
      %exp3A = math.exp %max3A : vector<16xf32>
      %swap3A_95 = arith.constant 0 : index
      %swap3A_96 = tpu.vector_load %arg19[%swap3A_95] {strides = array<i32>} : memref<128xf32, #tpu.memory_space<vmem>>, vector<16xf32>,
      tpu.vector_store %arg19[%swap3A_95], %exp3A {strides = array<i32>} : memref<128xf32, #tpu.memory_space<vmem>>, vector<16xf32>,
      %broadcast_in_dim3A_97 = arith.constant 0 : i32
      %broadcast_in_dim3A_98 = vector.broadcast %broadcast_in_dim3A_97 : i32 to vector<16xi32>
      tpu.vector_store_idx %arg18[%add3A_77, %broadcast_in_dim3A_98], %exp3A : memref<128x16xf32, #tpu.memory_space<vmem>>[vector<16xi32>, vector<16xi32>], vector<16xf32>,
      %get3A_99 = arith.index_cast %scan3A_65 : i32 to index
      %get3A_100 = arith.constant 16 : index
      %get3A_101 = tpu.vector_load %arg12[%get3A_99, %get3A_100] {strides = array<i32>} : memref<81x128xi32, #tpu.memory_space<vmem>>, vector<16xi32>,
      %get3A_102 = arith.index_cast %scan3A_65 : i32 to index
      %get3A_103 = arith.constant 16 : index
      %get3A_104 = tpu.vector_load %arg13[%get3A_102, %get3A_103] {strides = array<i32>} : memref<81x128xi32, #tpu.memory_space<vmem>>, vector<16xi32>,
      %swap3A_105 = arith.constant 16 : index
      %swap3A_106 = tpu.vector_load %arg14[%swap3A_105] {strides = array<i32>} : memref<128xi32, #tpu.memory_space<vmem>>, vector<16xi32>,
      tpu.vector_store %arg14[%swap3A_105], %get3A_101 {strides = array<i32>} : memref<128xi32, #tpu.memory_space<vmem>>, vector<16xi32>,
      %swap3A_107 = arith.constant 16 : index
      %swap3A_108 = tpu.vector_load %arg15[%swap3A_107] {strides = array<i32>} : memref<128xi32, #tpu.memory_space<vmem>>, vector<16xi32>,
      tpu.vector_store %arg15[%swap3A_107], %get3A_104 {strides = array<i32>} : memref<128xi32, #tpu.memory_space<vmem>>, vector<16xi32>,
      %add3A_109 = arith.constant 16 : i32
      %add3A_110 = vector.broadcast %add3A_109 : i32 to vector<16xi32>
      %add3A_111 = arith.addi %iota3A, %add3A_110 : vector<16xi32>
      %mul3A_112 = arith.constant 1 : i32
      %mul3A_113 = vector.broadcast %mul3A_112 : i32 to vector<16xi32>
      %mul3A_114 = arith.muli %get3A_101, %mul3A_113 : vector<16xi32>
      %add3A_115 = arith.constant 0 : i32
      %add3A_116 = vector.broadcast %add3A_115 : i32 to vector<16xi32>
      %add3A_117 = arith.addi %mul3A_114, %add3A_116 : vector<16xi32>
      %gather3A_118 = tpu.vector_load_idx %arg10[%add3A_117] : memref<10016xf32, #tpu.memory_space<vmem>>[vector<16xi32>], vector<16xf32>,
      %mul3A_119 = arith.constant 1 : i32
      %mul3A_120 = vector.broadcast %mul3A_119 : i32 to vector<16xi32>
      %mul3A_121 = arith.muli %get3A_104, %mul3A_120 : vector<16xi32>
      %add3A_122 = arith.constant 0 : i32
      %add3A_123 = vector.broadcast %add3A_122 : i32 to vector<16xi32>
      %add3A_124 = arith.addi %mul3A_121, %add3A_123 : vector<16xi32>
      %gather3A_125 = tpu.vector_load_idx %arg11[%add3A_124] : memref<10016xf32, #tpu.memory_space<vmem>>[vector<16xi32>], vector<16xf32>,
      %add3A_126 = arith.addf %gather3A_118, %gather3A_125 : vector<16xf32>
      %mul3A_127 = arith.constant 2.000000e-01 : f32
      %mul3A_128 = vector.broadcast %mul3A_127 : f32 to vector<16xf32>
      %mul3A_129 = arith.mulf %mul3A_128, %add3A_126 : vector<16xf32>
      %max3A_130 = arith.maximumf %add3A_126, %mul3A_129 : vector<16xf32>
      %exp3A_131 = math.exp %max3A_130 : vector<16xf32>
      %swap3A_132 = arith.constant 16 : index
      %swap3A_133 = tpu.vector_load %arg19[%swap3A_132] {strides = array<i32>} : memref<128xf32, #tpu.memory_space<vmem>>, vector<16xf32>,
      tpu.vector_store %arg19[%swap3A_132], %exp3A_131 {strides = array<i32>} : memref<128xf32, #tpu.memory_space<vmem>>, vector<16xf32>,
      %broadcast_in_dim3A_134 = arith.constant 0 : i32
      %broadcast_in_dim3A_135 = vector.broadcast %broadcast_in_dim3A_134 : i32 to vector<16xi32>
      tpu.vector_store_idx %arg18[%add3A_111, %broadcast_in_dim3A_135], %exp3A_131 : memref<128x16xf32, #tpu.memory_space<vmem>>[vector<16xi32>, vector<16xi32>], vector<16xf32>,
      %get3A_136 = arith.index_cast %scan3A_65 : i32 to index
      %get3A_137 = arith.constant 32 : index
      %get3A_138 = tpu.vector_load %arg12[%get3A_136, %get3A_137] {strides = array<i32>} : memref<81x128xi32, #tpu.memory_space<vmem>>, vector<16xi32>,
      %get3A_139 = arith.index_cast %scan3A_65 : i32 to index
      %get3A_140 = arith.constant 32 : index
      %get3A_141 = tpu.vector_load %arg13[%get3A_139, %get3A_140] {strides = array<i32>} : memref<81x128xi32, #tpu.memory_space<vmem>>, vector<16xi32>,
      %swap3A_142 = arith.constant 32 : index
      %swap3A_143 = tpu.vector_load %arg14[%swap3A_142] {strides = array<i32>} : memref<128xi32, #tpu.memory_space<vmem>>, vector<16xi32>,
      tpu.vector_store %arg14[%swap3A_142], %get3A_138 {strides = array<i32>} : memref<128xi32, #tpu.memory_space<vmem>>, vector<16xi32>,
      %swap3A_144 = arith.constant 32 : index
      %swap3A_145 = tpu.vector_load %arg15[%swap3A_144] {strides = array<i32>} : memref<128xi32, #tpu.memory_space<vmem>>, vector<16xi32>,
      tpu.vector_store %arg15[%swap3A_144], %get3A_141 {strides = array<i32>} : memref<128xi32, #tpu.memory_space<vmem>>, vector<16xi32>,
      %add3A_146 = arith.constant 32 : i32
      %add3A_147 = vector.broadcast %add3A_146 : i32 to vector<16xi32>
      %add3A_148 = arith.addi %iota3A, %add3A_147 : vector<16xi32>
      %mul3A_149 = arith.constant 1 : i32
      %mul3A_150 = vector.broadcast %mul3A_149 : i32 to vector<16xi32>
      %mul3A_151 = arith.muli %get3A_138, %mul3A_150 : vector<16xi32>
      %add3A_152 = arith.constant 0 : i32
      %add3A_153 = vector.broadcast %add3A_152 : i32 to vector<16xi32>
      %add3A_154 = arith.addi %mul3A_151, %add3A_153 : vector<16xi32>
      %gather3A_155 = tpu.vector_load_idx %arg10[%add3A_154] : memref<10016xf32, #tpu.memory_space<vmem>>[vector<16xi32>], vector<16xf32>,
      %mul3A_156 = arith.constant 1 : i32
      %mul3A_157 = vector.broadcast %mul3A_156 : i32 to vector<16xi32>
      %mul3A_158 = arith.muli %get3A_141, %mul3A_157 : vector<16xi32>
      %add3A_159 = arith.constant 0 : i32
      %add3A_160 = vector.broadcast %add3A_159 : i32 to vector<16xi32>
      %add3A_161 = arith.addi %mul3A_158, %add3A_160 : vector<16xi32>
      %gather3A_162 = tpu.vector_load_idx %arg11[%add3A_161] : memref<10016xf32, #tpu.memory_space<vmem>>[vector<16xi32>], vector<16xf32>,
      %add3A_163 = arith.addf %gather3A_155, %gather3A_162 : vector<16xf32>
      %mul3A_164 = arith.constant 2.000000e-01 : f32
      %mul3A_165 = vector.broadcast %mul3A_164 : f32 to vector<16xf32>
      %mul3A_166 = arith.mulf %mul3A_165, %add3A_163 : vector<16xf32>
      %max3A_167 = arith.maximumf %add3A_163, %mul3A_166 : vector<16xf32>
      %exp3A_168 = math.exp %max3A_167 : vector<16xf32>
      %swap3A_169 = arith.constant 32 : index
      %swap3A_170 = tpu.vector_load %arg19[%swap3A_169] {strides = array<i32>} : memref<128xf32, #tpu.memory_space<vmem>>, vector<16xf32>,
      tpu.vector_store %arg19[%swap3A_169], %exp3A_168 {strides = array<i32>} : memref<128xf32, #tpu.memory_space<vmem>>, vector<16xf32>,
      %broadcast_in_dim3A_171 = arith.constant 0 : i32
      %broadcast_in_dim3A_172 = vector.broadcast %broadcast_in_dim3A_171 : i32 to vector<16xi32>
      tpu.vector_store_idx %arg18[%add3A_148, %broadcast_in_dim3A_172], %exp3A_168 : memref<128x16xf32, #tpu.memory_space<vmem>>[vector<16xi32>, vector<16xi32>], vector<16xf32>,
      %get3A_173 = arith.index_cast %scan3A_65 : i32 to index
      %get3A_174 = arith.constant 48 : index
      %get3A_175 = tpu.vector_load %arg12[%get3A_173, %get3A_174] {strides = array<i32>} : memref<81x128xi32, #tpu.memory_space<vmem>>, vector<16xi32>,
      %get3A_176 = arith.index_cast %scan3A_65 : i32 to index
      %get3A_177 = arith.constant 48 : index
      %get3A_178 = tpu.vector_load %arg13[%get3A_176, %get3A_177] {strides = array<i32>} : memref<81x128xi32, #tpu.memory_space<vmem>>, vector<16xi32>,
      %swap3A_179 = arith.constant 48 : index
      %swap3A_180 = tpu.vector_load %arg14[%swap3A_179] {strides = array<i32>} : memref<128xi32, #tpu.memory_space<vmem>>, vector<16xi32>,
      tpu.vector_store %arg14[%swap3A_179], %get3A_175 {strides = array<i32>} : memref<128xi32, #tpu.memory_space<vmem>>, vector<16xi32>,
      %swap3A_181 = arith.constant 48 : index
      %swap3A_182 = tpu.vector_load %arg15[%swap3A_181] {strides = array<i32>} : memref<128xi32, #tpu.memory_space<vmem>>, vector<16xi32>,
      tpu.vector_store %arg15[%swap3A_181], %get3A_178 {strides = array<i32>} : memref<128xi32, #tpu.memory_space<vmem>>, vector<16xi32>,
      %add3A_183 = arith.constant 48 : i32
      %add3A_184 = vector.broadcast %add3A_183 : i32 to vector<16xi32>
      %add3A_185 = arith.addi %iota3A, %add3A_184 : vector<16xi32>
      %mul3A_186 = arith.constant 1 : i32
      %mul3A_187 = vector.broadcast %mul3A_186 : i32 to vector<16xi32>
      %mul3A_188 = arith.muli %get3A_175, %mul3A_187 : vector<16xi32>
      %add3A_189 = arith.constant 0 : i32
      %add3A_190 = vector.broadcast %add3A_189 : i32 to vector<16xi32>
      %add3A_191 = arith.addi %mul3A_188, %add3A_190 : vector<16xi32>
      %gather3A_192 = tpu.vector_load_idx %arg10[%add3A_191] : memref<10016xf32, #tpu.memory_space<vmem>>[vector<16xi32>], vector<16xf32>,
      %mul3A_193 = arith.constant 1 : i32
      %mul3A_194 = vector.broadcast %mul3A_193 : i32 to vector<16xi32>
      %mul3A_195 = arith.muli %get3A_178, %mul3A_194 : vector<16xi32>
      %add3A_196 = arith.constant 0 : i32
      %add3A_197 = vector.broadcast %add3A_196 : i32 to vector<16xi32>
      %add3A_198 = arith.addi %mul3A_195, %add3A_197 : vector<16xi32>
      %gather3A_199 = tpu.vector_load_idx %arg11[%add3A_198] : memref<10016xf32, #tpu.memory_space<vmem>>[vector<16xi32>], vector<16xf32>,
      %add3A_200 = arith.addf %gather3A_192, %gather3A_199 : vector<16xf32>
      %mul3A_201 = arith.constant 2.000000e-01 : f32
      %mul3A_202 = vector.broadcast %mul3A_201 : f32 to vector<16xf32>
      %mul3A_203 = arith.mulf %mul3A_202, %add3A_200 : vector<16xf32>
      %max3A_204 = arith.maximumf %add3A_200, %mul3A_203 : vector<16xf32>
      %exp3A_205 = math.exp %max3A_204 : vector<16xf32>
      %swap3A_206 = arith.constant 48 : index
      %swap3A_207 = tpu.vector_load %arg19[%swap3A_206] {strides = array<i32>} : memref<128xf32, #tpu.memory_space<vmem>>, vector<16xf32>,
      tpu.vector_store %arg19[%swap3A_206], %exp3A_205 {strides = array<i32>} : memref<128xf32, #tpu.memory_space<vmem>>, vector<16xf32>,
      %broadcast_in_dim3A_208 = arith.constant 0 : i32
      %broadcast_in_dim3A_209 = vector.broadcast %broadcast_in_dim3A_208 : i32 to vector<16xi32>
      tpu.vector_store_idx %arg18[%add3A_185, %broadcast_in_dim3A_209], %exp3A_205 : memref<128x16xf32, #tpu.memory_space<vmem>>[vector<16xi32>, vector<16xi32>], vector<16xf32>,
      %get3A_210 = arith.index_cast %scan3A_65 : i32 to index
      %get3A_211 = arith.constant 64 : index
      %get3A_212 = tpu.vector_load %arg12[%get3A_210, %get3A_211] {strides = array<i32>} : memref<81x128xi32, #tpu.memory_space<vmem>>, vector<16xi32>,
      %get3A_213 = arith.index_cast %scan3A_65 : i32 to index
      %get3A_214 = arith.constant 64 : index
      %get3A_215 = tpu.vector_load %arg13[%get3A_213, %get3A_214] {strides = array<i32>} : memref<81x128xi32, #tpu.memory_space<vmem>>, vector<16xi32>,
      %swap3A_216 = arith.constant 64 : index
      %swap3A_217 = tpu.vector_load %arg14[%swap3A_216] {strides = array<i32>} : memref<128xi32, #tpu.memory_space<vmem>>, vector<16xi32>,
      tpu.vector_store %arg14[%swap3A_216], %get3A_212 {strides = array<i32>} : memref<128xi32, #tpu.memory_space<vmem>>, vector<16xi32>,
      %swap3A_218 = arith.constant 64 : index
      %swap3A_219 = tpu.vector_load %arg15[%swap3A_218] {strides = array<i32>} : memref<128xi32, #tpu.memory_space<vmem>>, vector<16xi32>,
      tpu.vector_store %arg15[%swap3A_218], %get3A_215 {strides = array<i32>} : memref<128xi32, #tpu.memory_space<vmem>>, vector<16xi32>,
      %add3A_220 = arith.constant 64 : i32
      %add3A_221 = vector.broadcast %add3A_220 : i32 to vector<16xi32>
      %add3A_222 = arith.addi %iota3A, %add3A_221 : vector<16xi32>
      %mul3A_223 = arith.constant 1 : i32
      %mul3A_224 = vector.broadcast %mul3A_223 : i32 to vector<16xi32>
      %mul3A_225 = arith.muli %get3A_212, %mul3A_224 : vector<16xi32>
      %add3A_226 = arith.constant 0 : i32
      %add3A_227 = vector.broadcast %add3A_226 : i32 to vector<16xi32>
      %add3A_228 = arith.addi %mul3A_225, %add3A_227 : vector<16xi32>
      %gather3A_229 = tpu.vector_load_idx %arg10[%add3A_228] : memref<10016xf32, #tpu.memory_space<vmem>>[vector<16xi32>], vector<16xf32>,
      %mul3A_230 = arith.constant 1 : i32
      %mul3A_231 = vector.broadcast %mul3A_230 : i32 to vector<16xi32>
      %mul3A_232 = arith.muli %get3A_215, %mul3A_231 : vector<16xi32>
      %add3A_233 = arith.constant 0 : i32
      %add3A_234 = vector.broadcast %add3A_233 : i32 to vector<16xi32>
      %add3A_235 = arith.addi %mul3A_232, %add3A_234 : vector<16xi32>
      %gather3A_236 = tpu.vector_load_idx %arg11[%add3A_235] : memref<10016xf32, #tpu.memory_space<vmem>>[vector<16xi32>], vector<16xf32>,
      %add3A_237 = arith.addf %gather3A_229, %gather3A_236 : vector<16xf32>
      %mul3A_238 = arith.constant 2.000000e-01 : f32
      %mul3A_239 = vector.broadcast %mul3A_238 : f32 to vector<16xf32>
      %mul3A_240 = arith.mulf %mul3A_239, %add3A_237 : vector<16xf32>
      %max3A_241 = arith.maximumf %add3A_237, %mul3A_240 : vector<16xf32>
      %exp3A_242 = math.exp %max3A_241 : vector<16xf32>
      %swap3A_243 = arith.constant 64 : index
      %swap3A_244 = tpu.vector_load %arg19[%swap3A_243] {strides = array<i32>} : memref<128xf32, #tpu.memory_space<vmem>>, vector<16xf32>,
      tpu.vector_store %arg19[%swap3A_243], %exp3A_242 {strides = array<i32>} : memref<128xf32, #tpu.memory_space<vmem>>, vector<16xf32>,
      %broadcast_in_dim3A_245 = arith.constant 0 : i32
      %broadcast_in_dim3A_246 = vector.broadcast %broadcast_in_dim3A_245 : i32 to vector<16xi32>
      tpu.vector_store_idx %arg18[%add3A_222, %broadcast_in_dim3A_246], %exp3A_242 : memref<128x16xf32, #tpu.memory_space<vmem>>[vector<16xi32>, vector<16xi32>], vector<16xf32>,
      %get3A_247 = arith.index_cast %scan3A_65 : i32 to index
      %get3A_248 = arith.constant 80 : index
      %get3A_249 = tpu.vector_load %arg12[%get3A_247, %get3A_248] {strides = array<i32>} : memref<81x128xi32, #tpu.memory_space<vmem>>, vector<16xi32>,
      %get3A_250 = arith.index_cast %scan3A_65 : i32 to index
      %get3A_251 = arith.constant 80 : index
      %get3A_252 = tpu.vector_load %arg13[%get3A_250, %get3A_251] {strides = array<i32>} : memref<81x128xi32, #tpu.memory_space<vmem>>, vector<16xi32>,
      %swap3A_253 = arith.constant 80 : index
      %swap3A_254 = tpu.vector_load %arg14[%swap3A_253] {strides = array<i32>} : memref<128xi32, #tpu.memory_space<vmem>>, vector<16xi32>,
      tpu.vector_store %arg14[%swap3A_253], %get3A_249 {strides = array<i32>} : memref<128xi32, #tpu.memory_space<vmem>>, vector<16xi32>,
      %swap3A_255 = arith.constant 80 : index
      %swap3A_256 = tpu.vector_load %arg15[%swap3A_255] {strides = array<i32>} : memref<128xi32, #tpu.memory_space<vmem>>, vector<16xi32>,
      tpu.vector_store %arg15[%swap3A_255], %get3A_252 {strides = array<i32>} : memref<128xi32, #tpu.memory_space<vmem>>, vector<16xi32>,
      %add3A_257 = arith.constant 80 : i32
      %add3A_258 = vector.broadcast %add3A_257 : i32 to vector<16xi32>
      %add3A_259 = arith.addi %iota3A, %add3A_258 : vector<16xi32>
      %mul3A_260 = arith.constant 1 : i32
      %mul3A_261 = vector.broadcast %mul3A_260 : i32 to vector<16xi32>
      %mul3A_262 = arith.muli %get3A_249, %mul3A_261 : vector<16xi32>
      %add3A_263 = arith.constant 0 : i32
      %add3A_264 = vector.broadcast %add3A_263 : i32 to vector<16xi32>
      %add3A_265 = arith.addi %mul3A_262, %add3A_264 : vector<16xi32>
      %gather3A_266 = tpu.vector_load_idx %arg10[%add3A_265] : memref<10016xf32, #tpu.memory_space<vmem>>[vector<16xi32>], vector<16xf32>,
      %mul3A_267 = arith.constant 1 : i32
      %mul3A_268 = vector.broadcast %mul3A_267 : i32 to vector<16xi32>
      %mul3A_269 = arith.muli %get3A_252, %mul3A_268 : vector<16xi32>
      %add3A_270 = arith.constant 0 : i32
      %add3A_271 = vector.broadcast %add3A_270 : i32 to vector<16xi32>
      %add3A_272 = arith.addi %mul3A_269, %add3A_271 : vector<16xi32>
      %gather3A_273 = tpu.vector_load_idx %arg11[%add3A_272] : memref<10016xf32, #tpu.memory_space<vmem>>[vector<16xi32>], vector<16xf32>,
      %add3A_274 = arith.addf %gather3A_266, %gather3A_273 : vector<16xf32>
      %mul3A_275 = arith.constant 2.000000e-01 : f32
      %mul3A_276 = vector.broadcast %mul3A_275 : f32 to vector<16xf32>
      %mul3A_277 = arith.mulf %mul3A_276, %add3A_274 : vector<16xf32>
      %max3A_278 = arith.maximumf %add3A_274, %mul3A_277 : vector<16xf32>
      %exp3A_279 = math.exp %max3A_278 : vector<16xf32>
      %swap3A_280 = arith.constant 80 : index
      %swap3A_281 = tpu.vector_load %arg19[%swap3A_280] {strides = array<i32>} : memref<128xf32, #tpu.memory_space<vmem>>, vector<16xf32>,
      tpu.vector_store %arg19[%swap3A_280], %exp3A_279 {strides = array<i32>} : memref<128xf32, #tpu.memory_space<vmem>>, vector<16xf32>,
      %broadcast_in_dim3A_282 = arith.constant 0 : i32
      %broadcast_in_dim3A_283 = vector.broadcast %broadcast_in_dim3A_282 : i32 to vector<16xi32>
      tpu.vector_store_idx %arg18[%add3A_259, %broadcast_in_dim3A_283], %exp3A_279 : memref<128x16xf32, #tpu.memory_space<vmem>>[vector<16xi32>, vector<16xi32>], vector<16xf32>,
      %get3A_284 = arith.index_cast %scan3A_65 : i32 to index
      %get3A_285 = arith.constant 96 : index
      %get3A_286 = tpu.vector_load %arg12[%get3A_284, %get3A_285] {strides = array<i32>} : memref<81x128xi32, #tpu.memory_space<vmem>>, vector<16xi32>,
      %get3A_287 = arith.index_cast %scan3A_65 : i32 to index
      %get3A_288 = arith.constant 96 : index
      %get3A_289 = tpu.vector_load %arg13[%get3A_287, %get3A_288] {strides = array<i32>} : memref<81x128xi32, #tpu.memory_space<vmem>>, vector<16xi32>,
      %swap3A_290 = arith.constant 96 : index
      %swap3A_291 = tpu.vector_load %arg14[%swap3A_290] {strides = array<i32>} : memref<128xi32, #tpu.memory_space<vmem>>, vector<16xi32>,
      tpu.vector_store %arg14[%swap3A_290], %get3A_286 {strides = array<i32>} : memref<128xi32, #tpu.memory_space<vmem>>, vector<16xi32>,
      %swap3A_292 = arith.constant 96 : index
      %swap3A_293 = tpu.vector_load %arg15[%swap3A_292] {strides = array<i32>} : memref<128xi32, #tpu.memory_space<vmem>>, vector<16xi32>,
      tpu.vector_store %arg15[%swap3A_292], %get3A_289 {strides = array<i32>} : memref<128xi32, #tpu.memory_space<vmem>>, vector<16xi32>,
      %add3A_294 = arith.constant 96 : i32
      %add3A_295 = vector.broadcast %add3A_294 : i32 to vector<16xi32>
      %add3A_296 = arith.addi %iota3A, %add3A_295 : vector<16xi32>
      %mul3A_297 = arith.constant 1 : i32
      %mul3A_298 = vector.broadcast %mul3A_297 : i32 to vector<16xi32>
      %mul3A_299 = arith.muli %get3A_286, %mul3A_298 : vector<16xi32>
      %add3A_300 = arith.constant 0 : i32
      %add3A_301 = vector.broadcast %add3A_300 : i32 to vector<16xi32>
      %add3A_302 = arith.addi %mul3A_299, %add3A_301 : vector<16xi32>
      %gather3A_303 = tpu.vector_load_idx %arg10[%add3A_302] : memref<10016xf32, #tpu.memory_space<vmem>>[vector<16xi32>], vector<16xf32>,
      %mul3A_304 = arith.constant 1 : i32
      %mul3A_305 = vector.broadcast %mul3A_304 : i32 to vector<16xi32>
      %mul3A_306 = arith.muli %get3A_289, %mul3A_305 : vector<16xi32>
      %add3A_307 = arith.constant 0 : i32
      %add3A_308 = vector.broadcast %add3A_307 : i32 to vector<16xi32>
      %add3A_309 = arith.addi %mul3A_306, %add3A_308 : vector<16xi32>
      %gather3A_310 = tpu.vector_load_idx %arg11[%add3A_309] : memref<10016xf32, #tpu.memory_space<vmem>>[vector<16xi32>], vector<16xf32>,
      %add3A_311 = arith.addf %gather3A_303, %gather3A_310 : vector<16xf32>
      %mul3A_312 = arith.constant 2.000000e-01 : f32
      %mul3A_313 = vector.broadcast %mul3A_312 : f32 to vector<16xf32>
      %mul3A_314 = arith.mulf %mul3A_313, %add3A_311 : vector<16xf32>
      %max3A_315 = arith.maximumf %add3A_311, %mul3A_314 : vector<16xf32>
      %exp3A_316 = math.exp %max3A_315 : vector<16xf32>
      %swap3A_317 = arith.constant 96 : index
      %swap3A_318 = tpu.vector_load %arg19[%swap3A_317] {strides = array<i32>} : memref<128xf32, #tpu.memory_space<vmem>>, vector<16xf32>,
      tpu.vector_store %arg19[%swap3A_317], %exp3A_316 {strides = array<i32>} : memref<128xf32, #tpu.memory_space<vmem>>, vector<16xf32>,
      %broadcast_in_dim3A_319 = arith.constant 0 : i32
      %broadcast_in_dim3A_320 = vector.broadcast %broadcast_in_dim3A_319 : i32 to vector<16xi32>
      tpu.vector_store_idx %arg18[%add3A_296, %broadcast_in_dim3A_320], %exp3A_316 : memref<128x16xf32, #tpu.memory_space<vmem>>[vector<16xi32>, vector<16xi32>], vector<16xf32>,
      %get3A_321 = arith.index_cast %scan3A_65 : i32 to index
      %get3A_322 = arith.constant 112 : index
      %get3A_323 = tpu.vector_load %arg12[%get3A_321, %get3A_322] {strides = array<i32>} : memref<81x128xi32, #tpu.memory_space<vmem>>, vector<16xi32>,
      %get3A_324 = arith.index_cast %scan3A_65 : i32 to index
      %get3A_325 = arith.constant 112 : index
      %get3A_326 = tpu.vector_load %arg13[%get3A_324, %get3A_325] {strides = array<i32>} : memref<81x128xi32, #tpu.memory_space<vmem>>, vector<16xi32>,
      %swap3A_327 = arith.constant 112 : index
      %swap3A_328 = tpu.vector_load %arg14[%swap3A_327] {strides = array<i32>} : memref<128xi32, #tpu.memory_space<vmem>>, vector<16xi32>,
      tpu.vector_store %arg14[%swap3A_327], %get3A_323 {strides = array<i32>} : memref<128xi32, #tpu.memory_space<vmem>>, vector<16xi32>,
      %swap3A_329 = arith.constant 112 : index
      %swap3A_330 = tpu.vector_load %arg15[%swap3A_329] {strides = array<i32>} : memref<128xi32, #tpu.memory_space<vmem>>, vector<16xi32>,
      tpu.vector_store %arg15[%swap3A_329], %get3A_326 {strides = array<i32>} : memref<128xi32, #tpu.memory_space<vmem>>, vector<16xi32>,
      %add3A_331 = arith.constant 112 : i32
      %add3A_332 = vector.broadcast %add3A_331 : i32 to vector<16xi32>
      %add3A_333 = arith.addi %iota3A, %add3A_332 : vector<16xi32>
      %mul3A_334 = arith.constant 1 : i32
      %mul3A_335 = vector.broadcast %mul3A_334 : i32 to vector<16xi32>
      %mul3A_336 = arith.muli %get3A_323, %mul3A_335 : vector<16xi32>
      %add3A_337 = arith.constant 0 : i32
      %add3A_338 = vector.broadcast %add3A_337 : i32 to vector<16xi32>
      %add3A_339 = arith.addi %mul3A_336, %add3A_338 : vector<16xi32>
      %gather3A_340 = tpu.vector_load_idx %arg10[%add3A_339] : memref<10016xf32, #tpu.memory_space<vmem>>[vector<16xi32>], vector<16xf32>,
      %mul3A_341 = arith.constant 1 : i32
      %mul3A_342 = vector.broadcast %mul3A_341 : i32 to vector<16xi32>
      %mul3A_343 = arith.muli %get3A_326, %mul3A_342 : vector<16xi32>
      %add3A_344 = arith.constant 0 : i32
      %add3A_345 = vector.broadcast %add3A_344 : i32 to vector<16xi32>
      %add3A_346 = arith.addi %mul3A_343, %add3A_345 : vector<16xi32>
      %gather3A_347 = tpu.vector_load_idx %arg11[%add3A_346] : memref<10016xf32, #tpu.memory_space<vmem>>[vector<16xi32>], vector<16xf32>,
      %add3A_348 = arith.addf %gather3A_340, %gather3A_347 : vector<16xf32>
      %mul3A_349 = arith.constant 2.000000e-01 : f32
      %mul3A_350 = vector.broadcast %mul3A_349 : f32 to vector<16xf32>
      %mul3A_351 = arith.mulf %mul3A_350, %add3A_348 : vector<16xf32>
      %max3A_352 = arith.maximumf %add3A_348, %mul3A_351 : vector<16xf32>
      %exp3A_353 = math.exp %max3A_352 : vector<16xf32>
      %swap3A_354 = arith.constant 112 : index
      %swap3A_355 = tpu.vector_load %arg19[%swap3A_354] {strides = array<i32>} : memref<128xf32, #tpu.memory_space<vmem>>, vector<16xf32>,
      tpu.vector_store %arg19[%swap3A_354], %exp3A_353 {strides = array<i32>} : memref<128xf32, #tpu.memory_space<vmem>>, vector<16xf32>,
      %broadcast_in_dim3A_356 = arith.constant 0 : i32
      %broadcast_in_dim3A_357 = vector.broadcast %broadcast_in_dim3A_356 : i32 to vector<16xi32>
      tpu.vector_store_idx %arg18[%add3A_333, %broadcast_in_dim3A_357], %exp3A_353 : memref<128x16xf32, #tpu.memory_space<vmem>>[vector<16xi32>, vector<16xi32>], vector<16xf32>,
      %dma_start3A = arith.constant 0 : i32
      %dma_start3A_358 = arith.constant 0 : i32
      %dma_start3A_359 = tpu.memref_slice %arg2[%dma_start3A, %dma_start3A_358] : memref<10000x64xf32, #tpu.memory_space<hbm>> -> memref<10000x64xf32, #tpu.memory_space<hbm>>
      tpu.enqueue_indirect_dma source(%dma_start3A_359 : memref<10000x64xf32, #tpu.memory_space<hbm>>) target(%arg16 : memref<128x64xf32, #tpu.memory_space<vmem>>) offsets(%arg14 : memref<128xi32, #tpu.memory_space<vmem>>) semaphore(%arg22 : memref<!tpu.dma_semaphore, #tpu.memory_space<semaphore_mem>>)
      %dma_wait3A = arith.constant 0 : i32
      %dma_wait3A_360 = arith.constant 0 : i32
      %dma_wait3A_361 = tpu.memref_slice %arg2[%dma_wait3A, %dma_wait3A_360] : memref<10000x64xf32, #tpu.memory_space<hbm>> -> memref<10000x64xf32, #tpu.memory_space<hbm>>
      tpu.wait_indirect_dma semaphore(%arg22 : memref<!tpu.dma_semaphore, #tpu.memory_space<semaphore_mem>>) src(%dma_wait3A_361 : memref<10000x64xf32, #tpu.memory_space<hbm>>) dst(%arg16 : memref<128x64xf32, #tpu.memory_space<vmem>>)
      %scan3A_362 = arith.constant 0 : i32
      %scan3A_363 = arith.constant 0 : i32
      %scan3A_364 = arith.constant 128 : i32
      %scan3A_365 = arith.addi %scan3A_363, %scan3A_364 : i32
      %scan3A_366 = arith.constant 1 : i32
      %scan3A_367 = scf.for %scan3A_370 = %scan3A_363 to %scan3A_365 step %scan3A_366 iter_args(%scan3A_371 = %scan3A_362) -> (i32)  : i32 {
        %broadcast_in_dim3A_372 = vector.broadcast %scan3A_370 : i32 to vector<16xi32>
        %gather3A_373 = tpu.vector_load_idx %arg19[%broadcast_in_dim3A_372] : memref<128xf32, #tpu.memory_space<vmem>>[vector<16xi32>], vector<16xf32>,
        %get3A_374 = arith.index_cast %scan3A_370 : i32 to index
        %get3A_375 = arith.constant 0 : index
        %get3A_376 = tpu.vector_load %arg16[%get3A_374, %get3A_375] {strides = array<i32>} : memref<128x64xf32, #tpu.memory_space<vmem>>, vector<16xf32>,
        %mul3A_377 = arith.mulf %get3A_376, %gather3A_373 : vector<16xf32>
        %swap3A_378 = arith.index_cast %scan3A_370 : i32 to index
        %swap3A_379 = arith.constant 0 : index
        %swap3A_380 = tpu.vector_load %arg17[%swap3A_378, %swap3A_379] {strides = array<i32>} : memref<128x64xf32, #tpu.memory_space<vmem>>, vector<16xf32>,
        tpu.vector_store %arg17[%swap3A_378, %swap3A_379], %mul3A_377 {strides = array<i32>} : memref<128x64xf32, #tpu.memory_space<vmem>>, vector<16xf32>,
        %get3A_381 = arith.index_cast %scan3A_370 : i32 to index
        %get3A_382 = arith.constant 16 : index
        %get3A_383 = tpu.vector_load %arg16[%get3A_381, %get3A_382] {strides = array<i32>} : memref<128x64xf32, #tpu.memory_space<vmem>>, vector<16xf32>,
        %mul3A_384 = arith.mulf %get3A_383, %gather3A_373 : vector<16xf32>
        %swap3A_385 = arith.index_cast %scan3A_370 : i32 to index
        %swap3A_386 = arith.constant 16 : index
        %swap3A_387 = tpu.vector_load %arg17[%swap3A_385, %swap3A_386] {strides = array<i32>} : memref<128x64xf32, #tpu.memory_space<vmem>>, vector<16xf32>,
        tpu.vector_store %arg17[%swap3A_385, %swap3A_386], %mul3A_384 {strides = array<i32>} : memref<128x64xf32, #tpu.memory_space<vmem>>, vector<16xf32>,
        %get3A_388 = arith.index_cast %scan3A_370 : i32 to index
        %get3A_389 = arith.constant 32 : index
        %get3A_390 = tpu.vector_load %arg16[%get3A_388, %get3A_389] {strides = array<i32>} : memref<128x64xf32, #tpu.memory_space<vmem>>, vector<16xf32>,
        %mul3A_391 = arith.mulf %get3A_390, %gather3A_373 : vector<16xf32>
        %swap3A_392 = arith.index_cast %scan3A_370 : i32 to index
        %swap3A_393 = arith.constant 32 : index
        %swap3A_394 = tpu.vector_load %arg17[%swap3A_392, %swap3A_393] {strides = array<i32>} : memref<128x64xf32, #tpu.memory_space<vmem>>, vector<16xf32>,
        tpu.vector_store %arg17[%swap3A_392, %swap3A_393], %mul3A_391 {strides = array<i32>} : memref<128x64xf32, #tpu.memory_space<vmem>>, vector<16xf32>,
        %get3A_395 = arith.index_cast %scan3A_370 : i32 to index
        %get3A_396 = arith.constant 48 : index
        %get3A_397 = tpu.vector_load %arg16[%get3A_395, %get3A_396] {strides = array<i32>} : memref<128x64xf32, #tpu.memory_space<vmem>>, vector<16xf32>,
        %mul3A_398 = arith.mulf %get3A_397, %gather3A_373 : vector<16xf32>
        %swap3A_399 = arith.index_cast %scan3A_370 : i32 to index
        %swap3A_400 = arith.constant 48 : index
        %swap3A_401 = tpu.vector_load %arg17[%swap3A_399, %swap3A_400] {strides = array<i32>} : memref<128x64xf32, #tpu.memory_space<vmem>>, vector<16xf32>,
        tpu.vector_store %arg17[%swap3A_399, %swap3A_400], %mul3A_398 {strides = array<i32>} : memref<128x64xf32, #tpu.memory_space<vmem>>, vector<16xf32>,
        %scan3A_402 = arith.constant 0 : i32
        scf.yield %scan3A_402 : i32
      }
      %scan3A_368 = arith.constant 128 : i32
      "tpu.region"() ({
        %run_scoped3A_370 = tpu.sem_alloc : memref<!tpu.dma_semaphore, #tpu.memory_space<semaphore_mem>>
        %dma_start3A_371 = arith.constant 0 : i32
        %dma_start3A_372 = arith.constant 0 : i32
        %dma_start3A_373 = tpu.memref_slice %arg20[%dma_start3A_371, %dma_start3A_372] : memref<10240x64xf32, #tpu.memory_space<vmem_shared>> -> memref<10240x64xf32, #tpu.memory_space<vmem_shared>>
        tpu.enqueue_indirect_dma source(%arg17 : memref<128x64xf32, #tpu.memory_space<vmem>>) target(%dma_start3A_373 : memref<10240x64xf32, #tpu.memory_space<vmem_shared>>) offsets(%arg15 : memref<128xi32, #tpu.memory_space<vmem>>) semaphore(%run_scoped3A_370 : memref<!tpu.dma_semaphore, #tpu.memory_space<semaphore_mem>>) {add = true}
        %dma_wait3A_374 = arith.constant 0 : i32
        %dma_wait3A_375 = arith.constant 0 : i32
        %dma_wait3A_376 = tpu.memref_slice %arg20[%dma_wait3A_374, %dma_wait3A_375] : memref<10240x64xf32, #tpu.memory_space<vmem_shared>> -> memref<10240x64xf32, #tpu.memory_space<vmem_shared>>
        tpu.wait_indirect_dma semaphore(%run_scoped3A_370 : memref<!tpu.dma_semaphore, #tpu.memory_space<semaphore_mem>>) src(%arg17 : memref<128x64xf32, #tpu.memory_space<vmem>>) dst(%dma_wait3A_376 : memref<10240x64xf32, #tpu.memory_space<vmem_shared>>)
        tpu.yield
      }) : () -> ()
      "tpu.region"() ({
        %run_scoped3A_370 = tpu.sem_alloc : memref<!tpu.dma_semaphore, #tpu.memory_space<semaphore_mem>>
        %dma_start3A_371 = arith.constant 0 : i32
        %dma_start3A_372 = arith.constant 0 : i32
        %dma_start3A_373 = tpu.memref_slice %arg21[%dma_start3A_371, %dma_start3A_372] : memref<10240x16xf32, #tpu.memory_space<vmem_shared>> -> memref<10240x16xf32, #tpu.memory_space<vmem_shared>>
        tpu.enqueue_indirect_dma source(%arg18 : memref<128x16xf32, #tpu.memory_space<vmem>>) target(%dma_start3A_373 : memref<10240x16xf32, #tpu.memory_space<vmem_shared>>) offsets(%arg15 : memref<128xi32, #tpu.memory_space<vmem>>) semaphore(%run_scoped3A_370 : memref<!tpu.dma_semaphore, #tpu.memory_space<semaphore_mem>>) {add = true}
        %dma_wait3A_374 = arith.constant 0 : i32
        %dma_wait3A_375 = arith.constant 0 : i32
        %dma_wait3A_376 = tpu.memref_slice %arg21[%dma_wait3A_374, %dma_wait3A_375] : memref<10240x16xf32, #tpu.memory_space<vmem_shared>> -> memref<10240x16xf32, #tpu.memory_space<vmem_shared>>
        tpu.wait_indirect_dma semaphore(%run_scoped3A_370 : memref<!tpu.dma_semaphore, #tpu.memory_space<semaphore_mem>>) src(%arg18 : memref<128x16xf32, #tpu.memory_space<vmem>>) dst(%dma_wait3A_376 : memref<10240x16xf32, #tpu.memory_space<vmem_shared>>)
        tpu.yield
      }) : () -> ()
      %scan3A_369 = arith.constant 0 : i32
      scf.yield %scan3A_369 : i32
    }
    %scan3A_36 = arith.constant 81 : i32
    %barrier3A_37 = arith.constant 0 : index
    tpu.barrier barrier_id(%barrier3A_37)
    %run_scoped3A = arith.constant 0 : i32
    "tpu.region"() ({
      %run_scoped3A_65 = tpu.sem_alloc : memref<!tpu.dma_semaphore, #tpu.memory_space<semaphore_mem>>
      %dma_start3A = arith.constant 0 : i32
      %dma_start3A_66 = tpu.memref_slice %arg8[%arg0, %run_scoped3A, %mul3A_3, %dma_start3A] : memref<2x2x10240x64xf32, #tpu.memory_space<hbm>> -> memref<1x1x640x64xf32, #tpu.memory_space<hbm>>
      %dma_start3A_67 = tpu.memref_squeeze %dma_start3A_66 : memref<1x1x640x64xf32, #tpu.memory_space<hbm>> -> memref<640x64xf32, #tpu.memory_space<hbm>>
      %dma_start3A_68 = arith.constant 0 : i32
      %dma_start3A_69 = tpu.memref_slice %arg20[%mul3A_3, %dma_start3A_68] : memref<10240x64xf32, #tpu.memory_space<vmem_shared>> -> memref<640x64xf32, #tpu.memory_space<vmem_shared>>
      tpu.enqueue_dma source(%dma_start3A_69 : memref<640x64xf32, #tpu.memory_space<vmem_shared>>) target(%dma_start3A_67 : memref<640x64xf32, #tpu.memory_space<hbm>>) target_semaphore(%run_scoped3A_65 : memref<!tpu.dma_semaphore, #tpu.memory_space<semaphore_mem>>)
      %dma_wait3A = arith.constant 0 : i32
      %dma_wait3A_70 = tpu.memref_slice %arg8[%arg0, %run_scoped3A, %mul3A_3, %dma_wait3A] : memref<2x2x10240x64xf32, #tpu.memory_space<hbm>> -> memref<1x1x640x64xf32, #tpu.memory_space<hbm>>
      %dma_wait3A_71 = tpu.memref_squeeze %dma_wait3A_70 : memref<1x1x640x64xf32, #tpu.memory_space<hbm>> -> memref<640x64xf32, #tpu.memory_space<hbm>>
      %dma_wait3A_72 = arith.constant 0 : i32
      %dma_wait3A_73 = tpu.memref_slice %arg20[%mul3A_3, %dma_wait3A_72] : memref<10240x64xf32, #tpu.memory_space<vmem_shared>> -> memref<640x64xf32, #tpu.memory_space<vmem_shared>>
      tpu.wait_dma2 semaphore(%run_scoped3A_65 : memref<!tpu.dma_semaphore, #tpu.memory_space<semaphore_mem>>) src(%dma_wait3A_73 : memref<640x64xf32, #tpu.memory_space<vmem_shared>>) dst(%dma_wait3A_71 : memref<640x64xf32, #tpu.memory_space<hbm>>)
      tpu.yield
    }) : () -> ()
    "tpu.region"() ({
      %run_scoped3A_65 = tpu.sem_alloc : memref<!tpu.dma_semaphore, #tpu.memory_space<semaphore_mem>>
      %dma_start3A = arith.constant 0 : i32
      %dma_start3A_66 = tpu.memref_slice %arg9[%arg0, %mul3A_3, %dma_start3A] : memref<2x10240x16xf32, #tpu.memory_space<hbm>> -> memref<1x640x16xf32, #tpu.memory_space<hbm>>
      %dma_start3A_67 = tpu.memref_squeeze %dma_start3A_66 : memref<1x640x16xf32, #tpu.memory_space<hbm>> -> memref<640x16xf32, #tpu.memory_space<hbm>>
      %dma_start3A_68 = arith.constant 0 : i32
      %dma_start3A_69 = tpu.memref_slice %arg21[%mul3A_3, %dma_start3A_68] : memref<10240x16xf32, #tpu.memory_space<vmem_shared>> -> memref<640x16xf32, #tpu.memory_space<vmem_shared>>
      tpu.enqueue_dma source(%dma_start3A_69 : memref<640x16xf32, #tpu.memory_space<vmem_shared>>) target(%dma_start3A_67 : memref<640x16xf32, #tpu.memory_space<hbm>>) target_semaphore(%run_scoped3A_65 : memref<!tpu.dma_semaphore, #tpu.memory_space<semaphore_mem>>)
      %dma_wait3A = arith.constant 0 : i32
      %dma_wait3A_70 = tpu.memref_slice %arg9[%arg0, %mul3A_3, %dma_wait3A] : memref<2x10240x16xf32, #tpu.memory_space<hbm>> -> memref<1x640x16xf32, #tpu.memory_space<hbm>>
      %dma_wait3A_71 = tpu.memref_squeeze %dma_wait3A_70 : memref<1x640x16xf32, #tpu.memory_space<hbm>> -> memref<640x16xf32, #tpu.memory_space<hbm>>
      %dma_wait3A_72 = arith.constant 0 : i32
      %dma_wait3A_73 = tpu.memref_slice %arg21[%mul3A_3, %dma_wait3A_72] : memref<10240x16xf32, #tpu.memory_space<vmem_shared>> -> memref<640x16xf32, #tpu.memory_space<vmem_shared>>
      tpu.wait_dma2 semaphore(%run_scoped3A_65 : memref<!tpu.dma_semaphore, #tpu.memory_space<semaphore_mem>>) src(%dma_wait3A_73 : memref<640x16xf32, #tpu.memory_space<vmem_shared>>) dst(%dma_wait3A_71 : memref<640x16xf32, #tpu.memory_space<hbm>>)
      tpu.yield
    }) : () -> ()
    %scan3A_38 = arith.constant 0 : i32
    %scan3A_39 = arith.constant 0 : i32
    %scan3A_40 = arith.constant 128 : i32
    %scan3A_41 = arith.addi %scan3A_39, %scan3A_40 : i32
    %scan3A_42 = arith.constant 1 : i32
    %scan3A_43 = scf.for %scan3A_65 = %scan3A_39 to %scan3A_41 step %scan3A_42 iter_args(%scan3A_66 = %scan3A_38) -> (i32)  : i32 {
      %swap3A = arith.index_cast %scan3A_65 : i32 to index
      %swap3A_67 = arith.constant 0 : index
      %swap3A_68 = tpu.vector_load %arg17[%swap3A, %swap3A_67] {strides = array<i32>} : memref<128x64xf32, #tpu.memory_space<vmem>>, vector<16xf32>,
      tpu.vector_store %arg17[%swap3A, %swap3A_67], %broadcast_in_dim3A_1 {strides = array<i32>} : memref<128x64xf32, #tpu.memory_space<vmem>>, vector<16xf32>,
      %swap3A_69 = arith.index_cast %scan3A_65 : i32 to index
      %swap3A_70 = arith.constant 16 : index
      %swap3A_71 = tpu.vector_load %arg17[%swap3A_69, %swap3A_70] {strides = array<i32>} : memref<128x64xf32, #tpu.memory_space<vmem>>, vector<16xf32>,
      tpu.vector_store %arg17[%swap3A_69, %swap3A_70], %broadcast_in_dim3A_1 {strides = array<i32>} : memref<128x64xf32, #tpu.memory_space<vmem>>, vector<16xf32>,
      %swap3A_72 = arith.index_cast %scan3A_65 : i32 to index
      %swap3A_73 = arith.constant 32 : index
      %swap3A_74 = tpu.vector_load %arg17[%swap3A_72, %swap3A_73] {strides = array<i32>} : memref<128x64xf32, #tpu.memory_space<vmem>>, vector<16xf32>,
      tpu.vector_store %arg17[%swap3A_72, %swap3A_73], %broadcast_in_dim3A_1 {strides = array<i32>} : memref<128x64xf32, #tpu.memory_space<vmem>>, vector<16xf32>,
      %swap3A_75 = arith.index_cast %scan3A_65 : i32 to index
      %swap3A_76 = arith.constant 48 : index
      %swap3A_77 = tpu.vector_load %arg17[%swap3A_75, %swap3A_76] {strides = array<i32>} : memref<128x64xf32, #tpu.memory_space<vmem>>, vector<16xf32>,
      tpu.vector_store %arg17[%swap3A_75, %swap3A_76], %broadcast_in_dim3A_1 {strides = array<i32>} : memref<128x64xf32, #tpu.memory_space<vmem>>, vector<16xf32>,
      %scan3A_78 = arith.constant 0 : i32
      scf.yield %scan3A_78 : i32
    }
    %scan3A_44 = arith.constant 128 : i32
    %add3A_45 = arith.constant 0 : i32
    %add3A_46 = arith.addi %mul3A_3, %add3A_45 : i32
    "tpu.region"() ({
      %run_scoped3A_65 = tpu.sem_alloc : memref<!tpu.dma_semaphore, #tpu.memory_space<semaphore_mem>>
      %dma_start3A = arith.constant 0 : i32
      %dma_start3A_66 = tpu.memref_slice %arg20[%add3A_46, %dma_start3A] : memref<10240x64xf32, #tpu.memory_space<vmem_shared>> -> memref<128x64xf32, #tpu.memory_space<vmem_shared>>
      %dma_start3A_67 = arith.constant 0 : i32
      %dma_start3A_68 = tpu.memref_slice %arg20[%add3A_46, %dma_start3A_67] : memref<10240x64xf32, #tpu.memory_space<vmem_shared>> -> memref<128x64xf32, #tpu.memory_space<vmem_shared>>
      tpu.enqueue_dma source(%arg17 : memref<128x64xf32, #tpu.memory_space<vmem>>) target(%dma_start3A_68 : memref<128x64xf32, #tpu.memory_space<vmem_shared>>) target_semaphore(%run_scoped3A_65 : memref<!tpu.dma_semaphore, #tpu.memory_space<semaphore_mem>>)
      %dma_wait3A = arith.constant 0 : i32
      %dma_wait3A_69 = tpu.memref_slice %arg20[%add3A_46, %dma_wait3A] : memref<10240x64xf32, #tpu.memory_space<vmem_shared>> -> memref<128x64xf32, #tpu.memory_space<vmem_shared>>
      %dma_wait3A_70 = arith.constant 0 : i32
      %dma_wait3A_71 = tpu.memref_slice %arg20[%add3A_46, %dma_wait3A_70] : memref<10240x64xf32, #tpu.memory_space<vmem_shared>> -> memref<128x64xf32, #tpu.memory_space<vmem_shared>>
      tpu.wait_dma2 semaphore(%run_scoped3A_65 : memref<!tpu.dma_semaphore, #tpu.memory_space<semaphore_mem>>) src(%arg17 : memref<128x64xf32, #tpu.memory_space<vmem>>) dst(%dma_wait3A_71 : memref<128x64xf32, #tpu.memory_space<vmem_shared>>)
      tpu.yield
    }) : () -> ()
    %add3A_47 = arith.constant 128 : i32
    %add3A_48 = arith.addi %mul3A_3, %add3A_47 : i32
    "tpu.region"() ({
      %run_scoped3A_65 = tpu.sem_alloc : memref<!tpu.dma_semaphore, #tpu.memory_space<semaphore_mem>>
      %dma_start3A = arith.constant 0 : i32
      %dma_start3A_66 = tpu.memref_slice %arg20[%add3A_48, %dma_start3A] : memref<10240x64xf32, #tpu.memory_space<vmem_shared>> -> memref<128x64xf32, #tpu.memory_space<vmem_shared>>
      %dma_start3A_67 = arith.constant 0 : i32
      %dma_start3A_68 = tpu.memref_slice %arg20[%add3A_48, %dma_start3A_67] : memref<10240x64xf32, #tpu.memory_space<vmem_shared>> -> memref<128x64xf32, #tpu.memory_space<vmem_shared>>
      tpu.enqueue_dma source(%arg17 : memref<128x64xf32, #tpu.memory_space<vmem>>) target(%dma_start3A_68 : memref<128x64xf32, #tpu.memory_space<vmem_shared>>) target_semaphore(%run_scoped3A_65 : memref<!tpu.dma_semaphore, #tpu.memory_space<semaphore_mem>>)
      %dma_wait3A = arith.constant 0 : i32
      %dma_wait3A_69 = tpu.memref_slice %arg20[%add3A_48, %dma_wait3A] : memref<10240x64xf32, #tpu.memory_space<vmem_shared>> -> memref<128x64xf32, #tpu.memory_space<vmem_shared>>
      %dma_wait3A_70 = arith.constant 0 : i32
      %dma_wait3A_71 = tpu.memref_slice %arg20[%add3A_48, %dma_wait3A_70] : memref<10240x64xf32, #tpu.memory_space<vmem_shared>> -> memref<128x64xf32, #tpu.memory_space<vmem_shared>>
      tpu.wait_dma2 semaphore(%run_scoped3A_65 : memref<!tpu.dma_semaphore, #tpu.memory_space<semaphore_mem>>) src(%arg17 : memref<128x64xf32, #tpu.memory_space<vmem>>) dst(%dma_wait3A_71 : memref<128x64xf32, #tpu.memory_space<vmem_shared>>)
      tpu.yield
    }) : () -> ()
    %add3A_49 = arith.constant 256 : i32
    %add3A_50 = arith.addi %mul3A_3, %add3A_49 : i32
    "tpu.region"() ({
      %run_scoped3A_65 = tpu.sem_alloc : memref<!tpu.dma_semaphore, #tpu.memory_space<semaphore_mem>>
      %dma_start3A = arith.constant 0 : i32
      %dma_start3A_66 = tpu.memref_slice %arg20[%add3A_50, %dma_start3A] : memref<10240x64xf32, #tpu.memory_space<vmem_shared>> -> memref<128x64xf32, #tpu.memory_space<vmem_shared>>
      %dma_start3A_67 = arith.constant 0 : i32
      %dma_start3A_68 = tpu.memref_slice %arg20[%add3A_50, %dma_start3A_67] : memref<10240x64xf32, #tpu.memory_space<vmem_shared>> -> memref<128x64xf32, #tpu.memory_space<vmem_shared>>
      tpu.enqueue_dma source(%arg17 : memref<128x64xf32, #tpu.memory_space<vmem>>) target(%dma_start3A_68 : memref<128x64xf32, #tpu.memory_space<vmem_shared>>) target_semaphore(%run_scoped3A_65 : memref<!tpu.dma_semaphore, #tpu.memory_space<semaphore_mem>>)
      %dma_wait3A = arith.constant 0 : i32
      %dma_wait3A_69 = tpu.memref_slice %arg20[%add3A_50, %dma_wait3A] : memref<10240x64xf32, #tpu.memory_space<vmem_shared>> -> memref<128x64xf32, #tpu.memory_space<vmem_shared>>
      %dma_wait3A_70 = arith.constant 0 : i32
      %dma_wait3A_71 = tpu.memref_slice %arg20[%add3A_50, %dma_wait3A_70] : memref<10240x64xf32, #tpu.memory_space<vmem_shared>> -> memref<128x64xf32, #tpu.memory_space<vmem_shared>>
      tpu.wait_dma2 semaphore(%run_scoped3A_65 : memref<!tpu.dma_semaphore, #tpu.memory_space<semaphore_mem>>) src(%arg17 : memref<128x64xf32, #tpu.memory_space<vmem>>) dst(%dma_wait3A_71 : memref<128x64xf32, #tpu.memory_space<vmem_shared>>)
      tpu.yield
    }) : () -> ()
    %add3A_51 = arith.constant 384 : i32
    %add3A_52 = arith.addi %mul3A_3, %add3A_51 : i32
    "tpu.region"() ({
      %run_scoped3A_65 = tpu.sem_alloc : memref<!tpu.dma_semaphore, #tpu.memory_space<semaphore_mem>>
      %dma_start3A = arith.constant 0 : i32
      %dma_start3A_66 = tpu.memref_slice %arg20[%add3A_52, %dma_start3A] : memref<10240x64xf32, #tpu.memory_space<vmem_shared>> -> memref<128x64xf32, #tpu.memory_space<vmem_shared>>
      %dma_start3A_67 = arith.constant 0 : i32
      %dma_start3A_68 = tpu.memref_slice %arg20[%add3A_52, %dma_start3A_67] : memref<10240x64xf32, #tpu.memory_space<vmem_shared>> -> memref<128x64xf32, #tpu.memory_space<vmem_shared>>
      tpu.enqueue_dma source(%arg17 : memref<128x64xf32, #tpu.memory_space<vmem>>) target(%dma_start3A_68 : memref<128x64xf32, #tpu.memory_space<vmem_shared>>) target_semaphore(%run_scoped3A_65 : memref<!tpu.dma_semaphore, #tpu.memory_space<semaphore_mem>>)
      %dma_wait3A = arith.constant 0 : i32
      %dma_wait3A_69 = tpu.memref_slice %arg20[%add3A_52, %dma_wait3A] : memref<10240x64xf32, #tpu.memory_space<vmem_shared>> -> memref<128x64xf32, #tpu.memory_space<vmem_shared>>
      %dma_wait3A_70 = arith.constant 0 : i32
      %dma_wait3A_71 = tpu.memref_slice %arg20[%add3A_52, %dma_wait3A_70] : memref<10240x64xf32, #tpu.memory_space<vmem_shared>> -> memref<128x64xf32, #tpu.memory_space<vmem_shared>>
      tpu.wait_dma2 semaphore(%run_scoped3A_65 : memref<!tpu.dma_semaphore, #tpu.memory_space<semaphore_mem>>) src(%arg17 : memref<128x64xf32, #tpu.memory_space<vmem>>) dst(%dma_wait3A_71 : memref<128x64xf32, #tpu.memory_space<vmem_shared>>)
      tpu.yield
    }) : () -> ()
    %add3A_53 = arith.constant 512 : i32
    %add3A_54 = arith.addi %mul3A_3, %add3A_53 : i32
    "tpu.region"() ({
      %run_scoped3A_65 = tpu.sem_alloc : memref<!tpu.dma_semaphore, #tpu.memory_space<semaphore_mem>>
      %dma_start3A = arith.constant 0 : i32
      %dma_start3A_66 = tpu.memref_slice %arg20[%add3A_54, %dma_start3A] : memref<10240x64xf32, #tpu.memory_space<vmem_shared>> -> memref<128x64xf32, #tpu.memory_space<vmem_shared>>
      %dma_start3A_67 = arith.constant 0 : i32
      %dma_start3A_68 = tpu.memref_slice %arg20[%add3A_54, %dma_start3A_67] : memref<10240x64xf32, #tpu.memory_space<vmem_shared>> -> memref<128x64xf32, #tpu.memory_space<vmem_shared>>
      tpu.enqueue_dma source(%arg17 : memref<128x64xf32, #tpu.memory_space<vmem>>) target(%dma_start3A_68 : memref<128x64xf32, #tpu.memory_space<vmem_shared>>) target_semaphore(%run_scoped3A_65 : memref<!tpu.dma_semaphore, #tpu.memory_space<semaphore_mem>>)
      %dma_wait3A = arith.constant 0 : i32
      %dma_wait3A_69 = tpu.memref_slice %arg20[%add3A_54, %dma_wait3A] : memref<10240x64xf32, #tpu.memory_space<vmem_shared>> -> memref<128x64xf32, #tpu.memory_space<vmem_shared>>
      %dma_wait3A_70 = arith.constant 0 : i32
      %dma_wait3A_71 = tpu.memref_slice %arg20[%add3A_54, %dma_wait3A_70] : memref<10240x64xf32, #tpu.memory_space<vmem_shared>> -> memref<128x64xf32, #tpu.memory_space<vmem_shared>>
      tpu.wait_dma2 semaphore(%run_scoped3A_65 : memref<!tpu.dma_semaphore, #tpu.memory_space<semaphore_mem>>) src(%arg17 : memref<128x64xf32, #tpu.memory_space<vmem>>) dst(%dma_wait3A_71 : memref<128x64xf32, #tpu.memory_space<vmem_shared>>)
      tpu.yield
    }) : () -> ()
    %barrier3A_55 = arith.constant 0 : index
    tpu.barrier barrier_id(%barrier3A_55)
    %scan3A_56 = arith.constant 0 : i32
    %scan3A_57 = arith.constant 0 : i32
    %scan3A_58 = arith.constant 81 : i32
    %scan3A_59 = arith.addi %scan3A_57, %scan3A_58 : i32
    %scan3A_60 = arith.constant 1 : i32
    %scan3A_61 = scf.for %scan3A_65 = %scan3A_57 to %scan3A_59 step %scan3A_60 iter_args(%scan3A_66 = %scan3A_56) -> (i32)  : i32 {
      %get3A = arith.index_cast %scan3A_65 : i32 to index
      %get3A_67 = arith.constant 0 : index
      %get3A_68 = tpu.vector_load %arg12[%get3A, %get3A_67] {strides = array<i32>} : memref<81x128xi32, #tpu.memory_space<vmem>>, vector<16xi32>,
      %get3A_69 = arith.index_cast %scan3A_65 : i32 to index
      %get3A_70 = arith.constant 0 : index
      %get3A_71 = tpu.vector_load %arg13[%get3A_69, %get3A_70] {strides = array<i32>} : memref<81x128xi32, #tpu.memory_space<vmem>>, vector<16xi32>,
      %swap3A = arith.constant 0 : index
      %swap3A_72 = tpu.vector_load %arg14[%swap3A] {strides = array<i32>} : memref<128xi32, #tpu.memory_space<vmem>>, vector<16xi32>,
      tpu.vector_store %arg14[%swap3A], %get3A_68 {strides = array<i32>} : memref<128xi32, #tpu.memory_space<vmem>>, vector<16xi32>,
      %swap3A_73 = arith.constant 0 : index
      %swap3A_74 = tpu.vector_load %arg15[%swap3A_73] {strides = array<i32>} : memref<128xi32, #tpu.memory_space<vmem>>, vector<16xi32>,
      tpu.vector_store %arg15[%swap3A_73], %get3A_71 {strides = array<i32>} : memref<128xi32, #tpu.memory_space<vmem>>, vector<16xi32>,
      %add3A_75 = arith.constant 0 : i32
      %add3A_76 = vector.broadcast %add3A_75 : i32 to vector<16xi32>
      %add3A_77 = arith.addi %iota3A, %add3A_76 : vector<16xi32>
      %mul3A_78 = arith.constant 1 : i32
      %mul3A_79 = vector.broadcast %mul3A_78 : i32 to vector<16xi32>
      %mul3A_80 = arith.muli %get3A_68, %mul3A_79 : vector<16xi32>
      %add3A_81 = arith.constant 0 : i32
      %add3A_82 = vector.broadcast %add3A_81 : i32 to vector<16xi32>
      %add3A_83 = arith.addi %mul3A_80, %add3A_82 : vector<16xi32>
      %gather3A = tpu.vector_load_idx %arg10[%add3A_83] : memref<10016xf32, #tpu.memory_space<vmem>>[vector<16xi32>], vector<16xf32>,
      %mul3A_84 = arith.constant 1 : i32
      %mul3A_85 = vector.broadcast %mul3A_84 : i32 to vector<16xi32>
      %mul3A_86 = arith.muli %get3A_71, %mul3A_85 : vector<16xi32>
      %add3A_87 = arith.constant 0 : i32
      %add3A_88 = vector.broadcast %add3A_87 : i32 to vector<16xi32>
      %add3A_89 = arith.addi %mul3A_86, %add3A_88 : vector<16xi32>
      %gather3A_90 = tpu.vector_load_idx %arg11[%add3A_89] : memref<10016xf32, #tpu.memory_space<vmem>>[vector<16xi32>], vector<16xf32>,
      %add3A_91 = arith.addf %gather3A, %gather3A_90 : vector<16xf32>
      %mul3A_92 = arith.constant 2.000000e-01 : f32
      %mul3A_93 = vector.broadcast %mul3A_92 : f32 to vector<16xf32>
      %mul3A_94 = arith.mulf %mul3A_93, %add3A_91 : vector<16xf32>
      %max3A = arith.maximumf %add3A_91, %mul3A_94 : vector<16xf32>
      %exp3A = math.exp %max3A : vector<16xf32>
      %swap3A_95 = arith.constant 0 : index
      %swap3A_96 = tpu.vector_load %arg19[%swap3A_95] {strides = array<i32>} : memref<128xf32, #tpu.memory_space<vmem>>, vector<16xf32>,
      tpu.vector_store %arg19[%swap3A_95], %exp3A {strides = array<i32>} : memref<128xf32, #tpu.memory_space<vmem>>, vector<16xf32>,
      %get3A_97 = arith.index_cast %scan3A_65 : i32 to index
      %get3A_98 = arith.constant 16 : index
      %get3A_99 = tpu.vector_load %arg12[%get3A_97, %get3A_98] {strides = array<i32>} : memref<81x128xi32, #tpu.memory_space<vmem>>, vector<16xi32>,
      %get3A_100 = arith.index_cast %scan3A_65 : i32 to index
      %get3A_101 = arith.constant 16 : index
      %get3A_102 = tpu.vector_load %arg13[%get3A_100, %get3A_101] {strides = array<i32>} : memref<81x128xi32, #tpu.memory_space<vmem>>, vector<16xi32>,
      %swap3A_103 = arith.constant 16 : index
      %swap3A_104 = tpu.vector_load %arg14[%swap3A_103] {strides = array<i32>} : memref<128xi32, #tpu.memory_space<vmem>>, vector<16xi32>,
      tpu.vector_store %arg14[%swap3A_103], %get3A_99 {strides = array<i32>} : memref<128xi32, #tpu.memory_space<vmem>>, vector<16xi32>,
      %swap3A_105 = arith.constant 16 : index
      %swap3A_106 = tpu.vector_load %arg15[%swap3A_105] {strides = array<i32>} : memref<128xi32, #tpu.memory_space<vmem>>, vector<16xi32>,
      tpu.vector_store %arg15[%swap3A_105], %get3A_102 {strides = array<i32>} : memref<128xi32, #tpu.memory_space<vmem>>, vector<16xi32>,
      %add3A_107 = arith.constant 16 : i32
      %add3A_108 = vector.broadcast %add3A_107 : i32 to vector<16xi32>
      %add3A_109 = arith.addi %iota3A, %add3A_108 : vector<16xi32>
      %mul3A_110 = arith.constant 1 : i32
      %mul3A_111 = vector.broadcast %mul3A_110 : i32 to vector<16xi32>
      %mul3A_112 = arith.muli %get3A_99, %mul3A_111 : vector<16xi32>
      %add3A_113 = arith.constant 0 : i32
      %add3A_114 = vector.broadcast %add3A_113 : i32 to vector<16xi32>
      %add3A_115 = arith.addi %mul3A_112, %add3A_114 : vector<16xi32>
      %gather3A_116 = tpu.vector_load_idx %arg10[%add3A_115] : memref<10016xf32, #tpu.memory_space<vmem>>[vector<16xi32>], vector<16xf32>,
      %mul3A_117 = arith.constant 1 : i32
      %mul3A_118 = vector.broadcast %mul3A_117 : i32 to vector<16xi32>
      %mul3A_119 = arith.muli %get3A_102, %mul3A_118 : vector<16xi32>
      %add3A_120 = arith.constant 0 : i32
      %add3A_121 = vector.broadcast %add3A_120 : i32 to vector<16xi32>
      %add3A_122 = arith.addi %mul3A_119, %add3A_121 : vector<16xi32>
      %gather3A_123 = tpu.vector_load_idx %arg11[%add3A_122] : memref<10016xf32, #tpu.memory_space<vmem>>[vector<16xi32>], vector<16xf32>,
      %add3A_124 = arith.addf %gather3A_116, %gather3A_123 : vector<16xf32>
      %mul3A_125 = arith.constant 2.000000e-01 : f32
      %mul3A_126 = vector.broadcast %mul3A_125 : f32 to vector<16xf32>
      %mul3A_127 = arith.mulf %mul3A_126, %add3A_124 : vector<16xf32>
      %max3A_128 = arith.maximumf %add3A_124, %mul3A_127 : vector<16xf32>
      %exp3A_129 = math.exp %max3A_128 : vector<16xf32>
      %swap3A_130 = arith.constant 16 : index
      %swap3A_131 = tpu.vector_load %arg19[%swap3A_130] {strides = array<i32>} : memref<128xf32, #tpu.memory_space<vmem>>, vector<16xf32>,
      tpu.vector_store %arg19[%swap3A_130], %exp3A_129 {strides = array<i32>} : memref<128xf32, #tpu.memory_space<vmem>>, vector<16xf32>,
      %get3A_132 = arith.index_cast %scan3A_65 : i32 to index
      %get3A_133 = arith.constant 32 : index
      %get3A_134 = tpu.vector_load %arg12[%get3A_132, %get3A_133] {strides = array<i32>} : memref<81x128xi32, #tpu.memory_space<vmem>>, vector<16xi32>,
      %get3A_135 = arith.index_cast %scan3A_65 : i32 to index
      %get3A_136 = arith.constant 32 : index
      %get3A_137 = tpu.vector_load %arg13[%get3A_135, %get3A_136] {strides = array<i32>} : memref<81x128xi32, #tpu.memory_space<vmem>>, vector<16xi32>,
      %swap3A_138 = arith.constant 32 : index
      %swap3A_139 = tpu.vector_load %arg14[%swap3A_138] {strides = array<i32>} : memref<128xi32, #tpu.memory_space<vmem>>, vector<16xi32>,
      tpu.vector_store %arg14[%swap3A_138], %get3A_134 {strides = array<i32>} : memref<128xi32, #tpu.memory_space<vmem>>, vector<16xi32>,
      %swap3A_140 = arith.constant 32 : index
      %swap3A_141 = tpu.vector_load %arg15[%swap3A_140] {strides = array<i32>} : memref<128xi32, #tpu.memory_space<vmem>>, vector<16xi32>,
      tpu.vector_store %arg15[%swap3A_140], %get3A_137 {strides = array<i32>} : memref<128xi32, #tpu.memory_space<vmem>>, vector<16xi32>,
      %add3A_142 = arith.constant 32 : i32
      %add3A_143 = vector.broadcast %add3A_142 : i32 to vector<16xi32>
      %add3A_144 = arith.addi %iota3A, %add3A_143 : vector<16xi32>
      %mul3A_145 = arith.constant 1 : i32
      %mul3A_146 = vector.broadcast %mul3A_145 : i32 to vector<16xi32>
      %mul3A_147 = arith.muli %get3A_134, %mul3A_146 : vector<16xi32>
      %add3A_148 = arith.constant 0 : i32
      %add3A_149 = vector.broadcast %add3A_148 : i32 to vector<16xi32>
      %add3A_150 = arith.addi %mul3A_147, %add3A_149 : vector<16xi32>
      %gather3A_151 = tpu.vector_load_idx %arg10[%add3A_150] : memref<10016xf32, #tpu.memory_space<vmem>>[vector<16xi32>], vector<16xf32>,
      %mul3A_152 = arith.constant 1 : i32
      %mul3A_153 = vector.broadcast %mul3A_152 : i32 to vector<16xi32>
      %mul3A_154 = arith.muli %get3A_137, %mul3A_153 : vector<16xi32>
      %add3A_155 = arith.constant 0 : i32
      %add3A_156 = vector.broadcast %add3A_155 : i32 to vector<16xi32>
      %add3A_157 = arith.addi %mul3A_154, %add3A_156 : vector<16xi32>
      %gather3A_158 = tpu.vector_load_idx %arg11[%add3A_157] : memref<10016xf32, #tpu.memory_space<vmem>>[vector<16xi32>], vector<16xf32>,
      %add3A_159 = arith.addf %gather3A_151, %gather3A_158 : vector<16xf32>
      %mul3A_160 = arith.constant 2.000000e-01 : f32
      %mul3A_161 = vector.broadcast %mul3A_160 : f32 to vector<16xf32>
      %mul3A_162 = arith.mulf %mul3A_161, %add3A_159 : vector<16xf32>
      %max3A_163 = arith.maximumf %add3A_159, %mul3A_162 : vector<16xf32>
      %exp3A_164 = math.exp %max3A_163 : vector<16xf32>
      %swap3A_165 = arith.constant 32 : index
      %swap3A_166 = tpu.vector_load %arg19[%swap3A_165] {strides = array<i32>} : memref<128xf32, #tpu.memory_space<vmem>>, vector<16xf32>,
      tpu.vector_store %arg19[%swap3A_165], %exp3A_164 {strides = array<i32>} : memref<128xf32, #tpu.memory_space<vmem>>, vector<16xf32>,
      %get3A_167 = arith.index_cast %scan3A_65 : i32 to index
      %get3A_168 = arith.constant 48 : index
      %get3A_169 = tpu.vector_load %arg12[%get3A_167, %get3A_168] {strides = array<i32>} : memref<81x128xi32, #tpu.memory_space<vmem>>, vector<16xi32>,
      %get3A_170 = arith.index_cast %scan3A_65 : i32 to index
      %get3A_171 = arith.constant 48 : index
      %get3A_172 = tpu.vector_load %arg13[%get3A_170, %get3A_171] {strides = array<i32>} : memref<81x128xi32, #tpu.memory_space<vmem>>, vector<16xi32>,
      %swap3A_173 = arith.constant 48 : index
      %swap3A_174 = tpu.vector_load %arg14[%swap3A_173] {strides = array<i32>} : memref<128xi32, #tpu.memory_space<vmem>>, vector<16xi32>,
      tpu.vector_store %arg14[%swap3A_173], %get3A_169 {strides = array<i32>} : memref<128xi32, #tpu.memory_space<vmem>>, vector<16xi32>,
      %swap3A_175 = arith.constant 48 : index
      %swap3A_176 = tpu.vector_load %arg15[%swap3A_175] {strides = array<i32>} : memref<128xi32, #tpu.memory_space<vmem>>, vector<16xi32>,
      tpu.vector_store %arg15[%swap3A_175], %get3A_172 {strides = array<i32>} : memref<128xi32, #tpu.memory_space<vmem>>, vector<16xi32>,
      %add3A_177 = arith.constant 48 : i32
      %add3A_178 = vector.broadcast %add3A_177 : i32 to vector<16xi32>
      %add3A_179 = arith.addi %iota3A, %add3A_178 : vector<16xi32>
      %mul3A_180 = arith.constant 1 : i32
      %mul3A_181 = vector.broadcast %mul3A_180 : i32 to vector<16xi32>
      %mul3A_182 = arith.muli %get3A_169, %mul3A_181 : vector<16xi32>
      %add3A_183 = arith.constant 0 : i32
      %add3A_184 = vector.broadcast %add3A_183 : i32 to vector<16xi32>
      %add3A_185 = arith.addi %mul3A_182, %add3A_184 : vector<16xi32>
      %gather3A_186 = tpu.vector_load_idx %arg10[%add3A_185] : memref<10016xf32, #tpu.memory_space<vmem>>[vector<16xi32>], vector<16xf32>,
      %mul3A_187 = arith.constant 1 : i32
      %mul3A_188 = vector.broadcast %mul3A_187 : i32 to vector<16xi32>
      %mul3A_189 = arith.muli %get3A_172, %mul3A_188 : vector<16xi32>
      %add3A_190 = arith.constant 0 : i32
      %add3A_191 = vector.broadcast %add3A_190 : i32 to vector<16xi32>
      %add3A_192 = arith.addi %mul3A_189, %add3A_191 : vector<16xi32>
      %gather3A_193 = tpu.vector_load_idx %arg11[%add3A_192] : memref<10016xf32, #tpu.memory_space<vmem>>[vector<16xi32>], vector<16xf32>,
      %add3A_194 = arith.addf %gather3A_186, %gather3A_193 : vector<16xf32>
      %mul3A_195 = arith.constant 2.000000e-01 : f32
      %mul3A_196 = vector.broadcast %mul3A_195 : f32 to vector<16xf32>
      %mul3A_197 = arith.mulf %mul3A_196, %add3A_194 : vector<16xf32>
      %max3A_198 = arith.maximumf %add3A_194, %mul3A_197 : vector<16xf32>
      %exp3A_199 = math.exp %max3A_198 : vector<16xf32>
      %swap3A_200 = arith.constant 48 : index
      %swap3A_201 = tpu.vector_load %arg19[%swap3A_200] {strides = array<i32>} : memref<128xf32, #tpu.memory_space<vmem>>, vector<16xf32>,
      tpu.vector_store %arg19[%swap3A_200], %exp3A_199 {strides = array<i32>} : memref<128xf32, #tpu.memory_space<vmem>>, vector<16xf32>,
      %get3A_202 = arith.index_cast %scan3A_65 : i32 to index
      %get3A_203 = arith.constant 64 : index
      %get3A_204 = tpu.vector_load %arg12[%get3A_202, %get3A_203] {strides = array<i32>} : memref<81x128xi32, #tpu.memory_space<vmem>>, vector<16xi32>,
      %get3A_205 = arith.index_cast %scan3A_65 : i32 to index
      %get3A_206 = arith.constant 64 : index
      %get3A_207 = tpu.vector_load %arg13[%get3A_205, %get3A_206] {strides = array<i32>} : memref<81x128xi32, #tpu.memory_space<vmem>>, vector<16xi32>,
      %swap3A_208 = arith.constant 64 : index
      %swap3A_209 = tpu.vector_load %arg14[%swap3A_208] {strides = array<i32>} : memref<128xi32, #tpu.memory_space<vmem>>, vector<16xi32>,
      tpu.vector_store %arg14[%swap3A_208], %get3A_204 {strides = array<i32>} : memref<128xi32, #tpu.memory_space<vmem>>, vector<16xi32>,
      %swap3A_210 = arith.constant 64 : index
      %swap3A_211 = tpu.vector_load %arg15[%swap3A_210] {strides = array<i32>} : memref<128xi32, #tpu.memory_space<vmem>>, vector<16xi32>,
      tpu.vector_store %arg15[%swap3A_210], %get3A_207 {strides = array<i32>} : memref<128xi32, #tpu.memory_space<vmem>>, vector<16xi32>,
      %add3A_212 = arith.constant 64 : i32
      %add3A_213 = vector.broadcast %add3A_212 : i32 to vector<16xi32>
      %add3A_214 = arith.addi %iota3A, %add3A_213 : vector<16xi32>
      %mul3A_215 = arith.constant 1 : i32
      %mul3A_216 = vector.broadcast %mul3A_215 : i32 to vector<16xi32>
      %mul3A_217 = arith.muli %get3A_204, %mul3A_216 : vector<16xi32>
      %add3A_218 = arith.constant 0 : i32
      %add3A_219 = vector.broadcast %add3A_218 : i32 to vector<16xi32>
      %add3A_220 = arith.addi %mul3A_217, %add3A_219 : vector<16xi32>
      %gather3A_221 = tpu.vector_load_idx %arg10[%add3A_220] : memref<10016xf32, #tpu.memory_space<vmem>>[vector<16xi32>], vector<16xf32>,
      %mul3A_222 = arith.constant 1 : i32
      %mul3A_223 = vector.broadcast %mul3A_222 : i32 to vector<16xi32>
      %mul3A_224 = arith.muli %get3A_207, %mul3A_223 : vector<16xi32>
      %add3A_225 = arith.constant 0 : i32
      %add3A_226 = vector.broadcast %add3A_225 : i32 to vector<16xi32>
      %add3A_227 = arith.addi %mul3A_224, %add3A_226 : vector<16xi32>
      %gather3A_228 = tpu.vector_load_idx %arg11[%add3A_227] : memref<10016xf32, #tpu.memory_space<vmem>>[vector<16xi32>], vector<16xf32>,
      %add3A_229 = arith.addf %gather3A_221, %gather3A_228 : vector<16xf32>
      %mul3A_230 = arith.constant 2.000000e-01 : f32
      %mul3A_231 = vector.broadcast %mul3A_230 : f32 to vector<16xf32>
      %mul3A_232 = arith.mulf %mul3A_231, %add3A_229 : vector<16xf32>
      %max3A_233 = arith.maximumf %add3A_229, %mul3A_232 : vector<16xf32>
      %exp3A_234 = math.exp %max3A_233 : vector<16xf32>
      %swap3A_235 = arith.constant 64 : index
      %swap3A_236 = tpu.vector_load %arg19[%swap3A_235] {strides = array<i32>} : memref<128xf32, #tpu.memory_space<vmem>>, vector<16xf32>,
      tpu.vector_store %arg19[%swap3A_235], %exp3A_234 {strides = array<i32>} : memref<128xf32, #tpu.memory_space<vmem>>, vector<16xf32>,
      %get3A_237 = arith.index_cast %scan3A_65 : i32 to index
      %get3A_238 = arith.constant 80 : index
      %get3A_239 = tpu.vector_load %arg12[%get3A_237, %get3A_238] {strides = array<i32>} : memref<81x128xi32, #tpu.memory_space<vmem>>, vector<16xi32>,
      %get3A_240 = arith.index_cast %scan3A_65 : i32 to index
      %get3A_241 = arith.constant 80 : index
      %get3A_242 = tpu.vector_load %arg13[%get3A_240, %get3A_241] {strides = array<i32>} : memref<81x128xi32, #tpu.memory_space<vmem>>, vector<16xi32>,
      %swap3A_243 = arith.constant 80 : index
      %swap3A_244 = tpu.vector_load %arg14[%swap3A_243] {strides = array<i32>} : memref<128xi32, #tpu.memory_space<vmem>>, vector<16xi32>,
      tpu.vector_store %arg14[%swap3A_243], %get3A_239 {strides = array<i32>} : memref<128xi32, #tpu.memory_space<vmem>>, vector<16xi32>,
      %swap3A_245 = arith.constant 80 : index
      %swap3A_246 = tpu.vector_load %arg15[%swap3A_245] {strides = array<i32>} : memref<128xi32, #tpu.memory_space<vmem>>, vector<16xi32>,
      tpu.vector_store %arg15[%swap3A_245], %get3A_242 {strides = array<i32>} : memref<128xi32, #tpu.memory_space<vmem>>, vector<16xi32>,
      %add3A_247 = arith.constant 80 : i32
      %add3A_248 = vector.broadcast %add3A_247 : i32 to vector<16xi32>
      %add3A_249 = arith.addi %iota3A, %add3A_248 : vector<16xi32>
      %mul3A_250 = arith.constant 1 : i32
      %mul3A_251 = vector.broadcast %mul3A_250 : i32 to vector<16xi32>
      %mul3A_252 = arith.muli %get3A_239, %mul3A_251 : vector<16xi32>
      %add3A_253 = arith.constant 0 : i32
      %add3A_254 = vector.broadcast %add3A_253 : i32 to vector<16xi32>
      %add3A_255 = arith.addi %mul3A_252, %add3A_254 : vector<16xi32>
      %gather3A_256 = tpu.vector_load_idx %arg10[%add3A_255] : memref<10016xf32, #tpu.memory_space<vmem>>[vector<16xi32>], vector<16xf32>,
      %mul3A_257 = arith.constant 1 : i32
      %mul3A_258 = vector.broadcast %mul3A_257 : i32 to vector<16xi32>
      %mul3A_259 = arith.muli %get3A_242, %mul3A_258 : vector<16xi32>
      %add3A_260 = arith.constant 0 : i32
      %add3A_261 = vector.broadcast %add3A_260 : i32 to vector<16xi32>
      %add3A_262 = arith.addi %mul3A_259, %add3A_261 : vector<16xi32>
      %gather3A_263 = tpu.vector_load_idx %arg11[%add3A_262] : memref<10016xf32, #tpu.memory_space<vmem>>[vector<16xi32>], vector<16xf32>,
      %add3A_264 = arith.addf %gather3A_256, %gather3A_263 : vector<16xf32>
      %mul3A_265 = arith.constant 2.000000e-01 : f32
      %mul3A_266 = vector.broadcast %mul3A_265 : f32 to vector<16xf32>
      %mul3A_267 = arith.mulf %mul3A_266, %add3A_264 : vector<16xf32>
      %max3A_268 = arith.maximumf %add3A_264, %mul3A_267 : vector<16xf32>
      %exp3A_269 = math.exp %max3A_268 : vector<16xf32>
      %swap3A_270 = arith.constant 80 : index
      %swap3A_271 = tpu.vector_load %arg19[%swap3A_270] {strides = array<i32>} : memref<128xf32, #tpu.memory_space<vmem>>, vector<16xf32>,
      tpu.vector_store %arg19[%swap3A_270], %exp3A_269 {strides = array<i32>} : memref<128xf32, #tpu.memory_space<vmem>>, vector<16xf32>,
      %get3A_272 = arith.index_cast %scan3A_65 : i32 to index
      %get3A_273 = arith.constant 96 : index
      %get3A_274 = tpu.vector_load %arg12[%get3A_272, %get3A_273] {strides = array<i32>} : memref<81x128xi32, #tpu.memory_space<vmem>>, vector<16xi32>,
      %get3A_275 = arith.index_cast %scan3A_65 : i32 to index
      %get3A_276 = arith.constant 96 : index
      %get3A_277 = tpu.vector_load %arg13[%get3A_275, %get3A_276] {strides = array<i32>} : memref<81x128xi32, #tpu.memory_space<vmem>>, vector<16xi32>,
      %swap3A_278 = arith.constant 96 : index
      %swap3A_279 = tpu.vector_load %arg14[%swap3A_278] {strides = array<i32>} : memref<128xi32, #tpu.memory_space<vmem>>, vector<16xi32>,
      tpu.vector_store %arg14[%swap3A_278], %get3A_274 {strides = array<i32>} : memref<128xi32, #tpu.memory_space<vmem>>, vector<16xi32>,
      %swap3A_280 = arith.constant 96 : index
      %swap3A_281 = tpu.vector_load %arg15[%swap3A_280] {strides = array<i32>} : memref<128xi32, #tpu.memory_space<vmem>>, vector<16xi32>,
      tpu.vector_store %arg15[%swap3A_280], %get3A_277 {strides = array<i32>} : memref<128xi32, #tpu.memory_space<vmem>>, vector<16xi32>,
      %add3A_282 = arith.constant 96 : i32
      %add3A_283 = vector.broadcast %add3A_282 : i32 to vector<16xi32>
      %add3A_284 = arith.addi %iota3A, %add3A_283 : vector<16xi32>
      %mul3A_285 = arith.constant 1 : i32
      %mul3A_286 = vector.broadcast %mul3A_285 : i32 to vector<16xi32>
      %mul3A_287 = arith.muli %get3A_274, %mul3A_286 : vector<16xi32>
      %add3A_288 = arith.constant 0 : i32
      %add3A_289 = vector.broadcast %add3A_288 : i32 to vector<16xi32>
      %add3A_290 = arith.addi %mul3A_287, %add3A_289 : vector<16xi32>
      %gather3A_291 = tpu.vector_load_idx %arg10[%add3A_290] : memref<10016xf32, #tpu.memory_space<vmem>>[vector<16xi32>], vector<16xf32>,
      %mul3A_292 = arith.constant 1 : i32
      %mul3A_293 = vector.broadcast %mul3A_292 : i32 to vector<16xi32>
      %mul3A_294 = arith.muli %get3A_277, %mul3A_293 : vector<16xi32>
      %add3A_295 = arith.constant 0 : i32
      %add3A_296 = vector.broadcast %add3A_295 : i32 to vector<16xi32>
      %add3A_297 = arith.addi %mul3A_294, %add3A_296 : vector<16xi32>
      %gather3A_298 = tpu.vector_load_idx %arg11[%add3A_297] : memref<10016xf32, #tpu.memory_space<vmem>>[vector<16xi32>], vector<16xf32>,
      %add3A_299 = arith.addf %gather3A_291, %gather3A_298 : vector<16xf32>
      %mul3A_300 = arith.constant 2.000000e-01 : f32
      %mul3A_301 = vector.broadcast %mul3A_300 : f32 to vector<16xf32>
      %mul3A_302 = arith.mulf %mul3A_301, %add3A_299 : vector<16xf32>
      %max3A_303 = arith.maximumf %add3A_299, %mul3A_302 : vector<16xf32>
      %exp3A_304 = math.exp %max3A_303 : vector<16xf32>
      %swap3A_305 = arith.constant 96 : index
      %swap3A_306 = tpu.vector_load %arg19[%swap3A_305] {strides = array<i32>} : memref<128xf32, #tpu.memory_space<vmem>>, vector<16xf32>,
      tpu.vector_store %arg19[%swap3A_305], %exp3A_304 {strides = array<i32>} : memref<128xf32, #tpu.memory_space<vmem>>, vector<16xf32>,
      %get3A_307 = arith.index_cast %scan3A_65 : i32 to index
      %get3A_308 = arith.constant 112 : index
      %get3A_309 = tpu.vector_load %arg12[%get3A_307, %get3A_308] {strides = array<i32>} : memref<81x128xi32, #tpu.memory_space<vmem>>, vector<16xi32>,
      %get3A_310 = arith.index_cast %scan3A_65 : i32 to index
      %get3A_311 = arith.constant 112 : index
      %get3A_312 = tpu.vector_load %arg13[%get3A_310, %get3A_311] {strides = array<i32>} : memref<81x128xi32, #tpu.memory_space<vmem>>, vector<16xi32>,
      %swap3A_313 = arith.constant 112 : index
      %swap3A_314 = tpu.vector_load %arg14[%swap3A_313] {strides = array<i32>} : memref<128xi32, #tpu.memory_space<vmem>>, vector<16xi32>,
      tpu.vector_store %arg14[%swap3A_313], %get3A_309 {strides = array<i32>} : memref<128xi32, #tpu.memory_space<vmem>>, vector<16xi32>,
      %swap3A_315 = arith.constant 112 : index
      %swap3A_316 = tpu.vector_load %arg15[%swap3A_315] {strides = array<i32>} : memref<128xi32, #tpu.memory_space<vmem>>, vector<16xi32>,
      tpu.vector_store %arg15[%swap3A_315], %get3A_312 {strides = array<i32>} : memref<128xi32, #tpu.memory_space<vmem>>, vector<16xi32>,
      %add3A_317 = arith.constant 112 : i32
      %add3A_318 = vector.broadcast %add3A_317 : i32 to vector<16xi32>
      %add3A_319 = arith.addi %iota3A, %add3A_318 : vector<16xi32>
      %mul3A_320 = arith.constant 1 : i32
      %mul3A_321 = vector.broadcast %mul3A_320 : i32 to vector<16xi32>
      %mul3A_322 = arith.muli %get3A_309, %mul3A_321 : vector<16xi32>
      %add3A_323 = arith.constant 0 : i32
      %add3A_324 = vector.broadcast %add3A_323 : i32 to vector<16xi32>
      %add3A_325 = arith.addi %mul3A_322, %add3A_324 : vector<16xi32>
      %gather3A_326 = tpu.vector_load_idx %arg10[%add3A_325] : memref<10016xf32, #tpu.memory_space<vmem>>[vector<16xi32>], vector<16xf32>,
      %mul3A_327 = arith.constant 1 : i32
      %mul3A_328 = vector.broadcast %mul3A_327 : i32 to vector<16xi32>
      %mul3A_329 = arith.muli %get3A_312, %mul3A_328 : vector<16xi32>
      %add3A_330 = arith.constant 0 : i32
      %add3A_331 = vector.broadcast %add3A_330 : i32 to vector<16xi32>
      %add3A_332 = arith.addi %mul3A_329, %add3A_331 : vector<16xi32>
      %gather3A_333 = tpu.vector_load_idx %arg11[%add3A_332] : memref<10016xf32, #tpu.memory_space<vmem>>[vector<16xi32>], vector<16xf32>,
      %add3A_334 = arith.addf %gather3A_326, %gather3A_333 : vector<16xf32>
      %mul3A_335 = arith.constant 2.000000e-01 : f32
      %mul3A_336 = vector.broadcast %mul3A_335 : f32 to vector<16xf32>
      %mul3A_337 = arith.mulf %mul3A_336, %add3A_334 : vector<16xf32>
      %max3A_338 = arith.maximumf %add3A_334, %mul3A_337 : vector<16xf32>
      %exp3A_339 = math.exp %max3A_338 : vector<16xf32>
      %swap3A_340 = arith.constant 112 : index
      %swap3A_341 = tpu.vector_load %arg19[%swap3A_340] {strides = array<i32>} : memref<128xf32, #tpu.memory_space<vmem>>, vector<16xf32>,
      tpu.vector_store %arg19[%swap3A_340], %exp3A_339 {strides = array<i32>} : memref<128xf32, #tpu.memory_space<vmem>>, vector<16xf32>,
      %dma_start3A = arith.constant 0 : i32
      %dma_start3A_342 = arith.constant 0 : i32
      %dma_start3A_343 = tpu.memref_slice %arg3[%dma_start3A, %dma_start3A_342] : memref<10000x64xf32, #tpu.memory_space<hbm>> -> memref<10000x64xf32, #tpu.memory_space<hbm>>
      tpu.enqueue_indirect_dma source(%dma_start3A_343 : memref<10000x64xf32, #tpu.memory_space<hbm>>) target(%arg16 : memref<128x64xf32, #tpu.memory_space<vmem>>) offsets(%arg14 : memref<128xi32, #tpu.memory_space<vmem>>) semaphore(%arg22 : memref<!tpu.dma_semaphore, #tpu.memory_space<semaphore_mem>>)
      %dma_wait3A = arith.constant 0 : i32
      %dma_wait3A_344 = arith.constant 0 : i32
      %dma_wait3A_345 = tpu.memref_slice %arg3[%dma_wait3A, %dma_wait3A_344] : memref<10000x64xf32, #tpu.memory_space<hbm>> -> memref<10000x64xf32, #tpu.memory_space<hbm>>
      tpu.wait_indirect_dma semaphore(%arg22 : memref<!tpu.dma_semaphore, #tpu.memory_space<semaphore_mem>>) src(%dma_wait3A_345 : memref<10000x64xf32, #tpu.memory_space<hbm>>) dst(%arg16 : memref<128x64xf32, #tpu.memory_space<vmem>>)
      %scan3A_346 = arith.constant 0 : i32
      %scan3A_347 = arith.constant 0 : i32
      %scan3A_348 = arith.constant 128 : i32
      %scan3A_349 = arith.addi %scan3A_347, %scan3A_348 : i32
      %scan3A_350 = arith.constant 1 : i32
      %scan3A_351 = scf.for %scan3A_354 = %scan3A_347 to %scan3A_349 step %scan3A_350 iter_args(%scan3A_355 = %scan3A_346) -> (i32)  : i32 {
        %broadcast_in_dim3A_356 = vector.broadcast %scan3A_354 : i32 to vector<16xi32>
        %gather3A_357 = tpu.vector_load_idx %arg19[%broadcast_in_dim3A_356] : memref<128xf32, #tpu.memory_space<vmem>>[vector<16xi32>], vector<16xf32>,
        %get3A_358 = arith.index_cast %scan3A_354 : i32 to index
        %get3A_359 = arith.constant 0 : index
        %get3A_360 = tpu.vector_load %arg16[%get3A_358, %get3A_359] {strides = array<i32>} : memref<128x64xf32, #tpu.memory_space<vmem>>, vector<16xf32>,
        %mul3A_361 = arith.mulf %get3A_360, %gather3A_357 : vector<16xf32>
        %swap3A_362 = arith.index_cast %scan3A_354 : i32 to index
        %swap3A_363 = arith.constant 0 : index
        %swap3A_364 = tpu.vector_load %arg17[%swap3A_362, %swap3A_363] {strides = array<i32>} : memref<128x64xf32, #tpu.memory_space<vmem>>, vector<16xf32>,
        tpu.vector_store %arg17[%swap3A_362, %swap3A_363], %mul3A_361 {strides = array<i32>} : memref<128x64xf32, #tpu.memory_space<vmem>>, vector<16xf32>,
        %get3A_365 = arith.index_cast %scan3A_354 : i32 to index
        %get3A_366 = arith.constant 16 : index
        %get3A_367 = tpu.vector_load %arg16[%get3A_365, %get3A_366] {strides = array<i32>} : memref<128x64xf32, #tpu.memory_space<vmem>>, vector<16xf32>,
        %mul3A_368 = arith.mulf %get3A_367, %gather3A_357 : vector<16xf32>
        %swap3A_369 = arith.index_cast %scan3A_354 : i32 to index
        %swap3A_370 = arith.constant 16 : index
        %swap3A_371 = tpu.vector_load %arg17[%swap3A_369, %swap3A_370] {strides = array<i32>} : memref<128x64xf32, #tpu.memory_space<vmem>>, vector<16xf32>,
        tpu.vector_store %arg17[%swap3A_369, %swap3A_370], %mul3A_368 {strides = array<i32>} : memref<128x64xf32, #tpu.memory_space<vmem>>, vector<16xf32>,
        %get3A_372 = arith.index_cast %scan3A_354 : i32 to index
        %get3A_373 = arith.constant 32 : index
        %get3A_374 = tpu.vector_load %arg16[%get3A_372, %get3A_373] {strides = array<i32>} : memref<128x64xf32, #tpu.memory_space<vmem>>, vector<16xf32>,
        %mul3A_375 = arith.mulf %get3A_374, %gather3A_357 : vector<16xf32>
        %swap3A_376 = arith.index_cast %scan3A_354 : i32 to index
        %swap3A_377 = arith.constant 32 : index
        %swap3A_378 = tpu.vector_load %arg17[%swap3A_376, %swap3A_377] {strides = array<i32>} : memref<128x64xf32, #tpu.memory_space<vmem>>, vector<16xf32>,
        tpu.vector_store %arg17[%swap3A_376, %swap3A_377], %mul3A_375 {strides = array<i32>} : memref<128x64xf32, #tpu.memory_space<vmem>>, vector<16xf32>,
        %get3A_379 = arith.index_cast %scan3A_354 : i32 to index
        %get3A_380 = arith.constant 48 : index
        %get3A_381 = tpu.vector_load %arg16[%get3A_379, %get3A_380] {strides = array<i32>} : memref<128x64xf32, #tpu.memory_space<vmem>>, vector<16xf32>,
        %mul3A_382 = arith.mulf %get3A_381, %gather3A_357 : vector<16xf32>
        %swap3A_383 = arith.index_cast %scan3A_354 : i32 to index
        %swap3A_384 = arith.constant 48 : index
        %swap3A_385 = tpu.vector_load %arg17[%swap3A_383, %swap3A_384] {strides = array<i32>} : memref<128x64xf32, #tpu.memory_space<vmem>>, vector<16xf32>,
        tpu.vector_store %arg17[%swap3A_383, %swap3A_384], %mul3A_382 {strides = array<i32>} : memref<128x64xf32, #tpu.memory_space<vmem>>, vector<16xf32>,
        %scan3A_386 = arith.constant 0 : i32
        scf.yield %scan3A_386 : i32
      }
      %scan3A_352 = arith.constant 128 : i32
      "tpu.region"() ({
        %run_scoped3A_354 = tpu.sem_alloc : memref<!tpu.dma_semaphore, #tpu.memory_space<semaphore_mem>>
        %dma_start3A_355 = arith.constant 0 : i32
        %dma_start3A_356 = arith.constant 0 : i32
        %dma_start3A_357 = tpu.memref_slice %arg20[%dma_start3A_355, %dma_start3A_356] : memref<10240x64xf32, #tpu.memory_space<vmem_shared>> -> memref<10240x64xf32, #tpu.memory_space<vmem_shared>>
        tpu.enqueue_indirect_dma source(%arg17 : memref<128x64xf32, #tpu.memory_space<vmem>>) target(%dma_start3A_357 : memref<10240x64xf32, #tpu.memory_space<vmem_shared>>) offsets(%arg15 : memref<128xi32, #tpu.memory_space<vmem>>) semaphore(%run_scoped3A_354 : memref<!tpu.dma_semaphore, #tpu.memory_space<semaphore_mem>>) {add = true}
        %dma_wait3A_358 = arith.constant 0 : i32
        %dma_wait3A_359 = arith.constant 0 : i32
        %dma_wait3A_360 = tpu.memref_slice %arg20[%dma_wait3A_358, %dma_wait3A_359] : memref<10240x64xf32, #tpu.memory_space<vmem_shared>> -> memref<10240x64xf32, #tpu.memory_space<vmem_shared>>
        tpu.wait_indirect_dma semaphore(%run_scoped3A_354 : memref<!tpu.dma_semaphore, #tpu.memory_space<semaphore_mem>>) src(%arg17 : memref<128x64xf32, #tpu.memory_space<vmem>>) dst(%dma_wait3A_360 : memref<10240x64xf32, #tpu.memory_space<vmem_shared>>)
        tpu.yield
      }) : () -> ()
      %scan3A_353 = arith.constant 0 : i32
      scf.yield %scan3A_353 : i32
    }
    %scan3A_62 = arith.constant 81 : i32
    %barrier3A_63 = arith.constant 0 : index
    tpu.barrier barrier_id(%barrier3A_63)
    %run_scoped3A_64 = arith.constant 1 : i32
    "tpu.region"() ({
      %run_scoped3A_65 = tpu.sem_alloc : memref<!tpu.dma_semaphore, #tpu.memory_space<semaphore_mem>>
      %dma_start3A = arith.constant 0 : i32
      %dma_start3A_66 = tpu.memref_slice %arg8[%arg0, %run_scoped3A_64, %mul3A_3, %dma_start3A] : memref<2x2x10240x64xf32, #tpu.memory_space<hbm>> -> memref<1x1x640x64xf32, #tpu.memory_space<hbm>>
      %dma_start3A_67 = tpu.memref_squeeze %dma_start3A_66 : memref<1x1x640x64xf32, #tpu.memory_space<hbm>> -> memref<640x64xf32, #tpu.memory_space<hbm>>
      %dma_start3A_68 = arith.constant 0 : i32
      %dma_start3A_69 = tpu.memref_slice %arg20[%mul3A_3, %dma_start3A_68] : memref<10240x64xf32, #tpu.memory_space<vmem_shared>> -> memref<640x64xf32, #tpu.memory_space<vmem_shared>>
      tpu.enqueue_dma source(%dma_start3A_69 : memref<640x64xf32, #tpu.memory_space<vmem_shared>>) target(%dma_start3A_67 : memref<640x64xf32, #tpu.memory_space<hbm>>) target_semaphore(%run_scoped3A_65 : memref<!tpu.dma_semaphore, #tpu.memory_space<semaphore_mem>>)
      %dma_wait3A = arith.constant 0 : i32
      %dma_wait3A_70 = tpu.memref_slice %arg8[%arg0, %run_scoped3A_64, %mul3A_3, %dma_wait3A] : memref<2x2x10240x64xf32, #tpu.memory_space<hbm>> -> memref<1x1x640x64xf32, #tpu.memory_space<hbm>>
      %dma_wait3A_71 = tpu.memref_squeeze %dma_wait3A_70 : memref<1x1x640x64xf32, #tpu.memory_space<hbm>> -> memref<640x64xf32, #tpu.memory_space<hbm>>
      %dma_wait3A_72 = arith.constant 0 : i32
      %dma_wait3A_73 = tpu.memref_slice %arg20[%mul3A_3, %dma_wait3A_72] : memref<10240x64xf32, #tpu.memory_space<vmem_shared>> -> memref<640x64xf32, #tpu.memory_space<vmem_shared>>
      tpu.wait_dma2 semaphore(%run_scoped3A_65 : memref<!tpu.dma_semaphore, #tpu.memory_space<semaphore_mem>>) src(%dma_wait3A_73 : memref<640x64xf32, #tpu.memory_space<vmem_shared>>) dst(%dma_wait3A_71 : memref<640x64xf32, #tpu.memory_space<hbm>>)
      tpu.yield
    }) : () -> ()
    return
  }
}

module attributes {stable_mosaic.version = 14 : i64} {
  func.func @_proj_body(%arg0: i32, %arg1: memref<400x128xf32, #tpu.memory_space<vmem>>, %arg2: memref<128x128xf32, #tpu.memory_space<vmem>>, %arg3: memref<128x128xf32, #tpu.memory_space<vmem>>, %arg4: memref<400x64xf32, #tpu.memory_space<vmem>>, %arg5: memref<400x64xf32, #tpu.memory_space<vmem>>, %arg6: memref<400x128xf32, #tpu.memory_space<vmem>>) attributes {dimension_semantics = [#tpu.dimension_semantics<arbitrary>], iteration_bounds = array<i64: 25>, scalar_prefetch = 0 : i64, scratch_operands = 0 : i64, tpu.core_type = #tpu.core_type<tc>, window_params = [{transform_indices = @transform_0, window_bounds = array<i64: 400, 128>}, {pipeline_mode = #tpu.pipeline_mode<synchronous>, transform_indices = @transform_1, window_bounds = array<i64: 128, 128>}, {pipeline_mode = #tpu.pipeline_mode<synchronous>, transform_indices = @transform_2, window_bounds = array<i64: 128, 128>}, {transform_indices = @transform_3, window_bounds = array<i64: 400, 64>}, {transform_indices = @transform_4, window_bounds = array<i64: 400, 64>}, {transform_indices = @transform_5, window_bounds = array<i64: 400, 128>}]} {
    %get3A = arith.constant 0 : index
    %get3A_0 = arith.constant 0 : index
    %get3A_1 = vector.load %arg1[%get3A, %get3A_0] : memref<400x128xf32, #tpu.memory_space<vmem>>, vector<400x128xf32>
    %get3A_2 = arith.constant 0 : index
    %get3A_3 = arith.constant 0 : index
    %get3A_4 = vector.load %arg2[%get3A_2, %get3A_3] : memref<128x128xf32, #tpu.memory_space<vmem>>, vector<128x128xf32>
    %dot_general3A = arith.constant dense<0.000000e+00> : vector<400x128xf32>
    %dot_general3A_5 = tpu.matmul %get3A_1, %get3A_4, %dot_general3A {dimension_numbers = #tpu.dot_dimension_numbers<[1], [0], [0], [1], [0, 0, 1, 1], [], []>, transpose_lhs_hint = false} : vector<400x128xf32>, vector<128x128xf32>, vector<400x128xf32> -> vector<400x128xf32>
    %slice3A = vector.extract_strided_slice %dot_general3A_5 {offsets = [0, 0], sizes = [400, 64], strides = [1, 1]} : vector<400x128xf32> to vector<400x64xf32>
    %swap3A = arith.constant 0 : index
    %swap3A_6 = arith.constant 0 : index
    %swap3A_7 = vector.load %arg4[%swap3A, %swap3A_6] : memref<400x64xf32, #tpu.memory_space<vmem>>, vector<400x64xf32>
    tpu.vector_store %arg4[%swap3A, %swap3A_6], %slice3A {strides = array<i32>} : memref<400x64xf32, #tpu.memory_space<vmem>>, vector<400x64xf32>,
    %slice3A_8 = vector.extract_strided_slice %dot_general3A_5 {offsets = [0, 64], sizes = [400, 64], strides = [1, 1]} : vector<400x128xf32> to vector<400x64xf32>
    %swap3A_9 = arith.constant 0 : index
    %swap3A_10 = arith.constant 0 : index
    %swap3A_11 = vector.load %arg5[%swap3A_9, %swap3A_10] : memref<400x64xf32, #tpu.memory_space<vmem>>, vector<400x64xf32>
    tpu.vector_store %arg5[%swap3A_9, %swap3A_10], %slice3A_8 {strides = array<i32>} : memref<400x64xf32, #tpu.memory_space<vmem>>, vector<400x64xf32>,
    %get3A_12 = arith.constant 0 : index
    %get3A_13 = arith.constant 0 : index
    %get3A_14 = vector.load %arg3[%get3A_12, %get3A_13] : memref<128x128xf32, #tpu.memory_space<vmem>>, vector<128x128xf32>
    %dot_general3A_15 = arith.constant dense<0.000000e+00> : vector<400x128xf32>
    %dot_general3A_16 = tpu.matmul %dot_general3A_5, %get3A_14, %dot_general3A_15 {dimension_numbers = #tpu.dot_dimension_numbers<[1], [0], [0], [1], [0, 0, 1, 1], [], []>, transpose_lhs_hint = false} : vector<400x128xf32>, vector<128x128xf32>, vector<400x128xf32> -> vector<400x128xf32>
    %swap3A_17 = arith.constant 0 : index
    %swap3A_18 = arith.constant 0 : index
    %swap3A_19 = vector.load %arg6[%swap3A_17, %swap3A_18] : memref<400x128xf32, #tpu.memory_space<vmem>>, vector<400x128xf32>
    tpu.vector_store %arg6[%swap3A_17, %swap3A_18], %dot_general3A_16 {strides = array<i32>} : memref<400x128xf32, #tpu.memory_space<vmem>>, vector<400x128xf32>,
    return
  }
  func.func @transform_0(%arg0: i32) -> (i32, i32) {
    %c0_i32 = arith.constant 0 : i32
    %c0_i32_0 = arith.constant 0 : i32
    return %arg0, %c0_i32 : i32, i32
  }
  func.func @transform_1(%arg0: i32) -> (i32, i32) {
    %c0_i32 = arith.constant 0 : i32
    %c0_i32_0 = arith.constant 0 : i32
    %c0_i32_1 = arith.constant 0 : i32
    return %c0_i32, %c0_i32_0 : i32, i32
  }
  func.func @transform_2(%arg0: i32) -> (i32, i32) {
    %c0_i32 = arith.constant 0 : i32
    %c0_i32_0 = arith.constant 0 : i32
    %c0_i32_1 = arith.constant 0 : i32
    return %c0_i32, %c0_i32_0 : i32, i32
  }
  func.func @transform_3(%arg0: i32) -> (i32, i32) {
    %c0_i32 = arith.constant 0 : i32
    %c0_i32_0 = arith.constant 0 : i32
    return %arg0, %c0_i32 : i32, i32
  }
  func.func @transform_4(%arg0: i32) -> (i32, i32) {
    %c0_i32 = arith.constant 0 : i32
    %c0_i32_0 = arith.constant 0 : i32
    return %arg0, %c0_i32 : i32, i32
  }
  func.func @transform_5(%arg0: i32) -> (i32, i32) {
    %c0_i32 = arith.constant 0 : i32
    %c0_i32_0 = arith.constant 0 : i32
    return %arg0, %c0_i32 : i32, i32
  }
}

module attributes {stable_mosaic.version = 14 : i64} {
  func.func @_comb_proj_body(%arg0: i32, %arg1: memref<2x2x400x64xf32, #tpu.memory_space<vmem>>, %arg2: memref<2x400x16xf32, #tpu.memory_space<vmem>>, %arg3: memref<1x128xf32, #tpu.memory_space<vmem>>, %arg4: memref<128x128xf32, #tpu.memory_space<vmem>>, %arg5: memref<128x128xf32, #tpu.memory_space<vmem>>, %arg6: memref<400x64xf32, #tpu.memory_space<vmem>>, %arg7: memref<400x64xf32, #tpu.memory_space<vmem>>, %arg8: memref<400x128xf32, #tpu.memory_space<vmem>>) attributes {dimension_semantics = [#tpu.dimension_semantics<arbitrary>], iteration_bounds = array<i64: 25>, scalar_prefetch = 0 : i64, scratch_operands = 0 : i64, tpu.core_type = #tpu.core_type<tc>, window_params = [{transform_indices = @transform_0, window_bounds = array<i64: 2, 2, 400, 64>}, {transform_indices = @transform_1, window_bounds = array<i64: 2, 400, 16>}, {pipeline_mode = #tpu.pipeline_mode<synchronous>, transform_indices = @transform_2, window_bounds = array<i64: 1, 128>}, {pipeline_mode = #tpu.pipeline_mode<synchronous>, transform_indices = @transform_3, window_bounds = array<i64: 128, 128>}, {pipeline_mode = #tpu.pipeline_mode<synchronous>, transform_indices = @transform_4, window_bounds = array<i64: 128, 128>}, {transform_indices = @transform_5, window_bounds = array<i64: 400, 64>}, {transform_indices = @transform_6, window_bounds = array<i64: 400, 64>}, {transform_indices = @transform_7, window_bounds = array<i64: 400, 128>}]} {
    %get3A = arith.constant 0 : index
    %get3A_0 = arith.constant 0 : index
    %get3A_1 = arith.constant 0 : index
    %get3A_2 = arith.constant 0 : index
    %get3A_3 = vector.load %arg1[%get3A, %get3A_0, %get3A_1, %get3A_2] : memref<2x2x400x64xf32, #tpu.memory_space<vmem>>, vector<1x1x400x64xf32>
    %get3A_4 = vector.shape_cast %get3A_3 : vector<1x1x400x64xf32> to vector<400x64xf32>
    %get3A_5 = arith.constant 1 : index
    %get3A_6 = arith.constant 0 : index
    %get3A_7 = arith.constant 0 : index
    %get3A_8 = arith.constant 0 : index
    %get3A_9 = vector.load %arg1[%get3A_5, %get3A_6, %get3A_7, %get3A_8] : memref<2x2x400x64xf32, #tpu.memory_space<vmem>>, vector<1x1x400x64xf32>
    %get3A_10 = vector.shape_cast %get3A_9 : vector<1x1x400x64xf32> to vector<400x64xf32>
    %add3A = arith.addf %get3A_4, %get3A_10 : vector<400x64xf32>
    %get3A_11 = arith.constant 0 : index
    %get3A_12 = arith.constant 1 : index
    %get3A_13 = arith.constant 0 : index
    %get3A_14 = arith.constant 0 : index
    %get3A_15 = vector.load %arg1[%get3A_11, %get3A_12, %get3A_13, %get3A_14] : memref<2x2x400x64xf32, #tpu.memory_space<vmem>>, vector<1x1x400x64xf32>
    %get3A_16 = vector.shape_cast %get3A_15 : vector<1x1x400x64xf32> to vector<400x64xf32>
    %get3A_17 = arith.constant 1 : index
    %get3A_18 = arith.constant 1 : index
    %get3A_19 = arith.constant 0 : index
    %get3A_20 = arith.constant 0 : index
    %get3A_21 = vector.load %arg1[%get3A_17, %get3A_18, %get3A_19, %get3A_20] : memref<2x2x400x64xf32, #tpu.memory_space<vmem>>, vector<1x1x400x64xf32>
    %get3A_22 = vector.shape_cast %get3A_21 : vector<1x1x400x64xf32> to vector<400x64xf32>
    %add3A_23 = arith.addf %get3A_16, %get3A_22 : vector<400x64xf32>
    %concatenate3A = tpu.concatenate %add3A, %add3A_23 in 1 : vector<400x64xf32>, vector<400x64xf32> -> vector<400x128xf32>
    %get3A_24 = arith.constant 0 : index
    %get3A_25 = arith.constant 0 : index
    %get3A_26 = arith.constant 0 : index
    %get3A_27 = vector.load %arg2[%get3A_24, %get3A_25, %get3A_26] : memref<2x400x16xf32, #tpu.memory_space<vmem>>, vector<1x400x16xf32>
    %get3A_28 = vector.shape_cast %get3A_27 : vector<1x400x16xf32> to vector<400x16xf32>
    %get3A_29 = arith.constant 1 : index
    %get3A_30 = arith.constant 0 : index
    %get3A_31 = arith.constant 0 : index
    %get3A_32 = vector.load %arg2[%get3A_29, %get3A_30, %get3A_31] : memref<2x400x16xf32, #tpu.memory_space<vmem>>, vector<1x400x16xf32>
    %get3A_33 = vector.shape_cast %get3A_32 : vector<1x400x16xf32> to vector<400x16xf32>
    %add3A_34 = arith.addf %get3A_28, %get3A_33 : vector<400x16xf32>
    %iota3A = tpu.iota {dimensions = array<i32: 1>} : vector<400x128xi32>
    %lt3A = arith.constant 64 : i32
    %lt3A_35 = vector.broadcast %lt3A : i32 to vector<400x128xi32>
    %lt3A_36 = arith.cmpi slt, %iota3A, %lt3A_35 : vector<400x128xi32>
    %slice3A = vector.extract_strided_slice %add3A_34 {offsets = [0, 0], sizes = [400, 1], strides = [1, 1]} : vector<400x16xf32> to vector<400x1xf32>
    %slice3A_37 = vector.extract_strided_slice %add3A_34 {offsets = [0, 1], sizes = [400, 1], strides = [1, 1]} : vector<400x16xf32> to vector<400x1xf32>
    %broadcast_in_dim3A = vector.shape_cast %slice3A : vector<400x1xf32> to vector<400x1xf32>
    %broadcast_in_dim3A_38 = vector.broadcast %broadcast_in_dim3A : vector<400x1xf32> to vector<400x128xf32>
    %broadcast_in_dim3A_39 = vector.shape_cast %slice3A_37 : vector<400x1xf32> to vector<400x1xf32>
    %broadcast_in_dim3A_40 = vector.broadcast %broadcast_in_dim3A_39 : vector<400x1xf32> to vector<400x128xf32>
    %select_n3A = arith.select %lt3A_36, %broadcast_in_dim3A_38, %broadcast_in_dim3A_40 : vector<400x128xi1>, vector<400x128xf32>
    %div3A = arith.divf %concatenate3A, %select_n3A : vector<400x128xf32>
    %get3A_41 = arith.constant 0 : index
    %get3A_42 = arith.constant 0 : index
    %get3A_43 = vector.load %arg3[%get3A_41, %get3A_42] : memref<1x128xf32, #tpu.memory_space<vmem>>, vector<1x128xf32>
    %add3A_44 = vector.broadcast %get3A_43 : vector<1x128xf32> to vector<400x128xf32>
    %add3A_45 = arith.addf %div3A, %add3A_44 : vector<400x128xf32>
    %gt3A = arith.constant 0.000000e+00 : f32
    %gt3A_46 = vector.broadcast %gt3A : f32 to vector<400x128xf32>
    %gt3A_47 = arith.cmpf ogt, %add3A_45, %gt3A_46 : vector<400x128xf32>
    %exp3A = math.exp %add3A_45 : vector<400x128xf32>
    %sub3A = arith.constant 1.000000e+00 : f32
    %sub3A_48 = vector.broadcast %sub3A : f32 to vector<400x128xf32>
    %sub3A_49 = arith.subf %exp3A, %sub3A_48 : vector<400x128xf32>
    %select_n3A_50 = arith.select %gt3A_47, %add3A_45, %sub3A_49 : vector<400x128xi1>, vector<400x128xf32>
    %get3A_51 = arith.constant 0 : index
    %get3A_52 = arith.constant 0 : index
    %get3A_53 = vector.load %arg4[%get3A_51, %get3A_52] : memref<128x128xf32, #tpu.memory_space<vmem>>, vector<128x128xf32>
    %dot_general3A = arith.constant dense<0.000000e+00> : vector<400x128xf32>
    %dot_general3A_54 = tpu.matmul %select_n3A_50, %get3A_53, %dot_general3A {dimension_numbers = #tpu.dot_dimension_numbers<[1], [0], [0], [1], [0, 0, 1, 1], [], []>, transpose_lhs_hint = false} : vector<400x128xf32>, vector<128x128xf32>, vector<400x128xf32> -> vector<400x128xf32>
    %slice3A_55 = vector.extract_strided_slice %dot_general3A_54 {offsets = [0, 0], sizes = [400, 64], strides = [1, 1]} : vector<400x128xf32> to vector<400x64xf32>
    %swap3A = arith.constant 0 : index
    %swap3A_56 = arith.constant 0 : index
    %swap3A_57 = vector.load %arg6[%swap3A, %swap3A_56] : memref<400x64xf32, #tpu.memory_space<vmem>>, vector<400x64xf32>
    tpu.vector_store %arg6[%swap3A, %swap3A_56], %slice3A_55 {strides = array<i32>} : memref<400x64xf32, #tpu.memory_space<vmem>>, vector<400x64xf32>,
    %slice3A_58 = vector.extract_strided_slice %dot_general3A_54 {offsets = [0, 64], sizes = [400, 64], strides = [1, 1]} : vector<400x128xf32> to vector<400x64xf32>
    %swap3A_59 = arith.constant 0 : index
    %swap3A_60 = arith.constant 0 : index
    %swap3A_61 = vector.load %arg7[%swap3A_59, %swap3A_60] : memref<400x64xf32, #tpu.memory_space<vmem>>, vector<400x64xf32>
    tpu.vector_store %arg7[%swap3A_59, %swap3A_60], %slice3A_58 {strides = array<i32>} : memref<400x64xf32, #tpu.memory_space<vmem>>, vector<400x64xf32>,
    %get3A_62 = arith.constant 0 : index
    %get3A_63 = arith.constant 0 : index
    %get3A_64 = vector.load %arg5[%get3A_62, %get3A_63] : memref<128x128xf32, #tpu.memory_space<vmem>>, vector<128x128xf32>
    %dot_general3A_65 = arith.constant dense<0.000000e+00> : vector<400x128xf32>
    %dot_general3A_66 = tpu.matmul %dot_general3A_54, %get3A_64, %dot_general3A_65 {dimension_numbers = #tpu.dot_dimension_numbers<[1], [0], [0], [1], [0, 0, 1, 1], [], []>, transpose_lhs_hint = false} : vector<400x128xf32>, vector<128x128xf32>, vector<400x128xf32> -> vector<400x128xf32>
    %swap3A_67 = arith.constant 0 : index
    %swap3A_68 = arith.constant 0 : index
    %swap3A_69 = vector.load %arg8[%swap3A_67, %swap3A_68] : memref<400x128xf32, #tpu.memory_space<vmem>>, vector<400x128xf32>
    tpu.vector_store %arg8[%swap3A_67, %swap3A_68], %dot_general3A_66 {strides = array<i32>} : memref<400x128xf32, #tpu.memory_space<vmem>>, vector<400x128xf32>,
    return
  }
  func.func @transform_0(%arg0: i32) -> (i32, i32, i32, i32) {
    %c0_i32 = arith.constant 0 : i32
    %c0_i32_0 = arith.constant 0 : i32
    %c0_i32_1 = arith.constant 0 : i32
    %c0_i32_2 = arith.constant 0 : i32
    return %c0_i32, %c0_i32_0, %arg0, %c0_i32_1 : i32, i32, i32, i32
  }
  func.func @transform_1(%arg0: i32) -> (i32, i32, i32) {
    %c0_i32 = arith.constant 0 : i32
    %c0_i32_0 = arith.constant 0 : i32
    %c0_i32_1 = arith.constant 0 : i32
    return %c0_i32, %arg0, %c0_i32_0 : i32, i32, i32
  }
  func.func @transform_2(%arg0: i32) -> (i32, i32) {
    %c0_i32 = arith.constant 0 : i32
    %c0_i32_0 = arith.constant 0 : i32
    %c0_i32_1 = arith.constant 0 : i32
    return %c0_i32, %c0_i32_0 : i32, i32
  }
  func.func @transform_3(%arg0: i32) -> (i32, i32) {
    %c0_i32 = arith.constant 0 : i32
    %c0_i32_0 = arith.constant 0 : i32
    %c0_i32_1 = arith.constant 0 : i32
    return %c0_i32, %c0_i32_0 : i32, i32
  }
  func.func @transform_4(%arg0: i32) -> (i32, i32) {
    %c0_i32 = arith.constant 0 : i32
    %c0_i32_0 = arith.constant 0 : i32
    %c0_i32_1 = arith.constant 0 : i32
    return %c0_i32, %c0_i32_0 : i32, i32
  }
  func.func @transform_5(%arg0: i32) -> (i32, i32) {
    %c0_i32 = arith.constant 0 : i32
    %c0_i32_0 = arith.constant 0 : i32
    return %arg0, %c0_i32 : i32, i32
  }
  func.func @transform_6(%arg0: i32) -> (i32, i32) {
    %c0_i32 = arith.constant 0 : i32
    %c0_i32_0 = arith.constant 0 : i32
    return %arg0, %c0_i32 : i32, i32
  }
  func.func @transform_7(%arg0: i32) -> (i32, i32) {
    %c0_i32 = arith.constant 0 : i32
    %c0_i32_0 = arith.constant 0 : i32
    return %arg0, %c0_i32 : i32, i32
  }
}

module attributes {stable_mosaic.version = 14 : i64} {
  func.func @_final_body(%arg0: i32, %arg1: memref<2x2x400x64xf32, #tpu.memory_space<vmem>>, %arg2: memref<2x400x16xf32, #tpu.memory_space<vmem>>, %arg3: memref<1x128xf32, #tpu.memory_space<vmem>>, %arg4: memref<400x128xf32, #tpu.memory_space<vmem>>) attributes {dimension_semantics = [#tpu.dimension_semantics<arbitrary>], iteration_bounds = array<i64: 25>, scalar_prefetch = 0 : i64, scratch_operands = 0 : i64, tpu.core_type = #tpu.core_type<tc>, window_params = [{transform_indices = @transform_0, window_bounds = array<i64: 2, 2, 400, 64>}, {transform_indices = @transform_1, window_bounds = array<i64: 2, 400, 16>}, {pipeline_mode = #tpu.pipeline_mode<synchronous>, transform_indices = @transform_2, window_bounds = array<i64: 1, 128>}, {transform_indices = @transform_3, window_bounds = array<i64: 400, 128>}]} {
    %get3A = arith.constant 0 : index
    %get3A_0 = arith.constant 0 : index
    %get3A_1 = arith.constant 0 : index
    %get3A_2 = arith.constant 0 : index
    %get3A_3 = vector.load %arg1[%get3A, %get3A_0, %get3A_1, %get3A_2] : memref<2x2x400x64xf32, #tpu.memory_space<vmem>>, vector<1x1x400x64xf32>
    %get3A_4 = vector.shape_cast %get3A_3 : vector<1x1x400x64xf32> to vector<400x64xf32>
    %get3A_5 = arith.constant 1 : index
    %get3A_6 = arith.constant 0 : index
    %get3A_7 = arith.constant 0 : index
    %get3A_8 = arith.constant 0 : index
    %get3A_9 = vector.load %arg1[%get3A_5, %get3A_6, %get3A_7, %get3A_8] : memref<2x2x400x64xf32, #tpu.memory_space<vmem>>, vector<1x1x400x64xf32>
    %get3A_10 = vector.shape_cast %get3A_9 : vector<1x1x400x64xf32> to vector<400x64xf32>
    %add3A = arith.addf %get3A_4, %get3A_10 : vector<400x64xf32>
    %get3A_11 = arith.constant 0 : index
    %get3A_12 = arith.constant 1 : index
    %get3A_13 = arith.constant 0 : index
    %get3A_14 = arith.constant 0 : index
    %get3A_15 = vector.load %arg1[%get3A_11, %get3A_12, %get3A_13, %get3A_14] : memref<2x2x400x64xf32, #tpu.memory_space<vmem>>, vector<1x1x400x64xf32>
    %get3A_16 = vector.shape_cast %get3A_15 : vector<1x1x400x64xf32> to vector<400x64xf32>
    %get3A_17 = arith.constant 1 : index
    %get3A_18 = arith.constant 1 : index
    %get3A_19 = arith.constant 0 : index
    %get3A_20 = arith.constant 0 : index
    %get3A_21 = vector.load %arg1[%get3A_17, %get3A_18, %get3A_19, %get3A_20] : memref<2x2x400x64xf32, #tpu.memory_space<vmem>>, vector<1x1x400x64xf32>
    %get3A_22 = vector.shape_cast %get3A_21 : vector<1x1x400x64xf32> to vector<400x64xf32>
    %add3A_23 = arith.addf %get3A_16, %get3A_22 : vector<400x64xf32>
    %concatenate3A = tpu.concatenate %add3A, %add3A_23 in 1 : vector<400x64xf32>, vector<400x64xf32> -> vector<400x128xf32>
    %get3A_24 = arith.constant 0 : index
    %get3A_25 = arith.constant 0 : index
    %get3A_26 = arith.constant 0 : index
    %get3A_27 = vector.load %arg2[%get3A_24, %get3A_25, %get3A_26] : memref<2x400x16xf32, #tpu.memory_space<vmem>>, vector<1x400x16xf32>
    %get3A_28 = vector.shape_cast %get3A_27 : vector<1x400x16xf32> to vector<400x16xf32>
    %slice3A = vector.extract_strided_slice %get3A_28 {offsets = [0, 0], sizes = [400, 1], strides = [1, 1]} : vector<400x16xf32> to vector<400x1xf32>
    %get3A_29 = arith.constant 1 : index
    %get3A_30 = arith.constant 0 : index
    %get3A_31 = arith.constant 0 : index
    %get3A_32 = vector.load %arg2[%get3A_29, %get3A_30, %get3A_31] : memref<2x400x16xf32, #tpu.memory_space<vmem>>, vector<1x400x16xf32>
    %get3A_33 = vector.shape_cast %get3A_32 : vector<1x400x16xf32> to vector<400x16xf32>
    %slice3A_34 = vector.extract_strided_slice %get3A_33 {offsets = [0, 0], sizes = [400, 1], strides = [1, 1]} : vector<400x16xf32> to vector<400x1xf32>
    %add3A_35 = arith.addf %slice3A, %slice3A_34 : vector<400x1xf32>
    %div3A = vector.broadcast %add3A_35 : vector<400x1xf32> to vector<400x128xf32>
    %div3A_36 = arith.divf %concatenate3A, %div3A : vector<400x128xf32>
    %get3A_37 = arith.constant 0 : index
    %get3A_38 = arith.constant 0 : index
    %get3A_39 = vector.load %arg3[%get3A_37, %get3A_38] : memref<1x128xf32, #tpu.memory_space<vmem>>, vector<1x128xf32>
    %add3A_40 = vector.broadcast %get3A_39 : vector<1x128xf32> to vector<400x128xf32>
    %add3A_41 = arith.addf %div3A_36, %add3A_40 : vector<400x128xf32>
    %swap3A = arith.constant 0 : index
    %swap3A_42 = arith.constant 0 : index
    %swap3A_43 = vector.load %arg4[%swap3A, %swap3A_42] : memref<400x128xf32, #tpu.memory_space<vmem>>, vector<400x128xf32>
    tpu.vector_store %arg4[%swap3A, %swap3A_42], %add3A_41 {strides = array<i32>} : memref<400x128xf32, #tpu.memory_space<vmem>>, vector<400x128xf32>,
    return
  }
  func.func @transform_0(%arg0: i32) -> (i32, i32, i32, i32) {
    %c0_i32 = arith.constant 0 : i32
    %c0_i32_0 = arith.constant 0 : i32
    %c0_i32_1 = arith.constant 0 : i32
    %c0_i32_2 = arith.constant 0 : i32
    return %c0_i32, %c0_i32_0, %arg0, %c0_i32_1 : i32, i32, i32, i32
  }
  func.func @transform_1(%arg0: i32) -> (i32, i32, i32) {
    %c0_i32 = arith.constant 0 : i32
    %c0_i32_0 = arith.constant 0 : i32
    %c0_i32_1 = arith.constant 0 : i32
    return %c0_i32, %arg0, %c0_i32_0 : i32, i32, i32
  }
  func.func @transform_2(%arg0: i32) -> (i32, i32) {
    %c0_i32 = arith.constant 0 : i32
    %c0_i32_0 = arith.constant 0 : i32
    %c0_i32_1 = arith.constant 0 : i32
    return %c0_i32, %c0_i32_0 : i32, i32
  }
  func.func @transform_3(%arg0: i32) -> (i32, i32) {
    %c0_i32 = arith.constant 0 : i32
    %c0_i32_0 = arith.constant 0 : i32
    return %arg0, %c0_i32 : i32, i32
  }
}

</mosaic_0001>

<sc_bundles>
// kernel: kernel.10.cloned.1.call-start
scs
__scs_entry_jumppad:
0x0: {  	(pc) =	sbr.rel $0x88, $3  }
0x1: {  	(tag) =	ssettag $0x0;
	lr =	simm.s32 $0x1  }
0x2: {  	[smem:$0x3F97] =	sst lr;
	_ =	strace $0xD0000000  }
0x3: {  	_ = 	snop  }
0x4: {  	_ = 	snop  }
0x5: {  	_ = 	snop  }
0x6: {  	_ = 	snop  }
0x7: {  	_ = 	snop  }
__scs_overlays_trampoline_lowered:
0x8: {  	[smem:$0x3FA6] =	sst s0  }
0x9: {  	[smem:$0x3FA7] =	sst s1  }
0xa: {  	[smem:$0x3FA8] =	sst s2  }
0xb: {  	[smem:$0x3FA9] =	sst s3  }
0xc: {  	[smem:$0x3FAA] =	sst s4  }
0xd: {  	[smem:$0x3FAB] =	sst s5  }
0xe: {  	[smem:$0x3FAC] =	sst s6  }
0xf: {  	[smem:$0x3FAD] =	sst s7  }
0x10: {  	[smem:$0x3FAE] =	sst s8  }
0x11: {  	[smem:$0x3FAF] =	sst s9;
	s0 =	simm.s32 @!p0 $0x0  }
0x12: {  	s1 =	sld [smem:$0x3F95];
	s0 =	simm.s32 @p0 $0x1  }
0x13: {  	[smem:$0x3FB0] =	sst s0;
	s0 =	simm.s32 @!p1 $0x0  }
0x14: {  	s2 =	sld [smem:$0x3F94];
	s0 =	simm.s32 @p1 $0x1  }
0x15: {  	[smem:$0x3FB1] =	sst s0;
	s0 =	simm.s32 @!p2 $0x0  }
0x16: {  	s3 =	sld [smem:$0x3FDB];
	s0 =	simm.s32 @p2 $0x1  }
0x17: {  	s4 =	simm.s32 $0x1BF5;
	[smem:$0x3FB3] =	sst s0  }
0x18: {  	s0 =	sld [smem:$0x3F96];
	_ =	swait.ge [sflag:s4], $0x0  }
0x19: {  	s7 =	sld [smem:$0x3F97]  }
0x1a: {  	s8 =	sadd.s32 $0xFFFFE003, lr  }
0x1b: {  	s9 =	sadd.s32 $0xFFFFFEF7, lr;
	s5 =	simm.s32 $0xFFFFFFFF;
	p2 =	slt.u32 s8, $0xFFFFF086  }
0x1c: {  	p1 =	slt.u32 s9, $0xF7A;
	s5 =	simm.s32 @!p2 $0x0  }
0x1d: {  	s5 =	simm.s32 @p1 $0x1;
	p0 =	seq.s32 s7, s2  }
0x1e: {  	s7 =	smul.u32 @!p0 $0xF7A, s2;
	p2 =	seq.s32 @!p0 s5, $0x0  }
0x1f: {  	s9 =	smul.u32 $0xF7A, s1;
	s8 =	simm.s32 @!p0 $0x1BF5;
	p2 =	por !p2, p0  }
0x20: {  	[sflag:s8] =	ssyncset.s32 @!p0 $0xFFFFF086;
	s6 =	sadd.s32 @!p0 s3, s7;
	s7 =	simm.s32 @!p0 $0x108  }
0x21: {  	s3 =	sadd.s32 s3, s9;
	s6 =	sadd.s32 @!p0 $0x88, s6;
	s7 =	simm.s32 @p2 $0x1082  }
0x22: {  	[simem:s7], [sflag:s8] =	dma.local @!p0 [hbm:s6], $0xF7A  }
0x23: {  	s9 =	sor.u32 $0xD0000000, s2;
	s6 =	simm.s32 $0x108;
	_ =	swait.ge @!p0 [sflag:s8], $0x0  }
0x24: {  	s3 =	sadd.s32 $0x88, s3;
	s6 =	simm.s32 @!p1 $0x1082;
	[sflag:s4] =	ssyncset.s32 $0xFFFFF086  }
0x25: {  	[simem:s6], [sflag:s4] =	dma.local [hbm:s3], $0xF7A  }
0x26: {  	[smem:$0x3F97] =	sst s1;
	(tag) =	ssettag s2;
	_ =	strace s9  }
0x27: {  	s1 =	sld [smem:$0x3FA7]  }
0x28: {  	s2 =	sld [smem:$0x3FA8]  }
0x29: {  	s4 =	sld [smem:$0x3FAA]  }
0x2a: {  	p0 =	seq.s32 s5, $0x0;
	s5 =	sld [smem:$0x3FAB]  }
0x2b: {  	s6 =	sld [smem:$0x3FAC]  }
0x2c: {  	s7 =	sld [smem:$0x3FAD]  }
0x2d: {  	s3 =	simm.s32 $0x108;
	s8 =	sld [smem:$0x3FAE]  }
0x2e: {  	s3 =	simm.s32 @!p0 $0x1082;
	s9 =	sld [smem:$0x3FAF]  }
0x2f: {  	lr =	sadd.s32 s0, s3;
	s0 =	sld [smem:$0x3FA6]  }
0x30: {  	s3 =	sld [smem:$0x3FA9]  }
0x31: {  	[smem:$0x3FB2] =	sst s10  }
0x32: {  	s10 =	sld [smem:$0x3FB0];
	_ =	sdelay $0x3  }
0x33: {  	p0 =	seq.s32 s10, $0x1;
	s10 =	sld [smem:$0x3FB2];
	_ =	sdelay $0x3  }
0x34: {  	[smem:$0x3FB2] =	sst s10  }
0x35: {  	s10 =	sld [smem:$0x3FB1];
	_ =	sdelay $0x3  }
0x36: {  	p1 =	seq.s32 s10, $0x1;
	s10 =	sld [smem:$0x3FB2];
	_ =	sdelay $0x3  }
0x37: {  	[smem:$0x3FB2] =	sst s10  }
0x38: {  	s10 =	sld [smem:$0x3FB3]  }
0x39: {  	_ = 	snop;
	(pc) =	sbr.ind lr, $3  }
0x3a: {  	_ = 	snop  }
0x3b: {  	_ = 	snop  }
0x3c: {  	p2 =	seq.s32 s10, $0x1;
	s10 =	sld [smem:$0x3FB2]  }
0x3d: {  	_ =	shalt  }
0x3e: {  	_ =	shalt  }
0x3f: {  	_ =	shalt  }
0x40: {  	_ =	shalt  }
0x41: {  	_ =	shalt  }
0x42: {  	_ =	shalt  }
0x43: {  	_ =	shalt  }
0x44: {  	_ =	shalt  }
0x45: {  	_ =	shalt  }
0x46: {  	_ =	shalt  }
0x47: {  	_ =	shalt  }
0x48: {  	_ =	shalt  }
0x49: {  	_ =	shalt  }
0x4a: {  	_ =	shalt  }
0x4b: {  	_ =	shalt  }
0x4c: {  	_ =	shalt  }
0x4d: {  	_ =	shalt  }
0x4e: {  	_ =	shalt  }
0x4f: {  	_ =	shalt  }
0x50: {  	_ =	shalt  }
0x51: {  	_ =	shalt  }
0x52: {  	_ =	shalt  }
0x53: {  	_ =	shalt  }
0x54: {  	_ =	shalt  }
0x55: {  	_ =	shalt  }
0x56: {  	_ =	shalt  }
0x57: {  	_ =	shalt  }
0x58: {  	_ =	shalt  }
0x59: {  	_ =	shalt  }
0x5a: {  	_ =	shalt  }
0x5b: {  	_ =	shalt  }
0x5c: {  	_ =	shalt  }
0x5d: {  	_ =	shalt  }
0x5e: {  	_ =	shalt  }
0x5f: {  	_ =	shalt  }
0x60: {  	_ =	shalt  }
0x61: {  	_ =	shalt  }
0x62: {  	_ =	shalt  }
0x63: {  	_ =	shalt  }
0x64: {  	_ =	shalt  }
0x65: {  	_ =	shalt  }
0x66: {  	_ =	shalt  }
0x67: {  	_ =	shalt  }
0x68: {  	_ =	shalt  }
0x69: {  	_ =	shalt  }
0x6a: {  	_ =	shalt  }
0x6b: {  	_ =	shalt  }
0x6c: {  	_ =	shalt  }
0x6d: {  	_ =	shalt  }
0x6e: {  	_ =	shalt  }
0x6f: {  	_ =	shalt  }
0x70: {  	_ =	shalt  }
0x71: {  	_ =	shalt  }
0x72: {  	_ =	shalt  }
0x73: {  	_ =	shalt  }
0x74: {  	_ =	shalt  }
0x75: {  	_ =	shalt  }
0x76: {  	_ =	shalt  }
0x77: {  	_ =	shalt  }
0x78: {  	_ =	shalt  }
0x79: {  	_ =	shalt  }
0x7a: {  	_ =	shalt  }
0x7b: {  	_ =	shalt  }
0x7c: {  	_ =	shalt  }
0x7d: {  	_ =	shalt  }
0x7e: {  	_ =	shalt  }
0x7f: {  	_ =	shalt  }
0x80: {  	_ =	shalt  }
0x81: {  	_ =	shalt  }
0x82: {  	_ =	shalt  }
0x83: {  	_ =	shalt  }
0x84: {  	_ =	shalt  }
0x85: {  	_ =	shalt  }
0x86: {  	_ =	shalt  }
0x87: {  	_ =	shalt  }
.Lfunc_end0:
.L_simem_size_0:
called_computation.1_lowered:
.L_overlay_start_0:
0x88: {  	s2 =	sld [smem:$0x3FD9]  }
0x89: {  	s3 =	sld [smem:$0x3FFE];
	_ =	sdelay $0x1  }
0x8a: {  	s1 =	srdreg.scid  }
0x8b: {  	s0 =	sand.u32 $0x1, s1  }
0x8c: {  	s17 =	sshll.u32 s0, $0xA;
	s2 =	sadd.s32 s3, s2  }
0x8d: {  	s2 =	sadd.s32 s2, s17  }
0x8e: {  	[smem:$0x3FBE] =	sst s2  }
0x8f: {  	_ = 	snop  }
0x90: {  	s2 =	sld [smem:$0x3FD0];
	(tm) =	ssettm $0x1  }
0x91: {  	s18 =	sld [smem:$0x3FFB];
	_ =	sdelay $0x3  }
0x92: {  	_ =	strace s18  }
0x93: {  	s3 =	sld [smem:$0x3FFC];
	_ =	sdelay $0x3  }
0x94: {  	_ =	strace s3  }
0x95: {  	s3 =	sld [smem:$0x3FFD];
	_ =	sdelay $0x3  }
0x96: {  	_ =	strace s3  }
0x97: {  	_ =	strace $0x8FFFFFFF  }
0x98: {  	s19 =	sld [smem:$0x3FDB];
	_ =	sdelay $0x1  }
0x99: {  	s4 =	simm.s32 $_scs_section_size  }
0x9a: {  	s5 =	simm.s32 $_size__tile_overlayer_lowered;
	s6 =	simm.s32 $_tile_overlayer_lowered  }
0x9b: {  	s22 =	simm.s32 $0x1BFF;
	s21 =	sshll.u32 s6, $0x1;
	s3 =	sadd.s32 s4, s19  }
0x9c: {  	s7 =	simm.s32 $0x0;
	s20 =	sshll.u32 s5, $0x1;
	s5 =	sadd.s32 s21, s3  }
0x9d: {  	[timem:s7], [sflag:s22] =	dma.local [hbm:s5], s20  }
0x9e: {  	_ =	swait.ge [sflag:s22], s20  }
0x9f: {  	s4 =	ssub.s32 $0x0, s20;
	[sflag:s22] =	ssyncset.done $0x0  }
0xa0: {  	[sflag:s22] =	ssyncadd.s32 s4;
	_ =	sdelay $0x1  }
0xa1: {  	s23 =	simm.s32 $0x1B8B  }
0xa2: {  	_ =	swait.ge [sflag:s23], $0x1  }
0xa3: {  	[sflag:s23] =	ssyncset.done $0x0  }
0xa4: {  	s25 =	simm.s32 $0x1B8E;
	s24 =	sld [smem:$0x3FFE];
	[sflag:s23] =	ssyncadd.s32 $0xFFFFFFFF  }
0xa5: {  	s26 =	simm.s32 $execute0_lowered;
	[smem:$0x3FD2] =	sst s25  }
0xa6: {  	s5 =	sshll.u32 s26, $0x1;
	_ =	strace $0x80000049;
	[dreg:$0x1] =	wrdreg $0xFFFFFFFF  }
0xa7: {  	s28 =	simm.s32 $_size_execute0_lowered;
	s3 =	sadd.s32 s3, s5;
	[dreg:$0x0] =	wrdreg $0x0  }
0xa8: {  	s5 =	sshll.u32 s28, $0x1;
	[dreg:$0x2] =	wrdreg s3  }
0xa9: {  	[dreg:$0x3] =	wrdreg s5  }
0xaa: {  	[dreg:$0x4] =	wrdreg $0xC0  }
0xab: {  	_ =	task [dreg:s7], $0x5FFFF  }
0xac: {  	[dreg:$0x1] =	wrdreg $0xFFFFFFFF  }
0xad: {  	[dreg:$0x0] =	wrdreg $0x60  }
0xae: {  	[dreg:$0x2] =	wrdreg s2  }
0xaf: {  	[dreg:$0x3] =	wrdreg s24  }
0xb0: {  	[dreg:$0x4] =	wrdreg $0xE8C00  }
0xb1: {  	[dreg:$0x5] =	wrdreg $0x188C00  }
0xb2: {  	[dreg:$0x6] =	wrdreg $0x9  }
0xb3: {  	_ =	task.clear_ibuf [dreg:s7], $0x7FFFF;
	_ =	strace $0x90000049  }
0xb4: {  	s29 =	simm.s32 $0x9;
	_ =	strace $0x8000004B  }
0xb5: {  	_ =	swait.ge [sflag:s29], $0x1  }
0xb6: {  	[sflag:s29] =	ssyncadd.s32 $0xFFFFFFFF  }
0xb7: {  	_ =	strace $0x9000004B  }
0xb8: {  	_ =	sfence  }
0xb9: {  	s30 =	sld [smem:$0x0];
	_ =	sdelay $0x2  }
0xba: {  	s31 =	sshll.u32 s1, $0xD;
	s1 =	sshrl.u32 s1, $0x2  }
0xbb: {  	s3 =	sand.u32 $0x4000, s31;
	s1 =	sadd.s32 s1, s30  }
0xbc: {  	s0 =	sor.u32 s3, s0;
	s1 =	sshll.u32 s1, $0x11  }
0xbd: {  	s0 =	sor.u32 s1, s0  }
0xbe: {  	s0 =	sadd.s32 $0x8F2B, s0  }
0xbf: {  	[sflag:s0] =	ssyncadd.remote.s32 $0x1  }
0xc0: {  	_ =	sfence.sel $0xFFFF  }
0xc1: {  	[dreg:$0x0] =	wrdreg $0xFFFFFFFF;
	(pc) =	sbr.abs _section_cstart, $3  }
0xc2: {  	[dreg:$0x1] =	wrdreg $0xFFFFFFFF  }
0xc3: {  	_ =	task.clear_ibuf [dreg:s7], $0x2FFFF;
	_ =	strace $0x9FFFFFFF  }
0xc4: {  	(tm) =	ssettm $0x7FFFFFFF  }
0xc5: {  	_ =	shalt  }
tec
execute0_lowered:
.L_overlay_start_1:
0x0: {  	(tag) =	ssettag $0x1  }
0x1: {  	s1 =	rddreg [dreg:$0x0]  }
0x2: {  	s0 =	srdreg.scid;
	s7 =	rddreg [dreg:$0x1]  }
0x3: {  	s12 =	stileid.u32;
	s3 =	rddreg [dreg:$0x2]  }
0x4: {  	s4 =	rddreg [dreg:$0x3];
	s5 =	simm.s32 $0x0;
	s30 =	simm.s32 $0xC040  }
0x5: {  	s31 =	simm.s32 $0xE040;
	s28 =	simm.s32 $0x9F40;
	s29 =	simm.s32 $0xA040  }
0x6: {  	s0 =	sand.u32 $0x1, s0;
	s2 =	sshll.u32 s12, $0x1;
	s8 =	smul.u32 $0xA000, s12  }
0x7: {  	[smem:$0x7FF] =	sst s5;
	s10 =	smul.u32 $0x2800, s12;
	s6 =	sadd.s32 $0x1E00, s7  }
0x8: {  	s13 =	sadd.s32 $0x15E00, s7;
	s25 =	sadd.s32 $0x15800, s7;
	s14 =	smul.u32 $0x280, s12  }
0x9: {  	s2 =	sor.u32 s0, s2;
	s9 =	smul.u32 $0x140000, s0;
	_ =	strace $0x8000004A  }
0xa: {  	s11 =	smul.u32 $0x28000, s0;
	[dreg:$0x5] =	wrdreg s13;
	s0 =	ssub.s32 $0x2, s0  }
0xb: {  	[dreg:$0x6] =	wrdreg s25;
	s2 =	smul.u32 $0x510, s2;
	s26 =	sshrl.u32 s0, $0x1  }
0xc: {  	s13 =	sadd.s32 $0x80, s14;
	s16 =	sadd.s32 $0x100, s14;
	s19 =	sadd.s32 $0x180, s14  }
0xd: {  	s21 =	sadd.s32 $0x200, s14;
	s9 =	sadd.s32 s8, s9;
	s11 =	sadd.s32 s10, s11  }
0xe: {  	s0 =	ssub.s32 s0, s26;
	s15 =	sshll.u32 s13, $0x6;
	s17 =	sshll.u32 s16, $0x6  }
0xf: {  	s18 =	sshll.u32 s16, $0x4;
	s20 =	sshll.u32 s19, $0x6;
	s22 =	sshll.u32 s19, $0x4  }
0x10: {  	s23 =	sshll.u32 s21, $0x6;
	s24 =	sshll.u32 s21, $0x4;
	s2 =	sadd.s32 s2, s7  }
0x11: {  	s9 =	sshrl.u32 s9, $0x3;
	s11 =	sshrl.u32 s11, $0x3;
	s19 =	sadd.s32 s23, s3  }
0x12: {  	s9 =	sadd.s32 s9, s7;
	s7 =	sadd.s32 s11, s7;
	s12 =	sadd.s32 $0x20E00, s2  }
0x13: {  	s2 =	sadd.s32 $0x16C00, s2;
	s11 =	sadd.s32 s8, s3;
	[dreg:$0x7] =	wrdreg s12  }
0x14: {  	s8 =	simm.s32 $0x9FC0;
	[dreg:$0x8] =	wrdreg s2;
	s12 =	sadd.s32 s10, s4  }
0x15: {  	s2 =	sshll.u32 s13, $0x4;
	s13 =	sadd.s32 s15, s3;
	s15 =	sadd.s32 s17, s3  }
0x16: {  	s17 =	sadd.s32 s20, s3;
	s25 =	sadd.s32 $0x35000, s9;
	s26 =	sadd.s32 $0x2B000, s7  }
0x17: {  	v0 =	vlaneseq.u32;
	s23 =	sadd.s32 $0x49000, s9;
	s7 =	simm.s32 $0xE840;
	[dreg:$0xd] =	wrdreg s25  }
0x18: {  	v0 =	vmul.u32 $0x10, v0;
	s9 =	simm.s32 $0x0;
	s2 =	sadd.s32 s2, s4;
	[dreg:$0xe] =	wrdreg s26  }
0x19: {  	s25 =	simm.s32 $0x2;
	[dreg:$0x9] =	wrdreg s2;
	s2 =	sadd.s32 s18, s4  }
0x1a: {  	v1 =	vimm.f32 $0.0e+00;
	v2 =	vor.u32 $0x100, v0;
	s26 =	simm.s32 $0x2720;
	[dreg:$0xa] =	wrdreg s2;
	s2 =	sadd.s32 s22, s4  }
0x1b: {  	v3 =	vor.u32 $0x200, v0;
	v4 =	vor.u32 $0x300, v0;
	v5 =	vor.u32 $0x400, v0;
	[dreg:$0xb] =	wrdreg s2;
	s2 =	sadd.s32 s24, s4;
	s24 =	smax.u32 s0, $0x1  }
0x1c: {  	v6 =	vor.u32 $0x500, v0;
	v7 =	vor.u32 $0x600, v0;
	v8 =	vor.u32 $0x700, v0;
	s0 =	simm.s32 $0x1;
	[dreg:$0xc] =	wrdreg s2;
	s2 =	simm.s32 $0x80  }
.LBB2_1:
0x1d: {  	s10 =	rddreg [dreg:$0x5]  }
0x1e: {  	[tilespmem:s5], [sflag:$0x2] =	stream.linear.gather [hbm4b:s10+s5], $0x2720, $0x38;
	[tilespmem:$0x1B0C0] =	vst v63  }
0x1f: {  	_ =	swait.ge [sflag:s25], $0x2720  }
0x20: {  	[sflag:s25] =	ssyncset.done $0x0  }
0x21: {  	s18 =	rddreg [dreg:$0x6];
	[sflag:s25] =	ssyncadd.s32 $0xFFFFD8E0  }
0x22: {  	[tilespmem:s26], [sflag:$0x2] =	stream.linear.gather [hbm4b:s18+s5], $0x2720, $0x38;
	[tilespmem:$0x1B0C0] =	vst v63  }
0x23: {  	_ =	swait.ge [sflag:s25], $0x2720  }
0x24: {  	[sflag:s25] =	ssyncset.done $0x0  }
0x25: {  	s14 =	simm.s32 $0x4E40;
	s20 =	rddreg [dreg:$0x7];
	[sflag:s25] =	ssyncadd.s32 $0xFFFFD8E0  }
0x26: {  	[tilespmem:s14], [sflag:$0x2] =	stream.linear.gather [hbm4b:s20+s5], $0x2880, $0x38;
	[tilespmem:$0x1B0C0] =	vst v63  }
0x27: {  	_ =	swait.ge [sflag:s25], $0x2880  }
0x28: {  	[sflag:s25] =	ssyncset.done $0x0  }
0x29: {  	s22 =	simm.s32 $0x76C0;
	s21 =	rddreg [dreg:$0x8];
	[sflag:s25] =	ssyncadd.s32 $0xFFFFD780  }
0x2a: {  	[tilespmem:s22], [sflag:$0x2] =	stream.linear.gather [hbm4b:s21+s5], $0x2880, $0x38;
	[tilespmem:$0x1B0C0] =	vst v63  }
0x2b: {  	_ =	swait.ge [sflag:s25], $0x2880  }
0x2c: {  	[sflag:s25] =	ssyncset.done $0x0  }
0x2d: {  	s10 =	simm.s32 $0xC060;
	[sflag:s25] =	ssyncadd.s32 $0xFFFFD780  }
0x2e: {  	[tilespmem:s10+$0x0] =	vst v1  }
0x2f: {  	[tilespmem:s10+$0xFFFFFFE0] =	vst v1  }
0x30: {  	[tilespmem:s10+$0x10] =	vst v1  }
0x31: {  	s16 =	simm.s32 $0x0;
	s14 =	simm.s32 $0x40;
	[tilespmem:s10+$0xFFFFFFF0] =	vst v1  }
.LBB2_2:
0x32: {  	p0 =	sne.s32 s14, $0x1FC0  }
0x33: {  	[tilespmem:s16+$0xE040] =	vst v1;
	s10 =	sadd.s32 $0x40, s10;
	s16 =	smov.u32 s14;
	s14 =	sadd.s32 $0x40, s14  }
.Ltmp0:
0x34: {  	[tilespmem:s10+$0x0] =	vst v1;
	(pc) =	sbr.rel @p0 .LBB2_2-.Ltmp0, $4  }
0x35: {  	_ = 	snop  }
0x36: {  	[tilespmem:s10+$0xFFFFFFE0] =	vst v1  }
0x37: {  	[tilespmem:s10+$0x10] =	vst v1  }
0x38: {  	s16 =	sshra.s32 s16, $0x2;
	[tilespmem:s10+$0xFFFFFFF0] =	vst v1  }
0x39: {  	[tilespmem:s16+$0xE040] =	vst v1  }
0x3a: {  	[spmem:s11] =	stream.linear.scatter [tilespmem:s30], [sflag:$0x2], $0x2000, $0x38;
	[tilespmem:$0x1B0C0] =	vst v63  }
0x3b: {  	_ =	swait.ge [sflag:s25], $0x2000  }
0x3c: {  	[sflag:s25] =	ssyncset.done $0x0  }
0x3d: {  	[sflag:s25] =	ssyncadd.s32 $0xFFFFE000  }
0x3e: {  	[spmem:s12] =	stream.linear.scatter [tilespmem:s31], [sflag:$0x2], $0x800, $0x38;
	[tilespmem:$0x1B0C0] =	vst v63  }
0x3f: {  	_ =	swait.ge [sflag:s25], $0x800  }
0x40: {  	[sflag:s25] =	ssyncset.done $0x0  }
0x41: {  	[sflag:s25] =	ssyncadd.s32 $0xFFFFF800  }
0x42: {  	[spmem:s13] =	stream.linear.scatter [tilespmem:s30], [sflag:$0x2], $0x2000, $0x38;
	[tilespmem:$0x1B0C0] =	vst v63  }
0x43: {  	_ =	swait.ge [sflag:s25], $0x2000  }
0x44: {  	[sflag:s25] =	ssyncset.done $0x0  }
0x45: {  	s10 =	rddreg [dreg:$0x9];
	[sflag:s25] =	ssyncadd.s32 $0xFFFFE000  }
0x46: {  	[spmem:s10] =	stream.linear.scatter [tilespmem:s31], [sflag:$0x2], $0x800, $0x38;
	[tilespmem:$0x1B0C0] =	vst v63  }
0x47: {  	_ =	swait.ge [sflag:s25], $0x800  }
0x48: {  	[sflag:s25] =	ssyncset.done $0x0  }
0x49: {  	[sflag:s25] =	ssyncadd.s32 $0xFFFFF800  }
0x4a: {  	[spmem:s15] =	stream.linear.scatter [tilespmem:s30], [sflag:$0x2], $0x2000, $0x38;
	[tilespmem:$0x1B0C0] =	vst v63  }
0x4b: {  	_ =	swait.ge [sflag:s25], $0x2000  }
0x4c: {  	[sflag:s25] =	ssyncset.done $0x0  }
0x4d: {  	s20 =	rddreg [dreg:$0xa];
	[sflag:s25] =	ssyncadd.s32 $0xFFFFE000  }
0x4e: {  	[spmem:s20] =	stream.linear.scatter [tilespmem:s31], [sflag:$0x2], $0x800, $0x38;
	[tilespmem:$0x1B0C0] =	vst v63  }
0x4f: {  	_ =	swait.ge [sflag:s25], $0x800  }
0x50: {  	[sflag:s25] =	ssyncset.done $0x0  }
0x51: {  	[sflag:s25] =	ssyncadd.s32 $0xFFFFF800  }
0x52: {  	[spmem:s17] =	stream.linear.scatter [tilespmem:s30], [sflag:$0x2], $0x2000, $0x38;
	[tilespmem:$0x1B0C0] =	vst v63  }
0x53: {  	_ =	swait.ge [sflag:s25], $0x2000  }
0x54: {  	[sflag:s25] =	ssyncset.done $0x0  }
0x55: {  	s21 =	rddreg [dreg:$0xb];
	[sflag:s25] =	ssyncadd.s32 $0xFFFFE000  }
0x56: {  	[spmem:s21] =	stream.linear.scatter [tilespmem:s31], [sflag:$0x2], $0x800, $0x38;
	[tilespmem:$0x1B0C0] =	vst v63  }
0x57: {  	_ =	swait.ge [sflag:s25], $0x800  }
0x58: {  	[sflag:s25] =	ssyncset.done $0x0  }
0x59: {  	[sflag:s25] =	ssyncadd.s32 $0xFFFFF800  }
0x5a: {  	[spmem:s19] =	stream.linear.scatter [tilespmem:s30], [sflag:$0x2], $0x2000, $0x38;
	[tilespmem:$0x1B0C0] =	vst v63  }
0x5b: {  	_ =	swait.ge [sflag:s25], $0x2000  }
0x5c: {  	[sflag:s25] =	ssyncset.done $0x0  }
0x5d: {  	s22 =	rddreg [dreg:$0xc];
	[sflag:s25] =	ssyncadd.s32 $0xFFFFE000  }
0x5e: {  	[spmem:s22] =	stream.linear.scatter [tilespmem:s31], [sflag:$0x2], $0x800, $0x38;
	[tilespmem:$0x1B0C0] =	vst v63  }
0x5f: {  	_ =	swait.ge [sflag:s25], $0x800  }
0x60: {  	[sflag:s25] =	ssyncset.done $0x0  }
0x61: {  	[sflag:s25] =	ssyncadd.s32 $0xFFFFF800  }
0x62: {  	s14 =	simm.s32 $0x0;
	s10 =	simm.s32 $0x0;
	[bflag:$0x0] =	sbarrier.arrive $0xFFFF  }
.LBB2_4:
0x63: {  	s16 =	sshll.u32 s14, $0x7  }
0x64: {  	v9 =	vld [tilespmem:s16+$0x4E40]  }
0x65: {  	v10 =	vld [tilespmem:s16+$0x76C0];
	_ =	sdelay $0x4  }
0x66: {  	[tilespmem:$0x9F40] =	vst v9  }
0x67: {  	[tilespmem:$0x9FC0] =	vst v10  }
0x68: {  	v9 =	vld.idx.msk [tilespmem:v9+s10+$0x0], $0xffff  }
0x69: {  	v10 =	vld.idx.msk [tilespmem:v10+s26+$0x0], $0xffff;
	_ =	sdelay $0x4  }
0x6a: {  	v9 =	vadd.f32 v10, v9;
	_ =	sdelay $0x1  }
0x6b: {  	v10 =	vmul.f32 $2.000000030e-01, v9;
	_ =	sdelay $0x1  }
0x6c: {  	v9 =	vmax.f32 v9, v10  }
0x6d: {  	v9 =	vmul.f32 $1.442695020e+00, v9;
	_ =	sdelay $0x1  }
0x6e: {  	(erf) = vpow2.f32 v9;
	_ =	sdelay $0x8  }
0x6f: {  	v9 =	vpop (erf)  }
0x70: {  	[tilespmem:$0xE840] =	vst v9  }
0x71: {  	[tilespmem:v0+s31+$0x0] =	vst.idx.msk $0xffff, v9  }
0x72: {  	v9 =	vld [tilespmem:s16+$0x4E50]  }
0x73: {  	v10 =	vld [tilespmem:s16+$0x76D0];
	_ =	sdelay $0x4  }
0x74: {  	[tilespmem:$0x9F50] =	vst v9  }
0x75: {  	[tilespmem:$0x9FD0] =	vst v10  }
0x76: {  	v9 =	vld.idx.msk [tilespmem:v9+s10+$0x0], $0xffff  }
0x77: {  	v10 =	vld.idx.msk [tilespmem:v10+s26+$0x0], $0xffff;
	_ =	sdelay $0x4  }
0x78: {  	v9 =	vadd.f32 v10, v9;
	_ =	sdelay $0x1  }
0x79: {  	v10 =	vmul.f32 $2.000000030e-01, v9;
	_ =	sdelay $0x1  }
0x7a: {  	v9 =	vmax.f32 v9, v10  }
0x7b: {  	v9 =	vmul.f32 $1.442695020e+00, v9;
	_ =	sdelay $0x1  }
0x7c: {  	(erf) = vpow2.f32 v9;
	_ =	sdelay $0x8  }
0x7d: {  	v9 =	vpop (erf)  }
0x7e: {  	[tilespmem:$0xE850] =	vst v9  }
0x7f: {  	[tilespmem:v2+s31+$0x0] =	vst.idx.msk $0xffff, v9  }
0x80: {  	v9 =	vld [tilespmem:s16+$0x4E60]  }
0x81: {  	v10 =	vld [tilespmem:s16+$0x76E0];
	_ =	sdelay $0x4  }
0x82: {  	[tilespmem:$0x9F60] =	vst v9  }
0x83: {  	[tilespmem:$0x9FE0] =	vst v10  }
0x84: {  	v9 =	vld.idx.msk [tilespmem:v9+s10+$0x0], $0xffff  }
0x85: {  	v10 =	vld.idx.msk [tilespmem:v10+s26+$0x0], $0xffff;
	_ =	sdelay $0x4  }
0x86: {  	v9 =	vadd.f32 v10, v9;
	_ =	sdelay $0x1  }
0x87: {  	v10 =	vmul.f32 $2.000000030e-01, v9;
	_ =	sdelay $0x1  }
0x88: {  	v9 =	vmax.f32 v9, v10  }
0x89: {  	v9 =	vmul.f32 $1.442695020e+00, v9;
	_ =	sdelay $0x1  }
0x8a: {  	(erf) = vpow2.f32 v9;
	_ =	sdelay $0x8  }
0x8b: {  	v9 =	vpop (erf)  }
0x8c: {  	[tilespmem:$0xE860] =	vst v9  }
0x8d: {  	[tilespmem:v3+s31+$0x0] =	vst.idx.msk $0xffff, v9  }
0x8e: {  	v9 =	vld [tilespmem:s16+$0x4E70]  }
0x8f: {  	v10 =	vld [tilespmem:s16+$0x76F0];
	_ =	sdelay $0x4  }
0x90: {  	[tilespmem:$0x9F70] =	vst v9  }
0x91: {  	[tilespmem:$0x9FF0] =	vst v10  }
0x92: {  	v9 =	vld.idx.msk [tilespmem:v9+s10+$0x0], $0xffff  }
0x93: {  	v10 =	vld.idx.msk [tilespmem:v10+s26+$0x0], $0xffff;
	_ =	sdelay $0x4  }
0x94: {  	v9 =	vadd.f32 v10, v9;
	_ =	sdelay $0x1  }
0x95: {  	v10 =	vmul.f32 $2.000000030e-01, v9;
	_ =	sdelay $0x1  }
0x96: {  	v9 =	vmax.f32 v9, v10  }
0x97: {  	v9 =	vmul.f32 $1.442695020e+00, v9;
	_ =	sdelay $0x1  }
0x98: {  	(erf) = vpow2.f32 v9;
	_ =	sdelay $0x8  }
0x99: {  	v9 =	vpop (erf)  }
0x9a: {  	[tilespmem:$0xE870] =	vst v9  }
0x9b: {  	[tilespmem:v4+s31+$0x0] =	vst.idx.msk $0xffff, v9  }
0x9c: {  	v9 =	vld [tilespmem:s16+$0x4E80]  }
0x9d: {  	v10 =	vld [tilespmem:s16+$0x7700];
	_ =	sdelay $0x4  }
0x9e: {  	[tilespmem:$0x9F80] =	vst v9  }
0x9f: {  	[tilespmem:$0xA000] =	vst v10  }
0xa0: {  	v9 =	vld.idx.msk [tilespmem:v9+s10+$0x0], $0xffff  }
0xa1: {  	v10 =	vld.idx.msk [tilespmem:v10+s26+$0x0], $0xffff;
	_ =	sdelay $0x4  }
0xa2: {  	v9 =	vadd.f32 v10, v9;
	_ =	sdelay $0x1  }
0xa3: {  	v10 =	vmul.f32 $2.000000030e-01, v9;
	_ =	sdelay $0x1  }
0xa4: {  	v9 =	vmax.f32 v9, v10  }
0xa5: {  	v9 =	vmul.f32 $1.442695020e+00, v9;
	_ =	sdelay $0x1  }
0xa6: {  	(erf) = vpow2.f32 v9;
	_ =	sdelay $0x8  }
0xa7: {  	v9 =	vpop (erf)  }
0xa8: {  	[tilespmem:$0xE880] =	vst v9  }
0xa9: {  	[tilespmem:v5+s31+$0x0] =	vst.idx.msk $0xffff, v9  }
0xaa: {  	v9 =	vld [tilespmem:s16+$0x4E90]  }
0xab: {  	v10 =	vld [tilespmem:s16+$0x7710];
	_ =	sdelay $0x4  }
0xac: {  	[tilespmem:$0x9F90] =	vst v9  }
0xad: {  	[tilespmem:$0xA010] =	vst v10  }
0xae: {  	v9 =	vld.idx.msk [tilespmem:v9+s10+$0x0], $0xffff  }
0xaf: {  	v10 =	vld.idx.msk [tilespmem:v10+s26+$0x0], $0xffff;
	_ =	sdelay $0x4  }
0xb0: {  	v9 =	vadd.f32 v10, v9;
	_ =	sdelay $0x1  }
0xb1: {  	v10 =	vmul.f32 $2.000000030e-01, v9;
	_ =	sdelay $0x1  }
0xb2: {  	v9 =	vmax.f32 v9, v10  }
0xb3: {  	v9 =	vmul.f32 $1.442695020e+00, v9;
	_ =	sdelay $0x1  }
0xb4: {  	(erf) = vpow2.f32 v9;
	_ =	sdelay $0x8  }
0xb5: {  	v9 =	vpop (erf)  }
0xb6: {  	[tilespmem:$0xE890] =	vst v9  }
0xb7: {  	[tilespmem:v6+s31+$0x0] =	vst.idx.msk $0xffff, v9  }
0xb8: {  	v9 =	vld [tilespmem:s16+$0x4EA0]  }
0xb9: {  	v10 =	vld [tilespmem:s16+$0x7720];
	_ =	sdelay $0x4  }
0xba: {  	[tilespmem:$0x9FA0] =	vst v9  }
0xbb: {  	[tilespmem:$0xA020] =	vst v10  }
0xbc: {  	v9 =	vld.idx.msk [tilespmem:v9+s10+$0x0], $0xffff  }
0xbd: {  	v10 =	vld.idx.msk [tilespmem:v10+s26+$0x0], $0xffff;
	_ =	sdelay $0x4  }
0xbe: {  	v9 =	vadd.f32 v10, v9;
	_ =	sdelay $0x1  }
0xbf: {  	v10 =	vmul.f32 $2.000000030e-01, v9;
	_ =	sdelay $0x1  }
0xc0: {  	v9 =	vmax.f32 v9, v10  }
0xc1: {  	v9 =	vmul.f32 $1.442695020e+00, v9;
	_ =	sdelay $0x1  }
0xc2: {  	(erf) = vpow2.f32 v9;
	_ =	sdelay $0x8  }
0xc3: {  	v9 =	vpop (erf)  }
0xc4: {  	[tilespmem:$0xE8A0] =	vst v9  }
0xc5: {  	[tilespmem:v7+s31+$0x0] =	vst.idx.msk $0xffff, v9  }
0xc6: {  	v9 =	vld [tilespmem:s16+$0x4EB0]  }
0xc7: {  	v10 =	vld [tilespmem:s16+$0x7730];
	_ =	sdelay $0x4  }
0xc8: {  	[tilespmem:$0x9FB0] =	vst v9  }
0xc9: {  	[tilespmem:$0xA030] =	vst v10  }
0xca: {  	v9 =	vld.idx.msk [tilespmem:v9+s10+$0x0], $0xffff  }
0xcb: {  	v10 =	vld.idx.msk [tilespmem:v10+s26+$0x0], $0xffff;
	_ =	sdelay $0x4  }
0xcc: {  	v9 =	vadd.f32 v10, v9;
	_ =	sdelay $0x1  }
0xcd: {  	v10 =	vmul.f32 $2.000000030e-01, v9;
	_ =	sdelay $0x1  }
0xce: {  	v9 =	vmax.f32 v9, v10  }
0xcf: {  	v9 =	vmul.f32 $1.442695020e+00, v9;
	_ =	sdelay $0x1  }
0xd0: {  	(erf) = vpow2.f32 v9;
	_ =	sdelay $0x8  }
0xd1: {  	v9 =	vpop (erf)  }
0xd2: {  	[tilespmem:$0xE8B0] =	vst v9  }
0xd3: {  	[tilespmem:v8+s31+$0x0] =	vst.idx.msk $0xffff, v9;
	v9 =	vmov s10  }
0xd4: {  	[tilespmem:s29], [sflag:$0x1] =	stream.indirect.gather [hbm4b:s1+s2], $0x40, s28, s2, $0xb8;
	[tilespmem:$0x1B0C0] =	vst v63  }
0xd5: {  	_ =	swait.ge [sflag:s0], $0x2000  }
0xd6: {  	[sflag:s0] =	ssyncset.done $0x0  }
0xd7: {  	[sflag:s0] =	ssyncadd.s32 $0xFFFFE000  }
0xd8: {  	s16 =	simm.s32 $0xA060;
	v9 =	vld.idx.msk [tilespmem:v9+s7+$0x0], $0xffff  }
0xd9: {  	v10 =	vld [tilespmem:s16+$0xFFFFFFE0];
	_ =	sdelay $0x4  }
0xda: {  	v10 =	vmul.f32 v10, v9  }
0xdb: {  	s18 =	simm.s32 $0xC060  }
0xdc: {  	[tilespmem:s18+$0xFFFFFFE0] =	vst v10  }
0xdd: {  	v10 =	vld [tilespmem:s16+$0xFFFFFFF0];
	_ =	sdelay $0x4  }
0xde: {  	v10 =	vmul.f32 v10, v9;
	_ =	sdelay $0x1  }
0xdf: {  	[tilespmem:s18+$0xFFFFFFF0] =	vst v10  }
0xe0: {  	v10 =	vld [tilespmem:s16+$0x0];
	_ =	sdelay $0x4  }
0xe1: {  	v10 =	vmul.f32 v10, v9;
	_ =	sdelay $0x1  }
0xe2: {  	[tilespmem:s18+$0x0] =	vst v10  }
0xe3: {  	v11 =	vld [tilespmem:s16+$0x10];
	_ =	sdelay $0x1  }
0xe4: {  	s20 =	simm.s32 $0x1  }
0xe5: {  	v10 =	vmov s20;
	s20 =	simm.s32 $0x2  }
.LBB2_5:
0xe6: {  	p0 =	sne.s32 s20, $0x7F  }
0xe7: {  	v9 =	vmul.f32 v11, v9;
	_ =	sdelay $0x1  }
0xe8: {  	[tilespmem:s18+$0x10] =	vst v9  }
0xe9: {  	s16 =	sadd.s32 $0x40, s16;
	v9 =	vld.idx.msk [tilespmem:v10+s7+$0x0], $0xffff  }
0xea: {  	v10 =	vld [tilespmem:s16+$0xFFFFFFE0];
	_ =	sdelay $0x4  }
0xeb: {  	v10 =	vmul.f32 v10, v9  }
0xec: {  	s18 =	sadd.s32 $0x40, s18  }
0xed: {  	[tilespmem:s18+$0xFFFFFFE0] =	vst v10  }
0xee: {  	v10 =	vld [tilespmem:s16+$0xFFFFFFF0];
	_ =	sdelay $0x4  }
0xef: {  	v10 =	vmul.f32 v10, v9;
	_ =	sdelay $0x1  }
0xf0: {  	[tilespmem:s18+$0xFFFFFFF0] =	vst v10  }
0xf1: {  	v10 =	vld [tilespmem:s16+$0x0];
	_ =	sdelay $0x4  }
0xf2: {  	v10 =	vmul.f32 v10, v9;
	_ =	sdelay $0x1  }
.Ltmp1:
0xf3: {  	[tilespmem:s18+$0x0] =	vst v10;
	(pc) =	sbr.rel @p0 .LBB2_5-.Ltmp1, $2  }
0xf4: {  	v11 =	vld [tilespmem:s16+$0x10];
	_ =	sdelay $0x2  }
0xf5: {  	v10 =	vmov s20;
	s20 =	sadd.s32 $0x1, s20  }
0xf6: {  	_ = 	snop  }
0xf7: {  	v9 =	vmul.f32 v11, v9;
	_ =	sdelay $0x1  }
0xf8: {  	[tilespmem:s18+$0x10] =	vst v9  }
0xf9: {  	s16 =	sadd.s32 $0x40, s16;
	v9 =	vld.idx.msk [tilespmem:v10+s7+$0x0], $0xffff  }
0xfa: {  	v10 =	vld [tilespmem:s16+$0xFFFFFFE0];
	_ =	sdelay $0x4  }
0xfb: {  	v10 =	vmul.f32 v10, v9  }
0xfc: {  	s22 =	sadd.s32 $0x40, s18  }
0xfd: {  	[tilespmem:s22+$0xFFFFFFE0] =	vst v10  }
0xfe: {  	v10 =	vld [tilespmem:s16+$0xFFFFFFF0];
	_ =	sdelay $0x4  }
0xff: {  	v10 =	vmul.f32 v10, v9;
	_ =	sdelay $0x1  }
0x100: {  	[tilespmem:s22+$0xFFFFFFF0] =	vst v10  }
0x101: {  	v10 =	vld [tilespmem:s16+$0x0];
	_ =	sdelay $0x4  }
0x102: {  	v10 =	vmul.f32 v10, v9;
	_ =	sdelay $0x1  }
0x103: {  	[tilespmem:s22+$0x0] =	vst v10  }
0x104: {  	v10 =	vld [tilespmem:s16+$0x10];
	_ =	sdelay $0x4  }
0x105: {  	v9 =	vmul.f32 v10, v9;
	_ =	sdelay $0x1  }
0x106: {  	[tilespmem:s22+$0x10] =	vst v9  }
0x107: {  	[spmem:s3] =	stream.indirect.scatter.add.f32 [tilespmem:s30], [sflag:$0x2], $0x40, s8, s2, $0xb8;
	[tilespmem:$0x1B0C0] =	vst v63  }
0x108: {  	s14 =	sadd.s32 $0x1, s14;
	_ =	swait.ge [sflag:s25], $0x2000  }
0x109: {  	p0 =	sne.s32 s14, $0x51;
	[sflag:s25] =	ssyncset.done $0x0  }
.Ltmp2:
0x10a: {  	[sflag:s25] =	ssyncadd.s32 $0xFFFFE000;
	(pc) =	sbr.rel @p0 .LBB2_4-.Ltmp2, $4  }
0x10b: {  	[spmem:s4] =	stream.indirect.scatter.add.f32 [tilespmem:s31], [sflag:$0x2], $0x10, s8, s2, $0xb8;
	[tilespmem:$0x1B0C0] =	vst v63  }
0x10c: {  	_ =	swait.ge [sflag:s25], $0x800  }
0x10d: {  	[sflag:s25] =	ssyncset.done $0x0  }
0x10e: {  	[sflag:s25] =	ssyncadd.s32 $0xFFFFF800  }
0x10f: {  	s10 =	stileid.u32  }
0x110: {  	[bflag:$0x0] =	sbarrier.arrive $0xFFFF;
	s10 =	sshll.u32 s10, $0x6  }
0x111: {  	s14 =	sshrl.u32 s11, $0x3;
	s16 =	rddreg [dreg:$0xd];
	s10 =	sor.u32 $0x1C02, s10  }
0x112: {  	[hbm:s16], [sflag:s10] =	dma.local [spmem:s14], $0x1400  }
0x113: {  	_ =	swait.ge [sflag:s25], $0x1400  }
0x114: {  	[sflag:s25] =	ssyncset.done $0x0  }
0x115: {  	s22 =	sshrl.u32 s12, $0x3;
	s18 =	rddreg [dreg:$0xe];
	[sflag:s25] =	ssyncadd.s32 $0xFFFFEC00  }
0x116: {  	[hbm:s18], [sflag:s10] =	dma.local [spmem:s22], $0x500  }
0x117: {  	_ =	swait.ge [sflag:s25], $0x500  }
0x118: {  	[sflag:s25] =	ssyncset.done $0x0  }
0x119: {  	s16 =	simm.s32 $0x0;
	s18 =	simm.s32 $0x100;
	[sflag:s25] =	ssyncadd.s32 $0xFFFFFB00  }
.LBB2_8:
0x11a: {  	p0 =	sne.s32 s18, $0x7F00;
	[tilespmem:s16+$0xC070] =	vst v1;
	s20 =	smov.u32 s18;
	s18 =	sadd.s32 $0x100, s18  }
.Ltmp3:
0x11b: {  	[tilespmem:s16+$0xC060] =	vst v1;
	(pc) =	sbr.rel @p0 .LBB2_8-.Ltmp3, $3  }
0x11c: {  	[tilespmem:s16+$0xC040] =	vst v1  }
0x11d: {  	[tilespmem:s16+$0xC050] =	vst v1;
	_ =	sdelay $0x1  }
0x11e: {  	s16 =	sshra.s32 s20, $0x2  }
0x11f: {  	[tilespmem:s16+$0xC070] =	vst v1  }
0x120: {  	[tilespmem:s16+$0xC060] =	vst v1  }
0x121: {  	[tilespmem:s16+$0xC040] =	vst v1  }
0x122: {  	[tilespmem:s16+$0xC050] =	vst v1  }
0x123: {  	[spmem:s11] =	stream.linear.scatter [tilespmem:s30], [sflag:$0x2], $0x2000, $0x38;
	[tilespmem:$0x1B0C0] =	vst v63  }
0x124: {  	_ =	swait.ge [sflag:s25], $0x2000  }
0x125: {  	[sflag:s25] =	ssyncset.done $0x0  }
0x126: {  	[sflag:s25] =	ssyncadd.s32 $0xFFFFE000  }
0x127: {  	[spmem:s13] =	stream.linear.scatter [tilespmem:s30], [sflag:$0x2], $0x2000, $0x38;
	[tilespmem:$0x1B0C0] =	vst v63  }
0x128: {  	_ =	swait.ge [sflag:s25], $0x2000  }
0x129: {  	[sflag:s25] =	ssyncset.done $0x0  }
0x12a: {  	[sflag:s25] =	ssyncadd.s32 $0xFFFFE000  }
0x12b: {  	[spmem:s15] =	stream.linear.scatter [tilespmem:s30], [sflag:$0x2], $0x2000, $0x38;
	[tilespmem:$0x1B0C0] =	vst v63  }
0x12c: {  	_ =	swait.ge [sflag:s25], $0x2000  }
0x12d: {  	[sflag:s25] =	ssyncset.done $0x0  }
0x12e: {  	[sflag:s25] =	ssyncadd.s32 $0xFFFFE000  }
0x12f: {  	[spmem:s17] =	stream.linear.scatter [tilespmem:s30], [sflag:$0x2], $0x2000, $0x38;
	[tilespmem:$0x1B0C0] =	vst v63  }
0x130: {  	_ =	swait.ge [sflag:s25], $0x2000  }
0x131: {  	[sflag:s25] =	ssyncset.done $0x0  }
0x132: {  	[sflag:s25] =	ssyncadd.s32 $0xFFFFE000  }
0x133: {  	[spmem:s19] =	stream.linear.scatter [tilespmem:s30], [sflag:$0x2], $0x2000, $0x38;
	[tilespmem:$0x1B0C0] =	vst v63  }
0x134: {  	_ =	swait.ge [sflag:s25], $0x2000  }
0x135: {  	[sflag:s25] =	ssyncset.done $0x0  }
0x136: {  	[sflag:s25] =	ssyncadd.s32 $0xFFFFE000  }
0x137: {  	s16 =	simm.s32 $0x0;
	s18 =	simm.s32 $0x0;
	[bflag:$0x0] =	sbarrier.arrive $0xFFFF  }
.LBB2_10:
0x138: {  	s20 =	sshll.u32 s18, $0x7  }
0x139: {  	v9 =	vld [tilespmem:s20+$0x4E40]  }
0x13a: {  	v10 =	vld [tilespmem:s20+$0x76C0];
	_ =	sdelay $0x4  }
0x13b: {  	[tilespmem:$0x9F40] =	vst v9  }
0x13c: {  	[tilespmem:$0x9FC0] =	vst v10  }
0x13d: {  	v9 =	vld.idx.msk [tilespmem:v9+s16+$0x0], $0xffff  }
0x13e: {  	v10 =	vld.idx.msk [tilespmem:v10+s26+$0x0], $0xffff;
	_ =	sdelay $0x4  }
0x13f: {  	v9 =	vadd.f32 v10, v9;
	_ =	sdelay $0x1  }
0x140: {  	v10 =	vmul.f32 $2.000000030e-01, v9;
	_ =	sdelay $0x1  }
0x141: {  	v9 =	vmax.f32 v9, v10  }
0x142: {  	v9 =	vmul.f32 $1.442695020e+00, v9;
	_ =	sdelay $0x1  }
0x143: {  	(erf) = vpow2.f32 v9;
	_ =	sdelay $0x8  }
0x144: {  	v9 =	vpop (erf)  }
0x145: {  	[tilespmem:$0xE840] =	vst v9  }
0x146: {  	v9 =	vld [tilespmem:s20+$0x4E50]  }
0x147: {  	v10 =	vld [tilespmem:s20+$0x76D0];
	_ =	sdelay $0x4  }
0x148: {  	[tilespmem:$0x9F50] =	vst v9  }
0x149: {  	[tilespmem:$0x9FD0] =	vst v10  }
0x14a: {  	v9 =	vld.idx.msk [tilespmem:v9+s16+$0x0], $0xffff  }
0x14b: {  	v10 =	vld.idx.msk [tilespmem:v10+s26+$0x0], $0xffff;
	_ =	sdelay $0x4  }
0x14c: {  	v9 =	vadd.f32 v10, v9;
	_ =	sdelay $0x1  }
0x14d: {  	v10 =	vmul.f32 $2.000000030e-01, v9;
	_ =	sdelay $0x1  }
0x14e: {  	v9 =	vmax.f32 v9, v10  }
0x14f: {  	v9 =	vmul.f32 $1.442695020e+00, v9;
	_ =	sdelay $0x1  }
0x150: {  	(erf) = vpow2.f32 v9;
	_ =	sdelay $0x8  }
0x151: {  	v9 =	vpop (erf)  }
0x152: {  	[tilespmem:$0xE850] =	vst v9  }
0x153: {  	v9 =	vld [tilespmem:s20+$0x4E60]  }
0x154: {  	v10 =	vld [tilespmem:s20+$0x76E0];
	_ =	sdelay $0x4  }
0x155: {  	[tilespmem:$0x9F60] =	vst v9  }
0x156: {  	[tilespmem:$0x9FE0] =	vst v10  }
0x157: {  	v9 =	vld.idx.msk [tilespmem:v9+s16+$0x0], $0xffff  }
0x158: {  	v10 =	vld.idx.msk [tilespmem:v10+s26+$0x0], $0xffff;
	_ =	sdelay $0x4  }
0x159: {  	v9 =	vadd.f32 v10, v9;
	_ =	sdelay $0x1  }
0x15a: {  	v10 =	vmul.f32 $2.000000030e-01, v9;
	_ =	sdelay $0x1  }
0x15b: {  	v9 =	vmax.f32 v9, v10  }
0x15c: {  	v9 =	vmul.f32 $1.442695020e+00, v9;
	_ =	sdelay $0x1  }
0x15d: {  	(erf) = vpow2.f32 v9;
	_ =	sdelay $0x8  }
0x15e: {  	v9 =	vpop (erf)  }
0x15f: {  	[tilespmem:$0xE860] =	vst v9  }
0x160: {  	v9 =	vld [tilespmem:s20+$0x4E70]  }
0x161: {  	v10 =	vld [tilespmem:s20+$0x76F0];
	_ =	sdelay $0x4  }
0x162: {  	[tilespmem:$0x9F70] =	vst v9  }
0x163: {  	[tilespmem:$0x9FF0] =	vst v10  }
0x164: {  	v9 =	vld.idx.msk [tilespmem:v9+s16+$0x0], $0xffff  }
0x165: {  	v10 =	vld.idx.msk [tilespmem:v10+s26+$0x0], $0xffff;
	_ =	sdelay $0x4  }
0x166: {  	v9 =	vadd.f32 v10, v9;
	_ =	sdelay $0x1  }
0x167: {  	v10 =	vmul.f32 $2.000000030e-01, v9;
	_ =	sdelay $0x1  }
0x168: {  	v9 =	vmax.f32 v9, v10  }
0x169: {  	v9 =	vmul.f32 $1.442695020e+00, v9;
	_ =	sdelay $0x1  }
0x16a: {  	(erf) = vpow2.f32 v9;
	_ =	sdelay $0x8  }
0x16b: {  	v9 =	vpop (erf)  }
0x16c: {  	[tilespmem:$0xE870] =	vst v9  }
0x16d: {  	v9 =	vld [tilespmem:s20+$0x4E80]  }
0x16e: {  	v10 =	vld [tilespmem:s20+$0x7700];
	_ =	sdelay $0x4  }
0x16f: {  	[tilespmem:$0x9F80] =	vst v9  }
0x170: {  	[tilespmem:$0xA000] =	vst v10  }
0x171: {  	v9 =	vld.idx.msk [tilespmem:v9+s16+$0x0], $0xffff  }
0x172: {  	v10 =	vld.idx.msk [tilespmem:v10+s26+$0x0], $0xffff;
	_ =	sdelay $0x4  }
0x173: {  	v9 =	vadd.f32 v10, v9;
	_ =	sdelay $0x1  }
0x174: {  	v10 =	vmul.f32 $2.000000030e-01, v9;
	_ =	sdelay $0x1  }
0x175: {  	v9 =	vmax.f32 v9, v10  }
0x176: {  	v9 =	vmul.f32 $1.442695020e+00, v9;
	_ =	sdelay $0x1  }
0x177: {  	(erf) = vpow2.f32 v9;
	_ =	sdelay $0x8  }
0x178: {  	v9 =	vpop (erf)  }
0x179: {  	[tilespmem:$0xE880] =	vst v9  }
0x17a: {  	v9 =	vld [tilespmem:s20+$0x4E90]  }
0x17b: {  	v10 =	vld [tilespmem:s20+$0x7710];
	_ =	sdelay $0x4  }
0x17c: {  	[tilespmem:$0x9F90] =	vst v9  }
0x17d: {  	[tilespmem:$0xA010] =	vst v10  }
0x17e: {  	v9 =	vld.idx.msk [tilespmem:v9+s16+$0x0], $0xffff  }
0x17f: {  	v10 =	vld.idx.msk [tilespmem:v10+s26+$0x0], $0xffff;
	_ =	sdelay $0x4  }
0x180: {  	v9 =	vadd.f32 v10, v9;
	_ =	sdelay $0x1  }
0x181: {  	v10 =	vmul.f32 $2.000000030e-01, v9;
	_ =	sdelay $0x1  }
0x182: {  	v9 =	vmax.f32 v9, v10  }
0x183: {  	v9 =	vmul.f32 $1.442695020e+00, v9;
	_ =	sdelay $0x1  }
0x184: {  	(erf) = vpow2.f32 v9;
	_ =	sdelay $0x8  }
0x185: {  	v9 =	vpop (erf)  }
0x186: {  	[tilespmem:$0xE890] =	vst v9  }
0x187: {  	v9 =	vld [tilespmem:s20+$0x4EA0]  }
0x188: {  	v10 =	vld [tilespmem:s20+$0x7720];
	_ =	sdelay $0x4  }
0x189: {  	[tilespmem:$0x9FA0] =	vst v9  }
0x18a: {  	[tilespmem:$0xA020] =	vst v10  }
0x18b: {  	v9 =	vld.idx.msk [tilespmem:v9+s16+$0x0], $0xffff  }
0x18c: {  	v10 =	vld.idx.msk [tilespmem:v10+s26+$0x0], $0xffff;
	_ =	sdelay $0x4  }
0x18d: {  	v9 =	vadd.f32 v10, v9;
	_ =	sdelay $0x1  }
0x18e: {  	v10 =	vmul.f32 $2.000000030e-01, v9;
	_ =	sdelay $0x1  }
0x18f: {  	v9 =	vmax.f32 v9, v10  }
0x190: {  	v9 =	vmul.f32 $1.442695020e+00, v9;
	_ =	sdelay $0x1  }
0x191: {  	(erf) = vpow2.f32 v9;
	_ =	sdelay $0x8  }
0x192: {  	v9 =	vpop (erf)  }
0x193: {  	[tilespmem:$0xE8A0] =	vst v9  }
0x194: {  	v9 =	vld [tilespmem:s20+$0x4EB0]  }
0x195: {  	v10 =	vld [tilespmem:s20+$0x7730];
	_ =	sdelay $0x4  }
0x196: {  	[tilespmem:$0x9FB0] =	vst v9  }
0x197: {  	[tilespmem:$0xA030] =	vst v10  }
0x198: {  	v9 =	vld.idx.msk [tilespmem:v9+s16+$0x0], $0xffff  }
0x199: {  	v10 =	vld.idx.msk [tilespmem:v10+s26+$0x0], $0xffff;
	_ =	sdelay $0x4  }
0x19a: {  	v9 =	vadd.f32 v10, v9;
	_ =	sdelay $0x1  }
0x19b: {  	v10 =	vmul.f32 $2.000000030e-01, v9;
	_ =	sdelay $0x1  }
0x19c: {  	v9 =	vmax.f32 v9, v10  }
0x19d: {  	v9 =	vmul.f32 $1.442695020e+00, v9;
	_ =	sdelay $0x1  }
0x19e: {  	(erf) = vpow2.f32 v9;
	_ =	sdelay $0x8  }
0x19f: {  	v9 =	vpop (erf)  }
0x1a0: {  	[tilespmem:$0xE8B0] =	vst v9;
	v9 =	vmov s16  }
0x1a1: {  	[tilespmem:s29], [sflag:$0x1] =	stream.indirect.gather [hbm4b:s6+s2], $0x40, s28, s2, $0xb8;
	[tilespmem:$0x1B0C0] =	vst v63  }
0x1a2: {  	_ =	swait.ge [sflag:s0], $0x2000  }
0x1a3: {  	[sflag:s0] =	ssyncset.done $0x0  }
0x1a4: {  	[sflag:s0] =	ssyncadd.s32 $0xFFFFE000  }
0x1a5: {  	s20 =	simm.s32 $0xA060;
	v9 =	vld.idx.msk [tilespmem:v9+s7+$0x0], $0xffff  }
0x1a6: {  	v10 =	vld [tilespmem:s20+$0xFFFFFFE0];
	_ =	sdelay $0x4  }
0x1a7: {  	v10 =	vmul.f32 v10, v9  }
0x1a8: {  	s21 =	simm.s32 $0xC060  }
0x1a9: {  	[tilespmem:s21+$0xFFFFFFE0] =	vst v10  }
0x1aa: {  	v10 =	vld [tilespmem:s20+$0xFFFFFFF0];
	_ =	sdelay $0x4  }
0x1ab: {  	v10 =	vmul.f32 v10, v9;
	_ =	sdelay $0x1  }
0x1ac: {  	[tilespmem:s21+$0xFFFFFFF0] =	vst v10  }
0x1ad: {  	v10 =	vld [tilespmem:s20+$0x0];
	_ =	sdelay $0x4  }
0x1ae: {  	v10 =	vmul.f32 v10, v9;
	_ =	sdelay $0x1  }
0x1af: {  	[tilespmem:s21+$0x0] =	vst v10  }
0x1b0: {  	v11 =	vld [tilespmem:s20+$0x10];
	_ =	sdelay $0x1  }
0x1b1: {  	s22 =	simm.s32 $0x1  }
0x1b2: {  	v10 =	vmov s22;
	s22 =	simm.s32 $0x2  }
.LBB2_11:
0x1b3: {  	p0 =	sne.s32 s22, $0x7F  }
0x1b4: {  	v9 =	vmul.f32 v11, v9;
	_ =	sdelay $0x1  }
0x1b5: {  	[tilespmem:s21+$0x10] =	vst v9  }
0x1b6: {  	s20 =	sadd.s32 $0x40, s20;
	v9 =	vld.idx.msk [tilespmem:v10+s7+$0x0], $0xffff  }
0x1b7: {  	v10 =	vld [tilespmem:s20+$0xFFFFFFE0];
	_ =	sdelay $0x4  }
0x1b8: {  	v10 =	vmul.f32 v10, v9  }
0x1b9: {  	s21 =	sadd.s32 $0x40, s21  }
0x1ba: {  	[tilespmem:s21+$0xFFFFFFE0] =	vst v10  }
0x1bb: {  	v10 =	vld [tilespmem:s20+$0xFFFFFFF0];
	_ =	sdelay $0x4  }
0x1bc: {  	v10 =	vmul.f32 v10, v9;
	_ =	sdelay $0x1  }
0x1bd: {  	[tilespmem:s21+$0xFFFFFFF0] =	vst v10  }
0x1be: {  	v10 =	vld [tilespmem:s20+$0x0];
	_ =	sdelay $0x4  }
0x1bf: {  	v10 =	vmul.f32 v10, v9;
	_ =	sdelay $0x1  }
.Ltmp4:
0x1c0: {  	[tilespmem:s21+$0x0] =	vst v10;
	(pc) =	sbr.rel @p0 .LBB2_11-.Ltmp4, $2  }
0x1c1: {  	v11 =	vld [tilespmem:s20+$0x10];
	_ =	sdelay $0x2  }
0x1c2: {  	v10 =	vmov s22;
	s22 =	sadd.s32 $0x1, s22  }
0x1c3: {  	_ = 	snop  }
0x1c4: {  	v9 =	vmul.f32 v11, v9;
	_ =	sdelay $0x1  }
0x1c5: {  	[tilespmem:s21+$0x10] =	vst v9  }
0x1c6: {  	s20 =	sadd.s32 $0x40, s20;
	v9 =	vld.idx.msk [tilespmem:v10+s7+$0x0], $0xffff  }
0x1c7: {  	v10 =	vld [tilespmem:s20+$0xFFFFFFE0];
	_ =	sdelay $0x4  }
0x1c8: {  	v10 =	vmul.f32 v10, v9  }
0x1c9: {  	s22 =	sadd.s32 $0x40, s21  }
0x1ca: {  	[tilespmem:s22+$0xFFFFFFE0] =	vst v10  }
0x1cb: {  	v10 =	vld [tilespmem:s20+$0xFFFFFFF0];
	_ =	sdelay $0x4  }
0x1cc: {  	v10 =	vmul.f32 v10, v9;
	_ =	sdelay $0x1  }
0x1cd: {  	[tilespmem:s22+$0xFFFFFFF0] =	vst v10  }
0x1ce: {  	v10 =	vld [tilespmem:s20+$0x0];
	_ =	sdelay $0x4  }
0x1cf: {  	v10 =	vmul.f32 v10, v9;
	_ =	sdelay $0x1  }
0x1d0: {  	[tilespmem:s22+$0x0] =	vst v10  }
0x1d1: {  	v10 =	vld [tilespmem:s20+$0x10];
	_ =	sdelay $0x4  }
0x1d2: {  	s18 =	sadd.s32 $0x1, s18;
	v9 =	vmul.f32 v10, v9  }
0x1d3: {  	p0 =	sne.s32 s18, $0x51  }
.Ltmp5:
0x1d4: {  	[tilespmem:s22+$0x10] =	vst v9;
	(pc) =	sbr.rel @p0 .LBB2_10-.Ltmp5, $4  }
0x1d5: {  	[spmem:s3] =	stream.indirect.scatter.add.f32 [tilespmem:s30], [sflag:$0x2], $0x40, s8, s2, $0xb8;
	[tilespmem:$0x1B0C0] =	vst v63  }
0x1d6: {  	_ =	swait.ge [sflag:s25], $0x2000  }
0x1d7: {  	[sflag:s25] =	ssyncset.done $0x0  }
0x1d8: {  	[sflag:s25] =	ssyncadd.s32 $0xFFFFE000  }
0x1d9: {  	s9 =	sadd.s32 $0x1, s9  }
0x1da: {  	p0 =	sne.s32 s9, s24  }
.Ltmp6:
0x1db: {  	[bflag:$0x0] =	sbarrier.arrive $0xFFFF;
	(pc) =	sbr.rel @p0 .LBB2_1-.Ltmp6, $4  }
0x1dc: {  	[hbm:s23], [sflag:s10] =	dma.local [spmem:s14], $0x1400  }
0x1dd: {  	_ =	swait.ge [sflag:s25], $0x1400  }
0x1de: {  	[sflag:s25] =	ssyncset.done $0x0  }
0x1df: {  	[sflag:s25] =	ssyncadd.s32 $0xFFFFEC00  }
0x1e0: {  	_ =	sfence.sel $0x180000  }
0x1e1: {  	[bflag:$0x0] =	sbarrier.arrive $0xFFFF  }
0x1e2: {  	_ =	strace $0x9000004A  }
0x1e3: {  	s0 =	stileid.u32;
	[bflag:$0x2] =	sbarrier.arrive $0xFFFF  }
0x1e4: {  	p0 =	sne.s32 s0, $0x0;
	s0 =	rddreg [dreg:$0x4]  }
0x1e5: {  	s0 =	sadd.s32 @!p0 $0x100000, s0  }
0x1e6: {  	[sflag:s0] =	ssyncadd.tile.s32 @!p0 $0x1;
	_ =	shalt  }
.Lfunc_end2:
_tile_overlayer_lowered:
.L_overlay_start_2:
0x1e7: {  	(tag) =	ssettag $0x2  }
0x1e8: {  	s0 =	rddreg [dreg:$0x0];
	s2 =	stileid.u32  }
0x1e9: {  	s1 =	rddreg [dreg:$0x1];
	p0 =	sne.s32 s2, $0x0  }
0x1ea: {  	s3 =	rddreg [dreg:$0x2];
	[bflag:$0x3] =	sbarrier.arrive $0xFFFF;
	s2 =	simm.s32 @!p0 $0x1C02  }
0x1eb: {  	[timem:s3], [sflag:s2] =	dma.local @!p0 [hbm:s0], s1  }
0x1ec: {  	s0 =	simm.s32 @!p0 $0x2  }
0x1ed: {  	_ =	swait.ge @!p0 [sflag:s0], s1  }
0x1ee: {  	s1 =	ssub.s32 @!p0 $0x0, s1;
	[sflag:s0] =	ssyncset.done @!p0 $0x0  }
0x1ef: {  	[sflag:s0] =	ssyncadd.s32 @!p0 s1  }
0x1f0: {  	[bflag:$0x3] =	sbarrier.arrive $0xFFFF  }
0x1f1: {  	_ =	shalt  }

// kernel: kernel.7.cloned.1.call-start
scs
__scs_entry_jumppad:
0x0: {  	(pc) =	sbr.rel $0x88, $3  }
0x1: {  	(tag) =	ssettag $0x0;
	lr =	simm.s32 $0x1  }
0x2: {  	[smem:$0x3F97] =	sst lr;
	_ =	strace $0xD0000000  }
0x3: {  	_ = 	snop  }
0x4: {  	_ = 	snop  }
0x5: {  	_ = 	snop  }
0x6: {  	_ = 	snop  }
0x7: {  	_ = 	snop  }
__scs_overlays_trampoline_lowered:
0x8: {  	[smem:$0x3FA6] =	sst s0  }
0x9: {  	[smem:$0x3FA7] =	sst s1  }
0xa: {  	[smem:$0x3FA8] =	sst s2  }
0xb: {  	[smem:$0x3FA9] =	sst s3  }
0xc: {  	[smem:$0x3FAA] =	sst s4  }
0xd: {  	[smem:$0x3FAB] =	sst s5  }
0xe: {  	[smem:$0x3FAC] =	sst s6  }
0xf: {  	[smem:$0x3FAD] =	sst s7  }
0x10: {  	[smem:$0x3FAE] =	sst s8  }
0x11: {  	[smem:$0x3FAF] =	sst s9;
	s0 =	simm.s32 @!p0 $0x0  }
0x12: {  	s1 =	sld [smem:$0x3F95];
	s0 =	simm.s32 @p0 $0x1  }
0x13: {  	[smem:$0x3FB0] =	sst s0;
	s0 =	simm.s32 @!p1 $0x0  }
0x14: {  	s2 =	sld [smem:$0x3F94];
	s0 =	simm.s32 @p1 $0x1  }
0x15: {  	[smem:$0x3FB1] =	sst s0;
	s0 =	simm.s32 @!p2 $0x0  }
0x16: {  	s3 =	sld [smem:$0x3FDB];
	s0 =	simm.s32 @p2 $0x1  }
0x17: {  	s4 =	simm.s32 $0x1BF5;
	[smem:$0x3FB3] =	sst s0  }
0x18: {  	s0 =	sld [smem:$0x3F96];
	_ =	swait.ge [sflag:s4], $0x0  }
0x19: {  	s7 =	sld [smem:$0x3F97]  }
0x1a: {  	s8 =	sadd.s32 $0xFFFFE003, lr  }
0x1b: {  	s9 =	sadd.s32 $0xFFFFFEF7, lr;
	s5 =	simm.s32 $0xFFFFFFFF;
	p2 =	slt.u32 s8, $0xFFFFF086  }
0x1c: {  	p1 =	slt.u32 s9, $0xF7A;
	s5 =	simm.s32 @!p2 $0x0  }
0x1d: {  	s5 =	simm.s32 @p1 $0x1;
	p0 =	seq.s32 s7, s2  }
0x1e: {  	s7 =	smul.u32 @!p0 $0xF7A, s2;
	p2 =	seq.s32 @!p0 s5, $0x0  }
0x1f: {  	s9 =	smul.u32 $0xF7A, s1;
	s8 =	simm.s32 @!p0 $0x1BF5;
	p2 =	por !p2, p0  }
0x20: {  	[sflag:s8] =	ssyncset.s32 @!p0 $0xFFFFF086;
	s6 =	sadd.s32 @!p0 s3, s7;
	s7 =	simm.s32 @!p0 $0x108  }
0x21: {  	s3 =	sadd.s32 s3, s9;
	s6 =	sadd.s32 @!p0 $0x88, s6;
	s7 =	simm.s32 @p2 $0x1082  }
0x22: {  	[simem:s7], [sflag:s8] =	dma.local @!p0 [hbm:s6], $0xF7A  }
0x23: {  	s9 =	sor.u32 $0xD0000000, s2;
	s6 =	simm.s32 $0x108;
	_ =	swait.ge @!p0 [sflag:s8], $0x0  }
0x24: {  	s3 =	sadd.s32 $0x88, s3;
	s6 =	simm.s32 @!p1 $0x1082;
	[sflag:s4] =	ssyncset.s32 $0xFFFFF086  }
0x25: {  	[simem:s6], [sflag:s4] =	dma.local [hbm:s3], $0xF7A  }
0x26: {  	[smem:$0x3F97] =	sst s1;
	(tag) =	ssettag s2;
	_ =	strace s9  }
0x27: {  	s1 =	sld [smem:$0x3FA7]  }
0x28: {  	s2 =	sld [smem:$0x3FA8]  }
0x29: {  	s4 =	sld [smem:$0x3FAA]  }
0x2a: {  	p0 =	seq.s32 s5, $0x0;
	s5 =	sld [smem:$0x3FAB]  }
0x2b: {  	s6 =	sld [smem:$0x3FAC]  }
0x2c: {  	s7 =	sld [smem:$0x3FAD]  }
0x2d: {  	s3 =	simm.s32 $0x108;
	s8 =	sld [smem:$0x3FAE]  }
0x2e: {  	s3 =	simm.s32 @!p0 $0x1082;
	s9 =	sld [smem:$0x3FAF]  }
0x2f: {  	lr =	sadd.s32 s0, s3;
	s0 =	sld [smem:$0x3FA6]  }
0x30: {  	s3 =	sld [smem:$0x3FA9]  }
0x31: {  	[smem:$0x3FB2] =	sst s10  }
0x32: {  	s10 =	sld [smem:$0x3FB0];
	_ =	sdelay $0x3  }
0x33: {  	p0 =	seq.s32 s10, $0x1;
	s10 =	sld [smem:$0x3FB2];
	_ =	sdelay $0x3  }
0x34: {  	[smem:$0x3FB2] =	sst s10  }
0x35: {  	s10 =	sld [smem:$0x3FB1];
	_ =	sdelay $0x3  }
0x36: {  	p1 =	seq.s32 s10, $0x1;
	s10 =	sld [smem:$0x3FB2];
	_ =	sdelay $0x3  }
0x37: {  	[smem:$0x3FB2] =	sst s10  }
0x38: {  	s10 =	sld [smem:$0x3FB3]  }
0x39: {  	_ = 	snop;
	(pc) =	sbr.ind lr, $3  }
0x3a: {  	_ = 	snop  }
0x3b: {  	_ = 	snop  }
0x3c: {  	p2 =	seq.s32 s10, $0x1;
	s10 =	sld [smem:$0x3FB2]  }
0x3d: {  	_ =	shalt  }
0x3e: {  	_ =	shalt  }
0x3f: {  	_ =	shalt  }
0x40: {  	_ =	shalt  }
0x41: {  	_ =	shalt  }
0x42: {  	_ =	shalt  }
0x43: {  	_ =	shalt  }
0x44: {  	_ =	shalt  }
0x45: {  	_ =	shalt  }
0x46: {  	_ =	shalt  }
0x47: {  	_ =	shalt  }
0x48: {  	_ =	shalt  }
0x49: {  	_ =	shalt  }
0x4a: {  	_ =	shalt  }
0x4b: {  	_ =	shalt  }
0x4c: {  	_ =	shalt  }
0x4d: {  	_ =	shalt  }
0x4e: {  	_ =	shalt  }
0x4f: {  	_ =	shalt  }
0x50: {  	_ =	shalt  }
0x51: {  	_ =	shalt  }
0x52: {  	_ =	shalt  }
0x53: {  	_ =	shalt  }
0x54: {  	_ =	shalt  }
0x55: {  	_ =	shalt  }
0x56: {  	_ =	shalt  }
0x57: {  	_ =	shalt  }
0x58: {  	_ =	shalt  }
0x59: {  	_ =	shalt  }
0x5a: {  	_ =	shalt  }
0x5b: {  	_ =	shalt  }
0x5c: {  	_ =	shalt  }
0x5d: {  	_ =	shalt  }
0x5e: {  	_ =	shalt  }
0x5f: {  	_ =	shalt  }
0x60: {  	_ =	shalt  }
0x61: {  	_ =	shalt  }
0x62: {  	_ =	shalt  }
0x63: {  	_ =	shalt  }
0x64: {  	_ =	shalt  }
0x65: {  	_ =	shalt  }
0x66: {  	_ =	shalt  }
0x67: {  	_ =	shalt  }
0x68: {  	_ =	shalt  }
0x69: {  	_ =	shalt  }
0x6a: {  	_ =	shalt  }
0x6b: {  	_ =	shalt  }
0x6c: {  	_ =	shalt  }
0x6d: {  	_ =	shalt  }
0x6e: {  	_ =	shalt  }
0x6f: {  	_ =	shalt  }
0x70: {  	_ =	shalt  }
0x71: {  	_ =	shalt  }
0x72: {  	_ =	shalt  }
0x73: {  	_ =	shalt  }
0x74: {  	_ =	shalt  }
0x75: {  	_ =	shalt  }
0x76: {  	_ =	shalt  }
0x77: {  	_ =	shalt  }
0x78: {  	_ =	shalt  }
0x79: {  	_ =	shalt  }
0x7a: {  	_ =	shalt  }
0x7b: {  	_ =	shalt  }
0x7c: {  	_ =	shalt  }
0x7d: {  	_ =	shalt  }
0x7e: {  	_ =	shalt  }
0x7f: {  	_ =	shalt  }
0x80: {  	_ =	shalt  }
0x81: {  	_ =	shalt  }
0x82: {  	_ =	shalt  }
0x83: {  	_ =	shalt  }
0x84: {  	_ =	shalt  }
0x85: {  	_ =	shalt  }
0x86: {  	_ =	shalt  }
0x87: {  	_ =	shalt  }
.Lfunc_end0:
.L_simem_size_0:
called_computation_lowered:
.L_overlay_start_0:
0x88: {  	s2 =	sld [smem:$0x3FD9]  }
0x89: {  	s3 =	sld [smem:$0x3FFE];
	_ =	sdelay $0x1  }
0x8a: {  	s1 =	srdreg.scid  }
0x8b: {  	s0 =	sand.u32 $0x1, s1  }
0x8c: {  	s17 =	sshll.u32 s0, $0xA;
	s2 =	sadd.s32 s3, s2  }
0x8d: {  	s2 =	sadd.s32 s2, s17  }
0x8e: {  	[smem:$0x3FBE] =	sst s2  }
0x8f: {  	_ = 	snop  }
0x90: {  	s2 =	sld [smem:$0x3FD0];
	(tm) =	ssettm $0x1  }
0x91: {  	s18 =	sld [smem:$0x3FFB];
	_ =	sdelay $0x3  }
0x92: {  	_ =	strace s18  }
0x93: {  	s3 =	sld [smem:$0x3FFC];
	_ =	sdelay $0x3  }
0x94: {  	_ =	strace s3  }
0x95: {  	s3 =	sld [smem:$0x3FFD];
	_ =	sdelay $0x3  }
0x96: {  	_ =	strace s3  }
0x97: {  	_ =	strace $0x8FFFFFFF  }
0x98: {  	s19 =	sld [smem:$0x3FDB];
	_ =	sdelay $0x1  }
0x99: {  	s4 =	simm.s32 $_scs_section_size  }
0x9a: {  	s5 =	simm.s32 $_size__tile_overlayer_lowered;
	s6 =	simm.s32 $_tile_overlayer_lowered  }
0x9b: {  	s22 =	simm.s32 $0x1BFF;
	s21 =	sshll.u32 s6, $0x1;
	s3 =	sadd.s32 s4, s19  }
0x9c: {  	s7 =	simm.s32 $0x0;
	s20 =	sshll.u32 s5, $0x1;
	s5 =	sadd.s32 s21, s3  }
0x9d: {  	[timem:s7], [sflag:s22] =	dma.local [hbm:s5], s20  }
0x9e: {  	_ =	swait.ge [sflag:s22], s20  }
0x9f: {  	s4 =	ssub.s32 $0x0, s20;
	[sflag:s22] =	ssyncset.done $0x0  }
0xa0: {  	[sflag:s22] =	ssyncadd.s32 s4;
	_ =	sdelay $0x1  }
0xa1: {  	s23 =	simm.s32 $0x1B8B  }
0xa2: {  	_ =	swait.ge [sflag:s23], $0x1  }
0xa3: {  	[sflag:s23] =	ssyncset.done $0x0  }
0xa4: {  	s25 =	simm.s32 $0x1B8E;
	s24 =	sld [smem:$0x3FFE];
	[sflag:s23] =	ssyncadd.s32 $0xFFFFFFFF  }
0xa5: {  	s26 =	simm.s32 $execute0_lowered;
	[smem:$0x3FD2] =	sst s25  }
0xa6: {  	s5 =	sshll.u32 s26, $0x1;
	_ =	strace $0x80000046;
	[dreg:$0x1] =	wrdreg $0xFFFFFFFF  }
0xa7: {  	s28 =	simm.s32 $_size_execute0_lowered;
	s3 =	sadd.s32 s3, s5;
	[dreg:$0x0] =	wrdreg $0x0  }
0xa8: {  	s5 =	sshll.u32 s28, $0x1;
	[dreg:$0x2] =	wrdreg s3  }
0xa9: {  	[dreg:$0x3] =	wrdreg s5  }
0xaa: {  	[dreg:$0x4] =	wrdreg $0xC0  }
0xab: {  	_ =	task [dreg:s7], $0x5FFFF  }
0xac: {  	[dreg:$0x1] =	wrdreg $0xFFFFFFFF  }
0xad: {  	[dreg:$0x0] =	wrdreg $0x60  }
0xae: {  	[dreg:$0x2] =	wrdreg s2  }
0xaf: {  	[dreg:$0x3] =	wrdreg s24  }
0xb0: {  	[dreg:$0x4] =	wrdreg $0x137000  }
0xb1: {  	[dreg:$0x5] =	wrdreg $0x1D7000  }
0xb2: {  	[dreg:$0x6] =	wrdreg $0x9  }
0xb3: {  	_ =	task.clear_ibuf [dreg:s7], $0x7FFFF;
	_ =	strace $0x90000046  }
0xb4: {  	s29 =	simm.s32 $0x9;
	_ =	strace $0x80000048  }
0xb5: {  	_ =	swait.ge [sflag:s29], $0x1  }
0xb6: {  	[sflag:s29] =	ssyncadd.s32 $0xFFFFFFFF  }
0xb7: {  	_ =	strace $0x90000048  }
0xb8: {  	_ =	sfence  }
0xb9: {  	s30 =	sld [smem:$0x0];
	_ =	sdelay $0x2  }
0xba: {  	s31 =	sshll.u32 s1, $0xD;
	s1 =	sshrl.u32 s1, $0x2  }
0xbb: {  	s3 =	sand.u32 $0x4000, s31;
	s1 =	sadd.s32 s1, s30  }
0xbc: {  	s0 =	sor.u32 s3, s0;
	s1 =	sshll.u32 s1, $0x11  }
0xbd: {  	s0 =	sor.u32 s1, s0  }
0xbe: {  	s0 =	sadd.s32 $0x8F2B, s0  }
0xbf: {  	[sflag:s0] =	ssyncadd.remote.s32 $0x1  }
0xc0: {  	_ =	sfence.sel $0xFFFF  }
0xc1: {  	[dreg:$0x0] =	wrdreg $0xFFFFFFFF;
	(pc) =	sbr.abs _section_cstart, $3  }
0xc2: {  	[dreg:$0x1] =	wrdreg $0xFFFFFFFF  }
0xc3: {  	_ =	task.clear_ibuf [dreg:s7], $0x2FFFF;
	_ =	strace $0x9FFFFFFF  }
0xc4: {  	(tm) =	ssettm $0x7FFFFFFF  }
0xc5: {  	_ =	shalt  }
tec
execute0_lowered:
.L_overlay_start_1:
0x0: {  	(tag) =	ssettag $0x1  }
0x1: {  	s1 =	rddreg [dreg:$0x0]  }
0x2: {  	s0 =	srdreg.scid;
	s7 =	rddreg [dreg:$0x1]  }
0x3: {  	s12 =	stileid.u32;
	s3 =	rddreg [dreg:$0x2]  }
0x4: {  	s4 =	rddreg [dreg:$0x3];
	s5 =	simm.s32 $0x0;
	s30 =	simm.s32 $0x10E80  }
0x5: {  	s31 =	simm.s32 $0x12E80;
	s28 =	simm.s32 $0xED80;
	s29 =	simm.s32 $0xEE80  }
0x6: {  	s0 =	sand.u32 $0x1, s0;
	s2 =	sshll.u32 s12, $0x1;
	s8 =	smul.u32 $0xA000, s12  }
0x7: {  	[smem:$0x7FF] =	sst s5;
	s10 =	smul.u32 $0x2800, s12;
	s6 =	sadd.s32 $0x1E00, s7  }
0x8: {  	s13 =	sadd.s32 $0x16200, s7;
	s25 =	sadd.s32 $0x15800, s7;
	s14 =	smul.u32 $0x280, s12  }
0x9: {  	s2 =	sor.u32 s0, s2;
	s9 =	smul.u32 $0x140000, s0;
	_ =	strace $0x80000047  }
0xa: {  	s11 =	smul.u32 $0x28000, s0;
	[dreg:$0x5] =	wrdreg s13;
	s0 =	ssub.s32 $0x2, s0  }
0xb: {  	[dreg:$0x6] =	wrdreg s25;
	s2 =	smul.u32 $0x510, s2;
	s26 =	sshrl.u32 s0, $0x1  }
0xc: {  	s13 =	sadd.s32 $0x80, s14;
	s16 =	sadd.s32 $0x100, s14;
	s19 =	sadd.s32 $0x180, s14  }
0xd: {  	s21 =	sadd.s32 $0x200, s14;
	s9 =	sadd.s32 s8, s9;
	s11 =	sadd.s32 s10, s11  }
0xe: {  	s0 =	ssub.s32 s0, s26;
	s15 =	sshll.u32 s13, $0x6;
	s17 =	sshll.u32 s16, $0x6  }
0xf: {  	s18 =	sshll.u32 s16, $0x4;
	s20 =	sshll.u32 s19, $0x6;
	s22 =	sshll.u32 s19, $0x4  }
0x10: {  	s23 =	sshll.u32 s21, $0x6;
	s24 =	sshll.u32 s21, $0x4;
	s2 =	sadd.s32 s2, s7  }
0x11: {  	s9 =	sshrl.u32 s9, $0x3;
	s11 =	sshrl.u32 s11, $0x3;
	s19 =	sadd.s32 s23, s3  }
0x12: {  	s9 =	sadd.s32 s9, s7;
	s7 =	sadd.s32 s11, s7;
	s12 =	sadd.s32 $0x20E00, s2  }
0x13: {  	s2 =	sadd.s32 $0x16C00, s2;
	s11 =	sadd.s32 s8, s3;
	[dreg:$0x7] =	wrdreg s12  }
0x14: {  	s8 =	simm.s32 $0xEE00;
	[dreg:$0x8] =	wrdreg s2;
	s12 =	sadd.s32 s10, s4  }
0x15: {  	v0 =	vlaneseq.u32;
	s2 =	sshll.u32 s13, $0x4;
	s13 =	sadd.s32 s15, s3;
	s15 =	sadd.s32 s17, s3  }
0x16: {  	v0 =	vmul.u32 $0x10, v0;
	s17 =	sadd.s32 s20, s3;
	s25 =	sadd.s32 $0x35000, s9;
	s26 =	sadd.s32 $0x2B000, s7  }
0x17: {  	v1 =	vimm.f32 $0.0e+00;
	s23 =	sadd.s32 $0x49000, s9;
	s7 =	simm.s32 $0x13680;
	[dreg:$0xd] =	wrdreg s25  }
0x18: {  	v2 =	vor.u32 $0x1, v0;
	v3 =	vor.u32 $0x100, v0;
	v4 =	vor.u32 $0x101, v0;
	s9 =	simm.s32 $0x0;
	s2 =	sadd.s32 s2, s4;
	[dreg:$0xe] =	wrdreg s26  }
0x19: {  	v5 =	vor.u32 $0x200, v0;
	v6 =	vor.u32 $0x201, v0;
	v7 =	vor.u32 $0x300, v0;
	s25 =	simm.s32 $0x2;
	[dreg:$0x9] =	wrdreg s2;
	s2 =	sadd.s32 s18, s4  }
0x1a: {  	v8 =	vor.u32 $0x301, v0;
	v9 =	vor.u32 $0x400, v0;
	v10 =	vor.u32 $0x401, v0;
	s26 =	simm.s32 $0x4E40;
	[dreg:$0xa] =	wrdreg s2;
	s2 =	sadd.s32 s22, s4  }
0x1b: {  	v11 =	vor.u32 $0x500, v0;
	v12 =	vor.u32 $0x501, v0;
	v13 =	vor.u32 $0x600, v0;
	[dreg:$0xb] =	wrdreg s2;
	s2 =	sadd.s32 s24, s4;
	s24 =	smax.u32 s0, $0x1  }
0x1c: {  	v14 =	vor.u32 $0x601, v0;
	v15 =	vor.u32 $0x700, v0;
	v16 =	vor.u32 $0x701, v0;
	s0 =	simm.s32 $0x1;
	[dreg:$0xc] =	wrdreg s2;
	s2 =	simm.s32 $0x80  }
.LBB2_1:
0x1d: {  	s10 =	rddreg [dreg:$0x5]  }
0x1e: {  	[tilespmem:s5], [sflag:$0x2] =	stream.linear.gather [hbm4b:s10+s5], $0x4E40, $0x38;
	[tilespmem:$0x1FF00] =	vst v63  }
0x1f: {  	_ =	swait.ge [sflag:s25], $0x4E40  }
0x20: {  	[sflag:s25] =	ssyncset.done $0x0  }
0x21: {  	s18 =	rddreg [dreg:$0x6];
	[sflag:s25] =	ssyncadd.s32 $0xFFFFB1C0  }
0x22: {  	[tilespmem:s26], [sflag:$0x2] =	stream.linear.gather [hbm4b:s18+s5], $0x4E40, $0x38;
	[tilespmem:$0x1FF00] =	vst v63  }
0x23: {  	_ =	swait.ge [sflag:s25], $0x4E40  }
0x24: {  	[sflag:s25] =	ssyncset.done $0x0  }
0x25: {  	s14 =	simm.s32 $0x9C80;
	s20 =	rddreg [dreg:$0x7];
	[sflag:s25] =	ssyncadd.s32 $0xFFFFB1C0  }
0x26: {  	[tilespmem:s14], [sflag:$0x2] =	stream.linear.gather [hbm4b:s20+s5], $0x2880, $0x38;
	[tilespmem:$0x1FF00] =	vst v63  }
0x27: {  	_ =	swait.ge [sflag:s25], $0x2880  }
0x28: {  	[sflag:s25] =	ssyncset.done $0x0  }
0x29: {  	s22 =	simm.s32 $0xC500;
	s21 =	rddreg [dreg:$0x8];
	[sflag:s25] =	ssyncadd.s32 $0xFFFFD780  }
0x2a: {  	[tilespmem:s22], [sflag:$0x2] =	stream.linear.gather [hbm4b:s21+s5], $0x2880, $0x38;
	[tilespmem:$0x1FF00] =	vst v63  }
0x2b: {  	_ =	swait.ge [sflag:s25], $0x2880  }
0x2c: {  	[sflag:s25] =	ssyncset.done $0x0  }
0x2d: {  	s10 =	simm.s32 $0x10EA0;
	[sflag:s25] =	ssyncadd.s32 $0xFFFFD780  }
0x2e: {  	[tilespmem:s10+$0x0] =	vst v1  }
0x2f: {  	[tilespmem:s10+$0xFFFFFFE0] =	vst v1  }
0x30: {  	[tilespmem:s10+$0x10] =	vst v1  }
0x31: {  	s16 =	simm.s32 $0x0;
	s14 =	simm.s32 $0x40;
	[tilespmem:s10+$0xFFFFFFF0] =	vst v1  }
.LBB2_2:
0x32: {  	p0 =	sne.s32 s14, $0x1FC0  }
0x33: {  	[tilespmem:s16+$0x12E80] =	vst v1;
	s10 =	sadd.s32 $0x40, s10;
	s16 =	smov.u32 s14;
	s14 =	sadd.s32 $0x40, s14  }
.Ltmp0:
0x34: {  	[tilespmem:s10+$0x0] =	vst v1;
	(pc) =	sbr.rel @p0 .LBB2_2-.Ltmp0, $4  }
0x35: {  	_ = 	snop  }
0x36: {  	[tilespmem:s10+$0xFFFFFFE0] =	vst v1  }
0x37: {  	[tilespmem:s10+$0x10] =	vst v1  }
0x38: {  	s16 =	sshra.s32 s16, $0x2;
	[tilespmem:s10+$0xFFFFFFF0] =	vst v1  }
0x39: {  	[tilespmem:s16+$0x12E80] =	vst v1  }
0x3a: {  	[spmem:s11] =	stream.linear.scatter [tilespmem:s30], [sflag:$0x2], $0x2000, $0x38;
	[tilespmem:$0x1FF00] =	vst v63  }
0x3b: {  	_ =	swait.ge [sflag:s25], $0x2000  }
0x3c: {  	[sflag:s25] =	ssyncset.done $0x0  }
0x3d: {  	[sflag:s25] =	ssyncadd.s32 $0xFFFFE000  }
0x3e: {  	[spmem:s12] =	stream.linear.scatter [tilespmem:s31], [sflag:$0x2], $0x800, $0x38;
	[tilespmem:$0x1FF00] =	vst v63  }
0x3f: {  	_ =	swait.ge [sflag:s25], $0x800  }
0x40: {  	[sflag:s25] =	ssyncset.done $0x0  }
0x41: {  	[sflag:s25] =	ssyncadd.s32 $0xFFFFF800  }
0x42: {  	[spmem:s13] =	stream.linear.scatter [tilespmem:s30], [sflag:$0x2], $0x2000, $0x38;
	[tilespmem:$0x1FF00] =	vst v63  }
0x43: {  	_ =	swait.ge [sflag:s25], $0x2000  }
0x44: {  	[sflag:s25] =	ssyncset.done $0x0  }
0x45: {  	s10 =	rddreg [dreg:$0x9];
	[sflag:s25] =	ssyncadd.s32 $0xFFFFE000  }
0x46: {  	[spmem:s10] =	stream.linear.scatter [tilespmem:s31], [sflag:$0x2], $0x800, $0x38;
	[tilespmem:$0x1FF00] =	vst v63  }
0x47: {  	_ =	swait.ge [sflag:s25], $0x800  }
0x48: {  	[sflag:s25] =	ssyncset.done $0x0  }
0x49: {  	[sflag:s25] =	ssyncadd.s32 $0xFFFFF800  }
0x4a: {  	[spmem:s15] =	stream.linear.scatter [tilespmem:s30], [sflag:$0x2], $0x2000, $0x38;
	[tilespmem:$0x1FF00] =	vst v63  }
0x4b: {  	_ =	swait.ge [sflag:s25], $0x2000  }
0x4c: {  	[sflag:s25] =	ssyncset.done $0x0  }
0x4d: {  	s20 =	rddreg [dreg:$0xa];
	[sflag:s25] =	ssyncadd.s32 $0xFFFFE000  }
0x4e: {  	[spmem:s20] =	stream.linear.scatter [tilespmem:s31], [sflag:$0x2], $0x800, $0x38;
	[tilespmem:$0x1FF00] =	vst v63  }
0x4f: {  	_ =	swait.ge [sflag:s25], $0x800  }
0x50: {  	[sflag:s25] =	ssyncset.done $0x0  }
0x51: {  	[sflag:s25] =	ssyncadd.s32 $0xFFFFF800  }
0x52: {  	[spmem:s17] =	stream.linear.scatter [tilespmem:s30], [sflag:$0x2], $0x2000, $0x38;
	[tilespmem:$0x1FF00] =	vst v63  }
0x53: {  	_ =	swait.ge [sflag:s25], $0x2000  }
0x54: {  	[sflag:s25] =	ssyncset.done $0x0  }
0x55: {  	s21 =	rddreg [dreg:$0xb];
	[sflag:s25] =	ssyncadd.s32 $0xFFFFE000  }
0x56: {  	[spmem:s21] =	stream.linear.scatter [tilespmem:s31], [sflag:$0x2], $0x800, $0x38;
	[tilespmem:$0x1FF00] =	vst v63  }
0x57: {  	_ =	swait.ge [sflag:s25], $0x800  }
0x58: {  	[sflag:s25] =	ssyncset.done $0x0  }
0x59: {  	[sflag:s25] =	ssyncadd.s32 $0xFFFFF800  }
0x5a: {  	[spmem:s19] =	stream.linear.scatter [tilespmem:s30], [sflag:$0x2], $0x2000, $0x38;
	[tilespmem:$0x1FF00] =	vst v63  }
0x5b: {  	_ =	swait.ge [sflag:s25], $0x2000  }
0x5c: {  	[sflag:s25] =	ssyncset.done $0x0  }
0x5d: {  	s22 =	rddreg [dreg:$0xc];
	[sflag:s25] =	ssyncadd.s32 $0xFFFFE000  }
0x5e: {  	[spmem:s22] =	stream.linear.scatter [tilespmem:s31], [sflag:$0x2], $0x800, $0x38;
	[tilespmem:$0x1FF00] =	vst v63  }
0x5f: {  	_ =	swait.ge [sflag:s25], $0x800  }
0x60: {  	[sflag:s25] =	ssyncset.done $0x0  }
0x61: {  	[sflag:s25] =	ssyncadd.s32 $0xFFFFF800  }
0x62: {  	s14 =	simm.s32 $0x0;
	s10 =	simm.s32 $0x0;
	[bflag:$0x0] =	sbarrier.arrive $0xFFFF  }
.LBB2_4:
0x63: {  	s16 =	sshll.u32 s14, $0x7  }
0x64: {  	v17 =	vld [tilespmem:s16+$0x9C80]  }
0x65: {  	v18 =	vld [tilespmem:s16+$0xC500];
	_ =	sdelay $0x3  }
0x66: {  	v19 =	vshll.u32 v17, $0x1  }
0x67: {  	v20 =	vshll.u32 v18, $0x1;
	_ =	sdelay $0x1  }
0x68: {  	[tilespmem:$0xED80] =	vst v17  }
0x69: {  	[tilespmem:$0xEE00] =	vst v18  }
0x6a: {  	v17 =	vld.idx.msk [tilespmem:v19+s10+$0x0], $0xffff  }
0x6b: {  	v18 =	vld.idx.msk [tilespmem:v20+s26+$0x0], $0xffff;
	_ =	sdelay $0x4  }
0x6c: {  	v17 =	vadd.f32 v18, v17;
	_ =	sdelay $0x1  }
0x6d: {  	v18 =	vmul.f32 $2.000000030e-01, v17;
	_ =	sdelay $0x1  }
0x6e: {  	v17 =	vmax.f32 v17, v18  }
0x6f: {  	v17 =	vmul.f32 $1.442695020e+00, v17;
	_ =	sdelay $0x1  }
0x70: {  	(erf) = vpow2.f32 v17;
	_ =	sdelay $0x6  }
0x71: {  	v17 =	vor.u32 $0x1, v19  }
0x72: {  	v18 =	vor.u32 $0x1, v20  }
0x73: {  	v19 =	vpop (erf)  }
0x74: {  	[tilespmem:$0x13680] =	vst v19  }
0x75: {  	[tilespmem:v0+s31+$0x0] =	vst.idx.msk $0xffff, v19  }
0x76: {  	v17 =	vld.idx.msk [tilespmem:v17+s10+$0x0], $0xffff  }
0x77: {  	v18 =	vld.idx.msk [tilespmem:v18+s26+$0x0], $0xffff;
	_ =	sdelay $0x4  }
0x78: {  	v17 =	vadd.f32 v18, v17;
	_ =	sdelay $0x1  }
0x79: {  	v18 =	vmul.f32 $2.000000030e-01, v17;
	_ =	sdelay $0x1  }
0x7a: {  	v17 =	vmax.f32 v17, v18  }
0x7b: {  	v17 =	vmul.f32 $1.442695020e+00, v17;
	_ =	sdelay $0x1  }
0x7c: {  	(erf) = vpow2.f32 v17;
	_ =	sdelay $0x8  }
0x7d: {  	v17 =	vpop (erf)  }
0x7e: {  	[tilespmem:v2+s31+$0x0] =	vst.idx.msk $0xffff, v17  }
0x7f: {  	v17 =	vld [tilespmem:s16+$0x9C90]  }
0x80: {  	v18 =	vld [tilespmem:s16+$0xC510];
	_ =	sdelay $0x3  }
0x81: {  	v19 =	vshll.u32 v17, $0x1  }
0x82: {  	v20 =	vshll.u32 v18, $0x1;
	_ =	sdelay $0x1  }
0x83: {  	[tilespmem:$0xED90] =	vst v17  }
0x84: {  	[tilespmem:$0xEE10] =	vst v18  }
0x85: {  	v17 =	vld.idx.msk [tilespmem:v19+s10+$0x0], $0xffff  }
0x86: {  	v18 =	vld.idx.msk [tilespmem:v20+s26+$0x0], $0xffff;
	_ =	sdelay $0x4  }
0x87: {  	v17 =	vadd.f32 v18, v17;
	_ =	sdelay $0x1  }
0x88: {  	v18 =	vmul.f32 $2.000000030e-01, v17;
	_ =	sdelay $0x1  }
0x89: {  	v17 =	vmax.f32 v17, v18  }
0x8a: {  	v17 =	vmul.f32 $1.442695020e+00, v17;
	_ =	sdelay $0x1  }
0x8b: {  	(erf) = vpow2.f32 v17;
	_ =	sdelay $0x6  }
0x8c: {  	v17 =	vor.u32 $0x1, v19  }
0x8d: {  	v18 =	vor.u32 $0x1, v20  }
0x8e: {  	v19 =	vpop (erf)  }
0x8f: {  	[tilespmem:$0x13690] =	vst v19  }
0x90: {  	[tilespmem:v3+s31+$0x0] =	vst.idx.msk $0xffff, v19  }
0x91: {  	v17 =	vld.idx.msk [tilespmem:v17+s10+$0x0], $0xffff  }
0x92: {  	v18 =	vld.idx.msk [tilespmem:v18+s26+$0x0], $0xffff;
	_ =	sdelay $0x4  }
0x93: {  	v17 =	vadd.f32 v18, v17;
	_ =	sdelay $0x1  }
0x94: {  	v18 =	vmul.f32 $2.000000030e-01, v17;
	_ =	sdelay $0x1  }
0x95: {  	v17 =	vmax.f32 v17, v18  }
0x96: {  	v17 =	vmul.f32 $1.442695020e+00, v17;
	_ =	sdelay $0x1  }
0x97: {  	(erf) = vpow2.f32 v17;
	_ =	sdelay $0x8  }
0x98: {  	v17 =	vpop (erf)  }
0x99: {  	[tilespmem:v4+s31+$0x0] =	vst.idx.msk $0xffff, v17  }
0x9a: {  	v17 =	vld [tilespmem:s16+$0x9CA0]  }
0x9b: {  	v18 =	vld [tilespmem:s16+$0xC520];
	_ =	sdelay $0x3  }
0x9c: {  	v19 =	vshll.u32 v17, $0x1  }
0x9d: {  	v20 =	vshll.u32 v18, $0x1;
	_ =	sdelay $0x1  }
0x9e: {  	[tilespmem:$0xEDA0] =	vst v17  }
0x9f: {  	[tilespmem:$0xEE20] =	vst v18  }
0xa0: {  	v17 =	vld.idx.msk [tilespmem:v19+s10+$0x0], $0xffff  }
0xa1: {  	v18 =	vld.idx.msk [tilespmem:v20+s26+$0x0], $0xffff;
	_ =	sdelay $0x4  }
0xa2: {  	v17 =	vadd.f32 v18, v17;
	_ =	sdelay $0x1  }
0xa3: {  	v18 =	vmul.f32 $2.000000030e-01, v17;
	_ =	sdelay $0x1  }
0xa4: {  	v17 =	vmax.f32 v17, v18  }
0xa5: {  	v17 =	vmul.f32 $1.442695020e+00, v17;
	_ =	sdelay $0x1  }
0xa6: {  	(erf) = vpow2.f32 v17;
	_ =	sdelay $0x6  }
0xa7: {  	v17 =	vor.u32 $0x1, v19  }
0xa8: {  	v18 =	vor.u32 $0x1, v20  }
0xa9: {  	v19 =	vpop (erf)  }
0xaa: {  	[tilespmem:$0x136A0] =	vst v19  }
0xab: {  	[tilespmem:v5+s31+$0x0] =	vst.idx.msk $0xffff, v19  }
0xac: {  	v17 =	vld.idx.msk [tilespmem:v17+s10+$0x0], $0xffff  }
0xad: {  	v18 =	vld.idx.msk [tilespmem:v18+s26+$0x0], $0xffff;
	_ =	sdelay $0x4  }
0xae: {  	v17 =	vadd.f32 v18, v17;
	_ =	sdelay $0x1  }
0xaf: {  	v18 =	vmul.f32 $2.000000030e-01, v17;
	_ =	sdelay $0x1  }
0xb0: {  	v17 =	vmax.f32 v17, v18  }
0xb1: {  	v17 =	vmul.f32 $1.442695020e+00, v17;
	_ =	sdelay $0x1  }
0xb2: {  	(erf) = vpow2.f32 v17;
	_ =	sdelay $0x8  }
0xb3: {  	v17 =	vpop (erf)  }
0xb4: {  	[tilespmem:v6+s31+$0x0] =	vst.idx.msk $0xffff, v17  }
0xb5: {  	v17 =	vld [tilespmem:s16+$0x9CB0]  }
0xb6: {  	v18 =	vld [tilespmem:s16+$0xC530];
	_ =	sdelay $0x3  }
0xb7: {  	v19 =	vshll.u32 v17, $0x1  }
0xb8: {  	v20 =	vshll.u32 v18, $0x1;
	_ =	sdelay $0x1  }
0xb9: {  	[tilespmem:$0xEDB0] =	vst v17  }
0xba: {  	[tilespmem:$0xEE30] =	vst v18  }
0xbb: {  	v17 =	vld.idx.msk [tilespmem:v19+s10+$0x0], $0xffff  }
0xbc: {  	v18 =	vld.idx.msk [tilespmem:v20+s26+$0x0], $0xffff;
	_ =	sdelay $0x4  }
0xbd: {  	v17 =	vadd.f32 v18, v17;
	_ =	sdelay $0x1  }
0xbe: {  	v18 =	vmul.f32 $2.000000030e-01, v17;
	_ =	sdelay $0x1  }
0xbf: {  	v17 =	vmax.f32 v17, v18  }
0xc0: {  	v17 =	vmul.f32 $1.442695020e+00, v17;
	_ =	sdelay $0x1  }
0xc1: {  	(erf) = vpow2.f32 v17;
	_ =	sdelay $0x6  }
0xc2: {  	v17 =	vor.u32 $0x1, v19  }
0xc3: {  	v18 =	vor.u32 $0x1, v20  }
0xc4: {  	v19 =	vpop (erf)  }
0xc5: {  	[tilespmem:$0x136B0] =	vst v19  }
0xc6: {  	[tilespmem:v7+s31+$0x0] =	vst.idx.msk $0xffff, v19  }
0xc7: {  	v17 =	vld.idx.msk [tilespmem:v17+s10+$0x0], $0xffff  }
0xc8: {  	v18 =	vld.idx.msk [tilespmem:v18+s26+$0x0], $0xffff;
	_ =	sdelay $0x4  }
0xc9: {  	v17 =	vadd.f32 v18, v17;
	_ =	sdelay $0x1  }
0xca: {  	v18 =	vmul.f32 $2.000000030e-01, v17;
	_ =	sdelay $0x1  }
0xcb: {  	v17 =	vmax.f32 v17, v18  }
0xcc: {  	v17 =	vmul.f32 $1.442695020e+00, v17;
	_ =	sdelay $0x1  }
0xcd: {  	(erf) = vpow2.f32 v17;
	_ =	sdelay $0x8  }
0xce: {  	v17 =	vpop (erf)  }
0xcf: {  	[tilespmem:v8+s31+$0x0] =	vst.idx.msk $0xffff, v17  }
0xd0: {  	v17 =	vld [tilespmem:s16+$0x9CC0]  }
0xd1: {  	v18 =	vld [tilespmem:s16+$0xC540];
	_ =	sdelay $0x3  }
0xd2: {  	v19 =	vshll.u32 v17, $0x1  }
0xd3: {  	v20 =	vshll.u32 v18, $0x1;
	_ =	sdelay $0x1  }
0xd4: {  	[tilespmem:$0xEDC0] =	vst v17  }
0xd5: {  	[tilespmem:$0xEE40] =	vst v18  }
0xd6: {  	v17 =	vld.idx.msk [tilespmem:v19+s10+$0x0], $0xffff  }
0xd7: {  	v18 =	vld.idx.msk [tilespmem:v20+s26+$0x0], $0xffff;
	_ =	sdelay $0x4  }
0xd8: {  	v17 =	vadd.f32 v18, v17;
	_ =	sdelay $0x1  }
0xd9: {  	v18 =	vmul.f32 $2.000000030e-01, v17;
	_ =	sdelay $0x1  }
0xda: {  	v17 =	vmax.f32 v17, v18  }
0xdb: {  	v17 =	vmul.f32 $1.442695020e+00, v17;
	_ =	sdelay $0x1  }
0xdc: {  	(erf) = vpow2.f32 v17;
	_ =	sdelay $0x6  }
0xdd: {  	v17 =	vor.u32 $0x1, v19  }
0xde: {  	v18 =	vor.u32 $0x1, v20  }
0xdf: {  	v19 =	vpop (erf)  }
0xe0: {  	[tilespmem:$0x136C0] =	vst v19  }
0xe1: {  	[tilespmem:v9+s31+$0x0] =	vst.idx.msk $0xffff, v19  }
0xe2: {  	v17 =	vld.idx.msk [tilespmem:v17+s10+$0x0], $0xffff  }
0xe3: {  	v18 =	vld.idx.msk [tilespmem:v18+s26+$0x0], $0xffff;
	_ =	sdelay $0x4  }
0xe4: {  	v17 =	vadd.f32 v18, v17;
	_ =	sdelay $0x1  }
0xe5: {  	v18 =	vmul.f32 $2.000000030e-01, v17;
	_ =	sdelay $0x1  }
0xe6: {  	v17 =	vmax.f32 v17, v18  }
0xe7: {  	v17 =	vmul.f32 $1.442695020e+00, v17;
	_ =	sdelay $0x1  }
0xe8: {  	(erf) = vpow2.f32 v17;
	_ =	sdelay $0x8  }
0xe9: {  	v17 =	vpop (erf)  }
0xea: {  	[tilespmem:v10+s31+$0x0] =	vst.idx.msk $0xffff, v17  }
0xeb: {  	v17 =	vld [tilespmem:s16+$0x9CD0]  }
0xec: {  	v18 =	vld [tilespmem:s16+$0xC550];
	_ =	sdelay $0x3  }
0xed: {  	v19 =	vshll.u32 v17, $0x1  }
0xee: {  	v20 =	vshll.u32 v18, $0x1;
	_ =	sdelay $0x1  }
0xef: {  	[tilespmem:$0xEDD0] =	vst v17  }
0xf0: {  	[tilespmem:$0xEE50] =	vst v18  }
0xf1: {  	v17 =	vld.idx.msk [tilespmem:v19+s10+$0x0], $0xffff  }
0xf2: {  	v18 =	vld.idx.msk [tilespmem:v20+s26+$0x0], $0xffff;
	_ =	sdelay $0x4  }
0xf3: {  	v17 =	vadd.f32 v18, v17;
	_ =	sdelay $0x1  }
0xf4: {  	v18 =	vmul.f32 $2.000000030e-01, v17;
	_ =	sdelay $0x1  }
0xf5: {  	v17 =	vmax.f32 v17, v18  }
0xf6: {  	v17 =	vmul.f32 $1.442695020e+00, v17;
	_ =	sdelay $0x1  }
0xf7: {  	(erf) = vpow2.f32 v17;
	_ =	sdelay $0x6  }
0xf8: {  	v17 =	vor.u32 $0x1, v19  }
0xf9: {  	v18 =	vor.u32 $0x1, v20  }
0xfa: {  	v19 =	vpop (erf)  }
0xfb: {  	[tilespmem:$0x136D0] =	vst v19  }
0xfc: {  	[tilespmem:v11+s31+$0x0] =	vst.idx.msk $0xffff, v19  }
0xfd: {  	v17 =	vld.idx.msk [tilespmem:v17+s10+$0x0], $0xffff  }
0xfe: {  	v18 =	vld.idx.msk [tilespmem:v18+s26+$0x0], $0xffff;
	_ =	sdelay $0x4  }
0xff: {  	v17 =	vadd.f32 v18, v17;
	_ =	sdelay $0x1  }
0x100: {  	v18 =	vmul.f32 $2.000000030e-01, v17;
	_ =	sdelay $0x1  }
0x101: {  	v17 =	vmax.f32 v17, v18  }
0x102: {  	v17 =	vmul.f32 $1.442695020e+00, v17;
	_ =	sdelay $0x1  }
0x103: {  	(erf) = vpow2.f32 v17;
	_ =	sdelay $0x8  }
0x104: {  	v17 =	vpop (erf)  }
0x105: {  	[tilespmem:v12+s31+$0x0] =	vst.idx.msk $0xffff, v17  }
0x106: {  	v17 =	vld [tilespmem:s16+$0x9CE0]  }
0x107: {  	v18 =	vld [tilespmem:s16+$0xC560];
	_ =	sdelay $0x3  }
0x108: {  	v19 =	vshll.u32 v17, $0x1  }
0x109: {  	v20 =	vshll.u32 v18, $0x1;
	_ =	sdelay $0x1  }
0x10a: {  	[tilespmem:$0xEDE0] =	vst v17  }
0x10b: {  	[tilespmem:$0xEE60] =	vst v18  }
0x10c: {  	v17 =	vld.idx.msk [tilespmem:v19+s10+$0x0], $0xffff  }
0x10d: {  	v18 =	vld.idx.msk [tilespmem:v20+s26+$0x0], $0xffff;
	_ =	sdelay $0x4  }
0x10e: {  	v17 =	vadd.f32 v18, v17;
	_ =	sdelay $0x1  }
0x10f: {  	v18 =	vmul.f32 $2.000000030e-01, v17;
	_ =	sdelay $0x1  }
0x110: {  	v17 =	vmax.f32 v17, v18  }
0x111: {  	v17 =	vmul.f32 $1.442695020e+00, v17;
	_ =	sdelay $0x1  }
0x112: {  	(erf) = vpow2.f32 v17;
	_ =	sdelay $0x6  }
0x113: {  	v17 =	vor.u32 $0x1, v19  }
0x114: {  	v18 =	vor.u32 $0x1, v20  }
0x115: {  	v19 =	vpop (erf)  }
0x116: {  	[tilespmem:$0x136E0] =	vst v19  }
0x117: {  	[tilespmem:v13+s31+$0x0] =	vst.idx.msk $0xffff, v19  }
0x118: {  	v17 =	vld.idx.msk [tilespmem:v17+s10+$0x0], $0xffff  }
0x119: {  	v18 =	vld.idx.msk [tilespmem:v18+s26+$0x0], $0xffff;
	_ =	sdelay $0x4  }
0x11a: {  	v17 =	vadd.f32 v18, v17;
	_ =	sdelay $0x1  }
0x11b: {  	v18 =	vmul.f32 $2.000000030e-01, v17;
	_ =	sdelay $0x1  }
0x11c: {  	v17 =	vmax.f32 v17, v18  }
0x11d: {  	v17 =	vmul.f32 $1.442695020e+00, v17;
	_ =	sdelay $0x1  }
0x11e: {  	(erf) = vpow2.f32 v17;
	_ =	sdelay $0x8  }
0x11f: {  	v17 =	vpop (erf)  }
0x120: {  	[tilespmem:v14+s31+$0x0] =	vst.idx.msk $0xffff, v17  }
0x121: {  	v17 =	vld [tilespmem:s16+$0x9CF0]  }
0x122: {  	v18 =	vld [tilespmem:s16+$0xC570];
	_ =	sdelay $0x3  }
0x123: {  	v19 =	vshll.u32 v17, $0x1  }
0x124: {  	v20 =	vshll.u32 v18, $0x1;
	_ =	sdelay $0x1  }
0x125: {  	[tilespmem:$0xEDF0] =	vst v17  }
0x126: {  	[tilespmem:$0xEE70] =	vst v18  }
0x127: {  	v17 =	vld.idx.msk [tilespmem:v19+s10+$0x0], $0xffff  }
0x128: {  	v18 =	vld.idx.msk [tilespmem:v20+s26+$0x0], $0xffff;
	_ =	sdelay $0x4  }
0x129: {  	v17 =	vadd.f32 v18, v17;
	_ =	sdelay $0x1  }
0x12a: {  	v18 =	vmul.f32 $2.000000030e-01, v17;
	_ =	sdelay $0x1  }
0x12b: {  	v17 =	vmax.f32 v17, v18  }
0x12c: {  	v17 =	vmul.f32 $1.442695020e+00, v17;
	_ =	sdelay $0x1  }
0x12d: {  	(erf) = vpow2.f32 v17;
	_ =	sdelay $0x6  }
0x12e: {  	v17 =	vor.u32 $0x1, v19  }
0x12f: {  	v18 =	vor.u32 $0x1, v20  }
0x130: {  	v19 =	vpop (erf)  }
0x131: {  	[tilespmem:$0x136F0] =	vst v19  }
0x132: {  	[tilespmem:v15+s31+$0x0] =	vst.idx.msk $0xffff, v19  }
0x133: {  	v17 =	vld.idx.msk [tilespmem:v17+s10+$0x0], $0xffff  }
0x134: {  	v18 =	vld.idx.msk [tilespmem:v18+s26+$0x0], $0xffff;
	_ =	sdelay $0x4  }
0x135: {  	v17 =	vadd.f32 v18, v17;
	_ =	sdelay $0x1  }
0x136: {  	v18 =	vmul.f32 $2.000000030e-01, v17;
	_ =	sdelay $0x1  }
0x137: {  	v17 =	vmax.f32 v17, v18  }
0x138: {  	v17 =	vmul.f32 $1.442695020e+00, v17;
	_ =	sdelay $0x1  }
0x139: {  	(erf) = vpow2.f32 v17;
	_ =	sdelay $0x8  }
0x13a: {  	v17 =	vpop (erf)  }
0x13b: {  	[tilespmem:v16+s31+$0x0] =	vst.idx.msk $0xffff, v17;
	v17 =	vmov s10  }
0x13c: {  	[tilespmem:s29], [sflag:$0x1] =	stream.indirect.gather [hbm4b:s1+s2], $0x40, s28, s2, $0xb8;
	[tilespmem:$0x1FF00] =	vst v63  }
0x13d: {  	_ =	swait.ge [sflag:s0], $0x2000  }
0x13e: {  	[sflag:s0] =	ssyncset.done $0x0  }
0x13f: {  	[sflag:s0] =	ssyncadd.s32 $0xFFFFE000  }
0x140: {  	s16 =	simm.s32 $0xEEA0;
	v17 =	vld.idx.msk [tilespmem:v17+s7+$0x0], $0xffff  }
0x141: {  	v18 =	vld [tilespmem:s16+$0xFFFFFFE0];
	_ =	sdelay $0x4  }
0x142: {  	v18 =	vmul.f32 v18, v17  }
0x143: {  	s18 =	simm.s32 $0x10EA0  }
0x144: {  	[tilespmem:s18+$0xFFFFFFE0] =	vst v18  }
0x145: {  	v18 =	vld [tilespmem:s16+$0xFFFFFFF0];
	_ =	sdelay $0x4  }
0x146: {  	v18 =	vmul.f32 v18, v17;
	_ =	sdelay $0x1  }
0x147: {  	[tilespmem:s18+$0xFFFFFFF0] =	vst v18  }
0x148: {  	v18 =	vld [tilespmem:s16+$0x0];
	_ =	sdelay $0x4  }
0x149: {  	v18 =	vmul.f32 v18, v17;
	_ =	sdelay $0x1  }
0x14a: {  	[tilespmem:s18+$0x0] =	vst v18  }
0x14b: {  	v19 =	vld [tilespmem:s16+$0x10];
	_ =	sdelay $0x1  }
0x14c: {  	s20 =	simm.s32 $0x1  }
0x14d: {  	v18 =	vmov s20;
	s20 =	simm.s32 $0x2  }
.LBB2_5:
0x14e: {  	p0 =	sne.s32 s20, $0x7F  }
0x14f: {  	v17 =	vmul.f32 v19, v17;
	_ =	sdelay $0x1  }
0x150: {  	[tilespmem:s18+$0x10] =	vst v17  }
0x151: {  	s16 =	sadd.s32 $0x40, s16;
	v17 =	vld.idx.msk [tilespmem:v18+s7+$0x0], $0xffff  }
0x152: {  	v18 =	vld [tilespmem:s16+$0xFFFFFFE0];
	_ =	sdelay $0x4  }
0x153: {  	v18 =	vmul.f32 v18, v17  }
0x154: {  	s18 =	sadd.s32 $0x40, s18  }
0x155: {  	[tilespmem:s18+$0xFFFFFFE0] =	vst v18  }
0x156: {  	v18 =	vld [tilespmem:s16+$0xFFFFFFF0];
	_ =	sdelay $0x4  }
0x157: {  	v18 =	vmul.f32 v18, v17;
	_ =	sdelay $0x1  }
0x158: {  	[tilespmem:s18+$0xFFFFFFF0] =	vst v18  }
0x159: {  	v18 =	vld [tilespmem:s16+$0x0];
	_ =	sdelay $0x4  }
0x15a: {  	v18 =	vmul.f32 v18, v17;
	_ =	sdelay $0x1  }
.Ltmp1:
0x15b: {  	[tilespmem:s18+$0x0] =	vst v18;
	(pc) =	sbr.rel @p0 .LBB2_5-.Ltmp1, $2  }
0x15c: {  	v19 =	vld [tilespmem:s16+$0x10];
	_ =	sdelay $0x2  }
0x15d: {  	v18 =	vmov s20;
	s20 =	sadd.s32 $0x1, s20  }
0x15e: {  	_ = 	snop  }
0x15f: {  	v17 =	vmul.f32 v19, v17;
	_ =	sdelay $0x1  }
0x160: {  	[tilespmem:s18+$0x10] =	vst v17  }
0x161: {  	s16 =	sadd.s32 $0x40, s16;
	v17 =	vld.idx.msk [tilespmem:v18+s7+$0x0], $0xffff  }
0x162: {  	v18 =	vld [tilespmem:s16+$0xFFFFFFE0];
	_ =	sdelay $0x4  }
0x163: {  	v18 =	vmul.f32 v18, v17  }
0x164: {  	s22 =	sadd.s32 $0x40, s18  }
0x165: {  	[tilespmem:s22+$0xFFFFFFE0] =	vst v18  }
0x166: {  	v18 =	vld [tilespmem:s16+$0xFFFFFFF0];
	_ =	sdelay $0x4  }
0x167: {  	v18 =	vmul.f32 v18, v17;
	_ =	sdelay $0x1  }
0x168: {  	[tilespmem:s22+$0xFFFFFFF0] =	vst v18  }
0x169: {  	v18 =	vld [tilespmem:s16+$0x0];
	_ =	sdelay $0x4  }
0x16a: {  	v18 =	vmul.f32 v18, v17;
	_ =	sdelay $0x1  }
0x16b: {  	[tilespmem:s22+$0x0] =	vst v18  }
0x16c: {  	v18 =	vld [tilespmem:s16+$0x10];
	_ =	sdelay $0x4  }
0x16d: {  	v17 =	vmul.f32 v18, v17;
	_ =	sdelay $0x1  }
0x16e: {  	[tilespmem:s22+$0x10] =	vst v17  }
0x16f: {  	[spmem:s3] =	stream.indirect.scatter.add.f32 [tilespmem:s30], [sflag:$0x2], $0x40, s8, s2, $0xb8;
	[tilespmem:$0x1FF00] =	vst v63  }
0x170: {  	s14 =	sadd.s32 $0x1, s14;
	_ =	swait.ge [sflag:s25], $0x2000  }
0x171: {  	p0 =	sne.s32 s14, $0x51;
	[sflag:s25] =	ssyncset.done $0x0  }
.Ltmp2:
0x172: {  	[sflag:s25] =	ssyncadd.s32 $0xFFFFE000;
	(pc) =	sbr.rel @p0 .LBB2_4-.Ltmp2, $4  }
0x173: {  	[spmem:s4] =	stream.indirect.scatter.add.f32 [tilespmem:s31], [sflag:$0x2], $0x10, s8, s2, $0xb8;
	[tilespmem:$0x1FF00] =	vst v63  }
0x174: {  	_ =	swait.ge [sflag:s25], $0x800  }
0x175: {  	[sflag:s25] =	ssyncset.done $0x0  }
0x176: {  	[sflag:s25] =	ssyncadd.s32 $0xFFFFF800  }
0x177: {  	s10 =	stileid.u32  }
0x178: {  	[bflag:$0x0] =	sbarrier.arrive $0xFFFF;
	s10 =	sshll.u32 s10, $0x6  }
0x179: {  	s14 =	sshrl.u32 s11, $0x3;
	s16 =	rddreg [dreg:$0xd];
	s10 =	sor.u32 $0x1C02, s10  }
0x17a: {  	[hbm:s16], [sflag:s10] =	dma.local [spmem:s14], $0x1400  }
0x17b: {  	_ =	swait.ge [sflag:s25], $0x1400  }
0x17c: {  	[sflag:s25] =	ssyncset.done $0x0  }
0x17d: {  	s22 =	sshrl.u32 s12, $0x3;
	s18 =	rddreg [dreg:$0xe];
	[sflag:s25] =	ssyncadd.s32 $0xFFFFEC00  }
0x17e: {  	[hbm:s18], [sflag:s10] =	dma.local [spmem:s22], $0x500  }
0x17f: {  	_ =	swait.ge [sflag:s25], $0x500  }
0x180: {  	[sflag:s25] =	ssyncset.done $0x0  }
0x181: {  	s16 =	simm.s32 $0x0;
	s18 =	simm.s32 $0x100;
	[sflag:s25] =	ssyncadd.s32 $0xFFFFFB00  }
.LBB2_8:
0x182: {  	p0 =	sne.s32 s18, $0x7F00;
	[tilespmem:s16+$0x10EB0] =	vst v1;
	s20 =	smov.u32 s18;
	s18 =	sadd.s32 $0x100, s18  }
.Ltmp3:
0x183: {  	[tilespmem:s16+$0x10EA0] =	vst v1;
	(pc) =	sbr.rel @p0 .LBB2_8-.Ltmp3, $3  }
0x184: {  	[tilespmem:s16+$0x10E80] =	vst v1  }
0x185: {  	[tilespmem:s16+$0x10E90] =	vst v1;
	_ =	sdelay $0x1  }
0x186: {  	s16 =	sshra.s32 s20, $0x2  }
0x187: {  	[tilespmem:s16+$0x10EB0] =	vst v1  }
0x188: {  	[tilespmem:s16+$0x10EA0] =	vst v1  }
0x189: {  	[tilespmem:s16+$0x10E80] =	vst v1  }
0x18a: {  	[tilespmem:s16+$0x10E90] =	vst v1  }
0x18b: {  	[spmem:s11] =	stream.linear.scatter [tilespmem:s30], [sflag:$0x2], $0x2000, $0x38;
	[tilespmem:$0x1FF00] =	vst v63  }
0x18c: {  	_ =	swait.ge [sflag:s25], $0x2000  }
0x18d: {  	[sflag:s25] =	ssyncset.done $0x0  }
0x18e: {  	[sflag:s25] =	ssyncadd.s32 $0xFFFFE000  }
0x18f: {  	[spmem:s13] =	stream.linear.scatter [tilespmem:s30], [sflag:$0x2], $0x2000, $0x38;
	[tilespmem:$0x1FF00] =	vst v63  }
0x190: {  	_ =	swait.ge [sflag:s25], $0x2000  }
0x191: {  	[sflag:s25] =	ssyncset.done $0x0  }
0x192: {  	[sflag:s25] =	ssyncadd.s32 $0xFFFFE000  }
0x193: {  	[spmem:s15] =	stream.linear.scatter [tilespmem:s30], [sflag:$0x2], $0x2000, $0x38;
	[tilespmem:$0x1FF00] =	vst v63  }
0x194: {  	_ =	swait.ge [sflag:s25], $0x2000  }
0x195: {  	[sflag:s25] =	ssyncset.done $0x0  }
0x196: {  	[sflag:s25] =	ssyncadd.s32 $0xFFFFE000  }
0x197: {  	[spmem:s17] =	stream.linear.scatter [tilespmem:s30], [sflag:$0x2], $0x2000, $0x38;
	[tilespmem:$0x1FF00] =	vst v63  }
0x198: {  	_ =	swait.ge [sflag:s25], $0x2000  }
0x199: {  	[sflag:s25] =	ssyncset.done $0x0  }
0x19a: {  	[sflag:s25] =	ssyncadd.s32 $0xFFFFE000  }
0x19b: {  	[spmem:s19] =	stream.linear.scatter [tilespmem:s30], [sflag:$0x2], $0x2000, $0x38;
	[tilespmem:$0x1FF00] =	vst v63  }
0x19c: {  	_ =	swait.ge [sflag:s25], $0x2000  }
0x19d: {  	[sflag:s25] =	ssyncset.done $0x0  }
0x19e: {  	[sflag:s25] =	ssyncadd.s32 $0xFFFFE000  }
0x19f: {  	s16 =	simm.s32 $0x0;
	s18 =	simm.s32 $0x0;
	[bflag:$0x0] =	sbarrier.arrive $0xFFFF  }
.LBB2_10:
0x1a0: {  	s20 =	sshll.u32 s18, $0x7  }
0x1a1: {  	v17 =	vld [tilespmem:s20+$0x9C80]  }
0x1a2: {  	v18 =	vld [tilespmem:s20+$0xC500];
	_ =	sdelay $0x3  }
0x1a3: {  	v19 =	vshll.u32 v17, $0x1  }
0x1a4: {  	v20 =	vshll.u32 v18, $0x1;
	v19 =	vor.u32 $0x1, v19  }
0x1a5: {  	v20 =	vor.u32 $0x1, v20;
	_ =	sdelay $0x1  }
0x1a6: {  	[tilespmem:$0xED80] =	vst v17  }
0x1a7: {  	[tilespmem:$0xEE00] =	vst v18  }
0x1a8: {  	v17 =	vld.idx.msk [tilespmem:v19+s16+$0x0], $0xffff  }
0x1a9: {  	v18 =	vld.idx.msk [tilespmem:v20+s26+$0x0], $0xffff;
	_ =	sdelay $0x4  }
0x1aa: {  	v17 =	vadd.f32 v18, v17;
	_ =	sdelay $0x1  }
0x1ab: {  	v18 =	vmul.f32 $2.000000030e-01, v17;
	_ =	sdelay $0x1  }
0x1ac: {  	v17 =	vmax.f32 v17, v18  }
0x1ad: {  	v17 =	vmul.f32 $1.442695020e+00, v17;
	_ =	sdelay $0x1  }
0x1ae: {  	(erf) = vpow2.f32 v17;
	_ =	sdelay $0x8  }
0x1af: {  	v17 =	vpop (erf)  }
0x1b0: {  	[tilespmem:$0x13680] =	vst v17  }
0x1b1: {  	v17 =	vld [tilespmem:s20+$0x9C90]  }
0x1b2: {  	v18 =	vld [tilespmem:s20+$0xC510];
	_ =	sdelay $0x3  }
0x1b3: {  	v19 =	vshll.u32 v17, $0x1  }
0x1b4: {  	v20 =	vshll.u32 v18, $0x1;
	v19 =	vor.u32 $0x1, v19  }
0x1b5: {  	v20 =	vor.u32 $0x1, v20;
	_ =	sdelay $0x1  }
0x1b6: {  	[tilespmem:$0xED90] =	vst v17  }
0x1b7: {  	[tilespmem:$0xEE10] =	vst v18  }
0x1b8: {  	v17 =	vld.idx.msk [tilespmem:v19+s16+$0x0], $0xffff  }
0x1b9: {  	v18 =	vld.idx.msk [tilespmem:v20+s26+$0x0], $0xffff;
	_ =	sdelay $0x4  }
0x1ba: {  	v17 =	vadd.f32 v18, v17;
	_ =	sdelay $0x1  }
0x1bb: {  	v18 =	vmul.f32 $2.000000030e-01, v17;
	_ =	sdelay $0x1  }
0x1bc: {  	v17 =	vmax.f32 v17, v18  }
0x1bd: {  	v17 =	vmul.f32 $1.442695020e+00, v17;
	_ =	sdelay $0x1  }
0x1be: {  	(erf) = vpow2.f32 v17;
	_ =	sdelay $0x8  }
0x1bf: {  	v17 =	vpop (erf)  }
0x1c0: {  	[tilespmem:$0x13690] =	vst v17  }
0x1c1: {  	v17 =	vld [tilespmem:s20+$0x9CA0]  }
0x1c2: {  	v18 =	vld [tilespmem:s20+$0xC520];
	_ =	sdelay $0x3  }
0x1c3: {  	v19 =	vshll.u32 v17, $0x1  }
0x1c4: {  	v20 =	vshll.u32 v18, $0x1;
	v19 =	vor.u32 $0x1, v19  }
0x1c5: {  	v20 =	vor.u32 $0x1, v20;
	_ =	sdelay $0x1  }
0x1c6: {  	[tilespmem:$0xEDA0] =	vst v17  }
0x1c7: {  	[tilespmem:$0xEE20] =	vst v18  }
0x1c8: {  	v17 =	vld.idx.msk [tilespmem:v19+s16+$0x0], $0xffff  }
0x1c9: {  	v18 =	vld.idx.msk [tilespmem:v20+s26+$0x0], $0xffff;
	_ =	sdelay $0x4  }
0x1ca: {  	v17 =	vadd.f32 v18, v17;
	_ =	sdelay $0x1  }
0x1cb: {  	v18 =	vmul.f32 $2.000000030e-01, v17;
	_ =	sdelay $0x1  }
0x1cc: {  	v17 =	vmax.f32 v17, v18  }
0x1cd: {  	v17 =	vmul.f32 $1.442695020e+00, v17;
	_ =	sdelay $0x1  }
0x1ce: {  	(erf) = vpow2.f32 v17;
	_ =	sdelay $0x8  }
0x1cf: {  	v17 =	vpop (erf)  }
0x1d0: {  	[tilespmem:$0x136A0] =	vst v17  }
0x1d1: {  	v17 =	vld [tilespmem:s20+$0x9CB0]  }
0x1d2: {  	v18 =	vld [tilespmem:s20+$0xC530];
	_ =	sdelay $0x3  }
0x1d3: {  	v19 =	vshll.u32 v17, $0x1  }
0x1d4: {  	v20 =	vshll.u32 v18, $0x1;
	v19 =	vor.u32 $0x1, v19  }
0x1d5: {  	v20 =	vor.u32 $0x1, v20;
	_ =	sdelay $0x1  }
0x1d6: {  	[tilespmem:$0xEDB0] =	vst v17  }
0x1d7: {  	[tilespmem:$0xEE30] =	vst v18  }
0x1d8: {  	v17 =	vld.idx.msk [tilespmem:v19+s16+$0x0], $0xffff  }
0x1d9: {  	v18 =	vld.idx.msk [tilespmem:v20+s26+$0x0], $0xffff;
	_ =	sdelay $0x4  }
0x1da: {  	v17 =	vadd.f32 v18, v17;
	_ =	sdelay $0x1  }
0x1db: {  	v18 =	vmul.f32 $2.000000030e-01, v17;
	_ =	sdelay $0x1  }
0x1dc: {  	v17 =	vmax.f32 v17, v18  }
0x1dd: {  	v17 =	vmul.f32 $1.442695020e+00, v17;
	_ =	sdelay $0x1  }
0x1de: {  	(erf) = vpow2.f32 v17;
	_ =	sdelay $0x8  }
0x1df: {  	v17 =	vpop (erf)  }
0x1e0: {  	[tilespmem:$0x136B0] =	vst v17  }
0x1e1: {  	v17 =	vld [tilespmem:s20+$0x9CC0]  }
0x1e2: {  	v18 =	vld [tilespmem:s20+$0xC540];
	_ =	sdelay $0x3  }
0x1e3: {  	v19 =	vshll.u32 v17, $0x1  }
0x1e4: {  	v20 =	vshll.u32 v18, $0x1;
	v19 =	vor.u32 $0x1, v19  }
0x1e5: {  	v20 =	vor.u32 $0x1, v20;
	_ =	sdelay $0x1  }
0x1e6: {  	[tilespmem:$0xEDC0] =	vst v17  }
0x1e7: {  	[tilespmem:$0xEE40] =	vst v18  }
0x1e8: {  	v17 =	vld.idx.msk [tilespmem:v19+s16+$0x0], $0xffff  }
0x1e9: {  	v18 =	vld.idx.msk [tilespmem:v20+s26+$0x0], $0xffff;
	_ =	sdelay $0x4  }
0x1ea: {  	v17 =	vadd.f32 v18, v17;
	_ =	sdelay $0x1  }
0x1eb: {  	v18 =	vmul.f32 $2.000000030e-01, v17;
	_ =	sdelay $0x1  }
0x1ec: {  	v17 =	vmax.f32 v17, v18  }
0x1ed: {  	v17 =	vmul.f32 $1.442695020e+00, v17;
	_ =	sdelay $0x1  }
0x1ee: {  	(erf) = vpow2.f32 v17;
	_ =	sdelay $0x8  }
0x1ef: {  	v17 =	vpop (erf)  }
0x1f0: {  	[tilespmem:$0x136C0] =	vst v17  }
0x1f1: {  	v17 =	vld [tilespmem:s20+$0x9CD0]  }
0x1f2: {  	v18 =	vld [tilespmem:s20+$0xC550];
	_ =	sdelay $0x3  }
0x1f3: {  	v19 =	vshll.u32 v17, $0x1  }
0x1f4: {  	v20 =	vshll.u32 v18, $0x1;
	v19 =	vor.u32 $0x1, v19  }
0x1f5: {  	v20 =	vor.u32 $0x1, v20;
	_ =	sdelay $0x1  }
0x1f6: {  	[tilespmem:$0xEDD0] =	vst v17  }
0x1f7: {  	[tilespmem:$0xEE50] =	vst v18  }
0x1f8: {  	v17 =	vld.idx.msk [tilespmem:v19+s16+$0x0], $0xffff  }
0x1f9: {  	v18 =	vld.idx.msk [tilespmem:v20+s26+$0x0], $0xffff;
	_ =	sdelay $0x4  }
0x1fa: {  	v17 =	vadd.f32 v18, v17;
	_ =	sdelay $0x1  }
0x1fb: {  	v18 =	vmul.f32 $2.000000030e-01, v17;
	_ =	sdelay $0x1  }
0x1fc: {  	v17 =	vmax.f32 v17, v18  }
0x1fd: {  	v17 =	vmul.f32 $1.442695020e+00, v17;
	_ =	sdelay $0x1  }
0x1fe: {  	(erf) = vpow2.f32 v17;
	_ =	sdelay $0x8  }
0x1ff: {  	v17 =	vpop (erf)  }
0x200: {  	[tilespmem:$0x136D0] =	vst v17  }
0x201: {  	v17 =	vld [tilespmem:s20+$0x9CE0]  }
0x202: {  	v18 =	vld [tilespmem:s20+$0xC560];
	_ =	sdelay $0x3  }
0x203: {  	v19 =	vshll.u32 v17, $0x1  }
0x204: {  	v20 =	vshll.u32 v18, $0x1;
	v19 =	vor.u32 $0x1, v19  }
0x205: {  	v20 =	vor.u32 $0x1, v20;
	_ =	sdelay $0x1  }
0x206: {  	[tilespmem:$0xEDE0] =	vst v17  }
0x207: {  	[tilespmem:$0xEE60] =	vst v18  }
0x208: {  	v17 =	vld.idx.msk [tilespmem:v19+s16+$0x0], $0xffff  }
0x209: {  	v18 =	vld.idx.msk [tilespmem:v20+s26+$0x0], $0xffff;
	_ =	sdelay $0x4  }
0x20a: {  	v17 =	vadd.f32 v18, v17;
	_ =	sdelay $0x1  }
0x20b: {  	v18 =	vmul.f32 $2.000000030e-01, v17;
	_ =	sdelay $0x1  }
0x20c: {  	v17 =	vmax.f32 v17, v18  }
0x20d: {  	v17 =	vmul.f32 $1.442695020e+00, v17;
	_ =	sdelay $0x1  }
0x20e: {  	(erf) = vpow2.f32 v17;
	_ =	sdelay $0x8  }
0x20f: {  	v17 =	vpop (erf)  }
0x210: {  	[tilespmem:$0x136E0] =	vst v17  }
0x211: {  	v17 =	vld [tilespmem:s20+$0x9CF0]  }
0x212: {  	v18 =	vld [tilespmem:s20+$0xC570];
	_ =	sdelay $0x3  }
0x213: {  	v19 =	vshll.u32 v17, $0x1  }
0x214: {  	v20 =	vshll.u32 v18, $0x1;
	v19 =	vor.u32 $0x1, v19  }
0x215: {  	v20 =	vor.u32 $0x1, v20;
	_ =	sdelay $0x1  }
0x216: {  	[tilespmem:$0xEDF0] =	vst v17  }
0x217: {  	[tilespmem:$0xEE70] =	vst v18  }
0x218: {  	v17 =	vld.idx.msk [tilespmem:v19+s16+$0x0], $0xffff  }
0x219: {  	v18 =	vld.idx.msk [tilespmem:v20+s26+$0x0], $0xffff;
	_ =	sdelay $0x4  }
0x21a: {  	v17 =	vadd.f32 v18, v17;
	_ =	sdelay $0x1  }
0x21b: {  	v18 =	vmul.f32 $2.000000030e-01, v17;
	_ =	sdelay $0x1  }
0x21c: {  	v17 =	vmax.f32 v17, v18  }
0x21d: {  	v17 =	vmul.f32 $1.442695020e+00, v17;
	_ =	sdelay $0x1  }
0x21e: {  	(erf) = vpow2.f32 v17;
	_ =	sdelay $0x8  }
0x21f: {  	v17 =	vpop (erf)  }
0x220: {  	[tilespmem:$0x136F0] =	vst v17;
	v17 =	vmov s16  }
0x221: {  	[tilespmem:s29], [sflag:$0x1] =	stream.indirect.gather [hbm4b:s6+s2], $0x40, s28, s2, $0xb8;
	[tilespmem:$0x1FF00] =	vst v63  }
0x222: {  	_ =	swait.ge [sflag:s0], $0x2000  }
0x223: {  	[sflag:s0] =	ssyncset.done $0x0  }
0x224: {  	[sflag:s0] =	ssyncadd.s32 $0xFFFFE000  }
0x225: {  	s20 =	simm.s32 $0xEEA0;
	v17 =	vld.idx.msk [tilespmem:v17+s7+$0x0], $0xffff  }
0x226: {  	v18 =	vld [tilespmem:s20+$0xFFFFFFE0];
	_ =	sdelay $0x4  }
0x227: {  	v18 =	vmul.f32 v18, v17  }
0x228: {  	s21 =	simm.s32 $0x10EA0  }
0x229: {  	[tilespmem:s21+$0xFFFFFFE0] =	vst v18  }
0x22a: {  	v18 =	vld [tilespmem:s20+$0xFFFFFFF0];
	_ =	sdelay $0x4  }
0x22b: {  	v18 =	vmul.f32 v18, v17;
	_ =	sdelay $0x1  }
0x22c: {  	[tilespmem:s21+$0xFFFFFFF0] =	vst v18  }
0x22d: {  	v18 =	vld [tilespmem:s20+$0x0];
	_ =	sdelay $0x4  }
0x22e: {  	v18 =	vmul.f32 v18, v17;
	_ =	sdelay $0x1  }
0x22f: {  	[tilespmem:s21+$0x0] =	vst v18  }
0x230: {  	v19 =	vld [tilespmem:s20+$0x10];
	_ =	sdelay $0x1  }
0x231: {  	s22 =	simm.s32 $0x1  }
0x232: {  	v18 =	vmov s22;
	s22 =	simm.s32 $0x2  }
.LBB2_11:
0x233: {  	p0 =	sne.s32 s22, $0x7F  }
0x234: {  	v17 =	vmul.f32 v19, v17;
	_ =	sdelay $0x1  }
0x235: {  	[tilespmem:s21+$0x10] =	vst v17  }
0x236: {  	s20 =	sadd.s32 $0x40, s20;
	v17 =	vld.idx.msk [tilespmem:v18+s7+$0x0], $0xffff  }
0x237: {  	v18 =	vld [tilespmem:s20+$0xFFFFFFE0];
	_ =	sdelay $0x4  }
0x238: {  	v18 =	vmul.f32 v18, v17  }
0x239: {  	s21 =	sadd.s32 $0x40, s21  }
0x23a: {  	[tilespmem:s21+$0xFFFFFFE0] =	vst v18  }
0x23b: {  	v18 =	vld [tilespmem:s20+$0xFFFFFFF0];
	_ =	sdelay $0x4  }
0x23c: {  	v18 =	vmul.f32 v18, v17;
	_ =	sdelay $0x1  }
0x23d: {  	[tilespmem:s21+$0xFFFFFFF0] =	vst v18  }
0x23e: {  	v18 =	vld [tilespmem:s20+$0x0];
	_ =	sdelay $0x4  }
0x23f: {  	v18 =	vmul.f32 v18, v17;
	_ =	sdelay $0x1  }
.Ltmp4:
0x240: {  	[tilespmem:s21+$0x0] =	vst v18;
	(pc) =	sbr.rel @p0 .LBB2_11-.Ltmp4, $2  }
0x241: {  	v19 =	vld [tilespmem:s20+$0x10];
	_ =	sdelay $0x2  }
0x242: {  	v18 =	vmov s22;
	s22 =	sadd.s32 $0x1, s22  }
0x243: {  	_ = 	snop  }
0x244: {  	v17 =	vmul.f32 v19, v17;
	_ =	sdelay $0x1  }
0x245: {  	[tilespmem:s21+$0x10] =	vst v17  }
0x246: {  	s20 =	sadd.s32 $0x40, s20;
	v17 =	vld.idx.msk [tilespmem:v18+s7+$0x0], $0xffff  }
0x247: {  	v18 =	vld [tilespmem:s20+$0xFFFFFFE0];
	_ =	sdelay $0x4  }
0x248: {  	v18 =	vmul.f32 v18, v17  }
0x249: {  	s22 =	sadd.s32 $0x40, s21  }
0x24a: {  	[tilespmem:s22+$0xFFFFFFE0] =	vst v18  }
0x24b: {  	v18 =	vld [tilespmem:s20+$0xFFFFFFF0];
	_ =	sdelay $0x4  }
0x24c: {  	v18 =	vmul.f32 v18, v17;
	_ =	sdelay $0x1  }
0x24d: {  	[tilespmem:s22+$0xFFFFFFF0] =	vst v18  }
0x24e: {  	v18 =	vld [tilespmem:s20+$0x0];
	_ =	sdelay $0x4  }
0x24f: {  	v18 =	vmul.f32 v18, v17;
	_ =	sdelay $0x1  }
0x250: {  	[tilespmem:s22+$0x0] =	vst v18  }
0x251: {  	v18 =	vld [tilespmem:s20+$0x10];
	_ =	sdelay $0x4  }
0x252: {  	s18 =	sadd.s32 $0x1, s18;
	v17 =	vmul.f32 v18, v17  }
0x253: {  	p0 =	sne.s32 s18, $0x51  }
.Ltmp5:
0x254: {  	[tilespmem:s22+$0x10] =	vst v17;
	(pc) =	sbr.rel @p0 .LBB2_10-.Ltmp5, $4  }
0x255: {  	[spmem:s3] =	stream.indirect.scatter.add.f32 [tilespmem:s30], [sflag:$0x2], $0x40, s8, s2, $0xb8;
	[tilespmem:$0x1FF00] =	vst v63  }
0x256: {  	_ =	swait.ge [sflag:s25], $0x2000  }
0x257: {  	[sflag:s25] =	ssyncset.done $0x0  }
0x258: {  	[sflag:s25] =	ssyncadd.s32 $0xFFFFE000  }
0x259: {  	s9 =	sadd.s32 $0x1, s9  }
0x25a: {  	p0 =	sne.s32 s9, s24  }
.Ltmp6:
0x25b: {  	[bflag:$0x0] =	sbarrier.arrive $0xFFFF;
	(pc) =	sbr.rel @p0 .LBB2_1-.Ltmp6, $4  }
0x25c: {  	[hbm:s23], [sflag:s10] =	dma.local [spmem:s14], $0x1400  }
0x25d: {  	_ =	swait.ge [sflag:s25], $0x1400  }
0x25e: {  	[sflag:s25] =	ssyncset.done $0x0  }
0x25f: {  	[sflag:s25] =	ssyncadd.s32 $0xFFFFEC00  }
0x260: {  	_ =	sfence.sel $0x180000  }
0x261: {  	[bflag:$0x0] =	sbarrier.arrive $0xFFFF  }
0x262: {  	_ =	strace $0x90000047  }
0x263: {  	s0 =	stileid.u32;
	[bflag:$0x2] =	sbarrier.arrive $0xFFFF  }
0x264: {  	p0 =	sne.s32 s0, $0x0;
	s0 =	rddreg [dreg:$0x4]  }
0x265: {  	s0 =	sadd.s32 @!p0 $0x100000, s0  }
0x266: {  	[sflag:s0] =	ssyncadd.tile.s32 @!p0 $0x1;
	_ =	shalt  }
.Lfunc_end2:
_tile_overlayer_lowered:
.L_overlay_start_2:
0x267: {  	(tag) =	ssettag $0x2  }
0x268: {  	s0 =	rddreg [dreg:$0x0];
	s2 =	stileid.u32  }
0x269: {  	s1 =	rddreg [dreg:$0x1];
	p0 =	sne.s32 s2, $0x0  }
0x26a: {  	s3 =	rddreg [dreg:$0x2];
	[bflag:$0x3] =	sbarrier.arrive $0xFFFF;
	s2 =	simm.s32 @!p0 $0x1C02  }
0x26b: {  	[timem:s3], [sflag:s2] =	dma.local @!p0 [hbm:s0], s1  }
0x26c: {  	s0 =	simm.s32 @!p0 $0x2  }
0x26d: {  	_ =	swait.ge @!p0 [sflag:s0], s1  }
0x26e: {  	s1 =	ssub.s32 @!p0 $0x0, s1;
	[sflag:s0] =	ssyncset.done @!p0 $0x0  }
0x26f: {  	[sflag:s0] =	ssyncadd.s32 @!p0 s1  }
0x270: {  	[bflag:$0x3] =	sbarrier.arrive $0xFFFF  }
0x271: {  	_ =	shalt  }

</sc_bundles>
